<compile_context>
chip_gen: v7x
topology: tpu7x:2x2x1
jax: 0.10.2.dev20260603
libtpu: 0.0.44.dev20260713+nightly
codegen_flags: <defaults>
</compile_context>

<pallas_src>
import functools
import jax
import jax.numpy as jnp
from jax import lax
from jax.experimental import pallas as pl
from jax.experimental.pallas import tpu as pltpu
from jax.experimental.pallas import tpu_sc as plsc

N = 10000
NP = 10112
E = 320000
D = 128
B = 4096
NEG_SLOPE = 0.01

NC, NS = 2, 16
NW = NC * NS
CH = 80
NCHUNK = 128
EPW = CH * NCHUNK
EP = NW * EPW
RPT = NP // NS

def _sc_mesh():
    return plsc.VectorSubcoreMesh(
        core_axis_name="c", subcore_axis_name="s", num_cores=NC, num_subcores=NS)


def _deg_body(dst_hbm, ones_hbm, z_hbm, out_hbm, idx_v, ones_v, acc_sh, sem):
    cid = lax.axis_index("c")
    sid = lax.axis_index("s")
    wid = sid * NC + cid
    pltpu.sync_copy(z_hbm.at[pl.ds(sid * RPT, RPT)], acc_sh.at[pl.ds(sid * RPT, RPT)])
    pltpu.sync_copy(ones_hbm, ones_v)
    pltpu.sync_copy(dst_hbm.at[wid], idx_v)
    plsc.subcore_barrier()

    def chunk(c8, carry):
        for j in range(8):
            pltpu.async_copy(ones_v, acc_sh.at[idx_v.at[c8 * 8 + j]], sem, add=True)
        for j in range(8):
            pltpu.make_async_copy(ones_v, acc_sh.at[idx_v.at[c8 * 8 + j]], sem).wait()
        return carry

    lax.fori_loop(0, NCHUNK // 8, chunk, 0)
    plsc.subcore_barrier()
    pltpu.sync_copy(acc_sh.at[pl.ds(sid * RPT, RPT)],
                    out_hbm.at[pl.ds(cid * NP + sid * RPT, RPT)])


@functools.cache
def _deg_call():
  return pl.kernel(
    _deg_body,
    out_type=jax.ShapeDtypeStruct((NC * NP, D), jnp.float32),
    mesh=_sc_mesh(),
    scratch_types=[
        pltpu.VMEM((NCHUNK, CH), jnp.int32),
        pltpu.VMEM((CH, D), jnp.float32),
        pltpu.VMEM_SHARED((NP, D), jnp.float32),
        pltpu.SemaphoreType.DMA,
    ],
  )


def _spmv_body(hn_hbm, src_hbm, dst_hbm, z_hbm, out_hbm,
               isrc0, isrc1, isrc2, isrc3, idst0, idst1, idst2, idst3,
               rows0, rows1, rows2, rows3, acc_sh,
               sg0, sg1, sg2, sg3, ss0, ss1, ss2, ss3,
               sis0, sis1, sis2, sis3, sid0, sid1, sid2, sid3):
    cid = lax.axis_index("c")
    sid = lax.axis_index("s")
    wid = sid * NC + cid
    base = wid * EPW
    rows = (rows0, rows1, rows2, rows3)
    isrc = (isrc0, isrc1, isrc2, isrc3)
    idst = (idst0, idst1, idst2, idst3)
    sg = (sg0, sg1, sg2, sg3)
    ss = (ss0, ss1, ss2, ss3)
    sis = (sis0, sis1, sis2, sis3)
    sidm = (sid0, sid1, sid2, sid3)
    pltpu.sync_copy(z_hbm.at[pl.ds(sid * RPT, RPT)], acc_sh.at[pl.ds(sid * RPT, RPT)])
    plsc.subcore_barrier()

    for j in (0, 1):
        pltpu.sync_copy(src_hbm.at[pl.ds(base + j * CH, CH)], isrc[j])
        pltpu.sync_copy(dst_hbm.at[pl.ds(base + j * CH, CH)], idst[j])
        pltpu.async_copy(hn_hbm.at[isrc[j]], rows[j], sg[j])

    def block(c2, carry):
        for j in range(4):
            c = 4 * c2 + j
            b = j
            b2 = (j + 2) % 4
            if j < 2:
                nxt = c + 2
            else:
                nxt = jnp.where(c2 == NCHUNK // 4 - 1, j - 2, c + 2)
            pltpu.async_copy(src_hbm.at[pl.ds(base + nxt * CH, CH)], isrc[b2], sis[b2])
            pltpu.make_async_copy(hn_hbm.at[isrc[b]], rows[b], sg[b]).wait()
            if j < 2:
                @pl.when(c2 > 0)
                def _():
                    pltpu.make_async_copy(dst_hbm.at[pl.ds(base, CH)], idst[b], sidm[b]).wait()
            else:
                pltpu.make_async_copy(dst_hbm.at[pl.ds(base, CH)], idst[b], sidm[b]).wait()
            pltpu.async_copy(rows[b], acc_sh.at[idst[b]], ss[b], add=True)
            if j < 2:
                @pl.when(c2 > 0)
                def _():
                    pltpu.make_async_copy(rows[b2], acc_sh.at[idst[b2]], ss[b2]).wait()
            else:
                pltpu.make_async_copy(rows[b2], acc_sh.at[idst[b2]], ss[b2]).wait()
            pltpu.async_copy(dst_hbm.at[pl.ds(base + nxt * CH, CH)], idst[b2], sidm[b2])
            pltpu.make_async_copy(src_hbm.at[pl.ds(base, CH)], isrc[b2], sis[b2]).wait()
            pltpu.async_copy(hn_hbm.at[isrc[b2]], rows[b2], sg[b2])
        return carry

    lax.fori_loop(0, NCHUNK // 4, block, 0)
    for j in (0, 1):
        pltpu.make_async_copy(hn_hbm.at[isrc[j]], rows[j], sg[j]).wait()
        pltpu.make_async_copy(dst_hbm.at[pl.ds(base, CH)], idst[j], sidm[j]).wait()
    pltpu.make_async_copy(rows[2], acc_sh.at[idst[2]], ss[2]).wait()
    pltpu.make_async_copy(rows[3], acc_sh.at[idst[3]], ss[3]).wait()
    plsc.subcore_barrier()
    pltpu.sync_copy(acc_sh.at[pl.ds(sid * RPT, RPT)],
                    out_hbm.at[pl.ds(cid * NP + sid * RPT, RPT)])


@functools.cache
def _spmv_call():
  return pl.kernel(
    _spmv_body,
    out_type=jax.ShapeDtypeStruct((NC * NP, D), jnp.float32),
    mesh=_sc_mesh(),
    scratch_types=(
        [pltpu.VMEM((CH,), jnp.int32) for _ in range(8)]
        + [pltpu.VMEM((CH, D), jnp.float32) for _ in range(4)]
        + [pltpu.VMEM_SHARED((NP, D), jnp.float32)]
        + [pltpu.SemaphoreType.DMA for _ in range(16)]
    ),
  )


PPW = B // NW


def _pairs_body(h0, h1, h2, h3, u_hbm, i_hbm,
                ou0, ou1, ou2, ou3, oi0, oi1, oi2, oi3,
                uix, iix, buf, sem):
    cid = lax.axis_index("c")
    sid = lax.axis_index("s")
    wid = sid * NC + cid
    base = wid * PPW
    pltpu.sync_copy(u_hbm.at[pl.ds(base, PPW)], uix)
    pltpu.sync_copy(i_hbm.at[pl.ds(base, PPW)], iix)
    for tbl, ou, oi in ((h0, ou0, oi0), (h1, ou1, oi1),
                        (h2, ou2, oi2), (h3, ou3, oi3)):
        pltpu.async_copy(tbl.at[uix], buf, sem).wait()
        pltpu.sync_copy(buf, ou.at[pl.ds(base, PPW)])
        pltpu.async_copy(tbl.at[iix], buf, sem).wait()
        pltpu.sync_copy(buf, oi.at[pl.ds(base, PPW)])


@functools.cache
def _pairs_call():
  return pl.kernel(
    _pairs_body,
    out_type=tuple(jax.ShapeDtypeStruct((B, D), jnp.float32) for _ in range(8)),
    mesh=_sc_mesh(),
    scratch_types=[
        pltpu.VMEM((PPW,), jnp.int32),
        pltpu.VMEM((PPW,), jnp.int32),
        pltpu.VMEM((PPW, D), jnp.float32),
        pltpu.SemaphoreType.DMA,
    ],
  )


def _prep_body(degp_ref, h0_ref, dinv_ref, hn_ref):
    deg = degp_ref[0:NP, 0:1] + degp_ref[NP:2 * NP, 0:1]
    dinv = lax.rsqrt(jnp.maximum(deg, 1.0))
    dinv_ref[...] = dinv
    hn_ref[...] = h0_ref[...] * dinv


def _tc_prep(degp, h0p):
    return pl.pallas_call(
        _prep_body,
        out_shape=(jax.ShapeDtypeStruct((NP, 1), jnp.float32),
                   jax.ShapeDtypeStruct((NP, D), jnp.float32)),
    )(degp, h0p)


RB = 1264


def _layer_body(h_ref, s0_ref, s1_ref, dinv_ref, w1_ref, w2_ref,
                hp_ref, hn_ref):
    dinv = dinv_ref[...]
    s = dinv * (s0_ref[...] + s1_ref[...])
    h = h_ref[...]
    a = (jnp.dot(h + s, w1_ref[...], preferred_element_type=jnp.float32)
         + jnp.dot(h * s, w2_ref[...], preferred_element_type=jnp.float32))
    hp = jnp.where(a > 0, a, NEG_SLOPE * a)
    hp_ref[...] = hp
    hn_ref[...] = dinv * hp


def _tc_layer(h, sraw, dinv, W1, W2):
    row = lambda i: (i, 0)
    nb = NP // RB
    return pl.pallas_call(
        _layer_body,
        grid=(nb,),
        in_specs=[
            pl.BlockSpec((RB, D), row),
            pl.BlockSpec((RB, D), row),
            pl.BlockSpec((RB, D), lambda i, nb=nb: (i + nb, 0)),
            pl.BlockSpec((RB, 1), row),
            pl.BlockSpec((D, D), lambda i: (0, 0)),
            pl.BlockSpec((D, D), lambda i: (0, 0)),
        ],
        out_specs=(pl.BlockSpec((RB, D), row), pl.BlockSpec((RB, D), row)),
        out_shape=(jax.ShapeDtypeStruct((NP, D), jnp.float32),
                   jax.ShapeDtypeStruct((NP, D), jnp.float32)),
    )(h, sraw, sraw, dinv, W1, W2)


DB = 512


def _dot_body(u0, u1, u2, u3, i0, i1, i2, i3, out_ref):
    acc = jnp.sum(u0[...] * i0[...], axis=1, keepdims=True)
    acc += jnp.sum(u1[...] * i1[...], axis=1, keepdims=True)
    acc += jnp.sum(u2[...] * i2[...], axis=1, keepdims=True)
    acc += jnp.sum(u3[...] * i3[...], axis=1, keepdims=True)
    out_ref[...] = acc


def _tc_dot(gathered):
    row = lambda i: (i, 0)
    return pl.pallas_call(
        _dot_body,
        grid=(B // DB,),
        in_specs=[pl.BlockSpec((DB, D), row) for _ in range(8)],
        out_specs=pl.BlockSpec((DB, 1), row),
        out_shape=jax.ShapeDtypeStruct((B, 1), jnp.float32),
    )(*gathered)


@jax.jit
def kernel(features, feature_values, edge_index, h0,
           W1_0, W2_0, W1_1, W2_1, W1_2, W2_2):
    del feature_values
    src = edge_index[0].astype(jnp.int32)
    dst = edge_index[1].astype(jnp.int32)
    pad = EP - E
    pad_dst = N + (jnp.arange(pad, dtype=jnp.int32) % (NP - N))
    pad_src = jnp.arange(pad, dtype=jnp.int32) % N
    srcp = jnp.concatenate([src, pad_src])
    dstp = jnp.concatenate([dst, pad_dst])
    dst3 = dstp.reshape(NW, NCHUNK, CH)
    zD = jnp.zeros((NP, D), jnp.float32)
    ones = jnp.ones((CH, D), jnp.float32)
    h0p = jnp.pad(h0, ((0, NP - N), (0, 0)))

    degp = _deg_call()(dst3, ones, zD)
    dinv, hn = _tc_prep(degp, h0p)

    h = h0p
    hs = [h0p]
    for (W1, W2) in ((W1_0, W2_0), (W1_1, W2_1), (W1_2, W2_2)):
        sraw = _spmv_call()(hn, srcp, dstp, zD)
        h, hn = _tc_layer(h, sraw, dinv, W1, W2)
        hs.append(h)

    users = features[:, 0].astype(jnp.int32)
    items = features[:, 1].astype(jnp.int32)
    gathered = _pairs_call()(hs[0], hs[1], hs[2], hs[3], users, items)
    return _tc_dot(gathered)[:, 0]

# --- scband reference (transcript-rebuilt; emitter-appended) ---
"""Pipeline reference for scband-ngcf-62216896249947 (READ-ONLY COPY).

The authoritative reference and input builder live on the scoring server;
editing this copy changes nothing except your own understanding.
"""

import jax, jax.numpy as jnp
import numpy as np

N_NODES = 10000
N_EDGES = 320000
D = 128
B = 4096
NEG_SLOPE = 0.01


def setup_inputs(seed: int = 0) -> dict:
    key = jax.random.key(seed)
    ks = jax.random.split(key, 12)
    inp = {}
    inp["features"] = jax.random.randint(ks[0], (B, 2), 0, N_NODES)
    inp["feature_values"] = jax.random.uniform(ks[1], (B, 2), dtype=jnp.float32)
    inp["edge_index"] = jax.random.randint(ks[2], (2, N_EDGES), 0, N_NODES)
    inp["h0"] = jax.random.normal(ks[3], (N_NODES, D), dtype=jnp.float32) * 0.01
    scale = 1.0 / np.sqrt(D)
    for i in range(3):
        inp[f"W1_{i}"] = jax.random.normal(ks[4 + 2 * i], (D, D), dtype=jnp.float32) * scale
        inp[f"W2_{i}"] = jax.random.normal(ks[5 + 2 * i], (D, D), dtype=jnp.float32) * scale
    return inp


def _ngcf_forward(features, feature_values, edge_index, h0, Ws):
    # NGCF propagation: per edge (j -> i):
    #   m_{j->i} = norm_{ij} * (W1 h_j + W2 (h_j * h_i))
    #   h_i' = LeakyReLU(W1 h_i + sum_j m_{j->i})
    # norm_{ij} = 1/sqrt(deg_i * deg_j) (symmetric normalization).
    # Dropout is disabled (eval mode / dropout_rate=0.0).
    src = edge_index[0]
    dst = edge_index[1]
    n = h0.shape[0]
    deg = jax.ops.segment_sum(jnp.ones(src.shape[0], jnp.float32), dst, num_segments=n)
    deg = jnp.maximum(deg, 1.0)
    norm = 1.0 / jnp.sqrt(deg[src] * deg[dst])
    h = h0
    hs = [h0]
    for (W1, W2) in Ws:
        h_src = jnp.take(h, src, axis=0)
        h_dst = jnp.take(h, dst, axis=0)
        m = norm[:, None] * (h_src @ W1 + (h_src * h_dst) @ W2)
        agg = jax.ops.segment_sum(m, dst, num_segments=n)
        h = jax.nn.leaky_relu(agg + h @ W1, negative_slope=NEG_SLOPE)
        hs.append(h)
    hcat = jnp.concatenate(hs, axis=1)
    users = features[:, 0]
    items = features[:, 1]
    u = jnp.take(hcat, users, axis=0)
    it = jnp.take(hcat, items, axis=0)
    return jnp.sum(u * it, axis=1)


def reference(features, feature_values, edge_index, h0, W1_0, W2_0, W1_1, W2_1, W1_2, W2_2):
    Ws = [(W1_0, W2_0), (W1_1, W2_1), (W1_2, W2_2)]
    return _ngcf_forward(features, feature_values, edge_index, h0, Ws)

if __name__ == "__main__":
    import jax
    _d = setup_inputs()
    print(jax.jit(kernel)(*tuple(_d.values())))

</pallas_src>

<mosaic_0001>
#map = affine_map<(d0, d1) -> (0, 0)>
#map1 = affine_map<(d0, d1) -> (0)>
module attributes {stable_mosaic.version = 14 : i64} {
  func.func @_spmv_body(%arg0: i32, %arg1: i32, %arg2: memref<10112x128xf32, #tpu.memory_space<hbm>>, %arg3: memref<327680xi32, #tpu.memory_space<hbm>>, %arg4: memref<327680xi32, #tpu.memory_space<hbm>>, %arg5: memref<10112x128xf32, #tpu.memory_space<hbm>>, %arg6: memref<20224x128xf32, #tpu.memory_space<hbm>>, %arg7: memref<80xi32, #tpu.memory_space<vmem>>, %arg8: memref<80xi32, #tpu.memory_space<vmem>>, %arg9: memref<80xi32, #tpu.memory_space<vmem>>, %arg10: memref<80xi32, #tpu.memory_space<vmem>>, %arg11: memref<80xi32, #tpu.memory_space<vmem>>, %arg12: memref<80xi32, #tpu.memory_space<vmem>>, %arg13: memref<80xi32, #tpu.memory_space<vmem>>, %arg14: memref<80xi32, #tpu.memory_space<vmem>>, %arg15: memref<80x128xf32, #tpu.memory_space<vmem>>, %arg16: memref<80x128xf32, #tpu.memory_space<vmem>>, %arg17: memref<80x128xf32, #tpu.memory_space<vmem>>, %arg18: memref<80x128xf32, #tpu.memory_space<vmem>>, %arg19: memref<10112x128xf32, #tpu.memory_space<vmem_shared>>, %arg20: memref<!tpu.dma_semaphore, #tpu.memory_space<semaphore_mem>>, %arg21: memref<!tpu.dma_semaphore, #tpu.memory_space<semaphore_mem>>, %arg22: memref<!tpu.dma_semaphore, #tpu.memory_space<semaphore_mem>>, %arg23: memref<!tpu.dma_semaphore, #tpu.memory_space<semaphore_mem>>, %arg24: memref<!tpu.dma_semaphore, #tpu.memory_space<semaphore_mem>>, %arg25: memref<!tpu.dma_semaphore, #tpu.memory_space<semaphore_mem>>, %arg26: memref<!tpu.dma_semaphore, #tpu.memory_space<semaphore_mem>>, %arg27: memref<!tpu.dma_semaphore, #tpu.memory_space<semaphore_mem>>, %arg28: memref<!tpu.dma_semaphore, #tpu.memory_space<semaphore_mem>>, %arg29: memref<!tpu.dma_semaphore, #tpu.memory_space<semaphore_mem>>, %arg30: memref<!tpu.dma_semaphore, #tpu.memory_space<semaphore_mem>>, %arg31: memref<!tpu.dma_semaphore, #tpu.memory_space<semaphore_mem>>, %arg32: memref<!tpu.dma_semaphore, #tpu.memory_space<semaphore_mem>>, %arg33: memref<!tpu.dma_semaphore, #tpu.memory_space<semaphore_mem>>, %arg34: memref<!tpu.dma_semaphore, #tpu.memory_space<semaphore_mem>>, %arg35: memref<!tpu.dma_semaphore, #tpu.memory_space<semaphore_mem>>) attributes {dimension_semantics = [#tpu.dimension_semantics<core_parallel>, #tpu.dimension_semantics<subcore_parallel>], iteration_bounds = array<i64: 2, 16>, scalar_prefetch = 0 : i64, scratch_operands = 29 : i64, tpu.core_type = #tpu.core_type<sc_vector_subcore>, window_params = [{transform_indices = #map}, {transform_indices = #map1}, {transform_indices = #map1}, {transform_indices = #map}, {transform_indices = #map}]} {
    %mul3A = arith.constant 2 : i32
    %mul3A_0 = arith.muli %arg1, %mul3A : i32
    %add3A = arith.addi %mul3A_0, %arg0 : i32
    %mul3A_1 = arith.constant 10240 : i32
    %mul3A_2 = arith.muli %add3A, %mul3A_1 : i32
    %mul3A_3 = arith.constant 632 : i32
    %mul3A_4 = arith.muli %arg1, %mul3A_3 : i32
    %mul3A_5 = arith.constant 632 : i32
    %mul3A_6 = arith.muli %arg1, %mul3A_5 : i32
    "tpu.region"() ({
      %run_scoped3A = tpu.sem_alloc : memref<!tpu.dma_semaphore, #tpu.memory_space<semaphore_mem>>
      %dma_start3A_48 = arith.constant 0 : i32
      %dma_start3A_49 = tpu.memref_slice %arg19[%mul3A_6, %dma_start3A_48] : memref<10112x128xf32, #tpu.memory_space<vmem_shared>> -> memref<632x128xf32, #tpu.memory_space<vmem_shared>>
      %dma_start3A_50 = arith.constant 0 : i32
      %dma_start3A_51 = tpu.memref_slice %arg5[%mul3A_4, %dma_start3A_50] : memref<10112x128xf32, #tpu.memory_space<hbm>> -> memref<632x128xf32, #tpu.memory_space<hbm>>
      tpu.enqueue_dma source(%dma_start3A_51 : memref<632x128xf32, #tpu.memory_space<hbm>>) target(%dma_start3A_49 : memref<632x128xf32, #tpu.memory_space<vmem_shared>>) target_semaphore(%run_scoped3A : memref<!tpu.dma_semaphore, #tpu.memory_space<semaphore_mem>>)
      %dma_wait3A_52 = arith.constant 0 : i32
      %dma_wait3A_53 = tpu.memref_slice %arg19[%mul3A_6, %dma_wait3A_52] : memref<10112x128xf32, #tpu.memory_space<vmem_shared>> -> memref<632x128xf32, #tpu.memory_space<vmem_shared>>
      %dma_wait3A_54 = arith.constant 0 : i32
      %dma_wait3A_55 = tpu.memref_slice %arg5[%mul3A_4, %dma_wait3A_54] : memref<10112x128xf32, #tpu.memory_space<hbm>> -> memref<632x128xf32, #tpu.memory_space<hbm>>
      tpu.wait_dma2 semaphore(%run_scoped3A : memref<!tpu.dma_semaphore, #tpu.memory_space<semaphore_mem>>) src(%dma_wait3A_55 : memref<632x128xf32, #tpu.memory_space<hbm>>) dst(%dma_wait3A_53 : memref<632x128xf32, #tpu.memory_space<vmem_shared>>)
      tpu.yield
    }) : () -> ()
    %barrier3A = arith.constant 0 : index
    tpu.barrier barrier_id(%barrier3A)
    %add3A_7 = arith.constant 0 : i32
    %add3A_8 = arith.addi %mul3A_2, %add3A_7 : i32
    "tpu.region"() ({
      %run_scoped3A = tpu.sem_alloc : memref<!tpu.dma_semaphore, #tpu.memory_space<semaphore_mem>>
      %dma_start3A_48 = tpu.memref_slice %arg3[%add3A_8] : memref<327680xi32, #tpu.memory_space<hbm>> -> memref<80xi32, #tpu.memory_space<hbm>>
      %dma_start3A_49 = tpu.memref_slice %arg3[%add3A_8] : memref<327680xi32, #tpu.memory_space<hbm>> -> memref<80xi32, #tpu.memory_space<hbm>>
      tpu.enqueue_dma source(%dma_start3A_49 : memref<80xi32, #tpu.memory_space<hbm>>) target(%arg7 : memref<80xi32, #tpu.memory_space<vmem>>) target_semaphore(%run_scoped3A : memref<!tpu.dma_semaphore, #tpu.memory_space<semaphore_mem>>)
      %dma_wait3A_50 = tpu.memref_slice %arg3[%add3A_8] : memref<327680xi32, #tpu.memory_space<hbm>> -> memref<80xi32, #tpu.memory_space<hbm>>
      %dma_wait3A_51 = tpu.memref_slice %arg3[%add3A_8] : memref<327680xi32, #tpu.memory_space<hbm>> -> memref<80xi32, #tpu.memory_space<hbm>>
      tpu.wait_dma2 semaphore(%run_scoped3A : memref<!tpu.dma_semaphore, #tpu.memory_space<semaphore_mem>>) src(%dma_wait3A_51 : memref<80xi32, #tpu.memory_space<hbm>>) dst(%arg7 : memref<80xi32, #tpu.memory_space<vmem>>)
      tpu.yield
    }) : () -> ()
    %add3A_9 = arith.constant 0 : i32
    %add3A_10 = arith.addi %mul3A_2, %add3A_9 : i32
    "tpu.region"() ({
      %run_scoped3A = tpu.sem_alloc : memref<!tpu.dma_semaphore, #tpu.memory_space<semaphore_mem>>
      %dma_start3A_48 = tpu.memref_slice %arg4[%add3A_10] : memref<327680xi32, #tpu.memory_space<hbm>> -> memref<80xi32, #tpu.memory_space<hbm>>
      %dma_start3A_49 = tpu.memref_slice %arg4[%add3A_10] : memref<327680xi32, #tpu.memory_space<hbm>> -> memref<80xi32, #tpu.memory_space<hbm>>
      tpu.enqueue_dma source(%dma_start3A_49 : memref<80xi32, #tpu.memory_space<hbm>>) target(%arg11 : memref<80xi32, #tpu.memory_space<vmem>>) target_semaphore(%run_scoped3A : memref<!tpu.dma_semaphore, #tpu.memory_space<semaphore_mem>>)
      %dma_wait3A_50 = tpu.memref_slice %arg4[%add3A_10] : memref<327680xi32, #tpu.memory_space<hbm>> -> memref<80xi32, #tpu.memory_space<hbm>>
      %dma_wait3A_51 = tpu.memref_slice %arg4[%add3A_10] : memref<327680xi32, #tpu.memory_space<hbm>> -> memref<80xi32, #tpu.memory_space<hbm>>
      tpu.wait_dma2 semaphore(%run_scoped3A : memref<!tpu.dma_semaphore, #tpu.memory_space<semaphore_mem>>) src(%dma_wait3A_51 : memref<80xi32, #tpu.memory_space<hbm>>) dst(%arg11 : memref<80xi32, #tpu.memory_space<vmem>>)
      tpu.yield
    }) : () -> ()
    %dma_start3A = arith.constant 0 : i32
    %dma_start3A_11 = arith.constant 0 : i32
    %dma_start3A_12 = tpu.memref_slice %arg2[%dma_start3A, %dma_start3A_11] : memref<10112x128xf32, #tpu.memory_space<hbm>> -> memref<10112x128xf32, #tpu.memory_space<hbm>>
    tpu.enqueue_indirect_dma source(%dma_start3A_12 : memref<10112x128xf32, #tpu.memory_space<hbm>>) target(%arg15 : memref<80x128xf32, #tpu.memory_space<vmem>>) offsets(%arg7 : memref<80xi32, #tpu.memory_space<vmem>>) semaphore(%arg20 : memref<!tpu.dma_semaphore, #tpu.memory_space<semaphore_mem>>)
    %add3A_13 = arith.constant 80 : i32
    %add3A_14 = arith.addi %mul3A_2, %add3A_13 : i32
    "tpu.region"() ({
      %run_scoped3A = tpu.sem_alloc : memref<!tpu.dma_semaphore, #tpu.memory_space<semaphore_mem>>
      %dma_start3A_48 = tpu.memref_slice %arg3[%add3A_14] : memref<327680xi32, #tpu.memory_space<hbm>> -> memref<80xi32, #tpu.memory_space<hbm>>
      %dma_start3A_49 = tpu.memref_slice %arg3[%add3A_14] : memref<327680xi32, #tpu.memory_space<hbm>> -> memref<80xi32, #tpu.memory_space<hbm>>
      tpu.enqueue_dma source(%dma_start3A_49 : memref<80xi32, #tpu.memory_space<hbm>>) target(%arg8 : memref<80xi32, #tpu.memory_space<vmem>>) target_semaphore(%run_scoped3A : memref<!tpu.dma_semaphore, #tpu.memory_space<semaphore_mem>>)
      %dma_wait3A_50 = tpu.memref_slice %arg3[%add3A_14] : memref<327680xi32, #tpu.memory_space<hbm>> -> memref<80xi32, #tpu.memory_space<hbm>>
      %dma_wait3A_51 = tpu.memref_slice %arg3[%add3A_14] : memref<327680xi32, #tpu.memory_space<hbm>> -> memref<80xi32, #tpu.memory_space<hbm>>
      tpu.wait_dma2 semaphore(%run_scoped3A : memref<!tpu.dma_semaphore, #tpu.memory_space<semaphore_mem>>) src(%dma_wait3A_51 : memref<80xi32, #tpu.memory_space<hbm>>) dst(%arg8 : memref<80xi32, #tpu.memory_space<vmem>>)
      tpu.yield
    }) : () -> ()
    %add3A_15 = arith.constant 80 : i32
    %add3A_16 = arith.addi %mul3A_2, %add3A_15 : i32
    "tpu.region"() ({
      %run_scoped3A = tpu.sem_alloc : memref<!tpu.dma_semaphore, #tpu.memory_space<semaphore_mem>>
      %dma_start3A_48 = tpu.memref_slice %arg4[%add3A_16] : memref<327680xi32, #tpu.memory_space<hbm>> -> memref<80xi32, #tpu.memory_space<hbm>>
      %dma_start3A_49 = tpu.memref_slice %arg4[%add3A_16] : memref<327680xi32, #tpu.memory_space<hbm>> -> memref<80xi32, #tpu.memory_space<hbm>>
      tpu.enqueue_dma source(%dma_start3A_49 : memref<80xi32, #tpu.memory_space<hbm>>) target(%arg12 : memref<80xi32, #tpu.memory_space<vmem>>) target_semaphore(%run_scoped3A : memref<!tpu.dma_semaphore, #tpu.memory_space<semaphore_mem>>)
      %dma_wait3A_50 = tpu.memref_slice %arg4[%add3A_16] : memref<327680xi32, #tpu.memory_space<hbm>> -> memref<80xi32, #tpu.memory_space<hbm>>
      %dma_wait3A_51 = tpu.memref_slice %arg4[%add3A_16] : memref<327680xi32, #tpu.memory_space<hbm>> -> memref<80xi32, #tpu.memory_space<hbm>>
      tpu.wait_dma2 semaphore(%run_scoped3A : memref<!tpu.dma_semaphore, #tpu.memory_space<semaphore_mem>>) src(%dma_wait3A_51 : memref<80xi32, #tpu.memory_space<hbm>>) dst(%arg12 : memref<80xi32, #tpu.memory_space<vmem>>)
      tpu.yield
    }) : () -> ()
    %dma_start3A_17 = arith.constant 0 : i32
    %dma_start3A_18 = arith.constant 0 : i32
    %dma_start3A_19 = tpu.memref_slice %arg2[%dma_start3A_17, %dma_start3A_18] : memref<10112x128xf32, #tpu.memory_space<hbm>> -> memref<10112x128xf32, #tpu.memory_space<hbm>>
    tpu.enqueue_indirect_dma source(%dma_start3A_19 : memref<10112x128xf32, #tpu.memory_space<hbm>>) target(%arg16 : memref<80x128xf32, #tpu.memory_space<vmem>>) offsets(%arg8 : memref<80xi32, #tpu.memory_space<vmem>>) semaphore(%arg21 : memref<!tpu.dma_semaphore, #tpu.memory_space<semaphore_mem>>)
    %scan3A = arith.constant 0 : i32
    %scan3A_20 = arith.constant 0 : i32
    %scan3A_21 = arith.constant 32 : i32
    %scan3A_22 = arith.addi %scan3A_20, %scan3A_21 : i32
    %scan3A_23 = arith.constant 1 : i32
    scf.for %scan3A_48 = %scan3A_20 to %scan3A_22 step %scan3A_23  : i32 {
      %mul3A_49 = arith.constant 4 : i32
      %mul3A_50 = arith.muli %mul3A_49, %scan3A_48 : i32
      %add3A_51 = arith.constant 0 : i32
      %add3A_52 = arith.addi %mul3A_50, %add3A_51 : i32
      %add3A_53 = arith.constant 2 : i32
      %add3A_54 = arith.addi %add3A_52, %add3A_53 : i32
      %mul3A_55 = arith.constant 80 : i32
      %mul3A_56 = arith.muli %add3A_54, %mul3A_55 : i32
      %add3A_57 = arith.addi %mul3A_2, %mul3A_56 : i32
      %dma_start3A_58 = tpu.memref_slice %arg3[%add3A_57] : memref<327680xi32, #tpu.memory_space<hbm>> -> memref<80xi32, #tpu.memory_space<hbm>>
      %dma_start3A_59 = tpu.memref_slice %arg3[%add3A_57] : memref<327680xi32, #tpu.memory_space<hbm>> -> memref<80xi32, #tpu.memory_space<hbm>>
      tpu.enqueue_dma source(%dma_start3A_59 : memref<80xi32, #tpu.memory_space<hbm>>) target(%arg9 : memref<80xi32, #tpu.memory_space<vmem>>) target_semaphore(%arg30 : memref<!tpu.dma_semaphore, #tpu.memory_space<semaphore_mem>>)
      %dma_wait3A_60 = arith.constant 0 : i32
      %dma_wait3A_61 = arith.constant 0 : i32
      %dma_wait3A_62 = tpu.memref_slice %arg2[%dma_wait3A_60, %dma_wait3A_61] : memref<10112x128xf32, #tpu.memory_space<hbm>> -> memref<10112x128xf32, #tpu.memory_space<hbm>>
      tpu.wait_indirect_dma semaphore(%arg20 : memref<!tpu.dma_semaphore, #tpu.memory_space<semaphore_mem>>) src(%dma_wait3A_62 : memref<10112x128xf32, #tpu.memory_space<hbm>>) dst(%arg15 : memref<80x128xf32, #tpu.memory_space<vmem>>)
      %gt3A = arith.constant 0 : i32
      %gt3A_63 = arith.cmpi sgt, %scan3A_48, %gt3A : i32
      %convert_element_type3A = arith.extui %gt3A_63 : i1 to i32
      %cond3A = arith.constant 0 : i32
      %cond3A_64 = arith.cmpi ne, %convert_element_type3A, %cond3A : i32
      scf.if %cond3A_64 {
        %dma_wait3A_189 = tpu.memref_slice %arg4[%mul3A_2] : memref<327680xi32, #tpu.memory_space<hbm>> -> memref<80xi32, #tpu.memory_space<hbm>>
        %dma_wait3A_190 = tpu.memref_slice %arg4[%mul3A_2] : memref<327680xi32, #tpu.memory_space<hbm>> -> memref<80xi32, #tpu.memory_space<hbm>>
        tpu.wait_dma2 semaphore(%arg32 : memref<!tpu.dma_semaphore, #tpu.memory_space<semaphore_mem>>) src(%dma_wait3A_190 : memref<80xi32, #tpu.memory_space<hbm>>) dst(%arg11 : memref<80xi32, #tpu.memory_space<vmem>>)
      } else {
      }
      %dma_start3A_65 = arith.constant 0 : i32
      %dma_start3A_66 = arith.constant 0 : i32
      %dma_start3A_67 = tpu.memref_slice %arg19[%dma_start3A_65, %dma_start3A_66] : memref<10112x128xf32, #tpu.memory_space<vmem_shared>> -> memref<10112x128xf32, #tpu.memory_space<vmem_shared>>
      tpu.enqueue_indirect_dma source(%arg15 : memref<80x128xf32, #tpu.memory_space<vmem>>) target(%dma_start3A_67 : memref<10112x128xf32, #tpu.memory_space<vmem_shared>>) offsets(%arg11 : memref<80xi32, #tpu.memory_space<vmem>>) semaphore(%arg24 : memref<!tpu.dma_semaphore, #tpu.memory_space<semaphore_mem>>) {add = true}
      %gt3A_68 = arith.constant 0 : i32
      %gt3A_69 = arith.cmpi sgt, %scan3A_48, %gt3A_68 : i32
      %convert_element_type3A_70 = arith.extui %gt3A_69 : i1 to i32
      %cond3A_71 = arith.constant 0 : i32
      %cond3A_72 = arith.cmpi ne, %convert_element_type3A_70, %cond3A_71 : i32
      scf.if %cond3A_72 {
        %dma_wait3A_189 = arith.constant 0 : i32
        %dma_wait3A_190 = arith.constant 0 : i32
        %dma_wait3A_191 = tpu.memref_slice %arg19[%dma_wait3A_189, %dma_wait3A_190] : memref<10112x128xf32, #tpu.memory_space<vmem_shared>> -> memref<10112x128xf32, #tpu.memory_space<vmem_shared>>
        tpu.wait_indirect_dma semaphore(%arg26 : memref<!tpu.dma_semaphore, #tpu.memory_space<semaphore_mem>>) src(%arg17 : memref<80x128xf32, #tpu.memory_space<vmem>>) dst(%dma_wait3A_191 : memref<10112x128xf32, #tpu.memory_space<vmem_shared>>)
      } else {
      }
      %mul3A_73 = arith.constant 80 : i32
      %mul3A_74 = arith.muli %add3A_54, %mul3A_73 : i32
      %add3A_75 = arith.addi %mul3A_2, %mul3A_74 : i32
      %dma_start3A_76 = tpu.memref_slice %arg4[%add3A_75] : memref<327680xi32, #tpu.memory_space<hbm>> -> memref<80xi32, #tpu.memory_space<hbm>>
      %dma_start3A_77 = tpu.memref_slice %arg4[%add3A_75] : memref<327680xi32, #tpu.memory_space<hbm>> -> memref<80xi32, #tpu.memory_space<hbm>>
      tpu.enqueue_dma source(%dma_start3A_77 : memref<80xi32, #tpu.memory_space<hbm>>) target(%arg13 : memref<80xi32, #tpu.memory_space<vmem>>) target_semaphore(%arg34 : memref<!tpu.dma_semaphore, #tpu.memory_space<semaphore_mem>>)
      %dma_wait3A_78 = tpu.memref_slice %arg3[%mul3A_2] : memref<327680xi32, #tpu.memory_space<hbm>> -> memref<80xi32, #tpu.memory_space<hbm>>
      %dma_wait3A_79 = tpu.memref_slice %arg3[%mul3A_2] : memref<327680xi32, #tpu.memory_space<hbm>> -> memref<80xi32, #tpu.memory_space<hbm>>
      tpu.wait_dma2 semaphore(%arg30 : memref<!tpu.dma_semaphore, #tpu.memory_space<semaphore_mem>>) src(%dma_wait3A_79 : memref<80xi32, #tpu.memory_space<hbm>>) dst(%arg9 : memref<80xi32, #tpu.memory_space<vmem>>)
      %dma_start3A_80 = arith.constant 0 : i32
      %dma_start3A_81 = arith.constant 0 : i32
      %dma_start3A_82 = tpu.memref_slice %arg2[%dma_start3A_80, %dma_start3A_81] : memref<10112x128xf32, #tpu.memory_space<hbm>> -> memref<10112x128xf32, #tpu.memory_space<hbm>>
      tpu.enqueue_indirect_dma source(%dma_start3A_82 : memref<10112x128xf32, #tpu.memory_space<hbm>>) target(%arg17 : memref<80x128xf32, #tpu.memory_space<vmem>>) offsets(%arg9 : memref<80xi32, #tpu.memory_space<vmem>>) semaphore(%arg22 : memref<!tpu.dma_semaphore, #tpu.memory_space<semaphore_mem>>)
      %mul3A_83 = arith.constant 4 : i32
      %mul3A_84 = arith.muli %mul3A_83, %scan3A_48 : i32
      %add3A_85 = arith.constant 1 : i32
      %add3A_86 = arith.addi %mul3A_84, %add3A_85 : i32
      %add3A_87 = arith.constant 2 : i32
      %add3A_88 = arith.addi %add3A_86, %add3A_87 : i32
      %mul3A_89 = arith.constant 80 : i32
      %mul3A_90 = arith.muli %add3A_88, %mul3A_89 : i32
      %add3A_91 = arith.addi %mul3A_2, %mul3A_90 : i32
      %dma_start3A_92 = tpu.memref_slice %arg3[%add3A_91] : memref<327680xi32, #tpu.memory_space<hbm>> -> memref<80xi32, #tpu.memory_space<hbm>>
      %dma_start3A_93 = tpu.memref_slice %arg3[%add3A_91] : memref<327680xi32, #tpu.memory_space<hbm>> -> memref<80xi32, #tpu.memory_space<hbm>>
      tpu.enqueue_dma source(%dma_start3A_93 : memref<80xi32, #tpu.memory_space<hbm>>) target(%arg10 : memref<80xi32, #tpu.memory_space<vmem>>) target_semaphore(%arg31 : memref<!tpu.dma_semaphore, #tpu.memory_space<semaphore_mem>>)
      %dma_wait3A_94 = arith.constant 0 : i32
      %dma_wait3A_95 = arith.constant 0 : i32
      %dma_wait3A_96 = tpu.memref_slice %arg2[%dma_wait3A_94, %dma_wait3A_95] : memref<10112x128xf32, #tpu.memory_space<hbm>> -> memref<10112x128xf32, #tpu.memory_space<hbm>>
      tpu.wait_indirect_dma semaphore(%arg21 : memref<!tpu.dma_semaphore, #tpu.memory_space<semaphore_mem>>) src(%dma_wait3A_96 : memref<10112x128xf32, #tpu.memory_space<hbm>>) dst(%arg16 : memref<80x128xf32, #tpu.memory_space<vmem>>)
      %gt3A_97 = arith.constant 0 : i32
      %gt3A_98 = arith.cmpi sgt, %scan3A_48, %gt3A_97 : i32
      %convert_element_type3A_99 = arith.extui %gt3A_98 : i1 to i32
      %cond3A_100 = arith.constant 0 : i32
      %cond3A_101 = arith.cmpi ne, %convert_element_type3A_99, %cond3A_100 : i32
      scf.if %cond3A_101 {
        %dma_wait3A_189 = tpu.memref_slice %arg4[%mul3A_2] : memref<327680xi32, #tpu.memory_space<hbm>> -> memref<80xi32, #tpu.memory_space<hbm>>
        %dma_wait3A_190 = tpu.memref_slice %arg4[%mul3A_2] : memref<327680xi32, #tpu.memory_space<hbm>> -> memref<80xi32, #tpu.memory_space<hbm>>
        tpu.wait_dma2 semaphore(%arg33 : memref<!tpu.dma_semaphore, #tpu.memory_space<semaphore_mem>>) src(%dma_wait3A_190 : memref<80xi32, #tpu.memory_space<hbm>>) dst(%arg12 : memref<80xi32, #tpu.memory_space<vmem>>)
      } else {
      }
      %dma_start3A_102 = arith.constant 0 : i32
      %dma_start3A_103 = arith.constant 0 : i32
      %dma_start3A_104 = tpu.memref_slice %arg19[%dma_start3A_102, %dma_start3A_103] : memref<10112x128xf32, #tpu.memory_space<vmem_shared>> -> memref<10112x128xf32, #tpu.memory_space<vmem_shared>>
      tpu.enqueue_indirect_dma source(%arg16 : memref<80x128xf32, #tpu.memory_space<vmem>>) target(%dma_start3A_104 : memref<10112x128xf32, #tpu.memory_space<vmem_shared>>) offsets(%arg12 : memref<80xi32, #tpu.memory_space<vmem>>) semaphore(%arg25 : memref<!tpu.dma_semaphore, #tpu.memory_space<semaphore_mem>>) {add = true}
      %gt3A_105 = arith.constant 0 : i32
      %gt3A_106 = arith.cmpi sgt, %scan3A_48, %gt3A_105 : i32
      %convert_element_type3A_107 = arith.extui %gt3A_106 : i1 to i32
      %cond3A_108 = arith.constant 0 : i32
      %cond3A_109 = arith.cmpi ne, %convert_element_type3A_107, %cond3A_108 : i32
      scf.if %cond3A_109 {
        %dma_wait3A_189 = arith.constant 0 : i32
        %dma_wait3A_190 = arith.constant 0 : i32
        %dma_wait3A_191 = tpu.memref_slice %arg19[%dma_wait3A_189, %dma_wait3A_190] : memref<10112x128xf32, #tpu.memory_space<vmem_shared>> -> memref<10112x128xf32, #tpu.memory_space<vmem_shared>>
        tpu.wait_indirect_dma semaphore(%arg27 : memref<!tpu.dma_semaphore, #tpu.memory_space<semaphore_mem>>) src(%arg18 : memref<80x128xf32, #tpu.memory_space<vmem>>) dst(%dma_wait3A_191 : memref<10112x128xf32, #tpu.memory_space<vmem_shared>>)
      } else {
      }
      %mul3A_110 = arith.constant 80 : i32
      %mul3A_111 = arith.muli %add3A_88, %mul3A_110 : i32
      %add3A_112 = arith.addi %mul3A_2, %mul3A_111 : i32
      %dma_start3A_113 = tpu.memref_slice %arg4[%add3A_112] : memref<327680xi32, #tpu.memory_space<hbm>> -> memref<80xi32, #tpu.memory_space<hbm>>
      %dma_start3A_114 = tpu.memref_slice %arg4[%add3A_112] : memref<327680xi32, #tpu.memory_space<hbm>> -> memref<80xi32, #tpu.memory_space<hbm>>
      tpu.enqueue_dma source(%dma_start3A_114 : memref<80xi32, #tpu.memory_space<hbm>>) target(%arg14 : memref<80xi32, #tpu.memory_space<vmem>>) target_semaphore(%arg35 : memref<!tpu.dma_semaphore, #tpu.memory_space<semaphore_mem>>)
      %dma_wait3A_115 = tpu.memref_slice %arg3[%mul3A_2] : memref<327680xi32, #tpu.memory_space<hbm>> -> memref<80xi32, #tpu.memory_space<hbm>>
      %dma_wait3A_116 = tpu.memref_slice %arg3[%mul3A_2] : memref<327680xi32, #tpu.memory_space<hbm>> -> memref<80xi32, #tpu.memory_space<hbm>>
      tpu.wait_dma2 semaphore(%arg31 : memref<!tpu.dma_semaphore, #tpu.memory_space<semaphore_mem>>) src(%dma_wait3A_116 : memref<80xi32, #tpu.memory_space<hbm>>) dst(%arg10 : memref<80xi32, #tpu.memory_space<vmem>>)
      %dma_start3A_117 = arith.constant 0 : i32
      %dma_start3A_118 = arith.constant 0 : i32
      %dma_start3A_119 = tpu.memref_slice %arg2[%dma_start3A_117, %dma_start3A_118] : memref<10112x128xf32, #tpu.memory_space<hbm>> -> memref<10112x128xf32, #tpu.memory_space<hbm>>
      tpu.enqueue_indirect_dma source(%dma_start3A_119 : memref<10112x128xf32, #tpu.memory_space<hbm>>) target(%arg18 : memref<80x128xf32, #tpu.memory_space<vmem>>) offsets(%arg10 : memref<80xi32, #tpu.memory_space<vmem>>) semaphore(%arg23 : memref<!tpu.dma_semaphore, #tpu.memory_space<semaphore_mem>>)
      %mul3A_120 = arith.constant 4 : i32
      %mul3A_121 = arith.muli %mul3A_120, %scan3A_48 : i32
      %add3A_122 = arith.constant 2 : i32
      %add3A_123 = arith.addi %mul3A_121, %add3A_122 : i32
      %eq3A = arith.constant 31 : i32
      %eq3A_124 = arith.cmpi eq, %scan3A_48, %eq3A : i32
      %add3A_125 = arith.constant 2 : i32
      %add3A_126 = arith.addi %add3A_123, %add3A_125 : i32
      %jit3A = arith.constant 0 : i32
      %select_n3A = arith.select %eq3A_124, %jit3A, %add3A_126 : i32
      %mul3A_127 = arith.constant 80 : i32
      %mul3A_128 = arith.muli %select_n3A, %mul3A_127 : i32
      %add3A_129 = arith.addi %mul3A_2, %mul3A_128 : i32
      %dma_start3A_130 = tpu.memref_slice %arg3[%add3A_129] : memref<327680xi32, #tpu.memory_space<hbm>> -> memref<80xi32, #tpu.memory_space<hbm>>
      %dma_start3A_131 = tpu.memref_slice %arg3[%add3A_129] : memref<327680xi32, #tpu.memory_space<hbm>> -> memref<80xi32, #tpu.memory_space<hbm>>
      tpu.enqueue_dma source(%dma_start3A_131 : memref<80xi32, #tpu.memory_space<hbm>>) target(%arg7 : memref<80xi32, #tpu.memory_space<vmem>>) target_semaphore(%arg28 : memref<!tpu.dma_semaphore, #tpu.memory_space<semaphore_mem>>)
      %dma_wait3A_132 = arith.constant 0 : i32
      %dma_wait3A_133 = arith.constant 0 : i32
      %dma_wait3A_134 = tpu.memref_slice %arg2[%dma_wait3A_132, %dma_wait3A_133] : memref<10112x128xf32, #tpu.memory_space<hbm>> -> memref<10112x128xf32, #tpu.memory_space<hbm>>
      tpu.wait_indirect_dma semaphore(%arg22 : memref<!tpu.dma_semaphore, #tpu.memory_space<semaphore_mem>>) src(%dma_wait3A_134 : memref<10112x128xf32, #tpu.memory_space<hbm>>) dst(%arg17 : memref<80x128xf32, #tpu.memory_space<vmem>>)
      %dma_wait3A_135 = tpu.memref_slice %arg4[%mul3A_2] : memref<327680xi32, #tpu.memory_space<hbm>> -> memref<80xi32, #tpu.memory_space<hbm>>
      %dma_wait3A_136 = tpu.memref_slice %arg4[%mul3A_2] : memref<327680xi32, #tpu.memory_space<hbm>> -> memref<80xi32, #tpu.memory_space<hbm>>
      tpu.wait_dma2 semaphore(%arg34 : memref<!tpu.dma_semaphore, #tpu.memory_space<semaphore_mem>>) src(%dma_wait3A_136 : memref<80xi32, #tpu.memory_space<hbm>>) dst(%arg13 : memref<80xi32, #tpu.memory_space<vmem>>)
      %dma_start3A_137 = arith.constant 0 : i32
      %dma_start3A_138 = arith.constant 0 : i32
      %dma_start3A_139 = tpu.memref_slice %arg19[%dma_start3A_137, %dma_start3A_138] : memref<10112x128xf32, #tpu.memory_space<vmem_shared>> -> memref<10112x128xf32, #tpu.memory_space<vmem_shared>>
      tpu.enqueue_indirect_dma source(%arg17 : memref<80x128xf32, #tpu.memory_space<vmem>>) target(%dma_start3A_139 : memref<10112x128xf32, #tpu.memory_space<vmem_shared>>) offsets(%arg13 : memref<80xi32, #tpu.memory_space<vmem>>) semaphore(%arg26 : memref<!tpu.dma_semaphore, #tpu.memory_space<semaphore_mem>>) {add = true}
      %dma_wait3A_140 = arith.constant 0 : i32
      %dma_wait3A_141 = arith.constant 0 : i32
      %dma_wait3A_142 = tpu.memref_slice %arg19[%dma_wait3A_140, %dma_wait3A_141] : memref<10112x128xf32, #tpu.memory_space<vmem_shared>> -> memref<10112x128xf32, #tpu.memory_space<vmem_shared>>
      tpu.wait_indirect_dma semaphore(%arg24 : memref<!tpu.dma_semaphore, #tpu.memory_space<semaphore_mem>>) src(%arg15 : memref<80x128xf32, #tpu.memory_space<vmem>>) dst(%dma_wait3A_142 : memref<10112x128xf32, #tpu.memory_space<vmem_shared>>)
      %mul3A_143 = arith.constant 80 : i32
      %mul3A_144 = arith.muli %select_n3A, %mul3A_143 : i32
      %add3A_145 = arith.addi %mul3A_2, %mul3A_144 : i32
      %dma_start3A_146 = tpu.memref_slice %arg4[%add3A_145] : memref<327680xi32, #tpu.memory_space<hbm>> -> memref<80xi32, #tpu.memory_space<hbm>>
      %dma_start3A_147 = tpu.memref_slice %arg4[%add3A_145] : memref<327680xi32, #tpu.memory_space<hbm>> -> memref<80xi32, #tpu.memory_space<hbm>>
      tpu.enqueue_dma source(%dma_start3A_147 : memref<80xi32, #tpu.memory_space<hbm>>) target(%arg11 : memref<80xi32, #tpu.memory_space<vmem>>) target_semaphore(%arg32 : memref<!tpu.dma_semaphore, #tpu.memory_space<semaphore_mem>>)
      %dma_wait3A_148 = tpu.memref_slice %arg3[%mul3A_2] : memref<327680xi32, #tpu.memory_space<hbm>> -> memref<80xi32, #tpu.memory_space<hbm>>
      %dma_wait3A_149 = tpu.memref_slice %arg3[%mul3A_2] : memref<327680xi32, #tpu.memory_space<hbm>> -> memref<80xi32, #tpu.memory_space<hbm>>
      tpu.wait_dma2 semaphore(%arg28 : memref<!tpu.dma_semaphore, #tpu.memory_space<semaphore_mem>>) src(%dma_wait3A_149 : memref<80xi32, #tpu.memory_space<hbm>>) dst(%arg7 : memref<80xi32, #tpu.memory_space<vmem>>)
      %dma_start3A_150 = arith.constant 0 : i32
      %dma_start3A_151 = arith.constant 0 : i32
      %dma_start3A_152 = tpu.memref_slice %arg2[%dma_start3A_150, %dma_start3A_151] : memref<10112x128xf32, #tpu.memory_space<hbm>> -> memref<10112x128xf32, #tpu.memory_space<hbm>>
      tpu.enqueue_indirect_dma source(%dma_start3A_152 : memref<10112x128xf32, #tpu.memory_space<hbm>>) target(%arg15 : memref<80x128xf32, #tpu.memory_space<vmem>>) offsets(%arg7 : memref<80xi32, #tpu.memory_space<vmem>>) semaphore(%arg20 : memref<!tpu.dma_semaphore, #tpu.memory_space<semaphore_mem>>)
      %mul3A_153 = arith.constant 4 : i32
      %mul3A_154 = arith.muli %mul3A_153, %scan3A_48 : i32
      %add3A_155 = arith.constant 3 : i32
      %add3A_156 = arith.addi %mul3A_154, %add3A_155 : i32
      %eq3A_157 = arith.constant 31 : i32
      %eq3A_158 = arith.cmpi eq, %scan3A_48, %eq3A_157 : i32
      %add3A_159 = arith.constant 2 : i32
      %add3A_160 = arith.addi %add3A_156, %add3A_159 : i32
      %jit3A_161 = arith.constant 1 : i32
      %select_n3A_162 = arith.select %eq3A_158, %jit3A_161, %add3A_160 : i32
      %mul3A_163 = arith.constant 80 : i32
      %mul3A_164 = arith.muli %select_n3A_162, %mul3A_163 : i32
      %add3A_165 = arith.addi %mul3A_2, %mul3A_164 : i32
      %dma_start3A_166 = tpu.memref_slice %arg3[%add3A_165] : memref<327680xi32, #tpu.memory_space<hbm>> -> memref<80xi32, #tpu.memory_space<hbm>>
      %dma_start3A_167 = tpu.memref_slice %arg3[%add3A_165] : memref<327680xi32, #tpu.memory_space<hbm>> -> memref<80xi32, #tpu.memory_space<hbm>>
      tpu.enqueue_dma source(%dma_start3A_167 : memref<80xi32, #tpu.memory_space<hbm>>) target(%arg8 : memref<80xi32, #tpu.memory_space<vmem>>) target_semaphore(%arg29 : memref<!tpu.dma_semaphore, #tpu.memory_space<semaphore_mem>>)
      %dma_wait3A_168 = arith.constant 0 : i32
      %dma_wait3A_169 = arith.constant 0 : i32
      %dma_wait3A_170 = tpu.memref_slice %arg2[%dma_wait3A_168, %dma_wait3A_169] : memref<10112x128xf32, #tpu.memory_space<hbm>> -> memref<10112x128xf32, #tpu.memory_space<hbm>>
      tpu.wait_indirect_dma semaphore(%arg23 : memref<!tpu.dma_semaphore, #tpu.memory_space<semaphore_mem>>) src(%dma_wait3A_170 : memref<10112x128xf32, #tpu.memory_space<hbm>>) dst(%arg18 : memref<80x128xf32, #tpu.memory_space<vmem>>)
      %dma_wait3A_171 = tpu.memref_slice %arg4[%mul3A_2] : memref<327680xi32, #tpu.memory_space<hbm>> -> memref<80xi32, #tpu.memory_space<hbm>>
      %dma_wait3A_172 = tpu.memref_slice %arg4[%mul3A_2] : memref<327680xi32, #tpu.memory_space<hbm>> -> memref<80xi32, #tpu.memory_space<hbm>>
      tpu.wait_dma2 semaphore(%arg35 : memref<!tpu.dma_semaphore, #tpu.memory_space<semaphore_mem>>) src(%dma_wait3A_172 : memref<80xi32, #tpu.memory_space<hbm>>) dst(%arg14 : memref<80xi32, #tpu.memory_space<vmem>>)
      %dma_start3A_173 = arith.constant 0 : i32
      %dma_start3A_174 = arith.constant 0 : i32
      %dma_start3A_175 = tpu.memref_slice %arg19[%dma_start3A_173, %dma_start3A_174] : memref<10112x128xf32, #tpu.memory_space<vmem_shared>> -> memref<10112x128xf32, #tpu.memory_space<vmem_shared>>
      tpu.enqueue_indirect_dma source(%arg18 : memref<80x128xf32, #tpu.memory_space<vmem>>) target(%dma_start3A_175 : memref<10112x128xf32, #tpu.memory_space<vmem_shared>>) offsets(%arg14 : memref<80xi32, #tpu.memory_space<vmem>>) semaphore(%arg27 : memref<!tpu.dma_semaphore, #tpu.memory_space<semaphore_mem>>) {add = true}
      %dma_wait3A_176 = arith.constant 0 : i32
      %dma_wait3A_177 = arith.constant 0 : i32
      %dma_wait3A_178 = tpu.memref_slice %arg19[%dma_wait3A_176, %dma_wait3A_177] : memref<10112x128xf32, #tpu.memory_space<vmem_shared>> -> memref<10112x128xf32, #tpu.memory_space<vmem_shared>>
      tpu.wait_indirect_dma semaphore(%arg25 : memref<!tpu.dma_semaphore, #tpu.memory_space<semaphore_mem>>) src(%arg16 : memref<80x128xf32, #tpu.memory_space<vmem>>) dst(%dma_wait3A_178 : memref<10112x128xf32, #tpu.memory_space<vmem_shared>>)
      %mul3A_179 = arith.constant 80 : i32
      %mul3A_180 = arith.muli %select_n3A_162, %mul3A_179 : i32
      %add3A_181 = arith.addi %mul3A_2, %mul3A_180 : i32
      %dma_start3A_182 = tpu.memref_slice %arg4[%add3A_181] : memref<327680xi32, #tpu.memory_space<hbm>> -> memref<80xi32, #tpu.memory_space<hbm>>
      %dma_start3A_183 = tpu.memref_slice %arg4[%add3A_181] : memref<327680xi32, #tpu.memory_space<hbm>> -> memref<80xi32, #tpu.memory_space<hbm>>
      tpu.enqueue_dma source(%dma_start3A_183 : memref<80xi32, #tpu.memory_space<hbm>>) target(%arg12 : memref<80xi32, #tpu.memory_space<vmem>>) target_semaphore(%arg33 : memref<!tpu.dma_semaphore, #tpu.memory_space<semaphore_mem>>)
      %dma_wait3A_184 = tpu.memref_slice %arg3[%mul3A_2] : memref<327680xi32, #tpu.memory_space<hbm>> -> memref<80xi32, #tpu.memory_space<hbm>>
      %dma_wait3A_185 = tpu.memref_slice %arg3[%mul3A_2] : memref<327680xi32, #tpu.memory_space<hbm>> -> memref<80xi32, #tpu.memory_space<hbm>>
      tpu.wait_dma2 semaphore(%arg29 : memref<!tpu.dma_semaphore, #tpu.memory_space<semaphore_mem>>) src(%dma_wait3A_185 : memref<80xi32, #tpu.memory_space<hbm>>) dst(%arg8 : memref<80xi32, #tpu.memory_space<vmem>>)
      %dma_start3A_186 = arith.constant 0 : i32
      %dma_start3A_187 = arith.constant 0 : i32
      %dma_start3A_188 = tpu.memref_slice %arg2[%dma_start3A_186, %dma_start3A_187] : memref<10112x128xf32, #tpu.memory_space<hbm>> -> memref<10112x128xf32, #tpu.memory_space<hbm>>
      tpu.enqueue_indirect_dma source(%dma_start3A_188 : memref<10112x128xf32, #tpu.memory_space<hbm>>) target(%arg16 : memref<80x128xf32, #tpu.memory_space<vmem>>) offsets(%arg8 : memref<80xi32, #tpu.memory_space<vmem>>) semaphore(%arg21 : memref<!tpu.dma_semaphore, #tpu.memory_space<semaphore_mem>>)
    }
    %scan3A_24 = arith.constant 32 : i32
    %dma_wait3A = arith.constant 0 : i32
    %dma_wait3A_25 = arith.constant 0 : i32
    %dma_wait3A_26 = tpu.memref_slice %arg2[%dma_wait3A, %dma_wait3A_25] : memref<10112x128xf32, #tpu.memory_space<hbm>> -> memref<10112x128xf32, #tpu.memory_space<hbm>>
    tpu.wait_indirect_dma semaphore(%arg20 : memref<!tpu.dma_semaphore, #tpu.memory_space<semaphore_mem>>) src(%dma_wait3A_26 : memref<10112x128xf32, #tpu.memory_space<hbm>>) dst(%arg15 : memref<80x128xf32, #tpu.memory_space<vmem>>)
    %dma_wait3A_27 = tpu.memref_slice %arg4[%mul3A_2] : memref<327680xi32, #tpu.memory_space<hbm>> -> memref<80xi32, #tpu.memory_space<hbm>>
    %dma_wait3A_28 = tpu.memref_slice %arg4[%mul3A_2] : memref<327680xi32, #tpu.memory_space<hbm>> -> memref<80xi32, #tpu.memory_space<hbm>>
    tpu.wait_dma2 semaphore(%arg32 : memref<!tpu.dma_semaphore, #tpu.memory_space<semaphore_mem>>) src(%dma_wait3A_28 : memref<80xi32, #tpu.memory_space<hbm>>) dst(%arg11 : memref<80xi32, #tpu.memory_space<vmem>>)
    %dma_wait3A_29 = arith.constant 0 : i32
    %dma_wait3A_30 = arith.constant 0 : i32
    %dma_wait3A_31 = tpu.memref_slice %arg2[%dma_wait3A_29, %dma_wait3A_30] : memref<10112x128xf32, #tpu.memory_space<hbm>> -> memref<10112x128xf32, #tpu.memory_space<hbm>>
    tpu.wait_indirect_dma semaphore(%arg21 : memref<!tpu.dma_semaphore, #tpu.memory_space<semaphore_mem>>) src(%dma_wait3A_31 : memref<10112x128xf32, #tpu.memory_space<hbm>>) dst(%arg16 : memref<80x128xf32, #tpu.memory_space<vmem>>)
    %dma_wait3A_32 = tpu.memref_slice %arg4[%mul3A_2] : memref<327680xi32, #tpu.memory_space<hbm>> -> memref<80xi32, #tpu.memory_space<hbm>>
    %dma_wait3A_33 = tpu.memref_slice %arg4[%mul3A_2] : memref<327680xi32, #tpu.memory_space<hbm>> -> memref<80xi32, #tpu.memory_space<hbm>>
    tpu.wait_dma2 semaphore(%arg33 : memref<!tpu.dma_semaphore, #tpu.memory_space<semaphore_mem>>) src(%dma_wait3A_33 : memref<80xi32, #tpu.memory_space<hbm>>) dst(%arg12 : memref<80xi32, #tpu.memory_space<vmem>>)
    %dma_wait3A_34 = arith.constant 0 : i32
    %dma_wait3A_35 = arith.constant 0 : i32
    %dma_wait3A_36 = tpu.memref_slice %arg19[%dma_wait3A_34, %dma_wait3A_35] : memref<10112x128xf32, #tpu.memory_space<vmem_shared>> -> memref<10112x128xf32, #tpu.memory_space<vmem_shared>>
    tpu.wait_indirect_dma semaphore(%arg26 : memref<!tpu.dma_semaphore, #tpu.memory_space<semaphore_mem>>) src(%arg17 : memref<80x128xf32, #tpu.memory_space<vmem>>) dst(%dma_wait3A_36 : memref<10112x128xf32, #tpu.memory_space<vmem_shared>>)
    %dma_wait3A_37 = arith.constant 0 : i32
    %dma_wait3A_38 = arith.constant 0 : i32
    %dma_wait3A_39 = tpu.memref_slice %arg19[%dma_wait3A_37, %dma_wait3A_38] : memref<10112x128xf32, #tpu.memory_space<vmem_shared>> -> memref<10112x128xf32, #tpu.memory_space<vmem_shared>>
    tpu.wait_indirect_dma semaphore(%arg27 : memref<!tpu.dma_semaphore, #tpu.memory_space<semaphore_mem>>) src(%arg18 : memref<80x128xf32, #tpu.memory_space<vmem>>) dst(%dma_wait3A_39 : memref<10112x128xf32, #tpu.memory_space<vmem_shared>>)
    %barrier3A_40 = arith.constant 0 : index
    tpu.barrier barrier_id(%barrier3A_40)
    %mul3A_41 = arith.constant 632 : i32
    %mul3A_42 = arith.muli %arg1, %mul3A_41 : i32
    %mul3A_43 = arith.constant 10112 : i32
    %mul3A_44 = arith.muli %arg0, %mul3A_43 : i32
    %mul3A_45 = arith.constant 632 : i32
    %mul3A_46 = arith.muli %arg1, %mul3A_45 : i32
    %add3A_47 = arith.addi %mul3A_44, %mul3A_46 : i32
    "tpu.region"() ({
      %run_scoped3A = tpu.sem_alloc : memref<!tpu.dma_semaphore, #tpu.memory_space<semaphore_mem>>
      %dma_start3A_48 = arith.constant 0 : i32
      %dma_start3A_49 = tpu.memref_slice %arg6[%add3A_47, %dma_start3A_48] : memref<20224x128xf32, #tpu.memory_space<hbm>> -> memref<632x128xf32, #tpu.memory_space<hbm>>
      %dma_start3A_50 = arith.constant 0 : i32
      %dma_start3A_51 = tpu.memref_slice %arg19[%mul3A_42, %dma_start3A_50] : memref<10112x128xf32, #tpu.memory_space<vmem_shared>> -> memref<632x128xf32, #tpu.memory_space<vmem_shared>>
      tpu.enqueue_dma source(%dma_start3A_51 : memref<632x128xf32, #tpu.memory_space<vmem_shared>>) target(%dma_start3A_49 : memref<632x128xf32, #tpu.memory_space<hbm>>) target_semaphore(%run_scoped3A : memref<!tpu.dma_semaphore, #tpu.memory_space<semaphore_mem>>)
      %dma_wait3A_52 = arith.constant 0 : i32
      %dma_wait3A_53 = tpu.memref_slice %arg6[%add3A_47, %dma_wait3A_52] : memref<20224x128xf32, #tpu.memory_space<hbm>> -> memref<632x128xf32, #tpu.memory_space<hbm>>
      %dma_wait3A_54 = arith.constant 0 : i32
      %dma_wait3A_55 = tpu.memref_slice %arg19[%mul3A_42, %dma_wait3A_54] : memref<10112x128xf32, #tpu.memory_space<vmem_shared>> -> memref<632x128xf32, #tpu.memory_space<vmem_shared>>
      tpu.wait_dma2 semaphore(%run_scoped3A : memref<!tpu.dma_semaphore, #tpu.memory_space<semaphore_mem>>) src(%dma_wait3A_55 : memref<632x128xf32, #tpu.memory_space<vmem_shared>>) dst(%dma_wait3A_53 : memref<632x128xf32, #tpu.memory_space<hbm>>)
      tpu.yield
    }) : () -> ()
    return
  }
}

#map = affine_map<(d0, d1) -> (0, 0)>
#map1 = affine_map<(d0, d1) -> (0)>
module attributes {stable_mosaic.version = 14 : i64} {
  func.func @_spmv_body(%arg0: i32, %arg1: i32, %arg2: memref<10112x128xf32, #tpu.memory_space<hbm>>, %arg3: memref<327680xi32, #tpu.memory_space<hbm>>, %arg4: memref<327680xi32, #tpu.memory_space<hbm>>, %arg5: memref<10112x128xf32, #tpu.memory_space<hbm>>, %arg6: memref<20224x128xf32, #tpu.memory_space<hbm>>, %arg7: memref<80xi32, #tpu.memory_space<vmem>>, %arg8: memref<80xi32, #tpu.memory_space<vmem>>, %arg9: memref<80xi32, #tpu.memory_space<vmem>>, %arg10: memref<80xi32, #tpu.memory_space<vmem>>, %arg11: memref<80xi32, #tpu.memory_space<vmem>>, %arg12: memref<80xi32, #tpu.memory_space<vmem>>, %arg13: memref<80xi32, #tpu.memory_space<vmem>>, %arg14: memref<80xi32, #tpu.memory_space<vmem>>, %arg15: memref<80x128xf32, #tpu.memory_space<vmem>>, %arg16: memref<80x128xf32, #tpu.memory_space<vmem>>, %arg17: memref<80x128xf32, #tpu.memory_space<vmem>>, %arg18: memref<80x128xf32, #tpu.memory_space<vmem>>, %arg19: memref<10112x128xf32, #tpu.memory_space<vmem_shared>>, %arg20: memref<!tpu.dma_semaphore, #tpu.memory_space<semaphore_mem>>, %arg21: memref<!tpu.dma_semaphore, #tpu.memory_space<semaphore_mem>>, %arg22: memref<!tpu.dma_semaphore, #tpu.memory_space<semaphore_mem>>, %arg23: memref<!tpu.dma_semaphore, #tpu.memory_space<semaphore_mem>>, %arg24: memref<!tpu.dma_semaphore, #tpu.memory_space<semaphore_mem>>, %arg25: memref<!tpu.dma_semaphore, #tpu.memory_space<semaphore_mem>>, %arg26: memref<!tpu.dma_semaphore, #tpu.memory_space<semaphore_mem>>, %arg27: memref<!tpu.dma_semaphore, #tpu.memory_space<semaphore_mem>>, %arg28: memref<!tpu.dma_semaphore, #tpu.memory_space<semaphore_mem>>, %arg29: memref<!tpu.dma_semaphore, #tpu.memory_space<semaphore_mem>>, %arg30: memref<!tpu.dma_semaphore, #tpu.memory_space<semaphore_mem>>, %arg31: memref<!tpu.dma_semaphore, #tpu.memory_space<semaphore_mem>>, %arg32: memref<!tpu.dma_semaphore, #tpu.memory_space<semaphore_mem>>, %arg33: memref<!tpu.dma_semaphore, #tpu.memory_space<semaphore_mem>>, %arg34: memref<!tpu.dma_semaphore, #tpu.memory_space<semaphore_mem>>, %arg35: memref<!tpu.dma_semaphore, #tpu.memory_space<semaphore_mem>>) attributes {dimension_semantics = [#tpu.dimension_semantics<core_parallel>, #tpu.dimension_semantics<subcore_parallel>], iteration_bounds = array<i64: 2, 16>, scalar_prefetch = 0 : i64, scratch_operands = 29 : i64, tpu.core_type = #tpu.core_type<sc_vector_subcore>, window_params = [{transform_indices = #map}, {transform_indices = #map1}, {transform_indices = #map1}, {transform_indices = #map}, {transform_indices = #map}]} {
    %mul3A = arith.constant 2 : i32
    %mul3A_0 = arith.muli %arg1, %mul3A : i32
    %add3A = arith.addi %mul3A_0, %arg0 : i32
    %mul3A_1 = arith.constant 10240 : i32
    %mul3A_2 = arith.muli %add3A, %mul3A_1 : i32
    %mul3A_3 = arith.constant 632 : i32
    %mul3A_4 = arith.muli %arg1, %mul3A_3 : i32
    %mul3A_5 = arith.constant 632 : i32
    %mul3A_6 = arith.muli %arg1, %mul3A_5 : i32
    "tpu.region"() ({
      %run_scoped3A = tpu.sem_alloc : memref<!tpu.dma_semaphore, #tpu.memory_space<semaphore_mem>>
      %dma_start3A_48 = arith.constant 0 : i32
      %dma_start3A_49 = tpu.memref_slice %arg19[%mul3A_6, %dma_start3A_48] : memref<10112x128xf32, #tpu.memory_space<vmem_shared>> -> memref<632x128xf32, #tpu.memory_space<vmem_shared>>
      %dma_start3A_50 = arith.constant 0 : i32
      %dma_start3A_51 = tpu.memref_slice %arg5[%mul3A_4, %dma_start3A_50] : memref<10112x128xf32, #tpu.memory_space<hbm>> -> memref<632x128xf32, #tpu.memory_space<hbm>>
      tpu.enqueue_dma source(%dma_start3A_51 : memref<632x128xf32, #tpu.memory_space<hbm>>) target(%dma_start3A_49 : memref<632x128xf32, #tpu.memory_space<vmem_shared>>) target_semaphore(%run_scoped3A : memref<!tpu.dma_semaphore, #tpu.memory_space<semaphore_mem>>)
      %dma_wait3A_52 = arith.constant 0 : i32
      %dma_wait3A_53 = tpu.memref_slice %arg19[%mul3A_6, %dma_wait3A_52] : memref<10112x128xf32, #tpu.memory_space<vmem_shared>> -> memref<632x128xf32, #tpu.memory_space<vmem_shared>>
      %dma_wait3A_54 = arith.constant 0 : i32
      %dma_wait3A_55 = tpu.memref_slice %arg5[%mul3A_4, %dma_wait3A_54] : memref<10112x128xf32, #tpu.memory_space<hbm>> -> memref<632x128xf32, #tpu.memory_space<hbm>>
      tpu.wait_dma2 semaphore(%run_scoped3A : memref<!tpu.dma_semaphore, #tpu.memory_space<semaphore_mem>>) src(%dma_wait3A_55 : memref<632x128xf32, #tpu.memory_space<hbm>>) dst(%dma_wait3A_53 : memref<632x128xf32, #tpu.memory_space<vmem_shared>>)
      tpu.yield
    }) : () -> ()
    %barrier3A = arith.constant 0 : index
    tpu.barrier barrier_id(%barrier3A)
    %add3A_7 = arith.constant 0 : i32
    %add3A_8 = arith.addi %mul3A_2, %add3A_7 : i32
    "tpu.region"() ({
      %run_scoped3A = tpu.sem_alloc : memref<!tpu.dma_semaphore, #tpu.memory_space<semaphore_mem>>
      %dma_start3A_48 = tpu.memref_slice %arg3[%add3A_8] : memref<327680xi32, #tpu.memory_space<hbm>> -> memref<80xi32, #tpu.memory_space<hbm>>
      %dma_start3A_49 = tpu.memref_slice %arg3[%add3A_8] : memref<327680xi32, #tpu.memory_space<hbm>> -> memref<80xi32, #tpu.memory_space<hbm>>
      tpu.enqueue_dma source(%dma_start3A_49 : memref<80xi32, #tpu.memory_space<hbm>>) target(%arg7 : memref<80xi32, #tpu.memory_space<vmem>>) target_semaphore(%run_scoped3A : memref<!tpu.dma_semaphore, #tpu.memory_space<semaphore_mem>>)
      %dma_wait3A_50 = tpu.memref_slice %arg3[%add3A_8] : memref<327680xi32, #tpu.memory_space<hbm>> -> memref<80xi32, #tpu.memory_space<hbm>>
      %dma_wait3A_51 = tpu.memref_slice %arg3[%add3A_8] : memref<327680xi32, #tpu.memory_space<hbm>> -> memref<80xi32, #tpu.memory_space<hbm>>
      tpu.wait_dma2 semaphore(%run_scoped3A : memref<!tpu.dma_semaphore, #tpu.memory_space<semaphore_mem>>) src(%dma_wait3A_51 : memref<80xi32, #tpu.memory_space<hbm>>) dst(%arg7 : memref<80xi32, #tpu.memory_space<vmem>>)
      tpu.yield
    }) : () -> ()
    %add3A_9 = arith.constant 0 : i32
    %add3A_10 = arith.addi %mul3A_2, %add3A_9 : i32
    "tpu.region"() ({
      %run_scoped3A = tpu.sem_alloc : memref<!tpu.dma_semaphore, #tpu.memory_space<semaphore_mem>>
      %dma_start3A_48 = tpu.memref_slice %arg4[%add3A_10] : memref<327680xi32, #tpu.memory_space<hbm>> -> memref<80xi32, #tpu.memory_space<hbm>>
      %dma_start3A_49 = tpu.memref_slice %arg4[%add3A_10] : memref<327680xi32, #tpu.memory_space<hbm>> -> memref<80xi32, #tpu.memory_space<hbm>>
      tpu.enqueue_dma source(%dma_start3A_49 : memref<80xi32, #tpu.memory_space<hbm>>) target(%arg11 : memref<80xi32, #tpu.memory_space<vmem>>) target_semaphore(%run_scoped3A : memref<!tpu.dma_semaphore, #tpu.memory_space<semaphore_mem>>)
      %dma_wait3A_50 = tpu.memref_slice %arg4[%add3A_10] : memref<327680xi32, #tpu.memory_space<hbm>> -> memref<80xi32, #tpu.memory_space<hbm>>
      %dma_wait3A_51 = tpu.memref_slice %arg4[%add3A_10] : memref<327680xi32, #tpu.memory_space<hbm>> -> memref<80xi32, #tpu.memory_space<hbm>>
      tpu.wait_dma2 semaphore(%run_scoped3A : memref<!tpu.dma_semaphore, #tpu.memory_space<semaphore_mem>>) src(%dma_wait3A_51 : memref<80xi32, #tpu.memory_space<hbm>>) dst(%arg11 : memref<80xi32, #tpu.memory_space<vmem>>)
      tpu.yield
    }) : () -> ()
    %dma_start3A = arith.constant 0 : i32
    %dma_start3A_11 = arith.constant 0 : i32
    %dma_start3A_12 = tpu.memref_slice %arg2[%dma_start3A, %dma_start3A_11] : memref<10112x128xf32, #tpu.memory_space<hbm>> -> memref<10112x128xf32, #tpu.memory_space<hbm>>
    tpu.enqueue_indirect_dma source(%dma_start3A_12 : memref<10112x128xf32, #tpu.memory_space<hbm>>) target(%arg15 : memref<80x128xf32, #tpu.memory_space<vmem>>) offsets(%arg7 : memref<80xi32, #tpu.memory_space<vmem>>) semaphore(%arg20 : memref<!tpu.dma_semaphore, #tpu.memory_space<semaphore_mem>>)
    %add3A_13 = arith.constant 80 : i32
    %add3A_14 = arith.addi %mul3A_2, %add3A_13 : i32
    "tpu.region"() ({
      %run_scoped3A = tpu.sem_alloc : memref<!tpu.dma_semaphore, #tpu.memory_space<semaphore_mem>>
      %dma_start3A_48 = tpu.memref_slice %arg3[%add3A_14] : memref<327680xi32, #tpu.memory_space<hbm>> -> memref<80xi32, #tpu.memory_space<hbm>>
      %dma_start3A_49 = tpu.memref_slice %arg3[%add3A_14] : memref<327680xi32, #tpu.memory_space<hbm>> -> memref<80xi32, #tpu.memory_space<hbm>>
      tpu.enqueue_dma source(%dma_start3A_49 : memref<80xi32, #tpu.memory_space<hbm>>) target(%arg8 : memref<80xi32, #tpu.memory_space<vmem>>) target_semaphore(%run_scoped3A : memref<!tpu.dma_semaphore, #tpu.memory_space<semaphore_mem>>)
      %dma_wait3A_50 = tpu.memref_slice %arg3[%add3A_14] : memref<327680xi32, #tpu.memory_space<hbm>> -> memref<80xi32, #tpu.memory_space<hbm>>
      %dma_wait3A_51 = tpu.memref_slice %arg3[%add3A_14] : memref<327680xi32, #tpu.memory_space<hbm>> -> memref<80xi32, #tpu.memory_space<hbm>>
      tpu.wait_dma2 semaphore(%run_scoped3A : memref<!tpu.dma_semaphore, #tpu.memory_space<semaphore_mem>>) src(%dma_wait3A_51 : memref<80xi32, #tpu.memory_space<hbm>>) dst(%arg8 : memref<80xi32, #tpu.memory_space<vmem>>)
      tpu.yield
    }) : () -> ()
    %add3A_15 = arith.constant 80 : i32
    %add3A_16 = arith.addi %mul3A_2, %add3A_15 : i32
    "tpu.region"() ({
      %run_scoped3A = tpu.sem_alloc : memref<!tpu.dma_semaphore, #tpu.memory_space<semaphore_mem>>
      %dma_start3A_48 = tpu.memref_slice %arg4[%add3A_16] : memref<327680xi32, #tpu.memory_space<hbm>> -> memref<80xi32, #tpu.memory_space<hbm>>
      %dma_start3A_49 = tpu.memref_slice %arg4[%add3A_16] : memref<327680xi32, #tpu.memory_space<hbm>> -> memref<80xi32, #tpu.memory_space<hbm>>
      tpu.enqueue_dma source(%dma_start3A_49 : memref<80xi32, #tpu.memory_space<hbm>>) target(%arg12 : memref<80xi32, #tpu.memory_space<vmem>>) target_semaphore(%run_scoped3A : memref<!tpu.dma_semaphore, #tpu.memory_space<semaphore_mem>>)
      %dma_wait3A_50 = tpu.memref_slice %arg4[%add3A_16] : memref<327680xi32, #tpu.memory_space<hbm>> -> memref<80xi32, #tpu.memory_space<hbm>>
      %dma_wait3A_51 = tpu.memref_slice %arg4[%add3A_16] : memref<327680xi32, #tpu.memory_space<hbm>> -> memref<80xi32, #tpu.memory_space<hbm>>
      tpu.wait_dma2 semaphore(%run_scoped3A : memref<!tpu.dma_semaphore, #tpu.memory_space<semaphore_mem>>) src(%dma_wait3A_51 : memref<80xi32, #tpu.memory_space<hbm>>) dst(%arg12 : memref<80xi32, #tpu.memory_space<vmem>>)
      tpu.yield
    }) : () -> ()
    %dma_start3A_17 = arith.constant 0 : i32
    %dma_start3A_18 = arith.constant 0 : i32
    %dma_start3A_19 = tpu.memref_slice %arg2[%dma_start3A_17, %dma_start3A_18] : memref<10112x128xf32, #tpu.memory_space<hbm>> -> memref<10112x128xf32, #tpu.memory_space<hbm>>
    tpu.enqueue_indirect_dma source(%dma_start3A_19 : memref<10112x128xf32, #tpu.memory_space<hbm>>) target(%arg16 : memref<80x128xf32, #tpu.memory_space<vmem>>) offsets(%arg8 : memref<80xi32, #tpu.memory_space<vmem>>) semaphore(%arg21 : memref<!tpu.dma_semaphore, #tpu.memory_space<semaphore_mem>>)
    %scan3A = arith.constant 0 : i32
    %scan3A_20 = arith.constant 0 : i32
    %scan3A_21 = arith.constant 32 : i32
    %scan3A_22 = arith.addi %scan3A_20, %scan3A_21 : i32
    %scan3A_23 = arith.constant 1 : i32
    scf.for %scan3A_48 = %scan3A_20 to %scan3A_22 step %scan3A_23  : i32 {
      %mul3A_49 = arith.constant 4 : i32
      %mul3A_50 = arith.muli %mul3A_49, %scan3A_48 : i32
      %add3A_51 = arith.constant 0 : i32
      %add3A_52 = arith.addi %mul3A_50, %add3A_51 : i32
      %add3A_53 = arith.constant 2 : i32
      %add3A_54 = arith.addi %add3A_52, %add3A_53 : i32
      %mul3A_55 = arith.constant 80 : i32
      %mul3A_56 = arith.muli %add3A_54, %mul3A_55 : i32
      %add3A_57 = arith.addi %mul3A_2, %mul3A_56 : i32
      %dma_start3A_58 = tpu.memref_slice %arg3[%add3A_57] : memref<327680xi32, #tpu.memory_space<hbm>> -> memref<80xi32, #tpu.memory_space<hbm>>
      %dma_start3A_59 = tpu.memref_slice %arg3[%add3A_57] : memref<327680xi32, #tpu.memory_space<hbm>> -> memref<80xi32, #tpu.memory_space<hbm>>
      tpu.enqueue_dma source(%dma_start3A_59 : memref<80xi32, #tpu.memory_space<hbm>>) target(%arg9 : memref<80xi32, #tpu.memory_space<vmem>>) target_semaphore(%arg30 : memref<!tpu.dma_semaphore, #tpu.memory_space<semaphore_mem>>)
      %dma_wait3A_60 = arith.constant 0 : i32
      %dma_wait3A_61 = arith.constant 0 : i32
      %dma_wait3A_62 = tpu.memref_slice %arg2[%dma_wait3A_60, %dma_wait3A_61] : memref<10112x128xf32, #tpu.memory_space<hbm>> -> memref<10112x128xf32, #tpu.memory_space<hbm>>
      tpu.wait_indirect_dma semaphore(%arg20 : memref<!tpu.dma_semaphore, #tpu.memory_space<semaphore_mem>>) src(%dma_wait3A_62 : memref<10112x128xf32, #tpu.memory_space<hbm>>) dst(%arg15 : memref<80x128xf32, #tpu.memory_space<vmem>>)
      %gt3A = arith.constant 0 : i32
      %gt3A_63 = arith.cmpi sgt, %scan3A_48, %gt3A : i32
      %convert_element_type3A = arith.extui %gt3A_63 : i1 to i32
      %cond3A = arith.constant 0 : i32
      %cond3A_64 = arith.cmpi ne, %convert_element_type3A, %cond3A : i32
      scf.if %cond3A_64 {
        %dma_wait3A_189 = tpu.memref_slice %arg4[%mul3A_2] : memref<327680xi32, #tpu.memory_space<hbm>> -> memref<80xi32, #tpu.memory_space<hbm>>
        %dma_wait3A_190 = tpu.memref_slice %arg4[%mul3A_2] : memref<327680xi32, #tpu.memory_space<hbm>> -> memref<80xi32, #tpu.memory_space<hbm>>
        tpu.wait_dma2 semaphore(%arg32 : memref<!tpu.dma_semaphore, #tpu.memory_space<semaphore_mem>>) src(%dma_wait3A_190 : memref<80xi32, #tpu.memory_space<hbm>>) dst(%arg11 : memref<80xi32, #tpu.memory_space<vmem>>)
      } else {
      }
      %dma_start3A_65 = arith.constant 0 : i32
      %dma_start3A_66 = arith.constant 0 : i32
      %dma_start3A_67 = tpu.memref_slice %arg19[%dma_start3A_65, %dma_start3A_66] : memref<10112x128xf32, #tpu.memory_space<vmem_shared>> -> memref<10112x128xf32, #tpu.memory_space<vmem_shared>>
      tpu.enqueue_indirect_dma source(%arg15 : memref<80x128xf32, #tpu.memory_space<vmem>>) target(%dma_start3A_67 : memref<10112x128xf32, #tpu.memory_space<vmem_shared>>) offsets(%arg11 : memref<80xi32, #tpu.memory_space<vmem>>) semaphore(%arg24 : memref<!tpu.dma_semaphore, #tpu.memory_space<semaphore_mem>>) {add = true}
      %gt3A_68 = arith.constant 0 : i32
      %gt3A_69 = arith.cmpi sgt, %scan3A_48, %gt3A_68 : i32
      %convert_element_type3A_70 = arith.extui %gt3A_69 : i1 to i32
      %cond3A_71 = arith.constant 0 : i32
      %cond3A_72 = arith.cmpi ne, %convert_element_type3A_70, %cond3A_71 : i32
      scf.if %cond3A_72 {
        %dma_wait3A_189 = arith.constant 0 : i32
        %dma_wait3A_190 = arith.constant 0 : i32
        %dma_wait3A_191 = tpu.memref_slice %arg19[%dma_wait3A_189, %dma_wait3A_190] : memref<10112x128xf32, #tpu.memory_space<vmem_shared>> -> memref<10112x128xf32, #tpu.memory_space<vmem_shared>>
        tpu.wait_indirect_dma semaphore(%arg26 : memref<!tpu.dma_semaphore, #tpu.memory_space<semaphore_mem>>) src(%arg17 : memref<80x128xf32, #tpu.memory_space<vmem>>) dst(%dma_wait3A_191 : memref<10112x128xf32, #tpu.memory_space<vmem_shared>>)
      } else {
      }
      %mul3A_73 = arith.constant 80 : i32
      %mul3A_74 = arith.muli %add3A_54, %mul3A_73 : i32
      %add3A_75 = arith.addi %mul3A_2, %mul3A_74 : i32
      %dma_start3A_76 = tpu.memref_slice %arg4[%add3A_75] : memref<327680xi32, #tpu.memory_space<hbm>> -> memref<80xi32, #tpu.memory_space<hbm>>
      %dma_start3A_77 = tpu.memref_slice %arg4[%add3A_75] : memref<327680xi32, #tpu.memory_space<hbm>> -> memref<80xi32, #tpu.memory_space<hbm>>
      tpu.enqueue_dma source(%dma_start3A_77 : memref<80xi32, #tpu.memory_space<hbm>>) target(%arg13 : memref<80xi32, #tpu.memory_space<vmem>>) target_semaphore(%arg34 : memref<!tpu.dma_semaphore, #tpu.memory_space<semaphore_mem>>)
      %dma_wait3A_78 = tpu.memref_slice %arg3[%mul3A_2] : memref<327680xi32, #tpu.memory_space<hbm>> -> memref<80xi32, #tpu.memory_space<hbm>>
      %dma_wait3A_79 = tpu.memref_slice %arg3[%mul3A_2] : memref<327680xi32, #tpu.memory_space<hbm>> -> memref<80xi32, #tpu.memory_space<hbm>>
      tpu.wait_dma2 semaphore(%arg30 : memref<!tpu.dma_semaphore, #tpu.memory_space<semaphore_mem>>) src(%dma_wait3A_79 : memref<80xi32, #tpu.memory_space<hbm>>) dst(%arg9 : memref<80xi32, #tpu.memory_space<vmem>>)
      %dma_start3A_80 = arith.constant 0 : i32
      %dma_start3A_81 = arith.constant 0 : i32
      %dma_start3A_82 = tpu.memref_slice %arg2[%dma_start3A_80, %dma_start3A_81] : memref<10112x128xf32, #tpu.memory_space<hbm>> -> memref<10112x128xf32, #tpu.memory_space<hbm>>
      tpu.enqueue_indirect_dma source(%dma_start3A_82 : memref<10112x128xf32, #tpu.memory_space<hbm>>) target(%arg17 : memref<80x128xf32, #tpu.memory_space<vmem>>) offsets(%arg9 : memref<80xi32, #tpu.memory_space<vmem>>) semaphore(%arg22 : memref<!tpu.dma_semaphore, #tpu.memory_space<semaphore_mem>>)
      %mul3A_83 = arith.constant 4 : i32
      %mul3A_84 = arith.muli %mul3A_83, %scan3A_48 : i32
      %add3A_85 = arith.constant 1 : i32
      %add3A_86 = arith.addi %mul3A_84, %add3A_85 : i32
      %add3A_87 = arith.constant 2 : i32
      %add3A_88 = arith.addi %add3A_86, %add3A_87 : i32
      %mul3A_89 = arith.constant 80 : i32
      %mul3A_90 = arith.muli %add3A_88, %mul3A_89 : i32
      %add3A_91 = arith.addi %mul3A_2, %mul3A_90 : i32
      %dma_start3A_92 = tpu.memref_slice %arg3[%add3A_91] : memref<327680xi32, #tpu.memory_space<hbm>> -> memref<80xi32, #tpu.memory_space<hbm>>
      %dma_start3A_93 = tpu.memref_slice %arg3[%add3A_91] : memref<327680xi32, #tpu.memory_space<hbm>> -> memref<80xi32, #tpu.memory_space<hbm>>
      tpu.enqueue_dma source(%dma_start3A_93 : memref<80xi32, #tpu.memory_space<hbm>>) target(%arg10 : memref<80xi32, #tpu.memory_space<vmem>>) target_semaphore(%arg31 : memref<!tpu.dma_semaphore, #tpu.memory_space<semaphore_mem>>)
      %dma_wait3A_94 = arith.constant 0 : i32
      %dma_wait3A_95 = arith.constant 0 : i32
      %dma_wait3A_96 = tpu.memref_slice %arg2[%dma_wait3A_94, %dma_wait3A_95] : memref<10112x128xf32, #tpu.memory_space<hbm>> -> memref<10112x128xf32, #tpu.memory_space<hbm>>
      tpu.wait_indirect_dma semaphore(%arg21 : memref<!tpu.dma_semaphore, #tpu.memory_space<semaphore_mem>>) src(%dma_wait3A_96 : memref<10112x128xf32, #tpu.memory_space<hbm>>) dst(%arg16 : memref<80x128xf32, #tpu.memory_space<vmem>>)
      %gt3A_97 = arith.constant 0 : i32
      %gt3A_98 = arith.cmpi sgt, %scan3A_48, %gt3A_97 : i32
      %convert_element_type3A_99 = arith.extui %gt3A_98 : i1 to i32
      %cond3A_100 = arith.constant 0 : i32
      %cond3A_101 = arith.cmpi ne, %convert_element_type3A_99, %cond3A_100 : i32
      scf.if %cond3A_101 {
        %dma_wait3A_189 = tpu.memref_slice %arg4[%mul3A_2] : memref<327680xi32, #tpu.memory_space<hbm>> -> memref<80xi32, #tpu.memory_space<hbm>>
        %dma_wait3A_190 = tpu.memref_slice %arg4[%mul3A_2] : memref<327680xi32, #tpu.memory_space<hbm>> -> memref<80xi32, #tpu.memory_space<hbm>>
        tpu.wait_dma2 semaphore(%arg33 : memref<!tpu.dma_semaphore, #tpu.memory_space<semaphore_mem>>) src(%dma_wait3A_190 : memref<80xi32, #tpu.memory_space<hbm>>) dst(%arg12 : memref<80xi32, #tpu.memory_space<vmem>>)
      } else {
      }
      %dma_start3A_102 = arith.constant 0 : i32
      %dma_start3A_103 = arith.constant 0 : i32
      %dma_start3A_104 = tpu.memref_slice %arg19[%dma_start3A_102, %dma_start3A_103] : memref<10112x128xf32, #tpu.memory_space<vmem_shared>> -> memref<10112x128xf32, #tpu.memory_space<vmem_shared>>
      tpu.enqueue_indirect_dma source(%arg16 : memref<80x128xf32, #tpu.memory_space<vmem>>) target(%dma_start3A_104 : memref<10112x128xf32, #tpu.memory_space<vmem_shared>>) offsets(%arg12 : memref<80xi32, #tpu.memory_space<vmem>>) semaphore(%arg25 : memref<!tpu.dma_semaphore, #tpu.memory_space<semaphore_mem>>) {add = true}
      %gt3A_105 = arith.constant 0 : i32
      %gt3A_106 = arith.cmpi sgt, %scan3A_48, %gt3A_105 : i32
      %convert_element_type3A_107 = arith.extui %gt3A_106 : i1 to i32
      %cond3A_108 = arith.constant 0 : i32
      %cond3A_109 = arith.cmpi ne, %convert_element_type3A_107, %cond3A_108 : i32
      scf.if %cond3A_109 {
        %dma_wait3A_189 = arith.constant 0 : i32
        %dma_wait3A_190 = arith.constant 0 : i32
        %dma_wait3A_191 = tpu.memref_slice %arg19[%dma_wait3A_189, %dma_wait3A_190] : memref<10112x128xf32, #tpu.memory_space<vmem_shared>> -> memref<10112x128xf32, #tpu.memory_space<vmem_shared>>
        tpu.wait_indirect_dma semaphore(%arg27 : memref<!tpu.dma_semaphore, #tpu.memory_space<semaphore_mem>>) src(%arg18 : memref<80x128xf32, #tpu.memory_space<vmem>>) dst(%dma_wait3A_191 : memref<10112x128xf32, #tpu.memory_space<vmem_shared>>)
      } else {
      }
      %mul3A_110 = arith.constant 80 : i32
      %mul3A_111 = arith.muli %add3A_88, %mul3A_110 : i32
      %add3A_112 = arith.addi %mul3A_2, %mul3A_111 : i32
      %dma_start3A_113 = tpu.memref_slice %arg4[%add3A_112] : memref<327680xi32, #tpu.memory_space<hbm>> -> memref<80xi32, #tpu.memory_space<hbm>>
      %dma_start3A_114 = tpu.memref_slice %arg4[%add3A_112] : memref<327680xi32, #tpu.memory_space<hbm>> -> memref<80xi32, #tpu.memory_space<hbm>>
      tpu.enqueue_dma source(%dma_start3A_114 : memref<80xi32, #tpu.memory_space<hbm>>) target(%arg14 : memref<80xi32, #tpu.memory_space<vmem>>) target_semaphore(%arg35 : memref<!tpu.dma_semaphore, #tpu.memory_space<semaphore_mem>>)
      %dma_wait3A_115 = tpu.memref_slice %arg3[%mul3A_2] : memref<327680xi32, #tpu.memory_space<hbm>> -> memref<80xi32, #tpu.memory_space<hbm>>
      %dma_wait3A_116 = tpu.memref_slice %arg3[%mul3A_2] : memref<327680xi32, #tpu.memory_space<hbm>> -> memref<80xi32, #tpu.memory_space<hbm>>
      tpu.wait_dma2 semaphore(%arg31 : memref<!tpu.dma_semaphore, #tpu.memory_space<semaphore_mem>>) src(%dma_wait3A_116 : memref<80xi32, #tpu.memory_space<hbm>>) dst(%arg10 : memref<80xi32, #tpu.memory_space<vmem>>)
      %dma_start3A_117 = arith.constant 0 : i32
      %dma_start3A_118 = arith.constant 0 : i32
      %dma_start3A_119 = tpu.memref_slice %arg2[%dma_start3A_117, %dma_start3A_118] : memref<10112x128xf32, #tpu.memory_space<hbm>> -> memref<10112x128xf32, #tpu.memory_space<hbm>>
      tpu.enqueue_indirect_dma source(%dma_start3A_119 : memref<10112x128xf32, #tpu.memory_space<hbm>>) target(%arg18 : memref<80x128xf32, #tpu.memory_space<vmem>>) offsets(%arg10 : memref<80xi32, #tpu.memory_space<vmem>>) semaphore(%arg23 : memref<!tpu.dma_semaphore, #tpu.memory_space<semaphore_mem>>)
      %mul3A_120 = arith.constant 4 : i32
      %mul3A_121 = arith.muli %mul3A_120, %scan3A_48 : i32
      %add3A_122 = arith.constant 2 : i32
      %add3A_123 = arith.addi %mul3A_121, %add3A_122 : i32
      %eq3A = arith.constant 31 : i32
      %eq3A_124 = arith.cmpi eq, %scan3A_48, %eq3A : i32
      %add3A_125 = arith.constant 2 : i32
      %add3A_126 = arith.addi %add3A_123, %add3A_125 : i32
      %jit3A = arith.constant 0 : i32
      %select_n3A = arith.select %eq3A_124, %jit3A, %add3A_126 : i32
      %mul3A_127 = arith.constant 80 : i32
      %mul3A_128 = arith.muli %select_n3A, %mul3A_127 : i32
      %add3A_129 = arith.addi %mul3A_2, %mul3A_128 : i32
      %dma_start3A_130 = tpu.memref_slice %arg3[%add3A_129] : memref<327680xi32, #tpu.memory_space<hbm>> -> memref<80xi32, #tpu.memory_space<hbm>>
      %dma_start3A_131 = tpu.memref_slice %arg3[%add3A_129] : memref<327680xi32, #tpu.memory_space<hbm>> -> memref<80xi32, #tpu.memory_space<hbm>>
      tpu.enqueue_dma source(%dma_start3A_131 : memref<80xi32, #tpu.memory_space<hbm>>) target(%arg7 : memref<80xi32, #tpu.memory_space<vmem>>) target_semaphore(%arg28 : memref<!tpu.dma_semaphore, #tpu.memory_space<semaphore_mem>>)
      %dma_wait3A_132 = arith.constant 0 : i32
      %dma_wait3A_133 = arith.constant 0 : i32
      %dma_wait3A_134 = tpu.memref_slice %arg2[%dma_wait3A_132, %dma_wait3A_133] : memref<10112x128xf32, #tpu.memory_space<hbm>> -> memref<10112x128xf32, #tpu.memory_space<hbm>>
      tpu.wait_indirect_dma semaphore(%arg22 : memref<!tpu.dma_semaphore, #tpu.memory_space<semaphore_mem>>) src(%dma_wait3A_134 : memref<10112x128xf32, #tpu.memory_space<hbm>>) dst(%arg17 : memref<80x128xf32, #tpu.memory_space<vmem>>)
      %dma_wait3A_135 = tpu.memref_slice %arg4[%mul3A_2] : memref<327680xi32, #tpu.memory_space<hbm>> -> memref<80xi32, #tpu.memory_space<hbm>>
      %dma_wait3A_136 = tpu.memref_slice %arg4[%mul3A_2] : memref<327680xi32, #tpu.memory_space<hbm>> -> memref<80xi32, #tpu.memory_space<hbm>>
      tpu.wait_dma2 semaphore(%arg34 : memref<!tpu.dma_semaphore, #tpu.memory_space<semaphore_mem>>) src(%dma_wait3A_136 : memref<80xi32, #tpu.memory_space<hbm>>) dst(%arg13 : memref<80xi32, #tpu.memory_space<vmem>>)
      %dma_start3A_137 = arith.constant 0 : i32
      %dma_start3A_138 = arith.constant 0 : i32
      %dma_start3A_139 = tpu.memref_slice %arg19[%dma_start3A_137, %dma_start3A_138] : memref<10112x128xf32, #tpu.memory_space<vmem_shared>> -> memref<10112x128xf32, #tpu.memory_space<vmem_shared>>
      tpu.enqueue_indirect_dma source(%arg17 : memref<80x128xf32, #tpu.memory_space<vmem>>) target(%dma_start3A_139 : memref<10112x128xf32, #tpu.memory_space<vmem_shared>>) offsets(%arg13 : memref<80xi32, #tpu.memory_space<vmem>>) semaphore(%arg26 : memref<!tpu.dma_semaphore, #tpu.memory_space<semaphore_mem>>) {add = true}
      %dma_wait3A_140 = arith.constant 0 : i32
      %dma_wait3A_141 = arith.constant 0 : i32
      %dma_wait3A_142 = tpu.memref_slice %arg19[%dma_wait3A_140, %dma_wait3A_141] : memref<10112x128xf32, #tpu.memory_space<vmem_shared>> -> memref<10112x128xf32, #tpu.memory_space<vmem_shared>>
      tpu.wait_indirect_dma semaphore(%arg24 : memref<!tpu.dma_semaphore, #tpu.memory_space<semaphore_mem>>) src(%arg15 : memref<80x128xf32, #tpu.memory_space<vmem>>) dst(%dma_wait3A_142 : memref<10112x128xf32, #tpu.memory_space<vmem_shared>>)
      %mul3A_143 = arith.constant 80 : i32
      %mul3A_144 = arith.muli %select_n3A, %mul3A_143 : i32
      %add3A_145 = arith.addi %mul3A_2, %mul3A_144 : i32
      %dma_start3A_146 = tpu.memref_slice %arg4[%add3A_145] : memref<327680xi32, #tpu.memory_space<hbm>> -> memref<80xi32, #tpu.memory_space<hbm>>
      %dma_start3A_147 = tpu.memref_slice %arg4[%add3A_145] : memref<327680xi32, #tpu.memory_space<hbm>> -> memref<80xi32, #tpu.memory_space<hbm>>
      tpu.enqueue_dma source(%dma_start3A_147 : memref<80xi32, #tpu.memory_space<hbm>>) target(%arg11 : memref<80xi32, #tpu.memory_space<vmem>>) target_semaphore(%arg32 : memref<!tpu.dma_semaphore, #tpu.memory_space<semaphore_mem>>)
      %dma_wait3A_148 = tpu.memref_slice %arg3[%mul3A_2] : memref<327680xi32, #tpu.memory_space<hbm>> -> memref<80xi32, #tpu.memory_space<hbm>>
      %dma_wait3A_149 = tpu.memref_slice %arg3[%mul3A_2] : memref<327680xi32, #tpu.memory_space<hbm>> -> memref<80xi32, #tpu.memory_space<hbm>>
      tpu.wait_dma2 semaphore(%arg28 : memref<!tpu.dma_semaphore, #tpu.memory_space<semaphore_mem>>) src(%dma_wait3A_149 : memref<80xi32, #tpu.memory_space<hbm>>) dst(%arg7 : memref<80xi32, #tpu.memory_space<vmem>>)
      %dma_start3A_150 = arith.constant 0 : i32
      %dma_start3A_151 = arith.constant 0 : i32
      %dma_start3A_152 = tpu.memref_slice %arg2[%dma_start3A_150, %dma_start3A_151] : memref<10112x128xf32, #tpu.memory_space<hbm>> -> memref<10112x128xf32, #tpu.memory_space<hbm>>
      tpu.enqueue_indirect_dma source(%dma_start3A_152 : memref<10112x128xf32, #tpu.memory_space<hbm>>) target(%arg15 : memref<80x128xf32, #tpu.memory_space<vmem>>) offsets(%arg7 : memref<80xi32, #tpu.memory_space<vmem>>) semaphore(%arg20 : memref<!tpu.dma_semaphore, #tpu.memory_space<semaphore_mem>>)
      %mul3A_153 = arith.constant 4 : i32
      %mul3A_154 = arith.muli %mul3A_153, %scan3A_48 : i32
      %add3A_155 = arith.constant 3 : i32
      %add3A_156 = arith.addi %mul3A_154, %add3A_155 : i32
      %eq3A_157 = arith.constant 31 : i32
      %eq3A_158 = arith.cmpi eq, %scan3A_48, %eq3A_157 : i32
      %add3A_159 = arith.constant 2 : i32
      %add3A_160 = arith.addi %add3A_156, %add3A_159 : i32
      %jit3A_161 = arith.constant 1 : i32
      %select_n3A_162 = arith.select %eq3A_158, %jit3A_161, %add3A_160 : i32
      %mul3A_163 = arith.constant 80 : i32
      %mul3A_164 = arith.muli %select_n3A_162, %mul3A_163 : i32
      %add3A_165 = arith.addi %mul3A_2, %mul3A_164 : i32
      %dma_start3A_166 = tpu.memref_slice %arg3[%add3A_165] : memref<327680xi32, #tpu.memory_space<hbm>> -> memref<80xi32, #tpu.memory_space<hbm>>
      %dma_start3A_167 = tpu.memref_slice %arg3[%add3A_165] : memref<327680xi32, #tpu.memory_space<hbm>> -> memref<80xi32, #tpu.memory_space<hbm>>
      tpu.enqueue_dma source(%dma_start3A_167 : memref<80xi32, #tpu.memory_space<hbm>>) target(%arg8 : memref<80xi32, #tpu.memory_space<vmem>>) target_semaphore(%arg29 : memref<!tpu.dma_semaphore, #tpu.memory_space<semaphore_mem>>)
      %dma_wait3A_168 = arith.constant 0 : i32
      %dma_wait3A_169 = arith.constant 0 : i32
      %dma_wait3A_170 = tpu.memref_slice %arg2[%dma_wait3A_168, %dma_wait3A_169] : memref<10112x128xf32, #tpu.memory_space<hbm>> -> memref<10112x128xf32, #tpu.memory_space<hbm>>
      tpu.wait_indirect_dma semaphore(%arg23 : memref<!tpu.dma_semaphore, #tpu.memory_space<semaphore_mem>>) src(%dma_wait3A_170 : memref<10112x128xf32, #tpu.memory_space<hbm>>) dst(%arg18 : memref<80x128xf32, #tpu.memory_space<vmem>>)
      %dma_wait3A_171 = tpu.memref_slice %arg4[%mul3A_2] : memref<327680xi32, #tpu.memory_space<hbm>> -> memref<80xi32, #tpu.memory_space<hbm>>
      %dma_wait3A_172 = tpu.memref_slice %arg4[%mul3A_2] : memref<327680xi32, #tpu.memory_space<hbm>> -> memref<80xi32, #tpu.memory_space<hbm>>
      tpu.wait_dma2 semaphore(%arg35 : memref<!tpu.dma_semaphore, #tpu.memory_space<semaphore_mem>>) src(%dma_wait3A_172 : memref<80xi32, #tpu.memory_space<hbm>>) dst(%arg14 : memref<80xi32, #tpu.memory_space<vmem>>)
      %dma_start3A_173 = arith.constant 0 : i32
      %dma_start3A_174 = arith.constant 0 : i32
      %dma_start3A_175 = tpu.memref_slice %arg19[%dma_start3A_173, %dma_start3A_174] : memref<10112x128xf32, #tpu.memory_space<vmem_shared>> -> memref<10112x128xf32, #tpu.memory_space<vmem_shared>>
      tpu.enqueue_indirect_dma source(%arg18 : memref<80x128xf32, #tpu.memory_space<vmem>>) target(%dma_start3A_175 : memref<10112x128xf32, #tpu.memory_space<vmem_shared>>) offsets(%arg14 : memref<80xi32, #tpu.memory_space<vmem>>) semaphore(%arg27 : memref<!tpu.dma_semaphore, #tpu.memory_space<semaphore_mem>>) {add = true}
      %dma_wait3A_176 = arith.constant 0 : i32
      %dma_wait3A_177 = arith.constant 0 : i32
      %dma_wait3A_178 = tpu.memref_slice %arg19[%dma_wait3A_176, %dma_wait3A_177] : memref<10112x128xf32, #tpu.memory_space<vmem_shared>> -> memref<10112x128xf32, #tpu.memory_space<vmem_shared>>
      tpu.wait_indirect_dma semaphore(%arg25 : memref<!tpu.dma_semaphore, #tpu.memory_space<semaphore_mem>>) src(%arg16 : memref<80x128xf32, #tpu.memory_space<vmem>>) dst(%dma_wait3A_178 : memref<10112x128xf32, #tpu.memory_space<vmem_shared>>)
      %mul3A_179 = arith.constant 80 : i32
      %mul3A_180 = arith.muli %select_n3A_162, %mul3A_179 : i32
      %add3A_181 = arith.addi %mul3A_2, %mul3A_180 : i32
      %dma_start3A_182 = tpu.memref_slice %arg4[%add3A_181] : memref<327680xi32, #tpu.memory_space<hbm>> -> memref<80xi32, #tpu.memory_space<hbm>>
      %dma_start3A_183 = tpu.memref_slice %arg4[%add3A_181] : memref<327680xi32, #tpu.memory_space<hbm>> -> memref<80xi32, #tpu.memory_space<hbm>>
      tpu.enqueue_dma source(%dma_start3A_183 : memref<80xi32, #tpu.memory_space<hbm>>) target(%arg12 : memref<80xi32, #tpu.memory_space<vmem>>) target_semaphore(%arg33 : memref<!tpu.dma_semaphore, #tpu.memory_space<semaphore_mem>>)
      %dma_wait3A_184 = tpu.memref_slice %arg3[%mul3A_2] : memref<327680xi32, #tpu.memory_space<hbm>> -> memref<80xi32, #tpu.memory_space<hbm>>
      %dma_wait3A_185 = tpu.memref_slice %arg3[%mul3A_2] : memref<327680xi32, #tpu.memory_space<hbm>> -> memref<80xi32, #tpu.memory_space<hbm>>
      tpu.wait_dma2 semaphore(%arg29 : memref<!tpu.dma_semaphore, #tpu.memory_space<semaphore_mem>>) src(%dma_wait3A_185 : memref<80xi32, #tpu.memory_space<hbm>>) dst(%arg8 : memref<80xi32, #tpu.memory_space<vmem>>)
      %dma_start3A_186 = arith.constant 0 : i32
      %dma_start3A_187 = arith.constant 0 : i32
      %dma_start3A_188 = tpu.memref_slice %arg2[%dma_start3A_186, %dma_start3A_187] : memref<10112x128xf32, #tpu.memory_space<hbm>> -> memref<10112x128xf32, #tpu.memory_space<hbm>>
      tpu.enqueue_indirect_dma source(%dma_start3A_188 : memref<10112x128xf32, #tpu.memory_space<hbm>>) target(%arg16 : memref<80x128xf32, #tpu.memory_space<vmem>>) offsets(%arg8 : memref<80xi32, #tpu.memory_space<vmem>>) semaphore(%arg21 : memref<!tpu.dma_semaphore, #tpu.memory_space<semaphore_mem>>)
    }
    %scan3A_24 = arith.constant 32 : i32
    %dma_wait3A = arith.constant 0 : i32
    %dma_wait3A_25 = arith.constant 0 : i32
    %dma_wait3A_26 = tpu.memref_slice %arg2[%dma_wait3A, %dma_wait3A_25] : memref<10112x128xf32, #tpu.memory_space<hbm>> -> memref<10112x128xf32, #tpu.memory_space<hbm>>
    tpu.wait_indirect_dma semaphore(%arg20 : memref<!tpu.dma_semaphore, #tpu.memory_space<semaphore_mem>>) src(%dma_wait3A_26 : memref<10112x128xf32, #tpu.memory_space<hbm>>) dst(%arg15 : memref<80x128xf32, #tpu.memory_space<vmem>>)
    %dma_wait3A_27 = tpu.memref_slice %arg4[%mul3A_2] : memref<327680xi32, #tpu.memory_space<hbm>> -> memref<80xi32, #tpu.memory_space<hbm>>
    %dma_wait3A_28 = tpu.memref_slice %arg4[%mul3A_2] : memref<327680xi32, #tpu.memory_space<hbm>> -> memref<80xi32, #tpu.memory_space<hbm>>
    tpu.wait_dma2 semaphore(%arg32 : memref<!tpu.dma_semaphore, #tpu.memory_space<semaphore_mem>>) src(%dma_wait3A_28 : memref<80xi32, #tpu.memory_space<hbm>>) dst(%arg11 : memref<80xi32, #tpu.memory_space<vmem>>)
    %dma_wait3A_29 = arith.constant 0 : i32
    %dma_wait3A_30 = arith.constant 0 : i32
    %dma_wait3A_31 = tpu.memref_slice %arg2[%dma_wait3A_29, %dma_wait3A_30] : memref<10112x128xf32, #tpu.memory_space<hbm>> -> memref<10112x128xf32, #tpu.memory_space<hbm>>
    tpu.wait_indirect_dma semaphore(%arg21 : memref<!tpu.dma_semaphore, #tpu.memory_space<semaphore_mem>>) src(%dma_wait3A_31 : memref<10112x128xf32, #tpu.memory_space<hbm>>) dst(%arg16 : memref<80x128xf32, #tpu.memory_space<vmem>>)
    %dma_wait3A_32 = tpu.memref_slice %arg4[%mul3A_2] : memref<327680xi32, #tpu.memory_space<hbm>> -> memref<80xi32, #tpu.memory_space<hbm>>
    %dma_wait3A_33 = tpu.memref_slice %arg4[%mul3A_2] : memref<327680xi32, #tpu.memory_space<hbm>> -> memref<80xi32, #tpu.memory_space<hbm>>
    tpu.wait_dma2 semaphore(%arg33 : memref<!tpu.dma_semaphore, #tpu.memory_space<semaphore_mem>>) src(%dma_wait3A_33 : memref<80xi32, #tpu.memory_space<hbm>>) dst(%arg12 : memref<80xi32, #tpu.memory_space<vmem>>)
    %dma_wait3A_34 = arith.constant 0 : i32
    %dma_wait3A_35 = arith.constant 0 : i32
    %dma_wait3A_36 = tpu.memref_slice %arg19[%dma_wait3A_34, %dma_wait3A_35] : memref<10112x128xf32, #tpu.memory_space<vmem_shared>> -> memref<10112x128xf32, #tpu.memory_space<vmem_shared>>
    tpu.wait_indirect_dma semaphore(%arg26 : memref<!tpu.dma_semaphore, #tpu.memory_space<semaphore_mem>>) src(%arg17 : memref<80x128xf32, #tpu.memory_space<vmem>>) dst(%dma_wait3A_36 : memref<10112x128xf32, #tpu.memory_space<vmem_shared>>)
    %dma_wait3A_37 = arith.constant 0 : i32
    %dma_wait3A_38 = arith.constant 0 : i32
    %dma_wait3A_39 = tpu.memref_slice %arg19[%dma_wait3A_37, %dma_wait3A_38] : memref<10112x128xf32, #tpu.memory_space<vmem_shared>> -> memref<10112x128xf32, #tpu.memory_space<vmem_shared>>
    tpu.wait_indirect_dma semaphore(%arg27 : memref<!tpu.dma_semaphore, #tpu.memory_space<semaphore_mem>>) src(%arg18 : memref<80x128xf32, #tpu.memory_space<vmem>>) dst(%dma_wait3A_39 : memref<10112x128xf32, #tpu.memory_space<vmem_shared>>)
    %barrier3A_40 = arith.constant 0 : index
    tpu.barrier barrier_id(%barrier3A_40)
    %mul3A_41 = arith.constant 632 : i32
    %mul3A_42 = arith.muli %arg1, %mul3A_41 : i32
    %mul3A_43 = arith.constant 10112 : i32
    %mul3A_44 = arith.muli %arg0, %mul3A_43 : i32
    %mul3A_45 = arith.constant 632 : i32
    %mul3A_46 = arith.muli %arg1, %mul3A_45 : i32
    %add3A_47 = arith.addi %mul3A_44, %mul3A_46 : i32
    "tpu.region"() ({
      %run_scoped3A = tpu.sem_alloc : memref<!tpu.dma_semaphore, #tpu.memory_space<semaphore_mem>>
      %dma_start3A_48 = arith.constant 0 : i32
      %dma_start3A_49 = tpu.memref_slice %arg6[%add3A_47, %dma_start3A_48] : memref<20224x128xf32, #tpu.memory_space<hbm>> -> memref<632x128xf32, #tpu.memory_space<hbm>>
      %dma_start3A_50 = arith.constant 0 : i32
      %dma_start3A_51 = tpu.memref_slice %arg19[%mul3A_42, %dma_start3A_50] : memref<10112x128xf32, #tpu.memory_space<vmem_shared>> -> memref<632x128xf32, #tpu.memory_space<vmem_shared>>
      tpu.enqueue_dma source(%dma_start3A_51 : memref<632x128xf32, #tpu.memory_space<vmem_shared>>) target(%dma_start3A_49 : memref<632x128xf32, #tpu.memory_space<hbm>>) target_semaphore(%run_scoped3A : memref<!tpu.dma_semaphore, #tpu.memory_space<semaphore_mem>>)
      %dma_wait3A_52 = arith.constant 0 : i32
      %dma_wait3A_53 = tpu.memref_slice %arg6[%add3A_47, %dma_wait3A_52] : memref<20224x128xf32, #tpu.memory_space<hbm>> -> memref<632x128xf32, #tpu.memory_space<hbm>>
      %dma_wait3A_54 = arith.constant 0 : i32
      %dma_wait3A_55 = tpu.memref_slice %arg19[%mul3A_42, %dma_wait3A_54] : memref<10112x128xf32, #tpu.memory_space<vmem_shared>> -> memref<632x128xf32, #tpu.memory_space<vmem_shared>>
      tpu.wait_dma2 semaphore(%run_scoped3A : memref<!tpu.dma_semaphore, #tpu.memory_space<semaphore_mem>>) src(%dma_wait3A_55 : memref<632x128xf32, #tpu.memory_space<vmem_shared>>) dst(%dma_wait3A_53 : memref<632x128xf32, #tpu.memory_space<hbm>>)
      tpu.yield
    }) : () -> ()
    return
  }
}

#map = affine_map<(d0, d1) -> (0, 0, 0)>
#map1 = affine_map<(d0, d1) -> (0, 0)>
module attributes {stable_mosaic.version = 14 : i64} {
  func.func @_deg_body(%arg0: i32, %arg1: i32, %arg2: memref<32x128x80xi32, #tpu.memory_space<hbm>>, %arg3: memref<80x128xf32, #tpu.memory_space<hbm>>, %arg4: memref<10112x128xf32, #tpu.memory_space<hbm>>, %arg5: memref<20224x128xf32, #tpu.memory_space<hbm>>, %arg6: memref<128x80xi32, #tpu.memory_space<vmem>>, %arg7: memref<80x128xf32, #tpu.memory_space<vmem>>, %arg8: memref<10112x128xf32, #tpu.memory_space<vmem_shared>>, %arg9: memref<!tpu.dma_semaphore, #tpu.memory_space<semaphore_mem>>) attributes {dimension_semantics = [#tpu.dimension_semantics<core_parallel>, #tpu.dimension_semantics<subcore_parallel>], iteration_bounds = array<i64: 2, 16>, scalar_prefetch = 0 : i64, scratch_operands = 4 : i64, tpu.core_type = #tpu.core_type<sc_vector_subcore>, window_params = [{transform_indices = #map}, {transform_indices = #map1}, {transform_indices = #map1}, {transform_indices = #map1}]} {
    %mul3A = arith.constant 2 : i32
    %mul3A_0 = arith.muli %arg1, %mul3A : i32
    %add3A = arith.addi %mul3A_0, %arg0 : i32
    %mul3A_1 = arith.constant 632 : i32
    %mul3A_2 = arith.muli %arg1, %mul3A_1 : i32
    %mul3A_3 = arith.constant 632 : i32
    %mul3A_4 = arith.muli %arg1, %mul3A_3 : i32
    "tpu.region"() ({
      %run_scoped3A = tpu.sem_alloc : memref<!tpu.dma_semaphore, #tpu.memory_space<semaphore_mem>>
      %dma_start3A = arith.constant 0 : i32
      %dma_start3A_18 = tpu.memref_slice %arg8[%mul3A_4, %dma_start3A] : memref<10112x128xf32, #tpu.memory_space<vmem_shared>> -> memref<632x128xf32, #tpu.memory_space<vmem_shared>>
      %dma_start3A_19 = arith.constant 0 : i32
      %dma_start3A_20 = tpu.memref_slice %arg4[%mul3A_2, %dma_start3A_19] : memref<10112x128xf32, #tpu.memory_space<hbm>> -> memref<632x128xf32, #tpu.memory_space<hbm>>
      tpu.enqueue_dma source(%dma_start3A_20 : memref<632x128xf32, #tpu.memory_space<hbm>>) target(%dma_start3A_18 : memref<632x128xf32, #tpu.memory_space<vmem_shared>>) target_semaphore(%run_scoped3A : memref<!tpu.dma_semaphore, #tpu.memory_space<semaphore_mem>>)
      %dma_wait3A = arith.constant 0 : i32
      %dma_wait3A_21 = tpu.memref_slice %arg8[%mul3A_4, %dma_wait3A] : memref<10112x128xf32, #tpu.memory_space<vmem_shared>> -> memref<632x128xf32, #tpu.memory_space<vmem_shared>>
      %dma_wait3A_22 = arith.constant 0 : i32
      %dma_wait3A_23 = tpu.memref_slice %arg4[%mul3A_2, %dma_wait3A_22] : memref<10112x128xf32, #tpu.memory_space<hbm>> -> memref<632x128xf32, #tpu.memory_space<hbm>>
      tpu.wait_dma2 semaphore(%run_scoped3A : memref<!tpu.dma_semaphore, #tpu.memory_space<semaphore_mem>>) src(%dma_wait3A_23 : memref<632x128xf32, #tpu.memory_space<hbm>>) dst(%dma_wait3A_21 : memref<632x128xf32, #tpu.memory_space<vmem_shared>>)
      tpu.yield
    }) : () -> ()
    "tpu.region"() ({
      %run_scoped3A = tpu.sem_alloc : memref<!tpu.dma_semaphore, #tpu.memory_space<semaphore_mem>>
      tpu.enqueue_dma source(%arg3 : memref<80x128xf32, #tpu.memory_space<hbm>>) target(%arg7 : memref<80x128xf32, #tpu.memory_space<vmem>>) target_semaphore(%run_scoped3A : memref<!tpu.dma_semaphore, #tpu.memory_space<semaphore_mem>>)
      tpu.wait_dma2 semaphore(%run_scoped3A : memref<!tpu.dma_semaphore, #tpu.memory_space<semaphore_mem>>) src(%arg3 : memref<80x128xf32, #tpu.memory_space<hbm>>) dst(%arg7 : memref<80x128xf32, #tpu.memory_space<vmem>>)
      tpu.yield
    }) : () -> ()
    "tpu.region"() ({
      %run_scoped3A = tpu.sem_alloc : memref<!tpu.dma_semaphore, #tpu.memory_space<semaphore_mem>>
      %dma_start3A = arith.constant 0 : i32
      %dma_start3A_18 = arith.constant 0 : i32
      %dma_start3A_19 = tpu.memref_slice %arg2[%add3A, %dma_start3A, %dma_start3A_18] : memref<32x128x80xi32, #tpu.memory_space<hbm>> -> memref<1x128x80xi32, #tpu.memory_space<hbm>>
      %dma_start3A_20 = tpu.memref_squeeze %dma_start3A_19 : memref<1x128x80xi32, #tpu.memory_space<hbm>> -> memref<128x80xi32, #tpu.memory_space<hbm>>
      %dma_start3A_21 = arith.constant 0 : i32
      %dma_start3A_22 = arith.constant 0 : i32
      %dma_start3A_23 = tpu.memref_slice %arg2[%add3A, %dma_start3A_21, %dma_start3A_22] : memref<32x128x80xi32, #tpu.memory_space<hbm>> -> memref<1x128x80xi32, #tpu.memory_space<hbm>>
      %dma_start3A_24 = tpu.memref_squeeze %dma_start3A_23 : memref<1x128x80xi32, #tpu.memory_space<hbm>> -> memref<128x80xi32, #tpu.memory_space<hbm>>
      tpu.enqueue_dma source(%dma_start3A_24 : memref<128x80xi32, #tpu.memory_space<hbm>>) target(%arg6 : memref<128x80xi32, #tpu.memory_space<vmem>>) target_semaphore(%run_scoped3A : memref<!tpu.dma_semaphore, #tpu.memory_space<semaphore_mem>>)
      %dma_wait3A = arith.constant 0 : i32
      %dma_wait3A_25 = arith.constant 0 : i32
      %dma_wait3A_26 = tpu.memref_slice %arg2[%add3A, %dma_wait3A, %dma_wait3A_25] : memref<32x128x80xi32, #tpu.memory_space<hbm>> -> memref<1x128x80xi32, #tpu.memory_space<hbm>>
      %dma_wait3A_27 = tpu.memref_squeeze %dma_wait3A_26 : memref<1x128x80xi32, #tpu.memory_space<hbm>> -> memref<128x80xi32, #tpu.memory_space<hbm>>
      %dma_wait3A_28 = arith.constant 0 : i32
      %dma_wait3A_29 = arith.constant 0 : i32
      %dma_wait3A_30 = tpu.memref_slice %arg2[%add3A, %dma_wait3A_28, %dma_wait3A_29] : memref<32x128x80xi32, #tpu.memory_space<hbm>> -> memref<1x128x80xi32, #tpu.memory_space<hbm>>
      %dma_wait3A_31 = tpu.memref_squeeze %dma_wait3A_30 : memref<1x128x80xi32, #tpu.memory_space<hbm>> -> memref<128x80xi32, #tpu.memory_space<hbm>>
      tpu.wait_dma2 semaphore(%run_scoped3A : memref<!tpu.dma_semaphore, #tpu.memory_space<semaphore_mem>>) src(%dma_wait3A_31 : memref<128x80xi32, #tpu.memory_space<hbm>>) dst(%arg6 : memref<128x80xi32, #tpu.memory_space<vmem>>)
      tpu.yield
    }) : () -> ()
    %barrier3A = arith.constant 0 : index
    tpu.barrier barrier_id(%barrier3A)
    %scan3A = arith.constant 0 : i32
    %scan3A_5 = arith.constant 0 : i32
    %scan3A_6 = arith.constant 16 : i32
    %scan3A_7 = arith.addi %scan3A_5, %scan3A_6 : i32
    %scan3A_8 = arith.constant 1 : i32
    scf.for %scan3A_18 = %scan3A_5 to %scan3A_7 step %scan3A_8  : i32 {
      %mul3A_19 = arith.constant 8 : i32
      %mul3A_20 = arith.muli %scan3A_18, %mul3A_19 : i32
      %add3A_21 = arith.constant 0 : i32
      %add3A_22 = arith.addi %mul3A_20, %add3A_21 : i32
      %dma_start3A = arith.constant 0 : i32
      %dma_start3A_23 = tpu.memref_slice %arg6[%add3A_22, %dma_start3A] : memref<128x80xi32, #tpu.memory_space<vmem>> -> memref<1x80xi32, #tpu.memory_space<vmem>>
      %dma_start3A_24 = tpu.memref_squeeze %dma_start3A_23 : memref<1x80xi32, #tpu.memory_space<vmem>> -> memref<80xi32, #tpu.memory_space<vmem>>
      %dma_start3A_25 = arith.constant 0 : i32
      %dma_start3A_26 = arith.constant 0 : i32
      %dma_start3A_27 = tpu.memref_slice %arg8[%dma_start3A_25, %dma_start3A_26] : memref<10112x128xf32, #tpu.memory_space<vmem_shared>> -> memref<10112x128xf32, #tpu.memory_space<vmem_shared>>
      tpu.enqueue_indirect_dma source(%arg7 : memref<80x128xf32, #tpu.memory_space<vmem>>) target(%dma_start3A_27 : memref<10112x128xf32, #tpu.memory_space<vmem_shared>>) offsets(%dma_start3A_24 : memref<80xi32, #tpu.memory_space<vmem>>) semaphore(%arg9 : memref<!tpu.dma_semaphore, #tpu.memory_space<semaphore_mem>>) {add = true}
      %mul3A_28 = arith.constant 8 : i32
      %mul3A_29 = arith.muli %scan3A_18, %mul3A_28 : i32
      %add3A_30 = arith.constant 1 : i32
      %add3A_31 = arith.addi %mul3A_29, %add3A_30 : i32
      %dma_start3A_32 = arith.constant 0 : i32
      %dma_start3A_33 = tpu.memref_slice %arg6[%add3A_31, %dma_start3A_32] : memref<128x80xi32, #tpu.memory_space<vmem>> -> memref<1x80xi32, #tpu.memory_space<vmem>>
      %dma_start3A_34 = tpu.memref_squeeze %dma_start3A_33 : memref<1x80xi32, #tpu.memory_space<vmem>> -> memref<80xi32, #tpu.memory_space<vmem>>
      %dma_start3A_35 = arith.constant 0 : i32
      %dma_start3A_36 = arith.constant 0 : i32
      %dma_start3A_37 = tpu.memref_slice %arg8[%dma_start3A_35, %dma_start3A_36] : memref<10112x128xf32, #tpu.memory_space<vmem_shared>> -> memref<10112x128xf32, #tpu.memory_space<vmem_shared>>
      tpu.enqueue_indirect_dma source(%arg7 : memref<80x128xf32, #tpu.memory_space<vmem>>) target(%dma_start3A_37 : memref<10112x128xf32, #tpu.memory_space<vmem_shared>>) offsets(%dma_start3A_34 : memref<80xi32, #tpu.memory_space<vmem>>) semaphore(%arg9 : memref<!tpu.dma_semaphore, #tpu.memory_space<semaphore_mem>>) {add = true}
      %mul3A_38 = arith.constant 8 : i32
      %mul3A_39 = arith.muli %scan3A_18, %mul3A_38 : i32
      %add3A_40 = arith.constant 2 : i32
      %add3A_41 = arith.addi %mul3A_39, %add3A_40 : i32
      %dma_start3A_42 = arith.constant 0 : i32
      %dma_start3A_43 = tpu.memref_slice %arg6[%add3A_41, %dma_start3A_42] : memref<128x80xi32, #tpu.memory_space<vmem>> -> memref<1x80xi32, #tpu.memory_space<vmem>>
      %dma_start3A_44 = tpu.memref_squeeze %dma_start3A_43 : memref<1x80xi32, #tpu.memory_space<vmem>> -> memref<80xi32, #tpu.memory_space<vmem>>
      %dma_start3A_45 = arith.constant 0 : i32
      %dma_start3A_46 = arith.constant 0 : i32
      %dma_start3A_47 = tpu.memref_slice %arg8[%dma_start3A_45, %dma_start3A_46] : memref<10112x128xf32, #tpu.memory_space<vmem_shared>> -> memref<10112x128xf32, #tpu.memory_space<vmem_shared>>
      tpu.enqueue_indirect_dma source(%arg7 : memref<80x128xf32, #tpu.memory_space<vmem>>) target(%dma_start3A_47 : memref<10112x128xf32, #tpu.memory_space<vmem_shared>>) offsets(%dma_start3A_44 : memref<80xi32, #tpu.memory_space<vmem>>) semaphore(%arg9 : memref<!tpu.dma_semaphore, #tpu.memory_space<semaphore_mem>>) {add = true}
      %mul3A_48 = arith.constant 8 : i32
      %mul3A_49 = arith.muli %scan3A_18, %mul3A_48 : i32
      %add3A_50 = arith.constant 3 : i32
      %add3A_51 = arith.addi %mul3A_49, %add3A_50 : i32
      %dma_start3A_52 = arith.constant 0 : i32
      %dma_start3A_53 = tpu.memref_slice %arg6[%add3A_51, %dma_start3A_52] : memref<128x80xi32, #tpu.memory_space<vmem>> -> memref<1x80xi32, #tpu.memory_space<vmem>>
      %dma_start3A_54 = tpu.memref_squeeze %dma_start3A_53 : memref<1x80xi32, #tpu.memory_space<vmem>> -> memref<80xi32, #tpu.memory_space<vmem>>
      %dma_start3A_55 = arith.constant 0 : i32
      %dma_start3A_56 = arith.constant 0 : i32
      %dma_start3A_57 = tpu.memref_slice %arg8[%dma_start3A_55, %dma_start3A_56] : memref<10112x128xf32, #tpu.memory_space<vmem_shared>> -> memref<10112x128xf32, #tpu.memory_space<vmem_shared>>
      tpu.enqueue_indirect_dma source(%arg7 : memref<80x128xf32, #tpu.memory_space<vmem>>) target(%dma_start3A_57 : memref<10112x128xf32, #tpu.memory_space<vmem_shared>>) offsets(%dma_start3A_54 : memref<80xi32, #tpu.memory_space<vmem>>) semaphore(%arg9 : memref<!tpu.dma_semaphore, #tpu.memory_space<semaphore_mem>>) {add = true}
      %mul3A_58 = arith.constant 8 : i32
      %mul3A_59 = arith.muli %scan3A_18, %mul3A_58 : i32
      %add3A_60 = arith.constant 4 : i32
      %add3A_61 = arith.addi %mul3A_59, %add3A_60 : i32
      %dma_start3A_62 = arith.constant 0 : i32
      %dma_start3A_63 = tpu.memref_slice %arg6[%add3A_61, %dma_start3A_62] : memref<128x80xi32, #tpu.memory_space<vmem>> -> memref<1x80xi32, #tpu.memory_space<vmem>>
      %dma_start3A_64 = tpu.memref_squeeze %dma_start3A_63 : memref<1x80xi32, #tpu.memory_space<vmem>> -> memref<80xi32, #tpu.memory_space<vmem>>
      %dma_start3A_65 = arith.constant 0 : i32
      %dma_start3A_66 = arith.constant 0 : i32
      %dma_start3A_67 = tpu.memref_slice %arg8[%dma_start3A_65, %dma_start3A_66] : memref<10112x128xf32, #tpu.memory_space<vmem_shared>> -> memref<10112x128xf32, #tpu.memory_space<vmem_shared>>
      tpu.enqueue_indirect_dma source(%arg7 : memref<80x128xf32, #tpu.memory_space<vmem>>) target(%dma_start3A_67 : memref<10112x128xf32, #tpu.memory_space<vmem_shared>>) offsets(%dma_start3A_64 : memref<80xi32, #tpu.memory_space<vmem>>) semaphore(%arg9 : memref<!tpu.dma_semaphore, #tpu.memory_space<semaphore_mem>>) {add = true}
      %mul3A_68 = arith.constant 8 : i32
      %mul3A_69 = arith.muli %scan3A_18, %mul3A_68 : i32
      %add3A_70 = arith.constant 5 : i32
      %add3A_71 = arith.addi %mul3A_69, %add3A_70 : i32
      %dma_start3A_72 = arith.constant 0 : i32
      %dma_start3A_73 = tpu.memref_slice %arg6[%add3A_71, %dma_start3A_72] : memref<128x80xi32, #tpu.memory_space<vmem>> -> memref<1x80xi32, #tpu.memory_space<vmem>>
      %dma_start3A_74 = tpu.memref_squeeze %dma_start3A_73 : memref<1x80xi32, #tpu.memory_space<vmem>> -> memref<80xi32, #tpu.memory_space<vmem>>
      %dma_start3A_75 = arith.constant 0 : i32
      %dma_start3A_76 = arith.constant 0 : i32
      %dma_start3A_77 = tpu.memref_slice %arg8[%dma_start3A_75, %dma_start3A_76] : memref<10112x128xf32, #tpu.memory_space<vmem_shared>> -> memref<10112x128xf32, #tpu.memory_space<vmem_shared>>
      tpu.enqueue_indirect_dma source(%arg7 : memref<80x128xf32, #tpu.memory_space<vmem>>) target(%dma_start3A_77 : memref<10112x128xf32, #tpu.memory_space<vmem_shared>>) offsets(%dma_start3A_74 : memref<80xi32, #tpu.memory_space<vmem>>) semaphore(%arg9 : memref<!tpu.dma_semaphore, #tpu.memory_space<semaphore_mem>>) {add = true}
      %mul3A_78 = arith.constant 8 : i32
      %mul3A_79 = arith.muli %scan3A_18, %mul3A_78 : i32
      %add3A_80 = arith.constant 6 : i32
      %add3A_81 = arith.addi %mul3A_79, %add3A_80 : i32
      %dma_start3A_82 = arith.constant 0 : i32
      %dma_start3A_83 = tpu.memref_slice %arg6[%add3A_81, %dma_start3A_82] : memref<128x80xi32, #tpu.memory_space<vmem>> -> memref<1x80xi32, #tpu.memory_space<vmem>>
      %dma_start3A_84 = tpu.memref_squeeze %dma_start3A_83 : memref<1x80xi32, #tpu.memory_space<vmem>> -> memref<80xi32, #tpu.memory_space<vmem>>
      %dma_start3A_85 = arith.constant 0 : i32
      %dma_start3A_86 = arith.constant 0 : i32
      %dma_start3A_87 = tpu.memref_slice %arg8[%dma_start3A_85, %dma_start3A_86] : memref<10112x128xf32, #tpu.memory_space<vmem_shared>> -> memref<10112x128xf32, #tpu.memory_space<vmem_shared>>
      tpu.enqueue_indirect_dma source(%arg7 : memref<80x128xf32, #tpu.memory_space<vmem>>) target(%dma_start3A_87 : memref<10112x128xf32, #tpu.memory_space<vmem_shared>>) offsets(%dma_start3A_84 : memref<80xi32, #tpu.memory_space<vmem>>) semaphore(%arg9 : memref<!tpu.dma_semaphore, #tpu.memory_space<semaphore_mem>>) {add = true}
      %mul3A_88 = arith.constant 8 : i32
      %mul3A_89 = arith.muli %scan3A_18, %mul3A_88 : i32
      %add3A_90 = arith.constant 7 : i32
      %add3A_91 = arith.addi %mul3A_89, %add3A_90 : i32
      %dma_start3A_92 = arith.constant 0 : i32
      %dma_start3A_93 = tpu.memref_slice %arg6[%add3A_91, %dma_start3A_92] : memref<128x80xi32, #tpu.memory_space<vmem>> -> memref<1x80xi32, #tpu.memory_space<vmem>>
      %dma_start3A_94 = tpu.memref_squeeze %dma_start3A_93 : memref<1x80xi32, #tpu.memory_space<vmem>> -> memref<80xi32, #tpu.memory_space<vmem>>
      %dma_start3A_95 = arith.constant 0 : i32
      %dma_start3A_96 = arith.constant 0 : i32
      %dma_start3A_97 = tpu.memref_slice %arg8[%dma_start3A_95, %dma_start3A_96] : memref<10112x128xf32, #tpu.memory_space<vmem_shared>> -> memref<10112x128xf32, #tpu.memory_space<vmem_shared>>
      tpu.enqueue_indirect_dma source(%arg7 : memref<80x128xf32, #tpu.memory_space<vmem>>) target(%dma_start3A_97 : memref<10112x128xf32, #tpu.memory_space<vmem_shared>>) offsets(%dma_start3A_94 : memref<80xi32, #tpu.memory_space<vmem>>) semaphore(%arg9 : memref<!tpu.dma_semaphore, #tpu.memory_space<semaphore_mem>>) {add = true}
      %mul3A_98 = arith.constant 8 : i32
      %mul3A_99 = arith.muli %scan3A_18, %mul3A_98 : i32
      %add3A_100 = arith.constant 0 : i32
      %add3A_101 = arith.addi %mul3A_99, %add3A_100 : i32
      %dma_wait3A = arith.constant 0 : i32
      %dma_wait3A_102 = tpu.memref_slice %arg6[%add3A_101, %dma_wait3A] : memref<128x80xi32, #tpu.memory_space<vmem>> -> memref<1x80xi32, #tpu.memory_space<vmem>>
      %dma_wait3A_103 = tpu.memref_squeeze %dma_wait3A_102 : memref<1x80xi32, #tpu.memory_space<vmem>> -> memref<80xi32, #tpu.memory_space<vmem>>
      %dma_wait3A_104 = arith.constant 0 : i32
      %dma_wait3A_105 = arith.constant 0 : i32
      %dma_wait3A_106 = tpu.memref_slice %arg8[%dma_wait3A_104, %dma_wait3A_105] : memref<10112x128xf32, #tpu.memory_space<vmem_shared>> -> memref<10112x128xf32, #tpu.memory_space<vmem_shared>>
      tpu.wait_indirect_dma semaphore(%arg9 : memref<!tpu.dma_semaphore, #tpu.memory_space<semaphore_mem>>) src(%arg7 : memref<80x128xf32, #tpu.memory_space<vmem>>) dst(%dma_wait3A_106 : memref<10112x128xf32, #tpu.memory_space<vmem_shared>>)
      %mul3A_107 = arith.constant 8 : i32
      %mul3A_108 = arith.muli %scan3A_18, %mul3A_107 : i32
      %add3A_109 = arith.constant 1 : i32
      %add3A_110 = arith.addi %mul3A_108, %add3A_109 : i32
      %dma_wait3A_111 = arith.constant 0 : i32
      %dma_wait3A_112 = tpu.memref_slice %arg6[%add3A_110, %dma_wait3A_111] : memref<128x80xi32, #tpu.memory_space<vmem>> -> memref<1x80xi32, #tpu.memory_space<vmem>>
      %dma_wait3A_113 = tpu.memref_squeeze %dma_wait3A_112 : memref<1x80xi32, #tpu.memory_space<vmem>> -> memref<80xi32, #tpu.memory_space<vmem>>
      %dma_wait3A_114 = arith.constant 0 : i32
      %dma_wait3A_115 = arith.constant 0 : i32
      %dma_wait3A_116 = tpu.memref_slice %arg8[%dma_wait3A_114, %dma_wait3A_115] : memref<10112x128xf32, #tpu.memory_space<vmem_shared>> -> memref<10112x128xf32, #tpu.memory_space<vmem_shared>>
      tpu.wait_indirect_dma semaphore(%arg9 : memref<!tpu.dma_semaphore, #tpu.memory_space<semaphore_mem>>) src(%arg7 : memref<80x128xf32, #tpu.memory_space<vmem>>) dst(%dma_wait3A_116 : memref<10112x128xf32, #tpu.memory_space<vmem_shared>>)
      %mul3A_117 = arith.constant 8 : i32
      %mul3A_118 = arith.muli %scan3A_18, %mul3A_117 : i32
      %add3A_119 = arith.constant 2 : i32
      %add3A_120 = arith.addi %mul3A_118, %add3A_119 : i32
      %dma_wait3A_121 = arith.constant 0 : i32
      %dma_wait3A_122 = tpu.memref_slice %arg6[%add3A_120, %dma_wait3A_121] : memref<128x80xi32, #tpu.memory_space<vmem>> -> memref<1x80xi32, #tpu.memory_space<vmem>>
      %dma_wait3A_123 = tpu.memref_squeeze %dma_wait3A_122 : memref<1x80xi32, #tpu.memory_space<vmem>> -> memref<80xi32, #tpu.memory_space<vmem>>
      %dma_wait3A_124 = arith.constant 0 : i32
      %dma_wait3A_125 = arith.constant 0 : i32
      %dma_wait3A_126 = tpu.memref_slice %arg8[%dma_wait3A_124, %dma_wait3A_125] : memref<10112x128xf32, #tpu.memory_space<vmem_shared>> -> memref<10112x128xf32, #tpu.memory_space<vmem_shared>>
      tpu.wait_indirect_dma semaphore(%arg9 : memref<!tpu.dma_semaphore, #tpu.memory_space<semaphore_mem>>) src(%arg7 : memref<80x128xf32, #tpu.memory_space<vmem>>) dst(%dma_wait3A_126 : memref<10112x128xf32, #tpu.memory_space<vmem_shared>>)
      %mul3A_127 = arith.constant 8 : i32
      %mul3A_128 = arith.muli %scan3A_18, %mul3A_127 : i32
      %add3A_129 = arith.constant 3 : i32
      %add3A_130 = arith.addi %mul3A_128, %add3A_129 : i32
      %dma_wait3A_131 = arith.constant 0 : i32
      %dma_wait3A_132 = tpu.memref_slice %arg6[%add3A_130, %dma_wait3A_131] : memref<128x80xi32, #tpu.memory_space<vmem>> -> memref<1x80xi32, #tpu.memory_space<vmem>>
      %dma_wait3A_133 = tpu.memref_squeeze %dma_wait3A_132 : memref<1x80xi32, #tpu.memory_space<vmem>> -> memref<80xi32, #tpu.memory_space<vmem>>
      %dma_wait3A_134 = arith.constant 0 : i32
      %dma_wait3A_135 = arith.constant 0 : i32
      %dma_wait3A_136 = tpu.memref_slice %arg8[%dma_wait3A_134, %dma_wait3A_135] : memref<10112x128xf32, #tpu.memory_space<vmem_shared>> -> memref<10112x128xf32, #tpu.memory_space<vmem_shared>>
      tpu.wait_indirect_dma semaphore(%arg9 : memref<!tpu.dma_semaphore, #tpu.memory_space<semaphore_mem>>) src(%arg7 : memref<80x128xf32, #tpu.memory_space<vmem>>) dst(%dma_wait3A_136 : memref<10112x128xf32, #tpu.memory_space<vmem_shared>>)
      %mul3A_137 = arith.constant 8 : i32
      %mul3A_138 = arith.muli %scan3A_18, %mul3A_137 : i32
      %add3A_139 = arith.constant 4 : i32
      %add3A_140 = arith.addi %mul3A_138, %add3A_139 : i32
      %dma_wait3A_141 = arith.constant 0 : i32
      %dma_wait3A_142 = tpu.memref_slice %arg6[%add3A_140, %dma_wait3A_141] : memref<128x80xi32, #tpu.memory_space<vmem>> -> memref<1x80xi32, #tpu.memory_space<vmem>>
      %dma_wait3A_143 = tpu.memref_squeeze %dma_wait3A_142 : memref<1x80xi32, #tpu.memory_space<vmem>> -> memref<80xi32, #tpu.memory_space<vmem>>
      %dma_wait3A_144 = arith.constant 0 : i32
      %dma_wait3A_145 = arith.constant 0 : i32
      %dma_wait3A_146 = tpu.memref_slice %arg8[%dma_wait3A_144, %dma_wait3A_145] : memref<10112x128xf32, #tpu.memory_space<vmem_shared>> -> memref<10112x128xf32, #tpu.memory_space<vmem_shared>>
      tpu.wait_indirect_dma semaphore(%arg9 : memref<!tpu.dma_semaphore, #tpu.memory_space<semaphore_mem>>) src(%arg7 : memref<80x128xf32, #tpu.memory_space<vmem>>) dst(%dma_wait3A_146 : memref<10112x128xf32, #tpu.memory_space<vmem_shared>>)
      %mul3A_147 = arith.constant 8 : i32
      %mul3A_148 = arith.muli %scan3A_18, %mul3A_147 : i32
      %add3A_149 = arith.constant 5 : i32
      %add3A_150 = arith.addi %mul3A_148, %add3A_149 : i32
      %dma_wait3A_151 = arith.constant 0 : i32
      %dma_wait3A_152 = tpu.memref_slice %arg6[%add3A_150, %dma_wait3A_151] : memref<128x80xi32, #tpu.memory_space<vmem>> -> memref<1x80xi32, #tpu.memory_space<vmem>>
      %dma_wait3A_153 = tpu.memref_squeeze %dma_wait3A_152 : memref<1x80xi32, #tpu.memory_space<vmem>> -> memref<80xi32, #tpu.memory_space<vmem>>
      %dma_wait3A_154 = arith.constant 0 : i32
      %dma_wait3A_155 = arith.constant 0 : i32
      %dma_wait3A_156 = tpu.memref_slice %arg8[%dma_wait3A_154, %dma_wait3A_155] : memref<10112x128xf32, #tpu.memory_space<vmem_shared>> -> memref<10112x128xf32, #tpu.memory_space<vmem_shared>>
      tpu.wait_indirect_dma semaphore(%arg9 : memref<!tpu.dma_semaphore, #tpu.memory_space<semaphore_mem>>) src(%arg7 : memref<80x128xf32, #tpu.memory_space<vmem>>) dst(%dma_wait3A_156 : memref<10112x128xf32, #tpu.memory_space<vmem_shared>>)
      %mul3A_157 = arith.constant 8 : i32
      %mul3A_158 = arith.muli %scan3A_18, %mul3A_157 : i32
      %add3A_159 = arith.constant 6 : i32
      %add3A_160 = arith.addi %mul3A_158, %add3A_159 : i32
      %dma_wait3A_161 = arith.constant 0 : i32
      %dma_wait3A_162 = tpu.memref_slice %arg6[%add3A_160, %dma_wait3A_161] : memref<128x80xi32, #tpu.memory_space<vmem>> -> memref<1x80xi32, #tpu.memory_space<vmem>>
      %dma_wait3A_163 = tpu.memref_squeeze %dma_wait3A_162 : memref<1x80xi32, #tpu.memory_space<vmem>> -> memref<80xi32, #tpu.memory_space<vmem>>
      %dma_wait3A_164 = arith.constant 0 : i32
      %dma_wait3A_165 = arith.constant 0 : i32
      %dma_wait3A_166 = tpu.memref_slice %arg8[%dma_wait3A_164, %dma_wait3A_165] : memref<10112x128xf32, #tpu.memory_space<vmem_shared>> -> memref<10112x128xf32, #tpu.memory_space<vmem_shared>>
      tpu.wait_indirect_dma semaphore(%arg9 : memref<!tpu.dma_semaphore, #tpu.memory_space<semaphore_mem>>) src(%arg7 : memref<80x128xf32, #tpu.memory_space<vmem>>) dst(%dma_wait3A_166 : memref<10112x128xf32, #tpu.memory_space<vmem_shared>>)
      %mul3A_167 = arith.constant 8 : i32
      %mul3A_168 = arith.muli %scan3A_18, %mul3A_167 : i32
      %add3A_169 = arith.constant 7 : i32
      %add3A_170 = arith.addi %mul3A_168, %add3A_169 : i32
      %dma_wait3A_171 = arith.constant 0 : i32
      %dma_wait3A_172 = tpu.memref_slice %arg6[%add3A_170, %dma_wait3A_171] : memref<128x80xi32, #tpu.memory_space<vmem>> -> memref<1x80xi32, #tpu.memory_space<vmem>>
      %dma_wait3A_173 = tpu.memref_squeeze %dma_wait3A_172 : memref<1x80xi32, #tpu.memory_space<vmem>> -> memref<80xi32, #tpu.memory_space<vmem>>
      %dma_wait3A_174 = arith.constant 0 : i32
      %dma_wait3A_175 = arith.constant 0 : i32
      %dma_wait3A_176 = tpu.memref_slice %arg8[%dma_wait3A_174, %dma_wait3A_175] : memref<10112x128xf32, #tpu.memory_space<vmem_shared>> -> memref<10112x128xf32, #tpu.memory_space<vmem_shared>>
      tpu.wait_indirect_dma semaphore(%arg9 : memref<!tpu.dma_semaphore, #tpu.memory_space<semaphore_mem>>) src(%arg7 : memref<80x128xf32, #tpu.memory_space<vmem>>) dst(%dma_wait3A_176 : memref<10112x128xf32, #tpu.memory_space<vmem_shared>>)
    }
    %scan3A_9 = arith.constant 16 : i32
    %barrier3A_10 = arith.constant 0 : index
    tpu.barrier barrier_id(%barrier3A_10)
    %mul3A_11 = arith.constant 632 : i32
    %mul3A_12 = arith.muli %arg1, %mul3A_11 : i32
    %mul3A_13 = arith.constant 10112 : i32
    %mul3A_14 = arith.muli %arg0, %mul3A_13 : i32
    %mul3A_15 = arith.constant 632 : i32
    %mul3A_16 = arith.muli %arg1, %mul3A_15 : i32
    %add3A_17 = arith.addi %mul3A_14, %mul3A_16 : i32
    "tpu.region"() ({
      %run_scoped3A = tpu.sem_alloc : memref<!tpu.dma_semaphore, #tpu.memory_space<semaphore_mem>>
      %dma_start3A = arith.constant 0 : i32
      %dma_start3A_18 = tpu.memref_slice %arg5[%add3A_17, %dma_start3A] : memref<20224x128xf32, #tpu.memory_space<hbm>> -> memref<632x128xf32, #tpu.memory_space<hbm>>
      %dma_start3A_19 = arith.constant 0 : i32
      %dma_start3A_20 = tpu.memref_slice %arg8[%mul3A_12, %dma_start3A_19] : memref<10112x128xf32, #tpu.memory_space<vmem_shared>> -> memref<632x128xf32, #tpu.memory_space<vmem_shared>>
      tpu.enqueue_dma source(%dma_start3A_20 : memref<632x128xf32, #tpu.memory_space<vmem_shared>>) target(%dma_start3A_18 : memref<632x128xf32, #tpu.memory_space<hbm>>) target_semaphore(%run_scoped3A : memref<!tpu.dma_semaphore, #tpu.memory_space<semaphore_mem>>)
      %dma_wait3A = arith.constant 0 : i32
      %dma_wait3A_21 = tpu.memref_slice %arg5[%add3A_17, %dma_wait3A] : memref<20224x128xf32, #tpu.memory_space<hbm>> -> memref<632x128xf32, #tpu.memory_space<hbm>>
      %dma_wait3A_22 = arith.constant 0 : i32
      %dma_wait3A_23 = tpu.memref_slice %arg8[%mul3A_12, %dma_wait3A_22] : memref<10112x128xf32, #tpu.memory_space<vmem_shared>> -> memref<632x128xf32, #tpu.memory_space<vmem_shared>>
      tpu.wait_dma2 semaphore(%run_scoped3A : memref<!tpu.dma_semaphore, #tpu.memory_space<semaphore_mem>>) src(%dma_wait3A_23 : memref<632x128xf32, #tpu.memory_space<vmem_shared>>) dst(%dma_wait3A_21 : memref<632x128xf32, #tpu.memory_space<hbm>>)
      tpu.yield
    }) : () -> ()
    return
  }
}

#map = affine_map<(d0, d1) -> (0, 0)>
#map1 = affine_map<(d0, d1) -> (0)>
module attributes {stable_mosaic.version = 14 : i64} {
  func.func @_spmv_body(%arg0: i32, %arg1: i32, %arg2: memref<10112x128xf32, #tpu.memory_space<hbm>>, %arg3: memref<327680xi32, #tpu.memory_space<hbm>>, %arg4: memref<327680xi32, #tpu.memory_space<hbm>>, %arg5: memref<10112x128xf32, #tpu.memory_space<hbm>>, %arg6: memref<20224x128xf32, #tpu.memory_space<hbm>>, %arg7: memref<80xi32, #tpu.memory_space<vmem>>, %arg8: memref<80xi32, #tpu.memory_space<vmem>>, %arg9: memref<80xi32, #tpu.memory_space<vmem>>, %arg10: memref<80xi32, #tpu.memory_space<vmem>>, %arg11: memref<80xi32, #tpu.memory_space<vmem>>, %arg12: memref<80xi32, #tpu.memory_space<vmem>>, %arg13: memref<80xi32, #tpu.memory_space<vmem>>, %arg14: memref<80xi32, #tpu.memory_space<vmem>>, %arg15: memref<80x128xf32, #tpu.memory_space<vmem>>, %arg16: memref<80x128xf32, #tpu.memory_space<vmem>>, %arg17: memref<80x128xf32, #tpu.memory_space<vmem>>, %arg18: memref<80x128xf32, #tpu.memory_space<vmem>>, %arg19: memref<10112x128xf32, #tpu.memory_space<vmem_shared>>, %arg20: memref<!tpu.dma_semaphore, #tpu.memory_space<semaphore_mem>>, %arg21: memref<!tpu.dma_semaphore, #tpu.memory_space<semaphore_mem>>, %arg22: memref<!tpu.dma_semaphore, #tpu.memory_space<semaphore_mem>>, %arg23: memref<!tpu.dma_semaphore, #tpu.memory_space<semaphore_mem>>, %arg24: memref<!tpu.dma_semaphore, #tpu.memory_space<semaphore_mem>>, %arg25: memref<!tpu.dma_semaphore, #tpu.memory_space<semaphore_mem>>, %arg26: memref<!tpu.dma_semaphore, #tpu.memory_space<semaphore_mem>>, %arg27: memref<!tpu.dma_semaphore, #tpu.memory_space<semaphore_mem>>, %arg28: memref<!tpu.dma_semaphore, #tpu.memory_space<semaphore_mem>>, %arg29: memref<!tpu.dma_semaphore, #tpu.memory_space<semaphore_mem>>, %arg30: memref<!tpu.dma_semaphore, #tpu.memory_space<semaphore_mem>>, %arg31: memref<!tpu.dma_semaphore, #tpu.memory_space<semaphore_mem>>, %arg32: memref<!tpu.dma_semaphore, #tpu.memory_space<semaphore_mem>>, %arg33: memref<!tpu.dma_semaphore, #tpu.memory_space<semaphore_mem>>, %arg34: memref<!tpu.dma_semaphore, #tpu.memory_space<semaphore_mem>>, %arg35: memref<!tpu.dma_semaphore, #tpu.memory_space<semaphore_mem>>) attributes {dimension_semantics = [#tpu.dimension_semantics<core_parallel>, #tpu.dimension_semantics<subcore_parallel>], iteration_bounds = array<i64: 2, 16>, scalar_prefetch = 0 : i64, scratch_operands = 29 : i64, tpu.core_type = #tpu.core_type<sc_vector_subcore>, window_params = [{transform_indices = #map}, {transform_indices = #map1}, {transform_indices = #map1}, {transform_indices = #map}, {transform_indices = #map}]} {
    %mul3A = arith.constant 2 : i32
    %mul3A_0 = arith.muli %arg1, %mul3A : i32
    %add3A = arith.addi %mul3A_0, %arg0 : i32
    %mul3A_1 = arith.constant 10240 : i32
    %mul3A_2 = arith.muli %add3A, %mul3A_1 : i32
    %mul3A_3 = arith.constant 632 : i32
    %mul3A_4 = arith.muli %arg1, %mul3A_3 : i32
    %mul3A_5 = arith.constant 632 : i32
    %mul3A_6 = arith.muli %arg1, %mul3A_5 : i32
    "tpu.region"() ({
      %run_scoped3A = tpu.sem_alloc : memref<!tpu.dma_semaphore, #tpu.memory_space<semaphore_mem>>
      %dma_start3A_48 = arith.constant 0 : i32
      %dma_start3A_49 = tpu.memref_slice %arg19[%mul3A_6, %dma_start3A_48] : memref<10112x128xf32, #tpu.memory_space<vmem_shared>> -> memref<632x128xf32, #tpu.memory_space<vmem_shared>>
      %dma_start3A_50 = arith.constant 0 : i32
      %dma_start3A_51 = tpu.memref_slice %arg5[%mul3A_4, %dma_start3A_50] : memref<10112x128xf32, #tpu.memory_space<hbm>> -> memref<632x128xf32, #tpu.memory_space<hbm>>
      tpu.enqueue_dma source(%dma_start3A_51 : memref<632x128xf32, #tpu.memory_space<hbm>>) target(%dma_start3A_49 : memref<632x128xf32, #tpu.memory_space<vmem_shared>>) target_semaphore(%run_scoped3A : memref<!tpu.dma_semaphore, #tpu.memory_space<semaphore_mem>>)
      %dma_wait3A_52 = arith.constant 0 : i32
      %dma_wait3A_53 = tpu.memref_slice %arg19[%mul3A_6, %dma_wait3A_52] : memref<10112x128xf32, #tpu.memory_space<vmem_shared>> -> memref<632x128xf32, #tpu.memory_space<vmem_shared>>
      %dma_wait3A_54 = arith.constant 0 : i32
      %dma_wait3A_55 = tpu.memref_slice %arg5[%mul3A_4, %dma_wait3A_54] : memref<10112x128xf32, #tpu.memory_space<hbm>> -> memref<632x128xf32, #tpu.memory_space<hbm>>
      tpu.wait_dma2 semaphore(%run_scoped3A : memref<!tpu.dma_semaphore, #tpu.memory_space<semaphore_mem>>) src(%dma_wait3A_55 : memref<632x128xf32, #tpu.memory_space<hbm>>) dst(%dma_wait3A_53 : memref<632x128xf32, #tpu.memory_space<vmem_shared>>)
      tpu.yield
    }) : () -> ()
    %barrier3A = arith.constant 0 : index
    tpu.barrier barrier_id(%barrier3A)
    %add3A_7 = arith.constant 0 : i32
    %add3A_8 = arith.addi %mul3A_2, %add3A_7 : i32
    "tpu.region"() ({
      %run_scoped3A = tpu.sem_alloc : memref<!tpu.dma_semaphore, #tpu.memory_space<semaphore_mem>>
      %dma_start3A_48 = tpu.memref_slice %arg3[%add3A_8] : memref<327680xi32, #tpu.memory_space<hbm>> -> memref<80xi32, #tpu.memory_space<hbm>>
      %dma_start3A_49 = tpu.memref_slice %arg3[%add3A_8] : memref<327680xi32, #tpu.memory_space<hbm>> -> memref<80xi32, #tpu.memory_space<hbm>>
      tpu.enqueue_dma source(%dma_start3A_49 : memref<80xi32, #tpu.memory_space<hbm>>) target(%arg7 : memref<80xi32, #tpu.memory_space<vmem>>) target_semaphore(%run_scoped3A : memref<!tpu.dma_semaphore, #tpu.memory_space<semaphore_mem>>)
      %dma_wait3A_50 = tpu.memref_slice %arg3[%add3A_8] : memref<327680xi32, #tpu.memory_space<hbm>> -> memref<80xi32, #tpu.memory_space<hbm>>
      %dma_wait3A_51 = tpu.memref_slice %arg3[%add3A_8] : memref<327680xi32, #tpu.memory_space<hbm>> -> memref<80xi32, #tpu.memory_space<hbm>>
      tpu.wait_dma2 semaphore(%run_scoped3A : memref<!tpu.dma_semaphore, #tpu.memory_space<semaphore_mem>>) src(%dma_wait3A_51 : memref<80xi32, #tpu.memory_space<hbm>>) dst(%arg7 : memref<80xi32, #tpu.memory_space<vmem>>)
      tpu.yield
    }) : () -> ()
    %add3A_9 = arith.constant 0 : i32
    %add3A_10 = arith.addi %mul3A_2, %add3A_9 : i32
    "tpu.region"() ({
      %run_scoped3A = tpu.sem_alloc : memref<!tpu.dma_semaphore, #tpu.memory_space<semaphore_mem>>
      %dma_start3A_48 = tpu.memref_slice %arg4[%add3A_10] : memref<327680xi32, #tpu.memory_space<hbm>> -> memref<80xi32, #tpu.memory_space<hbm>>
      %dma_start3A_49 = tpu.memref_slice %arg4[%add3A_10] : memref<327680xi32, #tpu.memory_space<hbm>> -> memref<80xi32, #tpu.memory_space<hbm>>
      tpu.enqueue_dma source(%dma_start3A_49 : memref<80xi32, #tpu.memory_space<hbm>>) target(%arg11 : memref<80xi32, #tpu.memory_space<vmem>>) target_semaphore(%run_scoped3A : memref<!tpu.dma_semaphore, #tpu.memory_space<semaphore_mem>>)
      %dma_wait3A_50 = tpu.memref_slice %arg4[%add3A_10] : memref<327680xi32, #tpu.memory_space<hbm>> -> memref<80xi32, #tpu.memory_space<hbm>>
      %dma_wait3A_51 = tpu.memref_slice %arg4[%add3A_10] : memref<327680xi32, #tpu.memory_space<hbm>> -> memref<80xi32, #tpu.memory_space<hbm>>
      tpu.wait_dma2 semaphore(%run_scoped3A : memref<!tpu.dma_semaphore, #tpu.memory_space<semaphore_mem>>) src(%dma_wait3A_51 : memref<80xi32, #tpu.memory_space<hbm>>) dst(%arg11 : memref<80xi32, #tpu.memory_space<vmem>>)
      tpu.yield
    }) : () -> ()
    %dma_start3A = arith.constant 0 : i32
    %dma_start3A_11 = arith.constant 0 : i32
    %dma_start3A_12 = tpu.memref_slice %arg2[%dma_start3A, %dma_start3A_11] : memref<10112x128xf32, #tpu.memory_space<hbm>> -> memref<10112x128xf32, #tpu.memory_space<hbm>>
    tpu.enqueue_indirect_dma source(%dma_start3A_12 : memref<10112x128xf32, #tpu.memory_space<hbm>>) target(%arg15 : memref<80x128xf32, #tpu.memory_space<vmem>>) offsets(%arg7 : memref<80xi32, #tpu.memory_space<vmem>>) semaphore(%arg20 : memref<!tpu.dma_semaphore, #tpu.memory_space<semaphore_mem>>)
    %add3A_13 = arith.constant 80 : i32
    %add3A_14 = arith.addi %mul3A_2, %add3A_13 : i32
    "tpu.region"() ({
      %run_scoped3A = tpu.sem_alloc : memref<!tpu.dma_semaphore, #tpu.memory_space<semaphore_mem>>
      %dma_start3A_48 = tpu.memref_slice %arg3[%add3A_14] : memref<327680xi32, #tpu.memory_space<hbm>> -> memref<80xi32, #tpu.memory_space<hbm>>
      %dma_start3A_49 = tpu.memref_slice %arg3[%add3A_14] : memref<327680xi32, #tpu.memory_space<hbm>> -> memref<80xi32, #tpu.memory_space<hbm>>
      tpu.enqueue_dma source(%dma_start3A_49 : memref<80xi32, #tpu.memory_space<hbm>>) target(%arg8 : memref<80xi32, #tpu.memory_space<vmem>>) target_semaphore(%run_scoped3A : memref<!tpu.dma_semaphore, #tpu.memory_space<semaphore_mem>>)
      %dma_wait3A_50 = tpu.memref_slice %arg3[%add3A_14] : memref<327680xi32, #tpu.memory_space<hbm>> -> memref<80xi32, #tpu.memory_space<hbm>>
      %dma_wait3A_51 = tpu.memref_slice %arg3[%add3A_14] : memref<327680xi32, #tpu.memory_space<hbm>> -> memref<80xi32, #tpu.memory_space<hbm>>
      tpu.wait_dma2 semaphore(%run_scoped3A : memref<!tpu.dma_semaphore, #tpu.memory_space<semaphore_mem>>) src(%dma_wait3A_51 : memref<80xi32, #tpu.memory_space<hbm>>) dst(%arg8 : memref<80xi32, #tpu.memory_space<vmem>>)
      tpu.yield
    }) : () -> ()
    %add3A_15 = arith.constant 80 : i32
    %add3A_16 = arith.addi %mul3A_2, %add3A_15 : i32
    "tpu.region"() ({
      %run_scoped3A = tpu.sem_alloc : memref<!tpu.dma_semaphore, #tpu.memory_space<semaphore_mem>>
      %dma_start3A_48 = tpu.memref_slice %arg4[%add3A_16] : memref<327680xi32, #tpu.memory_space<hbm>> -> memref<80xi32, #tpu.memory_space<hbm>>
      %dma_start3A_49 = tpu.memref_slice %arg4[%add3A_16] : memref<327680xi32, #tpu.memory_space<hbm>> -> memref<80xi32, #tpu.memory_space<hbm>>
      tpu.enqueue_dma source(%dma_start3A_49 : memref<80xi32, #tpu.memory_space<hbm>>) target(%arg12 : memref<80xi32, #tpu.memory_space<vmem>>) target_semaphore(%run_scoped3A : memref<!tpu.dma_semaphore, #tpu.memory_space<semaphore_mem>>)
      %dma_wait3A_50 = tpu.memref_slice %arg4[%add3A_16] : memref<327680xi32, #tpu.memory_space<hbm>> -> memref<80xi32, #tpu.memory_space<hbm>>
      %dma_wait3A_51 = tpu.memref_slice %arg4[%add3A_16] : memref<327680xi32, #tpu.memory_space<hbm>> -> memref<80xi32, #tpu.memory_space<hbm>>
      tpu.wait_dma2 semaphore(%run_scoped3A : memref<!tpu.dma_semaphore, #tpu.memory_space<semaphore_mem>>) src(%dma_wait3A_51 : memref<80xi32, #tpu.memory_space<hbm>>) dst(%arg12 : memref<80xi32, #tpu.memory_space<vmem>>)
      tpu.yield
    }) : () -> ()
    %dma_start3A_17 = arith.constant 0 : i32
    %dma_start3A_18 = arith.constant 0 : i32
    %dma_start3A_19 = tpu.memref_slice %arg2[%dma_start3A_17, %dma_start3A_18] : memref<10112x128xf32, #tpu.memory_space<hbm>> -> memref<10112x128xf32, #tpu.memory_space<hbm>>
    tpu.enqueue_indirect_dma source(%dma_start3A_19 : memref<10112x128xf32, #tpu.memory_space<hbm>>) target(%arg16 : memref<80x128xf32, #tpu.memory_space<vmem>>) offsets(%arg8 : memref<80xi32, #tpu.memory_space<vmem>>) semaphore(%arg21 : memref<!tpu.dma_semaphore, #tpu.memory_space<semaphore_mem>>)
    %scan3A = arith.constant 0 : i32
    %scan3A_20 = arith.constant 0 : i32
    %scan3A_21 = arith.constant 32 : i32
    %scan3A_22 = arith.addi %scan3A_20, %scan3A_21 : i32
    %scan3A_23 = arith.constant 1 : i32
    scf.for %scan3A_48 = %scan3A_20 to %scan3A_22 step %scan3A_23  : i32 {
      %mul3A_49 = arith.constant 4 : i32
      %mul3A_50 = arith.muli %mul3A_49, %scan3A_48 : i32
      %add3A_51 = arith.constant 0 : i32
      %add3A_52 = arith.addi %mul3A_50, %add3A_51 : i32
      %add3A_53 = arith.constant 2 : i32
      %add3A_54 = arith.addi %add3A_52, %add3A_53 : i32
      %mul3A_55 = arith.constant 80 : i32
      %mul3A_56 = arith.muli %add3A_54, %mul3A_55 : i32
      %add3A_57 = arith.addi %mul3A_2, %mul3A_56 : i32
      %dma_start3A_58 = tpu.memref_slice %arg3[%add3A_57] : memref<327680xi32, #tpu.memory_space<hbm>> -> memref<80xi32, #tpu.memory_space<hbm>>
      %dma_start3A_59 = tpu.memref_slice %arg3[%add3A_57] : memref<327680xi32, #tpu.memory_space<hbm>> -> memref<80xi32, #tpu.memory_space<hbm>>
      tpu.enqueue_dma source(%dma_start3A_59 : memref<80xi32, #tpu.memory_space<hbm>>) target(%arg9 : memref<80xi32, #tpu.memory_space<vmem>>) target_semaphore(%arg30 : memref<!tpu.dma_semaphore, #tpu.memory_space<semaphore_mem>>)
      %dma_wait3A_60 = arith.constant 0 : i32
      %dma_wait3A_61 = arith.constant 0 : i32
      %dma_wait3A_62 = tpu.memref_slice %arg2[%dma_wait3A_60, %dma_wait3A_61] : memref<10112x128xf32, #tpu.memory_space<hbm>> -> memref<10112x128xf32, #tpu.memory_space<hbm>>
      tpu.wait_indirect_dma semaphore(%arg20 : memref<!tpu.dma_semaphore, #tpu.memory_space<semaphore_mem>>) src(%dma_wait3A_62 : memref<10112x128xf32, #tpu.memory_space<hbm>>) dst(%arg15 : memref<80x128xf32, #tpu.memory_space<vmem>>)
      %gt3A = arith.constant 0 : i32
      %gt3A_63 = arith.cmpi sgt, %scan3A_48, %gt3A : i32
      %convert_element_type3A = arith.extui %gt3A_63 : i1 to i32
      %cond3A = arith.constant 0 : i32
      %cond3A_64 = arith.cmpi ne, %convert_element_type3A, %cond3A : i32
      scf.if %cond3A_64 {
        %dma_wait3A_189 = tpu.memref_slice %arg4[%mul3A_2] : memref<327680xi32, #tpu.memory_space<hbm>> -> memref<80xi32, #tpu.memory_space<hbm>>
        %dma_wait3A_190 = tpu.memref_slice %arg4[%mul3A_2] : memref<327680xi32, #tpu.memory_space<hbm>> -> memref<80xi32, #tpu.memory_space<hbm>>
        tpu.wait_dma2 semaphore(%arg32 : memref<!tpu.dma_semaphore, #tpu.memory_space<semaphore_mem>>) src(%dma_wait3A_190 : memref<80xi32, #tpu.memory_space<hbm>>) dst(%arg11 : memref<80xi32, #tpu.memory_space<vmem>>)
      } else {
      }
      %dma_start3A_65 = arith.constant 0 : i32
      %dma_start3A_66 = arith.constant 0 : i32
      %dma_start3A_67 = tpu.memref_slice %arg19[%dma_start3A_65, %dma_start3A_66] : memref<10112x128xf32, #tpu.memory_space<vmem_shared>> -> memref<10112x128xf32, #tpu.memory_space<vmem_shared>>
      tpu.enqueue_indirect_dma source(%arg15 : memref<80x128xf32, #tpu.memory_space<vmem>>) target(%dma_start3A_67 : memref<10112x128xf32, #tpu.memory_space<vmem_shared>>) offsets(%arg11 : memref<80xi32, #tpu.memory_space<vmem>>) semaphore(%arg24 : memref<!tpu.dma_semaphore, #tpu.memory_space<semaphore_mem>>) {add = true}
      %gt3A_68 = arith.constant 0 : i32
      %gt3A_69 = arith.cmpi sgt, %scan3A_48, %gt3A_68 : i32
      %convert_element_type3A_70 = arith.extui %gt3A_69 : i1 to i32
      %cond3A_71 = arith.constant 0 : i32
      %cond3A_72 = arith.cmpi ne, %convert_element_type3A_70, %cond3A_71 : i32
      scf.if %cond3A_72 {
        %dma_wait3A_189 = arith.constant 0 : i32
        %dma_wait3A_190 = arith.constant 0 : i32
        %dma_wait3A_191 = tpu.memref_slice %arg19[%dma_wait3A_189, %dma_wait3A_190] : memref<10112x128xf32, #tpu.memory_space<vmem_shared>> -> memref<10112x128xf32, #tpu.memory_space<vmem_shared>>
        tpu.wait_indirect_dma semaphore(%arg26 : memref<!tpu.dma_semaphore, #tpu.memory_space<semaphore_mem>>) src(%arg17 : memref<80x128xf32, #tpu.memory_space<vmem>>) dst(%dma_wait3A_191 : memref<10112x128xf32, #tpu.memory_space<vmem_shared>>)
      } else {
      }
      %mul3A_73 = arith.constant 80 : i32
      %mul3A_74 = arith.muli %add3A_54, %mul3A_73 : i32
      %add3A_75 = arith.addi %mul3A_2, %mul3A_74 : i32
      %dma_start3A_76 = tpu.memref_slice %arg4[%add3A_75] : memref<327680xi32, #tpu.memory_space<hbm>> -> memref<80xi32, #tpu.memory_space<hbm>>
      %dma_start3A_77 = tpu.memref_slice %arg4[%add3A_75] : memref<327680xi32, #tpu.memory_space<hbm>> -> memref<80xi32, #tpu.memory_space<hbm>>
      tpu.enqueue_dma source(%dma_start3A_77 : memref<80xi32, #tpu.memory_space<hbm>>) target(%arg13 : memref<80xi32, #tpu.memory_space<vmem>>) target_semaphore(%arg34 : memref<!tpu.dma_semaphore, #tpu.memory_space<semaphore_mem>>)
      %dma_wait3A_78 = tpu.memref_slice %arg3[%mul3A_2] : memref<327680xi32, #tpu.memory_space<hbm>> -> memref<80xi32, #tpu.memory_space<hbm>>
      %dma_wait3A_79 = tpu.memref_slice %arg3[%mul3A_2] : memref<327680xi32, #tpu.memory_space<hbm>> -> memref<80xi32, #tpu.memory_space<hbm>>
      tpu.wait_dma2 semaphore(%arg30 : memref<!tpu.dma_semaphore, #tpu.memory_space<semaphore_mem>>) src(%dma_wait3A_79 : memref<80xi32, #tpu.memory_space<hbm>>) dst(%arg9 : memref<80xi32, #tpu.memory_space<vmem>>)
      %dma_start3A_80 = arith.constant 0 : i32
      %dma_start3A_81 = arith.constant 0 : i32
      %dma_start3A_82 = tpu.memref_slice %arg2[%dma_start3A_80, %dma_start3A_81] : memref<10112x128xf32, #tpu.memory_space<hbm>> -> memref<10112x128xf32, #tpu.memory_space<hbm>>
      tpu.enqueue_indirect_dma source(%dma_start3A_82 : memref<10112x128xf32, #tpu.memory_space<hbm>>) target(%arg17 : memref<80x128xf32, #tpu.memory_space<vmem>>) offsets(%arg9 : memref<80xi32, #tpu.memory_space<vmem>>) semaphore(%arg22 : memref<!tpu.dma_semaphore, #tpu.memory_space<semaphore_mem>>)
      %mul3A_83 = arith.constant 4 : i32
      %mul3A_84 = arith.muli %mul3A_83, %scan3A_48 : i32
      %add3A_85 = arith.constant 1 : i32
      %add3A_86 = arith.addi %mul3A_84, %add3A_85 : i32
      %add3A_87 = arith.constant 2 : i32
      %add3A_88 = arith.addi %add3A_86, %add3A_87 : i32
      %mul3A_89 = arith.constant 80 : i32
      %mul3A_90 = arith.muli %add3A_88, %mul3A_89 : i32
      %add3A_91 = arith.addi %mul3A_2, %mul3A_90 : i32
      %dma_start3A_92 = tpu.memref_slice %arg3[%add3A_91] : memref<327680xi32, #tpu.memory_space<hbm>> -> memref<80xi32, #tpu.memory_space<hbm>>
      %dma_start3A_93 = tpu.memref_slice %arg3[%add3A_91] : memref<327680xi32, #tpu.memory_space<hbm>> -> memref<80xi32, #tpu.memory_space<hbm>>
      tpu.enqueue_dma source(%dma_start3A_93 : memref<80xi32, #tpu.memory_space<hbm>>) target(%arg10 : memref<80xi32, #tpu.memory_space<vmem>>) target_semaphore(%arg31 : memref<!tpu.dma_semaphore, #tpu.memory_space<semaphore_mem>>)
      %dma_wait3A_94 = arith.constant 0 : i32
      %dma_wait3A_95 = arith.constant 0 : i32
      %dma_wait3A_96 = tpu.memref_slice %arg2[%dma_wait3A_94, %dma_wait3A_95] : memref<10112x128xf32, #tpu.memory_space<hbm>> -> memref<10112x128xf32, #tpu.memory_space<hbm>>
      tpu.wait_indirect_dma semaphore(%arg21 : memref<!tpu.dma_semaphore, #tpu.memory_space<semaphore_mem>>) src(%dma_wait3A_96 : memref<10112x128xf32, #tpu.memory_space<hbm>>) dst(%arg16 : memref<80x128xf32, #tpu.memory_space<vmem>>)
      %gt3A_97 = arith.constant 0 : i32
      %gt3A_98 = arith.cmpi sgt, %scan3A_48, %gt3A_97 : i32
      %convert_element_type3A_99 = arith.extui %gt3A_98 : i1 to i32
      %cond3A_100 = arith.constant 0 : i32
      %cond3A_101 = arith.cmpi ne, %convert_element_type3A_99, %cond3A_100 : i32
      scf.if %cond3A_101 {
        %dma_wait3A_189 = tpu.memref_slice %arg4[%mul3A_2] : memref<327680xi32, #tpu.memory_space<hbm>> -> memref<80xi32, #tpu.memory_space<hbm>>
        %dma_wait3A_190 = tpu.memref_slice %arg4[%mul3A_2] : memref<327680xi32, #tpu.memory_space<hbm>> -> memref<80xi32, #tpu.memory_space<hbm>>
        tpu.wait_dma2 semaphore(%arg33 : memref<!tpu.dma_semaphore, #tpu.memory_space<semaphore_mem>>) src(%dma_wait3A_190 : memref<80xi32, #tpu.memory_space<hbm>>) dst(%arg12 : memref<80xi32, #tpu.memory_space<vmem>>)
      } else {
      }
      %dma_start3A_102 = arith.constant 0 : i32
      %dma_start3A_103 = arith.constant 0 : i32
      %dma_start3A_104 = tpu.memref_slice %arg19[%dma_start3A_102, %dma_start3A_103] : memref<10112x128xf32, #tpu.memory_space<vmem_shared>> -> memref<10112x128xf32, #tpu.memory_space<vmem_shared>>
      tpu.enqueue_indirect_dma source(%arg16 : memref<80x128xf32, #tpu.memory_space<vmem>>) target(%dma_start3A_104 : memref<10112x128xf32, #tpu.memory_space<vmem_shared>>) offsets(%arg12 : memref<80xi32, #tpu.memory_space<vmem>>) semaphore(%arg25 : memref<!tpu.dma_semaphore, #tpu.memory_space<semaphore_mem>>) {add = true}
      %gt3A_105 = arith.constant 0 : i32
      %gt3A_106 = arith.cmpi sgt, %scan3A_48, %gt3A_105 : i32
      %convert_element_type3A_107 = arith.extui %gt3A_106 : i1 to i32
      %cond3A_108 = arith.constant 0 : i32
      %cond3A_109 = arith.cmpi ne, %convert_element_type3A_107, %cond3A_108 : i32
      scf.if %cond3A_109 {
        %dma_wait3A_189 = arith.constant 0 : i32
        %dma_wait3A_190 = arith.constant 0 : i32
        %dma_wait3A_191 = tpu.memref_slice %arg19[%dma_wait3A_189, %dma_wait3A_190] : memref<10112x128xf32, #tpu.memory_space<vmem_shared>> -> memref<10112x128xf32, #tpu.memory_space<vmem_shared>>
        tpu.wait_indirect_dma semaphore(%arg27 : memref<!tpu.dma_semaphore, #tpu.memory_space<semaphore_mem>>) src(%arg18 : memref<80x128xf32, #tpu.memory_space<vmem>>) dst(%dma_wait3A_191 : memref<10112x128xf32, #tpu.memory_space<vmem_shared>>)
      } else {
      }
      %mul3A_110 = arith.constant 80 : i32
      %mul3A_111 = arith.muli %add3A_88, %mul3A_110 : i32
      %add3A_112 = arith.addi %mul3A_2, %mul3A_111 : i32
      %dma_start3A_113 = tpu.memref_slice %arg4[%add3A_112] : memref<327680xi32, #tpu.memory_space<hbm>> -> memref<80xi32, #tpu.memory_space<hbm>>
      %dma_start3A_114 = tpu.memref_slice %arg4[%add3A_112] : memref<327680xi32, #tpu.memory_space<hbm>> -> memref<80xi32, #tpu.memory_space<hbm>>
      tpu.enqueue_dma source(%dma_start3A_114 : memref<80xi32, #tpu.memory_space<hbm>>) target(%arg14 : memref<80xi32, #tpu.memory_space<vmem>>) target_semaphore(%arg35 : memref<!tpu.dma_semaphore, #tpu.memory_space<semaphore_mem>>)
      %dma_wait3A_115 = tpu.memref_slice %arg3[%mul3A_2] : memref<327680xi32, #tpu.memory_space<hbm>> -> memref<80xi32, #tpu.memory_space<hbm>>
      %dma_wait3A_116 = tpu.memref_slice %arg3[%mul3A_2] : memref<327680xi32, #tpu.memory_space<hbm>> -> memref<80xi32, #tpu.memory_space<hbm>>
      tpu.wait_dma2 semaphore(%arg31 : memref<!tpu.dma_semaphore, #tpu.memory_space<semaphore_mem>>) src(%dma_wait3A_116 : memref<80xi32, #tpu.memory_space<hbm>>) dst(%arg10 : memref<80xi32, #tpu.memory_space<vmem>>)
      %dma_start3A_117 = arith.constant 0 : i32
      %dma_start3A_118 = arith.constant 0 : i32
      %dma_start3A_119 = tpu.memref_slice %arg2[%dma_start3A_117, %dma_start3A_118] : memref<10112x128xf32, #tpu.memory_space<hbm>> -> memref<10112x128xf32, #tpu.memory_space<hbm>>
      tpu.enqueue_indirect_dma source(%dma_start3A_119 : memref<10112x128xf32, #tpu.memory_space<hbm>>) target(%arg18 : memref<80x128xf32, #tpu.memory_space<vmem>>) offsets(%arg10 : memref<80xi32, #tpu.memory_space<vmem>>) semaphore(%arg23 : memref<!tpu.dma_semaphore, #tpu.memory_space<semaphore_mem>>)
      %mul3A_120 = arith.constant 4 : i32
      %mul3A_121 = arith.muli %mul3A_120, %scan3A_48 : i32
      %add3A_122 = arith.constant 2 : i32
      %add3A_123 = arith.addi %mul3A_121, %add3A_122 : i32
      %eq3A = arith.constant 31 : i32
      %eq3A_124 = arith.cmpi eq, %scan3A_48, %eq3A : i32
      %add3A_125 = arith.constant 2 : i32
      %add3A_126 = arith.addi %add3A_123, %add3A_125 : i32
      %jit3A = arith.constant 0 : i32
      %select_n3A = arith.select %eq3A_124, %jit3A, %add3A_126 : i32
      %mul3A_127 = arith.constant 80 : i32
      %mul3A_128 = arith.muli %select_n3A, %mul3A_127 : i32
      %add3A_129 = arith.addi %mul3A_2, %mul3A_128 : i32
      %dma_start3A_130 = tpu.memref_slice %arg3[%add3A_129] : memref<327680xi32, #tpu.memory_space<hbm>> -> memref<80xi32, #tpu.memory_space<hbm>>
      %dma_start3A_131 = tpu.memref_slice %arg3[%add3A_129] : memref<327680xi32, #tpu.memory_space<hbm>> -> memref<80xi32, #tpu.memory_space<hbm>>
      tpu.enqueue_dma source(%dma_start3A_131 : memref<80xi32, #tpu.memory_space<hbm>>) target(%arg7 : memref<80xi32, #tpu.memory_space<vmem>>) target_semaphore(%arg28 : memref<!tpu.dma_semaphore, #tpu.memory_space<semaphore_mem>>)
      %dma_wait3A_132 = arith.constant 0 : i32
      %dma_wait3A_133 = arith.constant 0 : i32
      %dma_wait3A_134 = tpu.memref_slice %arg2[%dma_wait3A_132, %dma_wait3A_133] : memref<10112x128xf32, #tpu.memory_space<hbm>> -> memref<10112x128xf32, #tpu.memory_space<hbm>>
      tpu.wait_indirect_dma semaphore(%arg22 : memref<!tpu.dma_semaphore, #tpu.memory_space<semaphore_mem>>) src(%dma_wait3A_134 : memref<10112x128xf32, #tpu.memory_space<hbm>>) dst(%arg17 : memref<80x128xf32, #tpu.memory_space<vmem>>)
      %dma_wait3A_135 = tpu.memref_slice %arg4[%mul3A_2] : memref<327680xi32, #tpu.memory_space<hbm>> -> memref<80xi32, #tpu.memory_space<hbm>>
      %dma_wait3A_136 = tpu.memref_slice %arg4[%mul3A_2] : memref<327680xi32, #tpu.memory_space<hbm>> -> memref<80xi32, #tpu.memory_space<hbm>>
      tpu.wait_dma2 semaphore(%arg34 : memref<!tpu.dma_semaphore, #tpu.memory_space<semaphore_mem>>) src(%dma_wait3A_136 : memref<80xi32, #tpu.memory_space<hbm>>) dst(%arg13 : memref<80xi32, #tpu.memory_space<vmem>>)
      %dma_start3A_137 = arith.constant 0 : i32
      %dma_start3A_138 = arith.constant 0 : i32
      %dma_start3A_139 = tpu.memref_slice %arg19[%dma_start3A_137, %dma_start3A_138] : memref<10112x128xf32, #tpu.memory_space<vmem_shared>> -> memref<10112x128xf32, #tpu.memory_space<vmem_shared>>
      tpu.enqueue_indirect_dma source(%arg17 : memref<80x128xf32, #tpu.memory_space<vmem>>) target(%dma_start3A_139 : memref<10112x128xf32, #tpu.memory_space<vmem_shared>>) offsets(%arg13 : memref<80xi32, #tpu.memory_space<vmem>>) semaphore(%arg26 : memref<!tpu.dma_semaphore, #tpu.memory_space<semaphore_mem>>) {add = true}
      %dma_wait3A_140 = arith.constant 0 : i32
      %dma_wait3A_141 = arith.constant 0 : i32
      %dma_wait3A_142 = tpu.memref_slice %arg19[%dma_wait3A_140, %dma_wait3A_141] : memref<10112x128xf32, #tpu.memory_space<vmem_shared>> -> memref<10112x128xf32, #tpu.memory_space<vmem_shared>>
      tpu.wait_indirect_dma semaphore(%arg24 : memref<!tpu.dma_semaphore, #tpu.memory_space<semaphore_mem>>) src(%arg15 : memref<80x128xf32, #tpu.memory_space<vmem>>) dst(%dma_wait3A_142 : memref<10112x128xf32, #tpu.memory_space<vmem_shared>>)
      %mul3A_143 = arith.constant 80 : i32
      %mul3A_144 = arith.muli %select_n3A, %mul3A_143 : i32
      %add3A_145 = arith.addi %mul3A_2, %mul3A_144 : i32
      %dma_start3A_146 = tpu.memref_slice %arg4[%add3A_145] : memref<327680xi32, #tpu.memory_space<hbm>> -> memref<80xi32, #tpu.memory_space<hbm>>
      %dma_start3A_147 = tpu.memref_slice %arg4[%add3A_145] : memref<327680xi32, #tpu.memory_space<hbm>> -> memref<80xi32, #tpu.memory_space<hbm>>
      tpu.enqueue_dma source(%dma_start3A_147 : memref<80xi32, #tpu.memory_space<hbm>>) target(%arg11 : memref<80xi32, #tpu.memory_space<vmem>>) target_semaphore(%arg32 : memref<!tpu.dma_semaphore, #tpu.memory_space<semaphore_mem>>)
      %dma_wait3A_148 = tpu.memref_slice %arg3[%mul3A_2] : memref<327680xi32, #tpu.memory_space<hbm>> -> memref<80xi32, #tpu.memory_space<hbm>>
      %dma_wait3A_149 = tpu.memref_slice %arg3[%mul3A_2] : memref<327680xi32, #tpu.memory_space<hbm>> -> memref<80xi32, #tpu.memory_space<hbm>>
      tpu.wait_dma2 semaphore(%arg28 : memref<!tpu.dma_semaphore, #tpu.memory_space<semaphore_mem>>) src(%dma_wait3A_149 : memref<80xi32, #tpu.memory_space<hbm>>) dst(%arg7 : memref<80xi32, #tpu.memory_space<vmem>>)
      %dma_start3A_150 = arith.constant 0 : i32
      %dma_start3A_151 = arith.constant 0 : i32
      %dma_start3A_152 = tpu.memref_slice %arg2[%dma_start3A_150, %dma_start3A_151] : memref<10112x128xf32, #tpu.memory_space<hbm>> -> memref<10112x128xf32, #tpu.memory_space<hbm>>
      tpu.enqueue_indirect_dma source(%dma_start3A_152 : memref<10112x128xf32, #tpu.memory_space<hbm>>) target(%arg15 : memref<80x128xf32, #tpu.memory_space<vmem>>) offsets(%arg7 : memref<80xi32, #tpu.memory_space<vmem>>) semaphore(%arg20 : memref<!tpu.dma_semaphore, #tpu.memory_space<semaphore_mem>>)
      %mul3A_153 = arith.constant 4 : i32
      %mul3A_154 = arith.muli %mul3A_153, %scan3A_48 : i32
      %add3A_155 = arith.constant 3 : i32
      %add3A_156 = arith.addi %mul3A_154, %add3A_155 : i32
      %eq3A_157 = arith.constant 31 : i32
      %eq3A_158 = arith.cmpi eq, %scan3A_48, %eq3A_157 : i32
      %add3A_159 = arith.constant 2 : i32
      %add3A_160 = arith.addi %add3A_156, %add3A_159 : i32
      %jit3A_161 = arith.constant 1 : i32
      %select_n3A_162 = arith.select %eq3A_158, %jit3A_161, %add3A_160 : i32
      %mul3A_163 = arith.constant 80 : i32
      %mul3A_164 = arith.muli %select_n3A_162, %mul3A_163 : i32
      %add3A_165 = arith.addi %mul3A_2, %mul3A_164 : i32
      %dma_start3A_166 = tpu.memref_slice %arg3[%add3A_165] : memref<327680xi32, #tpu.memory_space<hbm>> -> memref<80xi32, #tpu.memory_space<hbm>>
      %dma_start3A_167 = tpu.memref_slice %arg3[%add3A_165] : memref<327680xi32, #tpu.memory_space<hbm>> -> memref<80xi32, #tpu.memory_space<hbm>>
      tpu.enqueue_dma source(%dma_start3A_167 : memref<80xi32, #tpu.memory_space<hbm>>) target(%arg8 : memref<80xi32, #tpu.memory_space<vmem>>) target_semaphore(%arg29 : memref<!tpu.dma_semaphore, #tpu.memory_space<semaphore_mem>>)
      %dma_wait3A_168 = arith.constant 0 : i32
      %dma_wait3A_169 = arith.constant 0 : i32
      %dma_wait3A_170 = tpu.memref_slice %arg2[%dma_wait3A_168, %dma_wait3A_169] : memref<10112x128xf32, #tpu.memory_space<hbm>> -> memref<10112x128xf32, #tpu.memory_space<hbm>>
      tpu.wait_indirect_dma semaphore(%arg23 : memref<!tpu.dma_semaphore, #tpu.memory_space<semaphore_mem>>) src(%dma_wait3A_170 : memref<10112x128xf32, #tpu.memory_space<hbm>>) dst(%arg18 : memref<80x128xf32, #tpu.memory_space<vmem>>)
      %dma_wait3A_171 = tpu.memref_slice %arg4[%mul3A_2] : memref<327680xi32, #tpu.memory_space<hbm>> -> memref<80xi32, #tpu.memory_space<hbm>>
      %dma_wait3A_172 = tpu.memref_slice %arg4[%mul3A_2] : memref<327680xi32, #tpu.memory_space<hbm>> -> memref<80xi32, #tpu.memory_space<hbm>>
      tpu.wait_dma2 semaphore(%arg35 : memref<!tpu.dma_semaphore, #tpu.memory_space<semaphore_mem>>) src(%dma_wait3A_172 : memref<80xi32, #tpu.memory_space<hbm>>) dst(%arg14 : memref<80xi32, #tpu.memory_space<vmem>>)
      %dma_start3A_173 = arith.constant 0 : i32
      %dma_start3A_174 = arith.constant 0 : i32
      %dma_start3A_175 = tpu.memref_slice %arg19[%dma_start3A_173, %dma_start3A_174] : memref<10112x128xf32, #tpu.memory_space<vmem_shared>> -> memref<10112x128xf32, #tpu.memory_space<vmem_shared>>
      tpu.enqueue_indirect_dma source(%arg18 : memref<80x128xf32, #tpu.memory_space<vmem>>) target(%dma_start3A_175 : memref<10112x128xf32, #tpu.memory_space<vmem_shared>>) offsets(%arg14 : memref<80xi32, #tpu.memory_space<vmem>>) semaphore(%arg27 : memref<!tpu.dma_semaphore, #tpu.memory_space<semaphore_mem>>) {add = true}
      %dma_wait3A_176 = arith.constant 0 : i32
      %dma_wait3A_177 = arith.constant 0 : i32
      %dma_wait3A_178 = tpu.memref_slice %arg19[%dma_wait3A_176, %dma_wait3A_177] : memref<10112x128xf32, #tpu.memory_space<vmem_shared>> -> memref<10112x128xf32, #tpu.memory_space<vmem_shared>>
      tpu.wait_indirect_dma semaphore(%arg25 : memref<!tpu.dma_semaphore, #tpu.memory_space<semaphore_mem>>) src(%arg16 : memref<80x128xf32, #tpu.memory_space<vmem>>) dst(%dma_wait3A_178 : memref<10112x128xf32, #tpu.memory_space<vmem_shared>>)
      %mul3A_179 = arith.constant 80 : i32
      %mul3A_180 = arith.muli %select_n3A_162, %mul3A_179 : i32
      %add3A_181 = arith.addi %mul3A_2, %mul3A_180 : i32
      %dma_start3A_182 = tpu.memref_slice %arg4[%add3A_181] : memref<327680xi32, #tpu.memory_space<hbm>> -> memref<80xi32, #tpu.memory_space<hbm>>
      %dma_start3A_183 = tpu.memref_slice %arg4[%add3A_181] : memref<327680xi32, #tpu.memory_space<hbm>> -> memref<80xi32, #tpu.memory_space<hbm>>
      tpu.enqueue_dma source(%dma_start3A_183 : memref<80xi32, #tpu.memory_space<hbm>>) target(%arg12 : memref<80xi32, #tpu.memory_space<vmem>>) target_semaphore(%arg33 : memref<!tpu.dma_semaphore, #tpu.memory_space<semaphore_mem>>)
      %dma_wait3A_184 = tpu.memref_slice %arg3[%mul3A_2] : memref<327680xi32, #tpu.memory_space<hbm>> -> memref<80xi32, #tpu.memory_space<hbm>>
      %dma_wait3A_185 = tpu.memref_slice %arg3[%mul3A_2] : memref<327680xi32, #tpu.memory_space<hbm>> -> memref<80xi32, #tpu.memory_space<hbm>>
      tpu.wait_dma2 semaphore(%arg29 : memref<!tpu.dma_semaphore, #tpu.memory_space<semaphore_mem>>) src(%dma_wait3A_185 : memref<80xi32, #tpu.memory_space<hbm>>) dst(%arg8 : memref<80xi32, #tpu.memory_space<vmem>>)
      %dma_start3A_186 = arith.constant 0 : i32
      %dma_start3A_187 = arith.constant 0 : i32
      %dma_start3A_188 = tpu.memref_slice %arg2[%dma_start3A_186, %dma_start3A_187] : memref<10112x128xf32, #tpu.memory_space<hbm>> -> memref<10112x128xf32, #tpu.memory_space<hbm>>
      tpu.enqueue_indirect_dma source(%dma_start3A_188 : memref<10112x128xf32, #tpu.memory_space<hbm>>) target(%arg16 : memref<80x128xf32, #tpu.memory_space<vmem>>) offsets(%arg8 : memref<80xi32, #tpu.memory_space<vmem>>) semaphore(%arg21 : memref<!tpu.dma_semaphore, #tpu.memory_space<semaphore_mem>>)
    }
    %scan3A_24 = arith.constant 32 : i32
    %dma_wait3A = arith.constant 0 : i32
    %dma_wait3A_25 = arith.constant 0 : i32
    %dma_wait3A_26 = tpu.memref_slice %arg2[%dma_wait3A, %dma_wait3A_25] : memref<10112x128xf32, #tpu.memory_space<hbm>> -> memref<10112x128xf32, #tpu.memory_space<hbm>>
    tpu.wait_indirect_dma semaphore(%arg20 : memref<!tpu.dma_semaphore, #tpu.memory_space<semaphore_mem>>) src(%dma_wait3A_26 : memref<10112x128xf32, #tpu.memory_space<hbm>>) dst(%arg15 : memref<80x128xf32, #tpu.memory_space<vmem>>)
    %dma_wait3A_27 = tpu.memref_slice %arg4[%mul3A_2] : memref<327680xi32, #tpu.memory_space<hbm>> -> memref<80xi32, #tpu.memory_space<hbm>>
    %dma_wait3A_28 = tpu.memref_slice %arg4[%mul3A_2] : memref<327680xi32, #tpu.memory_space<hbm>> -> memref<80xi32, #tpu.memory_space<hbm>>
    tpu.wait_dma2 semaphore(%arg32 : memref<!tpu.dma_semaphore, #tpu.memory_space<semaphore_mem>>) src(%dma_wait3A_28 : memref<80xi32, #tpu.memory_space<hbm>>) dst(%arg11 : memref<80xi32, #tpu.memory_space<vmem>>)
    %dma_wait3A_29 = arith.constant 0 : i32
    %dma_wait3A_30 = arith.constant 0 : i32
    %dma_wait3A_31 = tpu.memref_slice %arg2[%dma_wait3A_29, %dma_wait3A_30] : memref<10112x128xf32, #tpu.memory_space<hbm>> -> memref<10112x128xf32, #tpu.memory_space<hbm>>
    tpu.wait_indirect_dma semaphore(%arg21 : memref<!tpu.dma_semaphore, #tpu.memory_space<semaphore_mem>>) src(%dma_wait3A_31 : memref<10112x128xf32, #tpu.memory_space<hbm>>) dst(%arg16 : memref<80x128xf32, #tpu.memory_space<vmem>>)
    %dma_wait3A_32 = tpu.memref_slice %arg4[%mul3A_2] : memref<327680xi32, #tpu.memory_space<hbm>> -> memref<80xi32, #tpu.memory_space<hbm>>
    %dma_wait3A_33 = tpu.memref_slice %arg4[%mul3A_2] : memref<327680xi32, #tpu.memory_space<hbm>> -> memref<80xi32, #tpu.memory_space<hbm>>
    tpu.wait_dma2 semaphore(%arg33 : memref<!tpu.dma_semaphore, #tpu.memory_space<semaphore_mem>>) src(%dma_wait3A_33 : memref<80xi32, #tpu.memory_space<hbm>>) dst(%arg12 : memref<80xi32, #tpu.memory_space<vmem>>)
    %dma_wait3A_34 = arith.constant 0 : i32
    %dma_wait3A_35 = arith.constant 0 : i32
    %dma_wait3A_36 = tpu.memref_slice %arg19[%dma_wait3A_34, %dma_wait3A_35] : memref<10112x128xf32, #tpu.memory_space<vmem_shared>> -> memref<10112x128xf32, #tpu.memory_space<vmem_shared>>
    tpu.wait_indirect_dma semaphore(%arg26 : memref<!tpu.dma_semaphore, #tpu.memory_space<semaphore_mem>>) src(%arg17 : memref<80x128xf32, #tpu.memory_space<vmem>>) dst(%dma_wait3A_36 : memref<10112x128xf32, #tpu.memory_space<vmem_shared>>)
    %dma_wait3A_37 = arith.constant 0 : i32
    %dma_wait3A_38 = arith.constant 0 : i32
    %dma_wait3A_39 = tpu.memref_slice %arg19[%dma_wait3A_37, %dma_wait3A_38] : memref<10112x128xf32, #tpu.memory_space<vmem_shared>> -> memref<10112x128xf32, #tpu.memory_space<vmem_shared>>
    tpu.wait_indirect_dma semaphore(%arg27 : memref<!tpu.dma_semaphore, #tpu.memory_space<semaphore_mem>>) src(%arg18 : memref<80x128xf32, #tpu.memory_space<vmem>>) dst(%dma_wait3A_39 : memref<10112x128xf32, #tpu.memory_space<vmem_shared>>)
    %barrier3A_40 = arith.constant 0 : index
    tpu.barrier barrier_id(%barrier3A_40)
    %mul3A_41 = arith.constant 632 : i32
    %mul3A_42 = arith.muli %arg1, %mul3A_41 : i32
    %mul3A_43 = arith.constant 10112 : i32
    %mul3A_44 = arith.muli %arg0, %mul3A_43 : i32
    %mul3A_45 = arith.constant 632 : i32
    %mul3A_46 = arith.muli %arg1, %mul3A_45 : i32
    %add3A_47 = arith.addi %mul3A_44, %mul3A_46 : i32
    "tpu.region"() ({
      %run_scoped3A = tpu.sem_alloc : memref<!tpu.dma_semaphore, #tpu.memory_space<semaphore_mem>>
      %dma_start3A_48 = arith.constant 0 : i32
      %dma_start3A_49 = tpu.memref_slice %arg6[%add3A_47, %dma_start3A_48] : memref<20224x128xf32, #tpu.memory_space<hbm>> -> memref<632x128xf32, #tpu.memory_space<hbm>>
      %dma_start3A_50 = arith.constant 0 : i32
      %dma_start3A_51 = tpu.memref_slice %arg19[%mul3A_42, %dma_start3A_50] : memref<10112x128xf32, #tpu.memory_space<vmem_shared>> -> memref<632x128xf32, #tpu.memory_space<vmem_shared>>
      tpu.enqueue_dma source(%dma_start3A_51 : memref<632x128xf32, #tpu.memory_space<vmem_shared>>) target(%dma_start3A_49 : memref<632x128xf32, #tpu.memory_space<hbm>>) target_semaphore(%run_scoped3A : memref<!tpu.dma_semaphore, #tpu.memory_space<semaphore_mem>>)
      %dma_wait3A_52 = arith.constant 0 : i32
      %dma_wait3A_53 = tpu.memref_slice %arg6[%add3A_47, %dma_wait3A_52] : memref<20224x128xf32, #tpu.memory_space<hbm>> -> memref<632x128xf32, #tpu.memory_space<hbm>>
      %dma_wait3A_54 = arith.constant 0 : i32
      %dma_wait3A_55 = tpu.memref_slice %arg19[%mul3A_42, %dma_wait3A_54] : memref<10112x128xf32, #tpu.memory_space<vmem_shared>> -> memref<632x128xf32, #tpu.memory_space<vmem_shared>>
      tpu.wait_dma2 semaphore(%run_scoped3A : memref<!tpu.dma_semaphore, #tpu.memory_space<semaphore_mem>>) src(%dma_wait3A_55 : memref<632x128xf32, #tpu.memory_space<vmem_shared>>) dst(%dma_wait3A_53 : memref<632x128xf32, #tpu.memory_space<hbm>>)
      tpu.yield
    }) : () -> ()
    return
  }
}

#map = affine_map<(d0, d1) -> (0, 0)>
#map1 = affine_map<(d0, d1) -> (0)>
module attributes {stable_mosaic.version = 14 : i64} {
  func.func @_pairs_body(%arg0: i32, %arg1: i32, %arg2: memref<10112x128xf32, #tpu.memory_space<hbm>>, %arg3: memref<10112x128xf32, #tpu.memory_space<hbm>>, %arg4: memref<10112x128xf32, #tpu.memory_space<hbm>>, %arg5: memref<10112x128xf32, #tpu.memory_space<hbm>>, %arg6: memref<4096xi32, #tpu.memory_space<hbm>>, %arg7: memref<4096xi32, #tpu.memory_space<hbm>>, %arg8: memref<4096x128xf32, #tpu.memory_space<hbm>>, %arg9: memref<4096x128xf32, #tpu.memory_space<hbm>>, %arg10: memref<4096x128xf32, #tpu.memory_space<hbm>>, %arg11: memref<4096x128xf32, #tpu.memory_space<hbm>>, %arg12: memref<4096x128xf32, #tpu.memory_space<hbm>>, %arg13: memref<4096x128xf32, #tpu.memory_space<hbm>>, %arg14: memref<4096x128xf32, #tpu.memory_space<hbm>>, %arg15: memref<4096x128xf32, #tpu.memory_space<hbm>>, %arg16: memref<128xi32, #tpu.memory_space<vmem>>, %arg17: memref<128xi32, #tpu.memory_space<vmem>>, %arg18: memref<128x128xf32, #tpu.memory_space<vmem>>, %arg19: memref<!tpu.dma_semaphore, #tpu.memory_space<semaphore_mem>>) attributes {dimension_semantics = [#tpu.dimension_semantics<core_parallel>, #tpu.dimension_semantics<subcore_parallel>], iteration_bounds = array<i64: 2, 16>, scalar_prefetch = 0 : i64, scratch_operands = 4 : i64, tpu.core_type = #tpu.core_type<sc_vector_subcore>, window_params = [{transform_indices = #map}, {transform_indices = #map}, {transform_indices = #map}, {transform_indices = #map}, {transform_indices = #map1}, {transform_indices = #map1}, {transform_indices = #map}, {transform_indices = #map}, {transform_indices = #map}, {transform_indices = #map}, {transform_indices = #map}, {transform_indices = #map}, {transform_indices = #map}, {transform_indices = #map}]} {
    %mul3A = arith.constant 2 : i32
    %mul3A_0 = arith.muli %arg1, %mul3A : i32
    %add3A = arith.addi %mul3A_0, %arg0 : i32
    %mul3A_1 = arith.constant 128 : i32
    %mul3A_2 = arith.muli %add3A, %mul3A_1 : i32
    "tpu.region"() ({
      %run_scoped3A = tpu.sem_alloc : memref<!tpu.dma_semaphore, #tpu.memory_space<semaphore_mem>>
      %dma_start3A_49 = tpu.memref_slice %arg6[%mul3A_2] : memref<4096xi32, #tpu.memory_space<hbm>> -> memref<128xi32, #tpu.memory_space<hbm>>
      %dma_start3A_50 = tpu.memref_slice %arg6[%mul3A_2] : memref<4096xi32, #tpu.memory_space<hbm>> -> memref<128xi32, #tpu.memory_space<hbm>>
      tpu.enqueue_dma source(%dma_start3A_50 : memref<128xi32, #tpu.memory_space<hbm>>) target(%arg16 : memref<128xi32, #tpu.memory_space<vmem>>) target_semaphore(%run_scoped3A : memref<!tpu.dma_semaphore, #tpu.memory_space<semaphore_mem>>)
      %dma_wait3A_51 = tpu.memref_slice %arg6[%mul3A_2] : memref<4096xi32, #tpu.memory_space<hbm>> -> memref<128xi32, #tpu.memory_space<hbm>>
      %dma_wait3A_52 = tpu.memref_slice %arg6[%mul3A_2] : memref<4096xi32, #tpu.memory_space<hbm>> -> memref<128xi32, #tpu.memory_space<hbm>>
      tpu.wait_dma2 semaphore(%run_scoped3A : memref<!tpu.dma_semaphore, #tpu.memory_space<semaphore_mem>>) src(%dma_wait3A_52 : memref<128xi32, #tpu.memory_space<hbm>>) dst(%arg16 : memref<128xi32, #tpu.memory_space<vmem>>)
      tpu.yield
    }) : () -> ()
    "tpu.region"() ({
      %run_scoped3A = tpu.sem_alloc : memref<!tpu.dma_semaphore, #tpu.memory_space<semaphore_mem>>
      %dma_start3A_49 = tpu.memref_slice %arg7[%mul3A_2] : memref<4096xi32, #tpu.memory_space<hbm>> -> memref<128xi32, #tpu.memory_space<hbm>>
      %dma_start3A_50 = tpu.memref_slice %arg7[%mul3A_2] : memref<4096xi32, #tpu.memory_space<hbm>> -> memref<128xi32, #tpu.memory_space<hbm>>
      tpu.enqueue_dma source(%dma_start3A_50 : memref<128xi32, #tpu.memory_space<hbm>>) target(%arg17 : memref<128xi32, #tpu.memory_space<vmem>>) target_semaphore(%run_scoped3A : memref<!tpu.dma_semaphore, #tpu.memory_space<semaphore_mem>>)
      %dma_wait3A_51 = tpu.memref_slice %arg7[%mul3A_2] : memref<4096xi32, #tpu.memory_space<hbm>> -> memref<128xi32, #tpu.memory_space<hbm>>
      %dma_wait3A_52 = tpu.memref_slice %arg7[%mul3A_2] : memref<4096xi32, #tpu.memory_space<hbm>> -> memref<128xi32, #tpu.memory_space<hbm>>
      tpu.wait_dma2 semaphore(%run_scoped3A : memref<!tpu.dma_semaphore, #tpu.memory_space<semaphore_mem>>) src(%dma_wait3A_52 : memref<128xi32, #tpu.memory_space<hbm>>) dst(%arg17 : memref<128xi32, #tpu.memory_space<vmem>>)
      tpu.yield
    }) : () -> ()
    %dma_start3A = arith.constant 0 : i32
    %dma_start3A_3 = arith.constant 0 : i32
    %dma_start3A_4 = tpu.memref_slice %arg2[%dma_start3A, %dma_start3A_3] : memref<10112x128xf32, #tpu.memory_space<hbm>> -> memref<10112x128xf32, #tpu.memory_space<hbm>>
    tpu.enqueue_indirect_dma source(%dma_start3A_4 : memref<10112x128xf32, #tpu.memory_space<hbm>>) target(%arg18 : memref<128x128xf32, #tpu.memory_space<vmem>>) offsets(%arg16 : memref<128xi32, #tpu.memory_space<vmem>>) semaphore(%arg19 : memref<!tpu.dma_semaphore, #tpu.memory_space<semaphore_mem>>)
    %dma_wait3A = arith.constant 0 : i32
    %dma_wait3A_5 = arith.constant 0 : i32
    %dma_wait3A_6 = tpu.memref_slice %arg2[%dma_wait3A, %dma_wait3A_5] : memref<10112x128xf32, #tpu.memory_space<hbm>> -> memref<10112x128xf32, #tpu.memory_space<hbm>>
    tpu.wait_indirect_dma semaphore(%arg19 : memref<!tpu.dma_semaphore, #tpu.memory_space<semaphore_mem>>) src(%dma_wait3A_6 : memref<10112x128xf32, #tpu.memory_space<hbm>>) dst(%arg18 : memref<128x128xf32, #tpu.memory_space<vmem>>)
    "tpu.region"() ({
      %run_scoped3A = tpu.sem_alloc : memref<!tpu.dma_semaphore, #tpu.memory_space<semaphore_mem>>
      %dma_start3A_49 = arith.constant 0 : i32
      %dma_start3A_50 = tpu.memref_slice %arg8[%mul3A_2, %dma_start3A_49] : memref<4096x128xf32, #tpu.memory_space<hbm>> -> memref<128x128xf32, #tpu.memory_space<hbm>>
      %dma_start3A_51 = arith.constant 0 : i32
      %dma_start3A_52 = tpu.memref_slice %arg8[%mul3A_2, %dma_start3A_51] : memref<4096x128xf32, #tpu.memory_space<hbm>> -> memref<128x128xf32, #tpu.memory_space<hbm>>
      tpu.enqueue_dma source(%arg18 : memref<128x128xf32, #tpu.memory_space<vmem>>) target(%dma_start3A_52 : memref<128x128xf32, #tpu.memory_space<hbm>>) target_semaphore(%run_scoped3A : memref<!tpu.dma_semaphore, #tpu.memory_space<semaphore_mem>>)
      %dma_wait3A_53 = arith.constant 0 : i32
      %dma_wait3A_54 = tpu.memref_slice %arg8[%mul3A_2, %dma_wait3A_53] : memref<4096x128xf32, #tpu.memory_space<hbm>> -> memref<128x128xf32, #tpu.memory_space<hbm>>
      %dma_wait3A_55 = arith.constant 0 : i32
      %dma_wait3A_56 = tpu.memref_slice %arg8[%mul3A_2, %dma_wait3A_55] : memref<4096x128xf32, #tpu.memory_space<hbm>> -> memref<128x128xf32, #tpu.memory_space<hbm>>
      tpu.wait_dma2 semaphore(%run_scoped3A : memref<!tpu.dma_semaphore, #tpu.memory_space<semaphore_mem>>) src(%arg18 : memref<128x128xf32, #tpu.memory_space<vmem>>) dst(%dma_wait3A_56 : memref<128x128xf32, #tpu.memory_space<hbm>>)
      tpu.yield
    }) : () -> ()
    %dma_start3A_7 = arith.constant 0 : i32
    %dma_start3A_8 = arith.constant 0 : i32
    %dma_start3A_9 = tpu.memref_slice %arg2[%dma_start3A_7, %dma_start3A_8] : memref<10112x128xf32, #tpu.memory_space<hbm>> -> memref<10112x128xf32, #tpu.memory_space<hbm>>
    tpu.enqueue_indirect_dma source(%dma_start3A_9 : memref<10112x128xf32, #tpu.memory_space<hbm>>) target(%arg18 : memref<128x128xf32, #tpu.memory_space<vmem>>) offsets(%arg17 : memref<128xi32, #tpu.memory_space<vmem>>) semaphore(%arg19 : memref<!tpu.dma_semaphore, #tpu.memory_space<semaphore_mem>>)
    %dma_wait3A_10 = arith.constant 0 : i32
    %dma_wait3A_11 = arith.constant 0 : i32
    %dma_wait3A_12 = tpu.memref_slice %arg2[%dma_wait3A_10, %dma_wait3A_11] : memref<10112x128xf32, #tpu.memory_space<hbm>> -> memref<10112x128xf32, #tpu.memory_space<hbm>>
    tpu.wait_indirect_dma semaphore(%arg19 : memref<!tpu.dma_semaphore, #tpu.memory_space<semaphore_mem>>) src(%dma_wait3A_12 : memref<10112x128xf32, #tpu.memory_space<hbm>>) dst(%arg18 : memref<128x128xf32, #tpu.memory_space<vmem>>)
    "tpu.region"() ({
      %run_scoped3A = tpu.sem_alloc : memref<!tpu.dma_semaphore, #tpu.memory_space<semaphore_mem>>
      %dma_start3A_49 = arith.constant 0 : i32
      %dma_start3A_50 = tpu.memref_slice %arg12[%mul3A_2, %dma_start3A_49] : memref<4096x128xf32, #tpu.memory_space<hbm>> -> memref<128x128xf32, #tpu.memory_space<hbm>>
      %dma_start3A_51 = arith.constant 0 : i32
      %dma_start3A_52 = tpu.memref_slice %arg12[%mul3A_2, %dma_start3A_51] : memref<4096x128xf32, #tpu.memory_space<hbm>> -> memref<128x128xf32, #tpu.memory_space<hbm>>
      tpu.enqueue_dma source(%arg18 : memref<128x128xf32, #tpu.memory_space<vmem>>) target(%dma_start3A_52 : memref<128x128xf32, #tpu.memory_space<hbm>>) target_semaphore(%run_scoped3A : memref<!tpu.dma_semaphore, #tpu.memory_space<semaphore_mem>>)
      %dma_wait3A_53 = arith.constant 0 : i32
      %dma_wait3A_54 = tpu.memref_slice %arg12[%mul3A_2, %dma_wait3A_53] : memref<4096x128xf32, #tpu.memory_space<hbm>> -> memref<128x128xf32, #tpu.memory_space<hbm>>
      %dma_wait3A_55 = arith.constant 0 : i32
      %dma_wait3A_56 = tpu.memref_slice %arg12[%mul3A_2, %dma_wait3A_55] : memref<4096x128xf32, #tpu.memory_space<hbm>> -> memref<128x128xf32, #tpu.memory_space<hbm>>
      tpu.wait_dma2 semaphore(%run_scoped3A : memref<!tpu.dma_semaphore, #tpu.memory_space<semaphore_mem>>) src(%arg18 : memref<128x128xf32, #tpu.memory_space<vmem>>) dst(%dma_wait3A_56 : memref<128x128xf32, #tpu.memory_space<hbm>>)
      tpu.yield
    }) : () -> ()
    %dma_start3A_13 = arith.constant 0 : i32
    %dma_start3A_14 = arith.constant 0 : i32
    %dma_start3A_15 = tpu.memref_slice %arg3[%dma_start3A_13, %dma_start3A_14] : memref<10112x128xf32, #tpu.memory_space<hbm>> -> memref<10112x128xf32, #tpu.memory_space<hbm>>
    tpu.enqueue_indirect_dma source(%dma_start3A_15 : memref<10112x128xf32, #tpu.memory_space<hbm>>) target(%arg18 : memref<128x128xf32, #tpu.memory_space<vmem>>) offsets(%arg16 : memref<128xi32, #tpu.memory_space<vmem>>) semaphore(%arg19 : memref<!tpu.dma_semaphore, #tpu.memory_space<semaphore_mem>>)
    %dma_wait3A_16 = arith.constant 0 : i32
    %dma_wait3A_17 = arith.constant 0 : i32
    %dma_wait3A_18 = tpu.memref_slice %arg3[%dma_wait3A_16, %dma_wait3A_17] : memref<10112x128xf32, #tpu.memory_space<hbm>> -> memref<10112x128xf32, #tpu.memory_space<hbm>>
    tpu.wait_indirect_dma semaphore(%arg19 : memref<!tpu.dma_semaphore, #tpu.memory_space<semaphore_mem>>) src(%dma_wait3A_18 : memref<10112x128xf32, #tpu.memory_space<hbm>>) dst(%arg18 : memref<128x128xf32, #tpu.memory_space<vmem>>)
    "tpu.region"() ({
      %run_scoped3A = tpu.sem_alloc : memref<!tpu.dma_semaphore, #tpu.memory_space<semaphore_mem>>
      %dma_start3A_49 = arith.constant 0 : i32
      %dma_start3A_50 = tpu.memref_slice %arg9[%mul3A_2, %dma_start3A_49] : memref<4096x128xf32, #tpu.memory_space<hbm>> -> memref<128x128xf32, #tpu.memory_space<hbm>>
      %dma_start3A_51 = arith.constant 0 : i32
      %dma_start3A_52 = tpu.memref_slice %arg9[%mul3A_2, %dma_start3A_51] : memref<4096x128xf32, #tpu.memory_space<hbm>> -> memref<128x128xf32, #tpu.memory_space<hbm>>
      tpu.enqueue_dma source(%arg18 : memref<128x128xf32, #tpu.memory_space<vmem>>) target(%dma_start3A_52 : memref<128x128xf32, #tpu.memory_space<hbm>>) target_semaphore(%run_scoped3A : memref<!tpu.dma_semaphore, #tpu.memory_space<semaphore_mem>>)
      %dma_wait3A_53 = arith.constant 0 : i32
      %dma_wait3A_54 = tpu.memref_slice %arg9[%mul3A_2, %dma_wait3A_53] : memref<4096x128xf32, #tpu.memory_space<hbm>> -> memref<128x128xf32, #tpu.memory_space<hbm>>
      %dma_wait3A_55 = arith.constant 0 : i32
      %dma_wait3A_56 = tpu.memref_slice %arg9[%mul3A_2, %dma_wait3A_55] : memref<4096x128xf32, #tpu.memory_space<hbm>> -> memref<128x128xf32, #tpu.memory_space<hbm>>
      tpu.wait_dma2 semaphore(%run_scoped3A : memref<!tpu.dma_semaphore, #tpu.memory_space<semaphore_mem>>) src(%arg18 : memref<128x128xf32, #tpu.memory_space<vmem>>) dst(%dma_wait3A_56 : memref<128x128xf32, #tpu.memory_space<hbm>>)
      tpu.yield
    }) : () -> ()
    %dma_start3A_19 = arith.constant 0 : i32
    %dma_start3A_20 = arith.constant 0 : i32
    %dma_start3A_21 = tpu.memref_slice %arg3[%dma_start3A_19, %dma_start3A_20] : memref<10112x128xf32, #tpu.memory_space<hbm>> -> memref<10112x128xf32, #tpu.memory_space<hbm>>
    tpu.enqueue_indirect_dma source(%dma_start3A_21 : memref<10112x128xf32, #tpu.memory_space<hbm>>) target(%arg18 : memref<128x128xf32, #tpu.memory_space<vmem>>) offsets(%arg17 : memref<128xi32, #tpu.memory_space<vmem>>) semaphore(%arg19 : memref<!tpu.dma_semaphore, #tpu.memory_space<semaphore_mem>>)
    %dma_wait3A_22 = arith.constant 0 : i32
    %dma_wait3A_23 = arith.constant 0 : i32
    %dma_wait3A_24 = tpu.memref_slice %arg3[%dma_wait3A_22, %dma_wait3A_23] : memref<10112x128xf32, #tpu.memory_space<hbm>> -> memref<10112x128xf32, #tpu.memory_space<hbm>>
    tpu.wait_indirect_dma semaphore(%arg19 : memref<!tpu.dma_semaphore, #tpu.memory_space<semaphore_mem>>) src(%dma_wait3A_24 : memref<10112x128xf32, #tpu.memory_space<hbm>>) dst(%arg18 : memref<128x128xf32, #tpu.memory_space<vmem>>)
    "tpu.region"() ({
      %run_scoped3A = tpu.sem_alloc : memref<!tpu.dma_semaphore, #tpu.memory_space<semaphore_mem>>
      %dma_start3A_49 = arith.constant 0 : i32
      %dma_start3A_50 = tpu.memref_slice %arg13[%mul3A_2, %dma_start3A_49] : memref<4096x128xf32, #tpu.memory_space<hbm>> -> memref<128x128xf32, #tpu.memory_space<hbm>>
      %dma_start3A_51 = arith.constant 0 : i32
      %dma_start3A_52 = tpu.memref_slice %arg13[%mul3A_2, %dma_start3A_51] : memref<4096x128xf32, #tpu.memory_space<hbm>> -> memref<128x128xf32, #tpu.memory_space<hbm>>
      tpu.enqueue_dma source(%arg18 : memref<128x128xf32, #tpu.memory_space<vmem>>) target(%dma_start3A_52 : memref<128x128xf32, #tpu.memory_space<hbm>>) target_semaphore(%run_scoped3A : memref<!tpu.dma_semaphore, #tpu.memory_space<semaphore_mem>>)
      %dma_wait3A_53 = arith.constant 0 : i32
      %dma_wait3A_54 = tpu.memref_slice %arg13[%mul3A_2, %dma_wait3A_53] : memref<4096x128xf32, #tpu.memory_space<hbm>> -> memref<128x128xf32, #tpu.memory_space<hbm>>
      %dma_wait3A_55 = arith.constant 0 : i32
      %dma_wait3A_56 = tpu.memref_slice %arg13[%mul3A_2, %dma_wait3A_55] : memref<4096x128xf32, #tpu.memory_space<hbm>> -> memref<128x128xf32, #tpu.memory_space<hbm>>
      tpu.wait_dma2 semaphore(%run_scoped3A : memref<!tpu.dma_semaphore, #tpu.memory_space<semaphore_mem>>) src(%arg18 : memref<128x128xf32, #tpu.memory_space<vmem>>) dst(%dma_wait3A_56 : memref<128x128xf32, #tpu.memory_space<hbm>>)
      tpu.yield
    }) : () -> ()
    %dma_start3A_25 = arith.constant 0 : i32
    %dma_start3A_26 = arith.constant 0 : i32
    %dma_start3A_27 = tpu.memref_slice %arg4[%dma_start3A_25, %dma_start3A_26] : memref<10112x128xf32, #tpu.memory_space<hbm>> -> memref<10112x128xf32, #tpu.memory_space<hbm>>
    tpu.enqueue_indirect_dma source(%dma_start3A_27 : memref<10112x128xf32, #tpu.memory_space<hbm>>) target(%arg18 : memref<128x128xf32, #tpu.memory_space<vmem>>) offsets(%arg16 : memref<128xi32, #tpu.memory_space<vmem>>) semaphore(%arg19 : memref<!tpu.dma_semaphore, #tpu.memory_space<semaphore_mem>>)
    %dma_wait3A_28 = arith.constant 0 : i32
    %dma_wait3A_29 = arith.constant 0 : i32
    %dma_wait3A_30 = tpu.memref_slice %arg4[%dma_wait3A_28, %dma_wait3A_29] : memref<10112x128xf32, #tpu.memory_space<hbm>> -> memref<10112x128xf32, #tpu.memory_space<hbm>>
    tpu.wait_indirect_dma semaphore(%arg19 : memref<!tpu.dma_semaphore, #tpu.memory_space<semaphore_mem>>) src(%dma_wait3A_30 : memref<10112x128xf32, #tpu.memory_space<hbm>>) dst(%arg18 : memref<128x128xf32, #tpu.memory_space<vmem>>)
    "tpu.region"() ({
      %run_scoped3A = tpu.sem_alloc : memref<!tpu.dma_semaphore, #tpu.memory_space<semaphore_mem>>
      %dma_start3A_49 = arith.constant 0 : i32
      %dma_start3A_50 = tpu.memref_slice %arg10[%mul3A_2, %dma_start3A_49] : memref<4096x128xf32, #tpu.memory_space<hbm>> -> memref<128x128xf32, #tpu.memory_space<hbm>>
      %dma_start3A_51 = arith.constant 0 : i32
      %dma_start3A_52 = tpu.memref_slice %arg10[%mul3A_2, %dma_start3A_51] : memref<4096x128xf32, #tpu.memory_space<hbm>> -> memref<128x128xf32, #tpu.memory_space<hbm>>
      tpu.enqueue_dma source(%arg18 : memref<128x128xf32, #tpu.memory_space<vmem>>) target(%dma_start3A_52 : memref<128x128xf32, #tpu.memory_space<hbm>>) target_semaphore(%run_scoped3A : memref<!tpu.dma_semaphore, #tpu.memory_space<semaphore_mem>>)
      %dma_wait3A_53 = arith.constant 0 : i32
      %dma_wait3A_54 = tpu.memref_slice %arg10[%mul3A_2, %dma_wait3A_53] : memref<4096x128xf32, #tpu.memory_space<hbm>> -> memref<128x128xf32, #tpu.memory_space<hbm>>
      %dma_wait3A_55 = arith.constant 0 : i32
      %dma_wait3A_56 = tpu.memref_slice %arg10[%mul3A_2, %dma_wait3A_55] : memref<4096x128xf32, #tpu.memory_space<hbm>> -> memref<128x128xf32, #tpu.memory_space<hbm>>
      tpu.wait_dma2 semaphore(%run_scoped3A : memref<!tpu.dma_semaphore, #tpu.memory_space<semaphore_mem>>) src(%arg18 : memref<128x128xf32, #tpu.memory_space<vmem>>) dst(%dma_wait3A_56 : memref<128x128xf32, #tpu.memory_space<hbm>>)
      tpu.yield
    }) : () -> ()
    %dma_start3A_31 = arith.constant 0 : i32
    %dma_start3A_32 = arith.constant 0 : i32
    %dma_start3A_33 = tpu.memref_slice %arg4[%dma_start3A_31, %dma_start3A_32] : memref<10112x128xf32, #tpu.memory_space<hbm>> -> memref<10112x128xf32, #tpu.memory_space<hbm>>
    tpu.enqueue_indirect_dma source(%dma_start3A_33 : memref<10112x128xf32, #tpu.memory_space<hbm>>) target(%arg18 : memref<128x128xf32, #tpu.memory_space<vmem>>) offsets(%arg17 : memref<128xi32, #tpu.memory_space<vmem>>) semaphore(%arg19 : memref<!tpu.dma_semaphore, #tpu.memory_space<semaphore_mem>>)
    %dma_wait3A_34 = arith.constant 0 : i32
    %dma_wait3A_35 = arith.constant 0 : i32
    %dma_wait3A_36 = tpu.memref_slice %arg4[%dma_wait3A_34, %dma_wait3A_35] : memref<10112x128xf32, #tpu.memory_space<hbm>> -> memref<10112x128xf32, #tpu.memory_space<hbm>>
    tpu.wait_indirect_dma semaphore(%arg19 : memref<!tpu.dma_semaphore, #tpu.memory_space<semaphore_mem>>) src(%dma_wait3A_36 : memref<10112x128xf32, #tpu.memory_space<hbm>>) dst(%arg18 : memref<128x128xf32, #tpu.memory_space<vmem>>)
    "tpu.region"() ({
      %run_scoped3A = tpu.sem_alloc : memref<!tpu.dma_semaphore, #tpu.memory_space<semaphore_mem>>
      %dma_start3A_49 = arith.constant 0 : i32
      %dma_start3A_50 = tpu.memref_slice %arg14[%mul3A_2, %dma_start3A_49] : memref<4096x128xf32, #tpu.memory_space<hbm>> -> memref<128x128xf32, #tpu.memory_space<hbm>>
      %dma_start3A_51 = arith.constant 0 : i32
      %dma_start3A_52 = tpu.memref_slice %arg14[%mul3A_2, %dma_start3A_51] : memref<4096x128xf32, #tpu.memory_space<hbm>> -> memref<128x128xf32, #tpu.memory_space<hbm>>
      tpu.enqueue_dma source(%arg18 : memref<128x128xf32, #tpu.memory_space<vmem>>) target(%dma_start3A_52 : memref<128x128xf32, #tpu.memory_space<hbm>>) target_semaphore(%run_scoped3A : memref<!tpu.dma_semaphore, #tpu.memory_space<semaphore_mem>>)
      %dma_wait3A_53 = arith.constant 0 : i32
      %dma_wait3A_54 = tpu.memref_slice %arg14[%mul3A_2, %dma_wait3A_53] : memref<4096x128xf32, #tpu.memory_space<hbm>> -> memref<128x128xf32, #tpu.memory_space<hbm>>
      %dma_wait3A_55 = arith.constant 0 : i32
      %dma_wait3A_56 = tpu.memref_slice %arg14[%mul3A_2, %dma_wait3A_55] : memref<4096x128xf32, #tpu.memory_space<hbm>> -> memref<128x128xf32, #tpu.memory_space<hbm>>
      tpu.wait_dma2 semaphore(%run_scoped3A : memref<!tpu.dma_semaphore, #tpu.memory_space<semaphore_mem>>) src(%arg18 : memref<128x128xf32, #tpu.memory_space<vmem>>) dst(%dma_wait3A_56 : memref<128x128xf32, #tpu.memory_space<hbm>>)
      tpu.yield
    }) : () -> ()
    %dma_start3A_37 = arith.constant 0 : i32
    %dma_start3A_38 = arith.constant 0 : i32
    %dma_start3A_39 = tpu.memref_slice %arg5[%dma_start3A_37, %dma_start3A_38] : memref<10112x128xf32, #tpu.memory_space<hbm>> -> memref<10112x128xf32, #tpu.memory_space<hbm>>
    tpu.enqueue_indirect_dma source(%dma_start3A_39 : memref<10112x128xf32, #tpu.memory_space<hbm>>) target(%arg18 : memref<128x128xf32, #tpu.memory_space<vmem>>) offsets(%arg16 : memref<128xi32, #tpu.memory_space<vmem>>) semaphore(%arg19 : memref<!tpu.dma_semaphore, #tpu.memory_space<semaphore_mem>>)
    %dma_wait3A_40 = arith.constant 0 : i32
    %dma_wait3A_41 = arith.constant 0 : i32
    %dma_wait3A_42 = tpu.memref_slice %arg5[%dma_wait3A_40, %dma_wait3A_41] : memref<10112x128xf32, #tpu.memory_space<hbm>> -> memref<10112x128xf32, #tpu.memory_space<hbm>>
    tpu.wait_indirect_dma semaphore(%arg19 : memref<!tpu.dma_semaphore, #tpu.memory_space<semaphore_mem>>) src(%dma_wait3A_42 : memref<10112x128xf32, #tpu.memory_space<hbm>>) dst(%arg18 : memref<128x128xf32, #tpu.memory_space<vmem>>)
    "tpu.region"() ({
      %run_scoped3A = tpu.sem_alloc : memref<!tpu.dma_semaphore, #tpu.memory_space<semaphore_mem>>
      %dma_start3A_49 = arith.constant 0 : i32
      %dma_start3A_50 = tpu.memref_slice %arg11[%mul3A_2, %dma_start3A_49] : memref<4096x128xf32, #tpu.memory_space<hbm>> -> memref<128x128xf32, #tpu.memory_space<hbm>>
      %dma_start3A_51 = arith.constant 0 : i32
      %dma_start3A_52 = tpu.memref_slice %arg11[%mul3A_2, %dma_start3A_51] : memref<4096x128xf32, #tpu.memory_space<hbm>> -> memref<128x128xf32, #tpu.memory_space<hbm>>
      tpu.enqueue_dma source(%arg18 : memref<128x128xf32, #tpu.memory_space<vmem>>) target(%dma_start3A_52 : memref<128x128xf32, #tpu.memory_space<hbm>>) target_semaphore(%run_scoped3A : memref<!tpu.dma_semaphore, #tpu.memory_space<semaphore_mem>>)
      %dma_wait3A_53 = arith.constant 0 : i32
      %dma_wait3A_54 = tpu.memref_slice %arg11[%mul3A_2, %dma_wait3A_53] : memref<4096x128xf32, #tpu.memory_space<hbm>> -> memref<128x128xf32, #tpu.memory_space<hbm>>
      %dma_wait3A_55 = arith.constant 0 : i32
      %dma_wait3A_56 = tpu.memref_slice %arg11[%mul3A_2, %dma_wait3A_55] : memref<4096x128xf32, #tpu.memory_space<hbm>> -> memref<128x128xf32, #tpu.memory_space<hbm>>
      tpu.wait_dma2 semaphore(%run_scoped3A : memref<!tpu.dma_semaphore, #tpu.memory_space<semaphore_mem>>) src(%arg18 : memref<128x128xf32, #tpu.memory_space<vmem>>) dst(%dma_wait3A_56 : memref<128x128xf32, #tpu.memory_space<hbm>>)
      tpu.yield
    }) : () -> ()
    %dma_start3A_43 = arith.constant 0 : i32
    %dma_start3A_44 = arith.constant 0 : i32
    %dma_start3A_45 = tpu.memref_slice %arg5[%dma_start3A_43, %dma_start3A_44] : memref<10112x128xf32, #tpu.memory_space<hbm>> -> memref<10112x128xf32, #tpu.memory_space<hbm>>
    tpu.enqueue_indirect_dma source(%dma_start3A_45 : memref<10112x128xf32, #tpu.memory_space<hbm>>) target(%arg18 : memref<128x128xf32, #tpu.memory_space<vmem>>) offsets(%arg17 : memref<128xi32, #tpu.memory_space<vmem>>) semaphore(%arg19 : memref<!tpu.dma_semaphore, #tpu.memory_space<semaphore_mem>>)
    %dma_wait3A_46 = arith.constant 0 : i32
    %dma_wait3A_47 = arith.constant 0 : i32
    %dma_wait3A_48 = tpu.memref_slice %arg5[%dma_wait3A_46, %dma_wait3A_47] : memref<10112x128xf32, #tpu.memory_space<hbm>> -> memref<10112x128xf32, #tpu.memory_space<hbm>>
    tpu.wait_indirect_dma semaphore(%arg19 : memref<!tpu.dma_semaphore, #tpu.memory_space<semaphore_mem>>) src(%dma_wait3A_48 : memref<10112x128xf32, #tpu.memory_space<hbm>>) dst(%arg18 : memref<128x128xf32, #tpu.memory_space<vmem>>)
    "tpu.region"() ({
      %run_scoped3A = tpu.sem_alloc : memref<!tpu.dma_semaphore, #tpu.memory_space<semaphore_mem>>
      %dma_start3A_49 = arith.constant 0 : i32
      %dma_start3A_50 = tpu.memref_slice %arg15[%mul3A_2, %dma_start3A_49] : memref<4096x128xf32, #tpu.memory_space<hbm>> -> memref<128x128xf32, #tpu.memory_space<hbm>>
      %dma_start3A_51 = arith.constant 0 : i32
      %dma_start3A_52 = tpu.memref_slice %arg15[%mul3A_2, %dma_start3A_51] : memref<4096x128xf32, #tpu.memory_space<hbm>> -> memref<128x128xf32, #tpu.memory_space<hbm>>
      tpu.enqueue_dma source(%arg18 : memref<128x128xf32, #tpu.memory_space<vmem>>) target(%dma_start3A_52 : memref<128x128xf32, #tpu.memory_space<hbm>>) target_semaphore(%run_scoped3A : memref<!tpu.dma_semaphore, #tpu.memory_space<semaphore_mem>>)
      %dma_wait3A_53 = arith.constant 0 : i32
      %dma_wait3A_54 = tpu.memref_slice %arg15[%mul3A_2, %dma_wait3A_53] : memref<4096x128xf32, #tpu.memory_space<hbm>> -> memref<128x128xf32, #tpu.memory_space<hbm>>
      %dma_wait3A_55 = arith.constant 0 : i32
      %dma_wait3A_56 = tpu.memref_slice %arg15[%mul3A_2, %dma_wait3A_55] : memref<4096x128xf32, #tpu.memory_space<hbm>> -> memref<128x128xf32, #tpu.memory_space<hbm>>
      tpu.wait_dma2 semaphore(%run_scoped3A : memref<!tpu.dma_semaphore, #tpu.memory_space<semaphore_mem>>) src(%arg18 : memref<128x128xf32, #tpu.memory_space<vmem>>) dst(%dma_wait3A_56 : memref<128x128xf32, #tpu.memory_space<hbm>>)
      tpu.yield
    }) : () -> ()
    return
  }
}

module attributes {stable_mosaic.version = 14 : i64} {
  func.func @_prep_body(%arg0: memref<20224x128xf32, #tpu.memory_space<vmem>>, %arg1: memref<10112x128xf32, #tpu.memory_space<vmem>>, %arg2: memref<10112x1xf32, #tpu.memory_space<vmem>>, %arg3: memref<10112x128xf32, #tpu.memory_space<vmem>>) attributes {dimension_semantics = [], scalar_prefetch = 0 : i64, scratch_operands = 0 : i64, tpu.core_type = #tpu.core_type<tc>} {
    %get3A = arith.constant 0 : index
    %get3A_0 = arith.constant 0 : index
    %get3A_1 = vector.load %arg0[%get3A, %get3A_0] : memref<20224x128xf32, #tpu.memory_space<vmem>>, vector<10112x1xf32>
    %get3A_2 = arith.constant 10112 : index
    %get3A_3 = arith.constant 0 : index
    %get3A_4 = vector.load %arg0[%get3A_2, %get3A_3] : memref<20224x128xf32, #tpu.memory_space<vmem>>, vector<10112x1xf32>
    %add3A = arith.addf %get3A_1, %get3A_4 : vector<10112x1xf32>
    %max3A = arith.constant 1.000000e+00 : f32
    %max3A_5 = vector.broadcast %max3A : f32 to vector<10112x1xf32>
    %max3A_6 = arith.maximumf %add3A, %max3A_5 : vector<10112x1xf32>
    %rsqrt3A = math.rsqrt %max3A_6 : vector<10112x1xf32>
    %swap3A = arith.constant 0 : index
    %swap3A_7 = arith.constant 0 : index
    %swap3A_8 = vector.load %arg2[%swap3A, %swap3A_7] : memref<10112x1xf32, #tpu.memory_space<vmem>>, vector<10112x1xf32>
    tpu.vector_store %arg2[%swap3A, %swap3A_7], %rsqrt3A {strides = array<i32>} : memref<10112x1xf32, #tpu.memory_space<vmem>>, vector<10112x1xf32>,
    %get3A_9 = arith.constant 0 : index
    %get3A_10 = arith.constant 0 : index
    %get3A_11 = vector.load %arg1[%get3A_9, %get3A_10] : memref<10112x128xf32, #tpu.memory_space<vmem>>, vector<10112x128xf32>
    %mul3A = vector.broadcast %rsqrt3A : vector<10112x1xf32> to vector<10112x128xf32>
    %mul3A_12 = arith.mulf %get3A_11, %mul3A : vector<10112x128xf32>
    %swap3A_13 = arith.constant 0 : index
    %swap3A_14 = arith.constant 0 : index
    %swap3A_15 = vector.load %arg3[%swap3A_13, %swap3A_14] : memref<10112x128xf32, #tpu.memory_space<vmem>>, vector<10112x128xf32>
    tpu.vector_store %arg3[%swap3A_13, %swap3A_14], %mul3A_12 {strides = array<i32>} : memref<10112x128xf32, #tpu.memory_space<vmem>>, vector<10112x128xf32>,
    return
  }
}

module attributes {stable_mosaic.version = 14 : i64} {
  func.func @_layer_body(%arg0: i32, %arg1: memref<1264x128xf32, #tpu.memory_space<vmem>>, %arg2: memref<1264x128xf32, #tpu.memory_space<vmem>>, %arg3: memref<1264x128xf32, #tpu.memory_space<vmem>>, %arg4: memref<1264x1xf32, #tpu.memory_space<vmem>>, %arg5: memref<128x128xf32, #tpu.memory_space<vmem>>, %arg6: memref<128x128xf32, #tpu.memory_space<vmem>>, %arg7: memref<1264x128xf32, #tpu.memory_space<vmem>>, %arg8: memref<1264x128xf32, #tpu.memory_space<vmem>>) attributes {dimension_semantics = [#tpu.dimension_semantics<arbitrary>], iteration_bounds = array<i64: 8>, scalar_prefetch = 0 : i64, scratch_operands = 0 : i64, tpu.core_type = #tpu.core_type<tc>, window_params = [{transform_indices = @transform_0, window_bounds = array<i64: 1264, 128>}, {transform_indices = @transform_1, window_bounds = array<i64: 1264, 128>}, {transform_indices = @transform_2, window_bounds = array<i64: 1264, 128>}, {transform_indices = @transform_3, window_bounds = array<i64: 1264, 1>}, {pipeline_mode = #tpu.pipeline_mode<synchronous>, transform_indices = @transform_4, window_bounds = array<i64: 128, 128>}, {pipeline_mode = #tpu.pipeline_mode<synchronous>, transform_indices = @transform_5, window_bounds = array<i64: 128, 128>}, {transform_indices = @transform_6, window_bounds = array<i64: 1264, 128>}, {transform_indices = @transform_7, window_bounds = array<i64: 1264, 128>}]} {
    %get3A = arith.constant 0 : index
    %get3A_0 = arith.constant 0 : index
    %get3A_1 = vector.load %arg4[%get3A, %get3A_0] : memref<1264x1xf32, #tpu.memory_space<vmem>>, vector<1264x1xf32>
    %get3A_2 = arith.constant 0 : index
    %get3A_3 = arith.constant 0 : index
    %get3A_4 = vector.load %arg2[%get3A_2, %get3A_3] : memref<1264x128xf32, #tpu.memory_space<vmem>>, vector<1264x128xf32>
    %get3A_5 = arith.constant 0 : index
    %get3A_6 = arith.constant 0 : index
    %get3A_7 = vector.load %arg3[%get3A_5, %get3A_6] : memref<1264x128xf32, #tpu.memory_space<vmem>>, vector<1264x128xf32>
    %add3A = arith.addf %get3A_4, %get3A_7 : vector<1264x128xf32>
    %mul3A = vector.broadcast %get3A_1 : vector<1264x1xf32> to vector<1264x128xf32>
    %mul3A_8 = arith.mulf %mul3A, %add3A : vector<1264x128xf32>
    %get3A_9 = arith.constant 0 : index
    %get3A_10 = arith.constant 0 : index
    %get3A_11 = vector.load %arg1[%get3A_9, %get3A_10] : memref<1264x128xf32, #tpu.memory_space<vmem>>, vector<1264x128xf32>
    %add3A_12 = arith.addf %get3A_11, %mul3A_8 : vector<1264x128xf32>
    %get3A_13 = arith.constant 0 : index
    %get3A_14 = arith.constant 0 : index
    %get3A_15 = vector.load %arg5[%get3A_13, %get3A_14] : memref<128x128xf32, #tpu.memory_space<vmem>>, vector<128x128xf32>
    %dot_general3A = arith.constant dense<0.000000e+00> : vector<1264x128xf32>
    %dot_general3A_16 = tpu.matmul %add3A_12, %get3A_15, %dot_general3A {dimension_numbers = #tpu.dot_dimension_numbers<[1], [0], [0], [1], [0, 0, 1, 1], [], []>, transpose_lhs_hint = false} : vector<1264x128xf32>, vector<128x128xf32>, vector<1264x128xf32> -> vector<1264x128xf32>
    %mul3A_17 = arith.mulf %get3A_11, %mul3A_8 : vector<1264x128xf32>
    %get3A_18 = arith.constant 0 : index
    %get3A_19 = arith.constant 0 : index
    %get3A_20 = vector.load %arg6[%get3A_18, %get3A_19] : memref<128x128xf32, #tpu.memory_space<vmem>>, vector<128x128xf32>
    %dot_general3A_21 = arith.constant dense<0.000000e+00> : vector<1264x128xf32>
    %dot_general3A_22 = tpu.matmul %mul3A_17, %get3A_20, %dot_general3A_21 {dimension_numbers = #tpu.dot_dimension_numbers<[1], [0], [0], [1], [0, 0, 1, 1], [], []>, transpose_lhs_hint = false} : vector<1264x128xf32>, vector<128x128xf32>, vector<1264x128xf32> -> vector<1264x128xf32>
    %add3A_23 = arith.addf %dot_general3A_16, %dot_general3A_22 : vector<1264x128xf32>
    %gt3A = arith.constant 0.000000e+00 : f32
    %gt3A_24 = vector.broadcast %gt3A : f32 to vector<1264x128xf32>
    %gt3A_25 = arith.cmpf ogt, %add3A_23, %gt3A_24 : vector<1264x128xf32>
    %mul3A_26 = arith.constant 0.00999999977 : f32
    %mul3A_27 = vector.broadcast %mul3A_26 : f32 to vector<1264x128xf32>
    %mul3A_28 = arith.mulf %mul3A_27, %add3A_23 : vector<1264x128xf32>
    %select_n3A = arith.select %gt3A_25, %add3A_23, %mul3A_28 : vector<1264x128xi1>, vector<1264x128xf32>
    %swap3A = arith.constant 0 : index
    %swap3A_29 = arith.constant 0 : index
    %swap3A_30 = vector.load %arg7[%swap3A, %swap3A_29] : memref<1264x128xf32, #tpu.memory_space<vmem>>, vector<1264x128xf32>
    tpu.vector_store %arg7[%swap3A, %swap3A_29], %select_n3A {strides = array<i32>} : memref<1264x128xf32, #tpu.memory_space<vmem>>, vector<1264x128xf32>,
    %mul3A_31 = vector.broadcast %get3A_1 : vector<1264x1xf32> to vector<1264x128xf32>
    %mul3A_32 = arith.mulf %mul3A_31, %select_n3A : vector<1264x128xf32>
    %swap3A_33 = arith.constant 0 : index
    %swap3A_34 = arith.constant 0 : index
    %swap3A_35 = vector.load %arg8[%swap3A_33, %swap3A_34] : memref<1264x128xf32, #tpu.memory_space<vmem>>, vector<1264x128xf32>
    tpu.vector_store %arg8[%swap3A_33, %swap3A_34], %mul3A_32 {strides = array<i32>} : memref<1264x128xf32, #tpu.memory_space<vmem>>, vector<1264x128xf32>,
    return
  }
  func.func @transform_0(%arg0: i32) -> (i32, i32) {
    %c0_i32 = arith.constant 0 : i32
    %c0_i32_0 = arith.constant 0 : i32
    return %arg0, %c0_i32 : i32, i32
  }
  func.func @transform_1(%arg0: i32) -> (i32, i32) {
    %c0_i32 = arith.constant 0 : i32
    %c0_i32_0 = arith.constant 0 : i32
    return %arg0, %c0_i32 : i32, i32
  }
  func.func @transform_2(%arg0: i32) -> (i32, i32) {
    %add3A = arith.constant 8 : i32
    %add3A_0 = arith.addi %arg0, %add3A : i32
    %c0_i32 = arith.constant 0 : i32
    %c0_i32_1 = arith.constant 0 : i32
    return %add3A_0, %c0_i32 : i32, i32
  }
  func.func @transform_3(%arg0: i32) -> (i32, i32) {
    %c0_i32 = arith.constant 0 : i32
    %c0_i32_0 = arith.constant 0 : i32
    return %arg0, %c0_i32 : i32, i32
  }
  func.func @transform_4(%arg0: i32) -> (i32, i32) {
    %c0_i32 = arith.constant 0 : i32
    %c0_i32_0 = arith.constant 0 : i32
    %c0_i32_1 = arith.constant 0 : i32
    return %c0_i32, %c0_i32_0 : i32, i32
  }
  func.func @transform_5(%arg0: i32) -> (i32, i32) {
    %c0_i32 = arith.constant 0 : i32
    %c0_i32_0 = arith.constant 0 : i32
    %c0_i32_1 = arith.constant 0 : i32
    return %c0_i32, %c0_i32_0 : i32, i32
  }
  func.func @transform_6(%arg0: i32) -> (i32, i32) {
    %c0_i32 = arith.constant 0 : i32
    %c0_i32_0 = arith.constant 0 : i32
    return %arg0, %c0_i32 : i32, i32
  }
  func.func @transform_7(%arg0: i32) -> (i32, i32) {
    %c0_i32 = arith.constant 0 : i32
    %c0_i32_0 = arith.constant 0 : i32
    return %arg0, %c0_i32 : i32, i32
  }
}

module attributes {stable_mosaic.version = 14 : i64} {
  func.func @_layer_body(%arg0: i32, %arg1: memref<1264x128xf32, #tpu.memory_space<vmem>>, %arg2: memref<1264x128xf32, #tpu.memory_space<vmem>>, %arg3: memref<1264x128xf32, #tpu.memory_space<vmem>>, %arg4: memref<1264x1xf32, #tpu.memory_space<vmem>>, %arg5: memref<128x128xf32, #tpu.memory_space<vmem>>, %arg6: memref<128x128xf32, #tpu.memory_space<vmem>>, %arg7: memref<1264x128xf32, #tpu.memory_space<vmem>>, %arg8: memref<1264x128xf32, #tpu.memory_space<vmem>>) attributes {dimension_semantics = [#tpu.dimension_semantics<arbitrary>], iteration_bounds = array<i64: 8>, scalar_prefetch = 0 : i64, scratch_operands = 0 : i64, tpu.core_type = #tpu.core_type<tc>, window_params = [{transform_indices = @transform_0, window_bounds = array<i64: 1264, 128>}, {transform_indices = @transform_1, window_bounds = array<i64: 1264, 128>}, {transform_indices = @transform_2, window_bounds = array<i64: 1264, 128>}, {transform_indices = @transform_3, window_bounds = array<i64: 1264, 1>}, {pipeline_mode = #tpu.pipeline_mode<synchronous>, transform_indices = @transform_4, window_bounds = array<i64: 128, 128>}, {pipeline_mode = #tpu.pipeline_mode<synchronous>, transform_indices = @transform_5, window_bounds = array<i64: 128, 128>}, {transform_indices = @transform_6, window_bounds = array<i64: 1264, 128>}, {transform_indices = @transform_7, window_bounds = array<i64: 1264, 128>}]} {
    %get3A = arith.constant 0 : index
    %get3A_0 = arith.constant 0 : index
    %get3A_1 = vector.load %arg4[%get3A, %get3A_0] : memref<1264x1xf32, #tpu.memory_space<vmem>>, vector<1264x1xf32>
    %get3A_2 = arith.constant 0 : index
    %get3A_3 = arith.constant 0 : index
    %get3A_4 = vector.load %arg2[%get3A_2, %get3A_3] : memref<1264x128xf32, #tpu.memory_space<vmem>>, vector<1264x128xf32>
    %get3A_5 = arith.constant 0 : index
    %get3A_6 = arith.constant 0 : index
    %get3A_7 = vector.load %arg3[%get3A_5, %get3A_6] : memref<1264x128xf32, #tpu.memory_space<vmem>>, vector<1264x128xf32>
    %add3A = arith.addf %get3A_4, %get3A_7 : vector<1264x128xf32>
    %mul3A = vector.broadcast %get3A_1 : vector<1264x1xf32> to vector<1264x128xf32>
    %mul3A_8 = arith.mulf %mul3A, %add3A : vector<1264x128xf32>
    %get3A_9 = arith.constant 0 : index
    %get3A_10 = arith.constant 0 : index
    %get3A_11 = vector.load %arg1[%get3A_9, %get3A_10] : memref<1264x128xf32, #tpu.memory_space<vmem>>, vector<1264x128xf32>
    %add3A_12 = arith.addf %get3A_11, %mul3A_8 : vector<1264x128xf32>
    %get3A_13 = arith.constant 0 : index
    %get3A_14 = arith.constant 0 : index
    %get3A_15 = vector.load %arg5[%get3A_13, %get3A_14] : memref<128x128xf32, #tpu.memory_space<vmem>>, vector<128x128xf32>
    %dot_general3A = arith.constant dense<0.000000e+00> : vector<1264x128xf32>
    %dot_general3A_16 = tpu.matmul %add3A_12, %get3A_15, %dot_general3A {dimension_numbers = #tpu.dot_dimension_numbers<[1], [0], [0], [1], [0, 0, 1, 1], [], []>, transpose_lhs_hint = false} : vector<1264x128xf32>, vector<128x128xf32>, vector<1264x128xf32> -> vector<1264x128xf32>
    %mul3A_17 = arith.mulf %get3A_11, %mul3A_8 : vector<1264x128xf32>
    %get3A_18 = arith.constant 0 : index
    %get3A_19 = arith.constant 0 : index
    %get3A_20 = vector.load %arg6[%get3A_18, %get3A_19] : memref<128x128xf32, #tpu.memory_space<vmem>>, vector<128x128xf32>
    %dot_general3A_21 = arith.constant dense<0.000000e+00> : vector<1264x128xf32>
    %dot_general3A_22 = tpu.matmul %mul3A_17, %get3A_20, %dot_general3A_21 {dimension_numbers = #tpu.dot_dimension_numbers<[1], [0], [0], [1], [0, 0, 1, 1], [], []>, transpose_lhs_hint = false} : vector<1264x128xf32>, vector<128x128xf32>, vector<1264x128xf32> -> vector<1264x128xf32>
    %add3A_23 = arith.addf %dot_general3A_16, %dot_general3A_22 : vector<1264x128xf32>
    %gt3A = arith.constant 0.000000e+00 : f32
    %gt3A_24 = vector.broadcast %gt3A : f32 to vector<1264x128xf32>
    %gt3A_25 = arith.cmpf ogt, %add3A_23, %gt3A_24 : vector<1264x128xf32>
    %mul3A_26 = arith.constant 0.00999999977 : f32
    %mul3A_27 = vector.broadcast %mul3A_26 : f32 to vector<1264x128xf32>
    %mul3A_28 = arith.mulf %mul3A_27, %add3A_23 : vector<1264x128xf32>
    %select_n3A = arith.select %gt3A_25, %add3A_23, %mul3A_28 : vector<1264x128xi1>, vector<1264x128xf32>
    %swap3A = arith.constant 0 : index
    %swap3A_29 = arith.constant 0 : index
    %swap3A_30 = vector.load %arg7[%swap3A, %swap3A_29] : memref<1264x128xf32, #tpu.memory_space<vmem>>, vector<1264x128xf32>
    tpu.vector_store %arg7[%swap3A, %swap3A_29], %select_n3A {strides = array<i32>} : memref<1264x128xf32, #tpu.memory_space<vmem>>, vector<1264x128xf32>,
    %mul3A_31 = vector.broadcast %get3A_1 : vector<1264x1xf32> to vector<1264x128xf32>
    %mul3A_32 = arith.mulf %mul3A_31, %select_n3A : vector<1264x128xf32>
    %swap3A_33 = arith.constant 0 : index
    %swap3A_34 = arith.constant 0 : index
    %swap3A_35 = vector.load %arg8[%swap3A_33, %swap3A_34] : memref<1264x128xf32, #tpu.memory_space<vmem>>, vector<1264x128xf32>
    tpu.vector_store %arg8[%swap3A_33, %swap3A_34], %mul3A_32 {strides = array<i32>} : memref<1264x128xf32, #tpu.memory_space<vmem>>, vector<1264x128xf32>,
    return
  }
  func.func @transform_0(%arg0: i32) -> (i32, i32) {
    %c0_i32 = arith.constant 0 : i32
    %c0_i32_0 = arith.constant 0 : i32
    return %arg0, %c0_i32 : i32, i32
  }
  func.func @transform_1(%arg0: i32) -> (i32, i32) {
    %c0_i32 = arith.constant 0 : i32
    %c0_i32_0 = arith.constant 0 : i32
    return %arg0, %c0_i32 : i32, i32
  }
  func.func @transform_2(%arg0: i32) -> (i32, i32) {
    %add3A = arith.constant 8 : i32
    %add3A_0 = arith.addi %arg0, %add3A : i32
    %c0_i32 = arith.constant 0 : i32
    %c0_i32_1 = arith.constant 0 : i32
    return %add3A_0, %c0_i32 : i32, i32
  }
  func.func @transform_3(%arg0: i32) -> (i32, i32) {
    %c0_i32 = arith.constant 0 : i32
    %c0_i32_0 = arith.constant 0 : i32
    return %arg0, %c0_i32 : i32, i32
  }
  func.func @transform_4(%arg0: i32) -> (i32, i32) {
    %c0_i32 = arith.constant 0 : i32
    %c0_i32_0 = arith.constant 0 : i32
    %c0_i32_1 = arith.constant 0 : i32
    return %c0_i32, %c0_i32_0 : i32, i32
  }
  func.func @transform_5(%arg0: i32) -> (i32, i32) {
    %c0_i32 = arith.constant 0 : i32
    %c0_i32_0 = arith.constant 0 : i32
    %c0_i32_1 = arith.constant 0 : i32
    return %c0_i32, %c0_i32_0 : i32, i32
  }
  func.func @transform_6(%arg0: i32) -> (i32, i32) {
    %c0_i32 = arith.constant 0 : i32
    %c0_i32_0 = arith.constant 0 : i32
    return %arg0, %c0_i32 : i32, i32
  }
  func.func @transform_7(%arg0: i32) -> (i32, i32) {
    %c0_i32 = arith.constant 0 : i32
    %c0_i32_0 = arith.constant 0 : i32
    return %arg0, %c0_i32 : i32, i32
  }
}

module attributes {stable_mosaic.version = 14 : i64} {
  func.func @_dot_body(%arg0: i32, %arg1: memref<512x128xf32, #tpu.memory_space<vmem>>, %arg2: memref<512x128xf32, #tpu.memory_space<vmem>>, %arg3: memref<512x128xf32, #tpu.memory_space<vmem>>, %arg4: memref<512x128xf32, #tpu.memory_space<vmem>>, %arg5: memref<512x128xf32, #tpu.memory_space<vmem>>, %arg6: memref<512x128xf32, #tpu.memory_space<vmem>>, %arg7: memref<512x128xf32, #tpu.memory_space<vmem>>, %arg8: memref<512x128xf32, #tpu.memory_space<vmem>>, %arg9: memref<512x1xf32, #tpu.memory_space<vmem>>) attributes {dimension_semantics = [#tpu.dimension_semantics<arbitrary>], iteration_bounds = array<i64: 8>, scalar_prefetch = 0 : i64, scratch_operands = 0 : i64, tpu.core_type = #tpu.core_type<tc>, window_params = [{transform_indices = @transform_0, window_bounds = array<i64: 512, 128>}, {transform_indices = @transform_1, window_bounds = array<i64: 512, 128>}, {transform_indices = @transform_2, window_bounds = array<i64: 512, 128>}, {transform_indices = @transform_3, window_bounds = array<i64: 512, 128>}, {transform_indices = @transform_4, window_bounds = array<i64: 512, 128>}, {transform_indices = @transform_5, window_bounds = array<i64: 512, 128>}, {transform_indices = @transform_6, window_bounds = array<i64: 512, 128>}, {transform_indices = @transform_7, window_bounds = array<i64: 512, 128>}, {transform_indices = @transform_8, window_bounds = array<i64: 512, 1>}]} {
    %get3A = arith.constant 0 : index
    %get3A_0 = arith.constant 0 : index
    %get3A_1 = vector.load %arg1[%get3A, %get3A_0] : memref<512x128xf32, #tpu.memory_space<vmem>>, vector<512x128xf32>
    %get3A_2 = arith.constant 0 : index
    %get3A_3 = arith.constant 0 : index
    %get3A_4 = vector.load %arg5[%get3A_2, %get3A_3] : memref<512x128xf32, #tpu.memory_space<vmem>>, vector<512x128xf32>
    %mul3A = arith.mulf %get3A_1, %get3A_4 : vector<512x128xf32>
    %reduce_sum3A = arith.constant dense<0.000000e+00> : vector<512xf32>
    %reduce_sum3A_5 = vector.multi_reduction <add>, %mul3A, %reduce_sum3A [1] : vector<512x128xf32> to vector<512xf32>
    %broadcast_in_dim3A = vector.shape_cast %reduce_sum3A_5 : vector<512xf32> to vector<512x1xf32>
    %get3A_6 = arith.constant 0 : index
    %get3A_7 = arith.constant 0 : index
    %get3A_8 = vector.load %arg2[%get3A_6, %get3A_7] : memref<512x128xf32, #tpu.memory_space<vmem>>, vector<512x128xf32>
    %get3A_9 = arith.constant 0 : index
    %get3A_10 = arith.constant 0 : index
    %get3A_11 = vector.load %arg6[%get3A_9, %get3A_10] : memref<512x128xf32, #tpu.memory_space<vmem>>, vector<512x128xf32>
    %mul3A_12 = arith.mulf %get3A_8, %get3A_11 : vector<512x128xf32>
    %reduce_sum3A_13 = arith.constant dense<0.000000e+00> : vector<512xf32>
    %reduce_sum3A_14 = vector.multi_reduction <add>, %mul3A_12, %reduce_sum3A_13 [1] : vector<512x128xf32> to vector<512xf32>
    %broadcast_in_dim3A_15 = vector.shape_cast %reduce_sum3A_14 : vector<512xf32> to vector<512x1xf32>
    %add3A = arith.addf %broadcast_in_dim3A, %broadcast_in_dim3A_15 : vector<512x1xf32>
    %get3A_16 = arith.constant 0 : index
    %get3A_17 = arith.constant 0 : index
    %get3A_18 = vector.load %arg3[%get3A_16, %get3A_17] : memref<512x128xf32, #tpu.memory_space<vmem>>, vector<512x128xf32>
    %get3A_19 = arith.constant 0 : index
    %get3A_20 = arith.constant 0 : index
    %get3A_21 = vector.load %arg7[%get3A_19, %get3A_20] : memref<512x128xf32, #tpu.memory_space<vmem>>, vector<512x128xf32>
    %mul3A_22 = arith.mulf %get3A_18, %get3A_21 : vector<512x128xf32>
    %reduce_sum3A_23 = arith.constant dense<0.000000e+00> : vector<512xf32>
    %reduce_sum3A_24 = vector.multi_reduction <add>, %mul3A_22, %reduce_sum3A_23 [1] : vector<512x128xf32> to vector<512xf32>
    %broadcast_in_dim3A_25 = vector.shape_cast %reduce_sum3A_24 : vector<512xf32> to vector<512x1xf32>
    %add3A_26 = arith.addf %add3A, %broadcast_in_dim3A_25 : vector<512x1xf32>
    %get3A_27 = arith.constant 0 : index
    %get3A_28 = arith.constant 0 : index
    %get3A_29 = vector.load %arg4[%get3A_27, %get3A_28] : memref<512x128xf32, #tpu.memory_space<vmem>>, vector<512x128xf32>
    %get3A_30 = arith.constant 0 : index
    %get3A_31 = arith.constant 0 : index
    %get3A_32 = vector.load %arg8[%get3A_30, %get3A_31] : memref<512x128xf32, #tpu.memory_space<vmem>>, vector<512x128xf32>
    %mul3A_33 = arith.mulf %get3A_29, %get3A_32 : vector<512x128xf32>
    %reduce_sum3A_34 = arith.constant dense<0.000000e+00> : vector<512xf32>
    %reduce_sum3A_35 = vector.multi_reduction <add>, %mul3A_33, %reduce_sum3A_34 [1] : vector<512x128xf32> to vector<512xf32>
    %broadcast_in_dim3A_36 = vector.shape_cast %reduce_sum3A_35 : vector<512xf32> to vector<512x1xf32>
    %add3A_37 = arith.addf %add3A_26, %broadcast_in_dim3A_36 : vector<512x1xf32>
    %swap3A = arith.constant 0 : index
    %swap3A_38 = arith.constant 0 : index
    %swap3A_39 = vector.load %arg9[%swap3A, %swap3A_38] : memref<512x1xf32, #tpu.memory_space<vmem>>, vector<512x1xf32>
    tpu.vector_store %arg9[%swap3A, %swap3A_38], %add3A_37 {strides = array<i32>} : memref<512x1xf32, #tpu.memory_space<vmem>>, vector<512x1xf32>,
    return
  }
  func.func @transform_0(%arg0: i32) -> (i32, i32) {
    %c0_i32 = arith.constant 0 : i32
    %c0_i32_0 = arith.constant 0 : i32
    return %arg0, %c0_i32 : i32, i32
  }
  func.func @transform_1(%arg0: i32) -> (i32, i32) {
    %c0_i32 = arith.constant 0 : i32
    %c0_i32_0 = arith.constant 0 : i32
    return %arg0, %c0_i32 : i32, i32
  }
  func.func @transform_2(%arg0: i32) -> (i32, i32) {
    %c0_i32 = arith.constant 0 : i32
    %c0_i32_0 = arith.constant 0 : i32
    return %arg0, %c0_i32 : i32, i32
  }
  func.func @transform_3(%arg0: i32) -> (i32, i32) {
    %c0_i32 = arith.constant 0 : i32
    %c0_i32_0 = arith.constant 0 : i32
    return %arg0, %c0_i32 : i32, i32
  }
  func.func @transform_4(%arg0: i32) -> (i32, i32) {
    %c0_i32 = arith.constant 0 : i32
    %c0_i32_0 = arith.constant 0 : i32
    return %arg0, %c0_i32 : i32, i32
  }
  func.func @transform_5(%arg0: i32) -> (i32, i32) {
    %c0_i32 = arith.constant 0 : i32
    %c0_i32_0 = arith.constant 0 : i32
    return %arg0, %c0_i32 : i32, i32
  }
  func.func @transform_6(%arg0: i32) -> (i32, i32) {
    %c0_i32 = arith.constant 0 : i32
    %c0_i32_0 = arith.constant 0 : i32
    return %arg0, %c0_i32 : i32, i32
  }
  func.func @transform_7(%arg0: i32) -> (i32, i32) {
    %c0_i32 = arith.constant 0 : i32
    %c0_i32_0 = arith.constant 0 : i32
    return %arg0, %c0_i32 : i32, i32
  }
  func.func @transform_8(%arg0: i32) -> (i32, i32) {
    %c0_i32 = arith.constant 0 : i32
    %c0_i32_0 = arith.constant 0 : i32
    return %arg0, %c0_i32 : i32, i32
  }
}

</mosaic_0001>

<sc_bundles>
// kernel: kernel.12.cloned.1.call-start
scs
__scs_entry_jumppad:
0x0: {  	(pc) =	sbr.rel $0x88, $3  }
0x1: {  	(tag) =	ssettag $0x0;
	lr =	simm.s32 $0x1  }
0x2: {  	[smem:$0x3F98] =	sst lr;
	_ =	strace $0xD0000000  }
0x3: {  	_ = 	snop  }
0x4: {  	_ = 	snop  }
0x5: {  	_ = 	snop  }
0x6: {  	_ = 	snop  }
0x7: {  	_ = 	snop  }
__scs_overlays_trampoline_lowered:
0x8: {  	[smem:$0x3FA7] =	sst s0  }
0x9: {  	[smem:$0x3FA8] =	sst s1  }
0xa: {  	[smem:$0x3FA9] =	sst s2  }
0xb: {  	[smem:$0x3FAA] =	sst s3  }
0xc: {  	[smem:$0x3FAB] =	sst s4  }
0xd: {  	[smem:$0x3FAC] =	sst s5  }
0xe: {  	[smem:$0x3FAD] =	sst s6  }
0xf: {  	[smem:$0x3FAE] =	sst s7  }
0x10: {  	[smem:$0x3FAF] =	sst s8  }
0x11: {  	[smem:$0x3FB0] =	sst s9;
	s0 =	simm.s32 @!p0 $0x0  }
0x12: {  	s1 =	sld [smem:$0x3F96];
	s0 =	simm.s32 @p0 $0x1  }
0x13: {  	[smem:$0x3FB1] =	sst s0;
	s0 =	simm.s32 @!p1 $0x0  }
0x14: {  	s2 =	sld [smem:$0x3F95];
	s0 =	simm.s32 @p1 $0x1  }
0x15: {  	[smem:$0x3FB2] =	sst s0;
	s0 =	simm.s32 @!p2 $0x0  }
0x16: {  	s3 =	sld [smem:$0x3FDB];
	s0 =	simm.s32 @p2 $0x1  }
0x17: {  	s4 =	simm.s32 $0x1BF5;
	[smem:$0x3FB4] =	sst s0  }
0x18: {  	s0 =	sld [smem:$0x3F97];
	_ =	swait.ge [sflag:s4], $0x0  }
0x19: {  	s7 =	sld [smem:$0x3F98]  }
0x1a: {  	s8 =	sadd.s32 $0xFFFFE003, lr  }
0x1b: {  	s9 =	sadd.s32 $0xFFFFFEF7, lr;
	s5 =	simm.s32 $0xFFFFFFFF;
	p2 =	slt.u32 s8, $0xFFFFF086  }
0x1c: {  	p1 =	slt.u32 s9, $0xF7A;
	s5 =	simm.s32 @!p2 $0x0  }
0x1d: {  	s5 =	simm.s32 @p1 $0x1;
	p0 =	seq.s32 s7, s2  }
0x1e: {  	s7 =	smul.u32 @!p0 $0xF7A, s2;
	p2 =	seq.s32 @!p0 s5, $0x0  }
0x1f: {  	s9 =	smul.u32 $0xF7A, s1;
	s8 =	simm.s32 @!p0 $0x1BF5;
	p2 =	por !p2, p0  }
0x20: {  	[sflag:s8] =	ssyncset.s32 @!p0 $0xFFFFF086;
	s6 =	sadd.s32 @!p0 s3, s7;
	s7 =	simm.s32 @!p0 $0x108  }
0x21: {  	s3 =	sadd.s32 s3, s9;
	s6 =	sadd.s32 @!p0 $0x88, s6;
	s7 =	simm.s32 @p2 $0x1082  }
0x22: {  	[simem:s7], [sflag:s8] =	dma.local @!p0 [hbm:s6], $0xF7A  }
0x23: {  	s9 =	sor.u32 $0xD0000000, s2;
	s6 =	simm.s32 $0x108;
	_ =	swait.ge @!p0 [sflag:s8], $0x0  }
0x24: {  	s3 =	sadd.s32 $0x88, s3;
	s6 =	simm.s32 @!p1 $0x1082;
	[sflag:s4] =	ssyncset.s32 $0xFFFFF086  }
0x25: {  	[simem:s6], [sflag:s4] =	dma.local [hbm:s3], $0xF7A  }
0x26: {  	[smem:$0x3F98] =	sst s1;
	(tag) =	ssettag s2;
	_ =	strace s9  }
0x27: {  	s1 =	sld [smem:$0x3FA8]  }
0x28: {  	s2 =	sld [smem:$0x3FA9]  }
0x29: {  	s4 =	sld [smem:$0x3FAB]  }
0x2a: {  	p0 =	seq.s32 s5, $0x0;
	s5 =	sld [smem:$0x3FAC]  }
0x2b: {  	s6 =	sld [smem:$0x3FAD]  }
0x2c: {  	s7 =	sld [smem:$0x3FAE]  }
0x2d: {  	s3 =	simm.s32 $0x108;
	s8 =	sld [smem:$0x3FAF]  }
0x2e: {  	s3 =	simm.s32 @!p0 $0x1082;
	s9 =	sld [smem:$0x3FB0]  }
0x2f: {  	lr =	sadd.s32 s0, s3;
	s0 =	sld [smem:$0x3FA7]  }
0x30: {  	s3 =	sld [smem:$0x3FAA]  }
0x31: {  	[smem:$0x3FB3] =	sst s10  }
0x32: {  	s10 =	sld [smem:$0x3FB1];
	_ =	sdelay $0x3  }
0x33: {  	p0 =	seq.s32 s10, $0x1;
	s10 =	sld [smem:$0x3FB3];
	_ =	sdelay $0x3  }
0x34: {  	[smem:$0x3FB3] =	sst s10  }
0x35: {  	s10 =	sld [smem:$0x3FB2];
	_ =	sdelay $0x3  }
0x36: {  	p1 =	seq.s32 s10, $0x1;
	s10 =	sld [smem:$0x3FB3];
	_ =	sdelay $0x3  }
0x37: {  	[smem:$0x3FB3] =	sst s10  }
0x38: {  	s10 =	sld [smem:$0x3FB4]  }
0x39: {  	_ = 	snop;
	(pc) =	sbr.ind lr, $3  }
0x3a: {  	_ = 	snop  }
0x3b: {  	_ = 	snop  }
0x3c: {  	p2 =	seq.s32 s10, $0x1;
	s10 =	sld [smem:$0x3FB3]  }
0x3d: {  	_ =	shalt  }
0x3e: {  	_ =	shalt  }
0x3f: {  	_ =	shalt  }
0x40: {  	_ =	shalt  }
0x41: {  	_ =	shalt  }
0x42: {  	_ =	shalt  }
0x43: {  	_ =	shalt  }
0x44: {  	_ =	shalt  }
0x45: {  	_ =	shalt  }
0x46: {  	_ =	shalt  }
0x47: {  	_ =	shalt  }
0x48: {  	_ =	shalt  }
0x49: {  	_ =	shalt  }
0x4a: {  	_ =	shalt  }
0x4b: {  	_ =	shalt  }
0x4c: {  	_ =	shalt  }
0x4d: {  	_ =	shalt  }
0x4e: {  	_ =	shalt  }
0x4f: {  	_ =	shalt  }
0x50: {  	_ =	shalt  }
0x51: {  	_ =	shalt  }
0x52: {  	_ =	shalt  }
0x53: {  	_ =	shalt  }
0x54: {  	_ =	shalt  }
0x55: {  	_ =	shalt  }
0x56: {  	_ =	shalt  }
0x57: {  	_ =	shalt  }
0x58: {  	_ =	shalt  }
0x59: {  	_ =	shalt  }
0x5a: {  	_ =	shalt  }
0x5b: {  	_ =	shalt  }
0x5c: {  	_ =	shalt  }
0x5d: {  	_ =	shalt  }
0x5e: {  	_ =	shalt  }
0x5f: {  	_ =	shalt  }
0x60: {  	_ =	shalt  }
0x61: {  	_ =	shalt  }
0x62: {  	_ =	shalt  }
0x63: {  	_ =	shalt  }
0x64: {  	_ =	shalt  }
0x65: {  	_ =	shalt  }
0x66: {  	_ =	shalt  }
0x67: {  	_ =	shalt  }
0x68: {  	_ =	shalt  }
0x69: {  	_ =	shalt  }
0x6a: {  	_ =	shalt  }
0x6b: {  	_ =	shalt  }
0x6c: {  	_ =	shalt  }
0x6d: {  	_ =	shalt  }
0x6e: {  	_ =	shalt  }
0x6f: {  	_ =	shalt  }
0x70: {  	_ =	shalt  }
0x71: {  	_ =	shalt  }
0x72: {  	_ =	shalt  }
0x73: {  	_ =	shalt  }
0x74: {  	_ =	shalt  }
0x75: {  	_ =	shalt  }
0x76: {  	_ =	shalt  }
0x77: {  	_ =	shalt  }
0x78: {  	_ =	shalt  }
0x79: {  	_ =	shalt  }
0x7a: {  	_ =	shalt  }
0x7b: {  	_ =	shalt  }
0x7c: {  	_ =	shalt  }
0x7d: {  	_ =	shalt  }
0x7e: {  	_ =	shalt  }
0x7f: {  	_ =	shalt  }
0x80: {  	_ =	shalt  }
0x81: {  	_ =	shalt  }
0x82: {  	_ =	shalt  }
0x83: {  	_ =	shalt  }
0x84: {  	_ =	shalt  }
0x85: {  	_ =	shalt  }
0x86: {  	_ =	shalt  }
0x87: {  	_ =	shalt  }
.Lfunc_end0:
.L_simem_size_0:
called_computation_lowered:
.L_overlay_start_0:
0x88: {  	s2 =	sld [smem:$0x3FD9]  }
0x89: {  	s3 =	sld [smem:$0x3FFE];
	_ =	sdelay $0x1  }
0x8a: {  	s1 =	srdreg.scid  }
0x8b: {  	s0 =	sand.u32 $0x1, s1  }
0x8c: {  	s16 =	sshll.u32 s0, $0xA;
	s2 =	sadd.s32 s3, s2  }
0x8d: {  	s2 =	sadd.s32 s2, s16  }
0x8e: {  	[smem:$0x3FBF] =	sst s2  }
0x8f: {  	_ = 	snop  }
0x90: {  	(tm) =	ssettm $0x1  }
0x91: {  	s17 =	sld [smem:$0x3FFB];
	_ =	sdelay $0x3  }
0x92: {  	_ =	strace s17  }
0x93: {  	s2 =	sld [smem:$0x3FFC];
	_ =	sdelay $0x3  }
0x94: {  	_ =	strace s2  }
0x95: {  	s2 =	sld [smem:$0x3FFD];
	_ =	sdelay $0x3  }
0x96: {  	_ =	strace s2  }
0x97: {  	_ =	strace $0x8FFFFFFF  }
0x98: {  	s18 =	sld [smem:$0x3FDB];
	_ =	sdelay $0x1  }
0x99: {  	s19 =	simm.s32 $_scs_section_size  }
0x9a: {  	s4 =	simm.s32 $_size__tile_overlayer_lowered;
	s5 =	simm.s32 $_tile_overlayer_lowered  }
0x9b: {  	s22 =	simm.s32 $0x1BFF;
	s21 =	sshll.u32 s5, $0x1;
	s2 =	sadd.s32 s19, s18  }
0x9c: {  	s6 =	simm.s32 $0x0;
	s20 =	sshll.u32 s4, $0x1;
	s4 =	sadd.s32 s21, s2  }
0x9d: {  	[timem:s6], [sflag:s22] =	dma.local [hbm:s4], s20  }
0x9e: {  	_ =	swait.ge [sflag:s22], s20  }
0x9f: {  	s3 =	ssub.s32 $0x0, s20;
	[sflag:s22] =	ssyncset.done $0x0  }
0xa0: {  	[sflag:s22] =	ssyncadd.s32 s3;
	_ =	sdelay $0x1  }
0xa1: {  	s23 =	simm.s32 $0x1B8B  }
0xa2: {  	_ =	swait.ge [sflag:s23], $0x1  }
0xa3: {  	[sflag:s23] =	ssyncset.done $0x0  }
0xa4: {  	s25 =	simm.s32 $0x1B8E;
	s24 =	sld [smem:$0x3FFE];
	[sflag:s23] =	ssyncadd.s32 $0xFFFFFFFF  }
0xa5: {  	s26 =	simm.s32 $execute0_lowered;
	[smem:$0x3FD2] =	sst s25  }
0xa6: {  	s4 =	sshll.u32 s26, $0x1;
	_ =	strace $0x80000046;
	[dreg:$0x1] =	wrdreg $0xFFFFFFFF  }
0xa7: {  	s28 =	simm.s32 $_size_execute0_lowered;
	s2 =	sadd.s32 s2, s4;
	[dreg:$0x0] =	wrdreg $0x0  }
0xa8: {  	s4 =	sshll.u32 s28, $0x1;
	[dreg:$0x2] =	wrdreg s2  }
0xa9: {  	[dreg:$0x3] =	wrdreg s4  }
0xaa: {  	[dreg:$0x4] =	wrdreg $0xC0  }
0xab: {  	_ =	task [dreg:s6], $0x5FFFF  }
0xac: {  	[dreg:$0x1] =	wrdreg $0xFFFFFFFF  }
0xad: {  	[dreg:$0x0] =	wrdreg $0x60  }
0xae: {  	[dreg:$0x2] =	wrdreg s24  }
0xaf: {  	[dreg:$0x3] =	wrdreg $0x68000  }
0xb0: {  	[dreg:$0x4] =	wrdreg $0x9  }
0xb1: {  	_ =	task.clear_ibuf [dreg:s6], $0x5FFFF;
	_ =	strace $0x90000046  }
0xb2: {  	s29 =	simm.s32 $0x9;
	_ =	strace $0x80000048  }
0xb3: {  	_ =	swait.ge [sflag:s29], $0x1  }
0xb4: {  	[sflag:s29] =	ssyncadd.s32 $0xFFFFFFFF  }
0xb5: {  	_ =	strace $0x90000048  }
0xb6: {  	_ =	sfence  }
0xb7: {  	s30 =	sld [smem:$0x0];
	_ =	sdelay $0x2  }
0xb8: {  	s31 =	sshll.u32 s1, $0xD;
	s1 =	sshrl.u32 s1, $0x2  }
0xb9: {  	s3 =	sand.u32 $0x4000, s31;
	s1 =	sadd.s32 s1, s30  }
0xba: {  	s0 =	sor.u32 s3, s0;
	s1 =	sshll.u32 s1, $0x11  }
0xbb: {  	s0 =	sor.u32 s1, s0  }
0xbc: {  	s0 =	sadd.s32 $0x8F2B, s0  }
0xbd: {  	[sflag:s0] =	ssyncadd.remote.s32 $0x1  }
0xbe: {  	_ =	sfence.sel $0xFFFF  }
0xbf: {  	[dreg:$0x0] =	wrdreg $0xFFFFFFFF;
	(pc) =	sbr.abs _section_cstart, $3  }
0xc0: {  	[dreg:$0x1] =	wrdreg $0xFFFFFFFF  }
0xc1: {  	_ =	task.clear_ibuf [dreg:s6], $0x2FFFF;
	_ =	strace $0x9FFFFFFF  }
0xc2: {  	(tm) =	ssettm $0x7FFFFFFF  }
0xc3: {  	_ =	shalt  }
tec
execute0_lowered:
.L_overlay_start_1:
0x0: {  	(tag) =	ssettag $0x1  }
0x1: {  	s5 =	rddreg [dreg:$0x0]  }
0x2: {  	s1 =	rddreg [dreg:$0x1]  }
0x3: {  	s0 =	rddreg [dreg:$0x2];
	s2 =	srdreg.scid  }
0x4: {  	s3 =	simm.s32 $0x0;
	s13 =	simm.s32 $0x50;
	s14 =	simm.s32 $0x1  }
0x5: {  	s15 =	simm.s32 $0x0;
	s6 =	sand.u32 $0x1, s2;
	s2 =	stileid.u32  }
0x6: {  	[smem:$0x7FF] =	sst s3;
	s4 =	sshll.u32 s6, $0xB;
	s7 =	smul.u32 $0x2780, s2  }
0x7: {  	_ =	strace $0x80000047;
	s9 =	smul.u32 $0x27800, s6;
	s6 =	ssub.s32 $0x2, s6  }
0x8: {  	s10 =	smul.u32 $0x4F000, s2;
	s30 =	sshll.u32 s2, $0x6;
	s31 =	sshll.u32 s2, $0xC  }
0x9: {  	s8 =	sadd.s32 s4, s5;
	s4 =	sadd.s32 $0x28C00, s5;
	s28 =	sshrl.u32 s6, $0x1  }
0xa: {  	s11 =	sadd.s32 s7, s5;
	s7 =	sadd.s32 s7, s9;
	s9 =	ssub.s32 s6, s28  }
0xb: {  	s29 =	sshrl.u32 s10, $0x2;
	s6 =	sor.u32 $0x1C02, s30;
	s12 =	sadd.s32 s7, s5  }
0xc: {  	s10 =	sadd.s32 s29, s1;
	s5 =	sadd.s32 $0x29200, s11;
	s7 =	sadd.s32 s31, s8  }
0xd: {  	s9 =	smax.u32 s9, $0x1;
	s11 =	simm.s32 $0x2;
	s7 =	sadd.s32 $0x18C00, s7  }
0xe: {  	s8 =	sadd.s32 $0x50A00, s12;
	s10 =	sshrl.u32 s10, $0x3;
	s12 =	simm.s32 $0x4000  }
.LBB2_1:
0xf: {  	[spmem:s10], [sflag:s6] =	dma.local [hbm:s5], $0x2780  }
0x10: {  	_ =	swait.ge [sflag:s11], $0x2780  }
0x11: {  	[sflag:s11] =	ssyncset.done $0x0  }
0x12: {  	[sflag:s11] =	ssyncadd.s32 $0xFFFFD880  }
0x13: {  	[tilespmem:s12], [sflag:$0x2] =	stream.linear.gather [hbm4b:s4+s3], $0x2800, $0x38;
	[tilespmem:$0x1A400] =	vst v63  }
0x14: {  	_ =	swait.ge [sflag:s11], $0x2800  }
0x15: {  	[sflag:s11] =	ssyncset.done $0x0  }
0x16: {  	[sflag:s11] =	ssyncadd.s32 $0xFFFFD800  }
0x17: {  	[tilespmem:s3], [sflag:$0x2] =	stream.linear.gather [hbm4b:s7+s3], $0x4000, $0x38;
	[tilespmem:$0x1A400] =	vst v63  }
0x18: {  	_ =	swait.ge [sflag:s11], $0x4000  }
0x19: {  	[sflag:s11] =	ssyncset.done $0x0  }
0x1a: {  	[sflag:s11] =	ssyncadd.s32 $0xFFFFC000  }
0x1b: {  	s16 =	simm.s32 $0x0;
	[bflag:$0x0] =	sbarrier.arrive $0xFFFF  }
0x1c: {  	[spmem:s1] =	stream.indirect.scatter.add.f32 [tilespmem:s12], [sflag:$0x1], $0x80, s16, s13, $0xb8;
	[tilespmem:$0x1A400] =	vst v63  }
0x1d: {  	s24 =	simm.s32 $0x80  }
0x1e: {  	[spmem:s1] =	stream.indirect.scatter.add.f32 [tilespmem:s12], [sflag:$0x1], $0x80, s24, s13, $0xb8;
	[tilespmem:$0x1A400] =	vst v63  }
0x1f: {  	s25 =	simm.s32 $0x100  }
0x20: {  	[spmem:s1] =	stream.indirect.scatter.add.f32 [tilespmem:s12], [sflag:$0x1], $0x80, s25, s13, $0xb8;
	[tilespmem:$0x1A400] =	vst v63  }
0x21: {  	s26 =	simm.s32 $0x180  }
0x22: {  	[spmem:s1] =	stream.indirect.scatter.add.f32 [tilespmem:s12], [sflag:$0x1], $0x80, s26, s13, $0xb8;
	[tilespmem:$0x1A400] =	vst v63  }
0x23: {  	s28 =	simm.s32 $0x200  }
0x24: {  	[spmem:s1] =	stream.indirect.scatter.add.f32 [tilespmem:s12], [sflag:$0x1], $0x80, s28, s13, $0xb8;
	[tilespmem:$0x1A400] =	vst v63  }
0x25: {  	s29 =	simm.s32 $0x280  }
0x26: {  	[spmem:s1] =	stream.indirect.scatter.add.f32 [tilespmem:s12], [sflag:$0x1], $0x80, s29, s13, $0xb8;
	[tilespmem:$0x1A400] =	vst v63  }
0x27: {  	s30 =	simm.s32 $0x300  }
0x28: {  	[spmem:s1] =	stream.indirect.scatter.add.f32 [tilespmem:s12], [sflag:$0x1], $0x80, s30, s13, $0xb8;
	[tilespmem:$0x1A400] =	vst v63  }
0x29: {  	s31 =	simm.s32 $0x380  }
0x2a: {  	[spmem:s1] =	stream.indirect.scatter.add.f32 [tilespmem:s12], [sflag:$0x1], $0x80, s31, s13, $0xb8;
	[tilespmem:$0x1A400] =	vst v63  }
0x2b: {  	_ =	swait.ge [sflag:s14], $0x2800  }
0x2c: {  	[sflag:s14] =	ssyncset.done $0x0  }
0x2d: {  	[sflag:s14] =	ssyncadd.s32 $0xFFFFD800  }
0x2e: {  	_ =	swait.ge [sflag:s14], $0x2800  }
0x2f: {  	[sflag:s14] =	ssyncset.done $0x0  }
0x30: {  	[sflag:s14] =	ssyncadd.s32 $0xFFFFD800  }
0x31: {  	_ =	swait.ge [sflag:s14], $0x2800  }
0x32: {  	[sflag:s14] =	ssyncset.done $0x0  }
0x33: {  	[sflag:s14] =	ssyncadd.s32 $0xFFFFD800  }
0x34: {  	_ =	swait.ge [sflag:s14], $0x2800  }
0x35: {  	[sflag:s14] =	ssyncset.done $0x0  }
0x36: {  	[sflag:s14] =	ssyncadd.s32 $0xFFFFD800  }
0x37: {  	_ =	swait.ge [sflag:s14], $0x2800  }
0x38: {  	[sflag:s14] =	ssyncset.done $0x0  }
0x39: {  	[sflag:s14] =	ssyncadd.s32 $0xFFFFD800  }
0x3a: {  	_ =	swait.ge [sflag:s14], $0x2800  }
0x3b: {  	[sflag:s14] =	ssyncset.done $0x0  }
0x3c: {  	[sflag:s14] =	ssyncadd.s32 $0xFFFFD800  }
0x3d: {  	_ =	swait.ge [sflag:s14], $0x2800  }
0x3e: {  	[sflag:s14] =	ssyncset.done $0x0  }
0x3f: {  	[sflag:s14] =	ssyncadd.s32 $0xFFFFD800  }
0x40: {  	_ =	swait.ge [sflag:s14], $0x2800  }
0x41: {  	s18 =	simm.s32 $0x2000;
	s16 =	simm.s32 $0x1000;
	[sflag:s14] =	ssyncset.done $0x0  }
.LBB2_2:
0x42: {  	s19 =	sshra.s32 s16, $0x2  }
0x43: {  	[sflag:s14] =	ssyncadd.s32 $0xFFFFD800;
	s16 =	smov.u32 s18;
	s17 =	sadd.s32 $0x1000, s18  }
0x44: {  	[spmem:s1] =	stream.indirect.scatter.add.f32 [tilespmem:s12], [sflag:$0x1], $0x80, s19, s13, $0xb8;
	[tilespmem:$0x1A400] =	vst v63  }
0x45: {  	p0 =	sne.s32 s18, $0xF000;
	s18 =	sadd.s32 $0x80, s19  }
0x46: {  	[spmem:s1] =	stream.indirect.scatter.add.f32 [tilespmem:s12], [sflag:$0x1], $0x80, s18, s13, $0xb8;
	[tilespmem:$0x1A400] =	vst v63  }
0x47: {  	s18 =	sadd.s32 $0x100, s19  }
0x48: {  	[spmem:s1] =	stream.indirect.scatter.add.f32 [tilespmem:s12], [sflag:$0x1], $0x80, s18, s13, $0xb8;
	[tilespmem:$0x1A400] =	vst v63  }
0x49: {  	s18 =	sadd.s32 $0x180, s19  }
0x4a: {  	[spmem:s1] =	stream.indirect.scatter.add.f32 [tilespmem:s12], [sflag:$0x1], $0x80, s18, s13, $0xb8;
	[tilespmem:$0x1A400] =	vst v63  }
0x4b: {  	s18 =	sadd.s32 $0x200, s19  }
0x4c: {  	[spmem:s1] =	stream.indirect.scatter.add.f32 [tilespmem:s12], [sflag:$0x1], $0x80, s18, s13, $0xb8;
	[tilespmem:$0x1A400] =	vst v63  }
0x4d: {  	s18 =	sadd.s32 $0x280, s19  }
0x4e: {  	[spmem:s1] =	stream.indirect.scatter.add.f32 [tilespmem:s12], [sflag:$0x1], $0x80, s18, s13, $0xb8;
	[tilespmem:$0x1A400] =	vst v63  }
0x4f: {  	s18 =	sadd.s32 $0x300, s19  }
0x50: {  	[spmem:s1] =	stream.indirect.scatter.add.f32 [tilespmem:s12], [sflag:$0x1], $0x80, s18, s13, $0xb8;
	[tilespmem:$0x1A400] =	vst v63  }
0x51: {  	s18 =	sadd.s32 $0x380, s19  }
0x52: {  	[spmem:s1] =	stream.indirect.scatter.add.f32 [tilespmem:s12], [sflag:$0x1], $0x80, s18, s13, $0xb8;
	[tilespmem:$0x1A400] =	vst v63  }
0x53: {  	_ =	swait.ge [sflag:s14], $0x2800  }
0x54: {  	[sflag:s14] =	ssyncset.done $0x0  }
0x55: {  	[sflag:s14] =	ssyncadd.s32 $0xFFFFD800  }
0x56: {  	_ =	swait.ge [sflag:s14], $0x2800  }
0x57: {  	[sflag:s14] =	ssyncset.done $0x0  }
0x58: {  	[sflag:s14] =	ssyncadd.s32 $0xFFFFD800  }
0x59: {  	_ =	swait.ge [sflag:s14], $0x2800  }
0x5a: {  	[sflag:s14] =	ssyncset.done $0x0  }
0x5b: {  	[sflag:s14] =	ssyncadd.s32 $0xFFFFD800  }
0x5c: {  	_ =	swait.ge [sflag:s14], $0x2800  }
0x5d: {  	[sflag:s14] =	ssyncset.done $0x0  }
0x5e: {  	[sflag:s14] =	ssyncadd.s32 $0xFFFFD800  }
0x5f: {  	_ =	swait.ge [sflag:s14], $0x2800  }
0x60: {  	[sflag:s14] =	ssyncset.done $0x0  }
0x61: {  	[sflag:s14] =	ssyncadd.s32 $0xFFFFD800  }
0x62: {  	_ =	swait.ge [sflag:s14], $0x2800  }
0x63: {  	[sflag:s14] =	ssyncset.done $0x0  }
0x64: {  	[sflag:s14] =	ssyncadd.s32 $0xFFFFD800  }
.Ltmp0:
0x65: {  	_ =	swait.ge [sflag:s14], $0x2800;
	(pc) =	sbr.rel @p0 .LBB2_2-.Ltmp0, $4  }
0x66: {  	[sflag:s14] =	ssyncset.done $0x0  }
0x67: {  	[sflag:s14] =	ssyncadd.s32 $0xFFFFD800  }
0x68: {  	_ =	swait.ge [sflag:s14], $0x2800  }
0x69: {  	s18 =	smov.u32 s17;
	[sflag:s14] =	ssyncset.done $0x0  }
0x6a: {  	s16 =	sshra.s32 s16, $0x2;
	[sflag:s14] =	ssyncadd.s32 $0xFFFFD800  }
0x6b: {  	[spmem:s1] =	stream.indirect.scatter.add.f32 [tilespmem:s12], [sflag:$0x1], $0x80, s16, s13, $0xb8;
	[tilespmem:$0x1A400] =	vst v63  }
0x6c: {  	s17 =	sadd.s32 $0x80, s16  }
0x6d: {  	[spmem:s1] =	stream.indirect.scatter.add.f32 [tilespmem:s12], [sflag:$0x1], $0x80, s17, s13, $0xb8;
	[tilespmem:$0x1A400] =	vst v63  }
0x6e: {  	s26 =	sadd.s32 $0x100, s16  }
0x6f: {  	[spmem:s1] =	stream.indirect.scatter.add.f32 [tilespmem:s12], [sflag:$0x1], $0x80, s26, s13, $0xb8;
	[tilespmem:$0x1A400] =	vst v63  }
0x70: {  	s28 =	sadd.s32 $0x180, s16  }
0x71: {  	[spmem:s1] =	stream.indirect.scatter.add.f32 [tilespmem:s12], [sflag:$0x1], $0x80, s28, s13, $0xb8;
	[tilespmem:$0x1A400] =	vst v63  }
0x72: {  	s29 =	sadd.s32 $0x200, s16  }
0x73: {  	[spmem:s1] =	stream.indirect.scatter.add.f32 [tilespmem:s12], [sflag:$0x1], $0x80, s29, s13, $0xb8;
	[tilespmem:$0x1A400] =	vst v63  }
0x74: {  	s30 =	sadd.s32 $0x280, s16  }
0x75: {  	[spmem:s1] =	stream.indirect.scatter.add.f32 [tilespmem:s12], [sflag:$0x1], $0x80, s30, s13, $0xb8;
	[tilespmem:$0x1A400] =	vst v63  }
0x76: {  	s31 =	sadd.s32 $0x300, s16  }
0x77: {  	[spmem:s1] =	stream.indirect.scatter.add.f32 [tilespmem:s12], [sflag:$0x1], $0x80, s31, s13, $0xb8;
	[tilespmem:$0x1A400] =	vst v63  }
0x78: {  	s16 =	sadd.s32 $0x380, s16  }
0x79: {  	[spmem:s1] =	stream.indirect.scatter.add.f32 [tilespmem:s12], [sflag:$0x1], $0x80, s16, s13, $0xb8;
	[tilespmem:$0x1A400] =	vst v63  }
0x7a: {  	_ =	swait.ge [sflag:s14], $0x2800  }
0x7b: {  	[sflag:s14] =	ssyncset.done $0x0  }
0x7c: {  	[sflag:s14] =	ssyncadd.s32 $0xFFFFD800  }
0x7d: {  	_ =	swait.ge [sflag:s14], $0x2800  }
0x7e: {  	[sflag:s14] =	ssyncset.done $0x0  }
0x7f: {  	[sflag:s14] =	ssyncadd.s32 $0xFFFFD800  }
0x80: {  	_ =	swait.ge [sflag:s14], $0x2800  }
0x81: {  	[sflag:s14] =	ssyncset.done $0x0  }
0x82: {  	[sflag:s14] =	ssyncadd.s32 $0xFFFFD800  }
0x83: {  	_ =	swait.ge [sflag:s14], $0x2800  }
0x84: {  	[sflag:s14] =	ssyncset.done $0x0  }
0x85: {  	[sflag:s14] =	ssyncadd.s32 $0xFFFFD800  }
0x86: {  	_ =	swait.ge [sflag:s14], $0x2800  }
0x87: {  	[sflag:s14] =	ssyncset.done $0x0  }
0x88: {  	[sflag:s14] =	ssyncadd.s32 $0xFFFFD800  }
0x89: {  	_ =	swait.ge [sflag:s14], $0x2800  }
0x8a: {  	[sflag:s14] =	ssyncset.done $0x0  }
0x8b: {  	[sflag:s14] =	ssyncadd.s32 $0xFFFFD800  }
0x8c: {  	_ =	swait.ge [sflag:s14], $0x2800  }
0x8d: {  	[sflag:s14] =	ssyncset.done $0x0  }
0x8e: {  	[sflag:s14] =	ssyncadd.s32 $0xFFFFD800  }
0x8f: {  	_ =	swait.ge [sflag:s14], $0x2800  }
0x90: {  	s15 =	sadd.s32 $0x1, s15;
	[sflag:s14] =	ssyncset.done $0x0  }
0x91: {  	p0 =	sne.s32 s15, s9;
	[sflag:s14] =	ssyncadd.s32 $0xFFFFD800  }
.Ltmp1:
0x92: {  	[bflag:$0x0] =	sbarrier.arrive $0xFFFF;
	(pc) =	sbr.rel @p0 .LBB2_1-.Ltmp1, $4  }
0x93: {  	[hbm:s8], [sflag:s6] =	dma.local [spmem:s10], $0x2780  }
0x94: {  	_ =	swait.ge [sflag:s11], $0x2780  }
0x95: {  	[sflag:s11] =	ssyncset.done $0x0  }
0x96: {  	[sflag:s11] =	ssyncadd.s32 $0xFFFFD880  }
0x97: {  	_ =	sfence.sel $0x180000  }
0x98: {  	[bflag:$0x0] =	sbarrier.arrive $0xFFFF  }
0x99: {  	p0 =	sne.s32 s2, $0x0;
	_ =	strace $0x90000047  }
0x9a: {  	s0 =	sadd.s32 @!p0 $0x100000, s0;
	[bflag:$0x2] =	sbarrier.arrive $0xFFFF  }
0x9b: {  	[sflag:s0] =	ssyncadd.tile.s32 @!p0 $0x1;
	_ =	shalt  }
.Lfunc_end2:
_tile_overlayer_lowered:
.L_overlay_start_2:
0x9c: {  	(tag) =	ssettag $0x2  }
0x9d: {  	s0 =	rddreg [dreg:$0x0];
	s2 =	stileid.u32  }
0x9e: {  	s1 =	rddreg [dreg:$0x1];
	p0 =	sne.s32 s2, $0x0  }
0x9f: {  	s3 =	rddreg [dreg:$0x2];
	[bflag:$0x3] =	sbarrier.arrive $0xFFFF;
	s2 =	simm.s32 @!p0 $0x1C02  }
0xa0: {  	[timem:s3], [sflag:s2] =	dma.local @!p0 [hbm:s0], s1  }
0xa1: {  	s0 =	simm.s32 @!p0 $0x2  }
0xa2: {  	_ =	swait.ge @!p0 [sflag:s0], s1  }
0xa3: {  	s1 =	ssub.s32 @!p0 $0x0, s1;
	[sflag:s0] =	ssyncset.done @!p0 $0x0  }
0xa4: {  	[sflag:s0] =	ssyncadd.s32 @!p0 s1  }
0xa5: {  	[bflag:$0x3] =	sbarrier.arrive $0xFFFF  }
0xa6: {  	_ =	shalt  }

// kernel: kernel.15.cloned.1.call-start
scs
__scs_entry_jumppad:
0x0: {  	(pc) =	sbr.rel $0x88, $3  }
0x1: {  	(tag) =	ssettag $0x0;
	lr =	simm.s32 $0x1  }
0x2: {  	[smem:$0x3F98] =	sst lr;
	_ =	strace $0xD0000000  }
0x3: {  	_ = 	snop  }
0x4: {  	_ = 	snop  }
0x5: {  	_ = 	snop  }
0x6: {  	_ = 	snop  }
0x7: {  	_ = 	snop  }
__scs_overlays_trampoline_lowered:
0x8: {  	[smem:$0x3FA7] =	sst s0  }
0x9: {  	[smem:$0x3FA8] =	sst s1  }
0xa: {  	[smem:$0x3FA9] =	sst s2  }
0xb: {  	[smem:$0x3FAA] =	sst s3  }
0xc: {  	[smem:$0x3FAB] =	sst s4  }
0xd: {  	[smem:$0x3FAC] =	sst s5  }
0xe: {  	[smem:$0x3FAD] =	sst s6  }
0xf: {  	[smem:$0x3FAE] =	sst s7  }
0x10: {  	[smem:$0x3FAF] =	sst s8  }
0x11: {  	[smem:$0x3FB0] =	sst s9;
	s0 =	simm.s32 @!p0 $0x0  }
0x12: {  	s1 =	sld [smem:$0x3F96];
	s0 =	simm.s32 @p0 $0x1  }
0x13: {  	[smem:$0x3FB1] =	sst s0;
	s0 =	simm.s32 @!p1 $0x0  }
0x14: {  	s2 =	sld [smem:$0x3F95];
	s0 =	simm.s32 @p1 $0x1  }
0x15: {  	[smem:$0x3FB2] =	sst s0;
	s0 =	simm.s32 @!p2 $0x0  }
0x16: {  	s3 =	sld [smem:$0x3FDB];
	s0 =	simm.s32 @p2 $0x1  }
0x17: {  	s4 =	simm.s32 $0x1BF5;
	[smem:$0x3FB4] =	sst s0  }
0x18: {  	s0 =	sld [smem:$0x3F97];
	_ =	swait.ge [sflag:s4], $0x0  }
0x19: {  	s7 =	sld [smem:$0x3F98]  }
0x1a: {  	s8 =	sadd.s32 $0xFFFFE003, lr  }
0x1b: {  	s9 =	sadd.s32 $0xFFFFFEF7, lr;
	s5 =	simm.s32 $0xFFFFFFFF;
	p2 =	slt.u32 s8, $0xFFFFF086  }
0x1c: {  	p1 =	slt.u32 s9, $0xF7A;
	s5 =	simm.s32 @!p2 $0x0  }
0x1d: {  	s5 =	simm.s32 @p1 $0x1;
	p0 =	seq.s32 s7, s2  }
0x1e: {  	s7 =	smul.u32 @!p0 $0xF7A, s2;
	p2 =	seq.s32 @!p0 s5, $0x0  }
0x1f: {  	s9 =	smul.u32 $0xF7A, s1;
	s8 =	simm.s32 @!p0 $0x1BF5;
	p2 =	por !p2, p0  }
0x20: {  	[sflag:s8] =	ssyncset.s32 @!p0 $0xFFFFF086;
	s6 =	sadd.s32 @!p0 s3, s7;
	s7 =	simm.s32 @!p0 $0x108  }
0x21: {  	s3 =	sadd.s32 s3, s9;
	s6 =	sadd.s32 @!p0 $0x88, s6;
	s7 =	simm.s32 @p2 $0x1082  }
0x22: {  	[simem:s7], [sflag:s8] =	dma.local @!p0 [hbm:s6], $0xF7A  }
0x23: {  	s9 =	sor.u32 $0xD0000000, s2;
	s6 =	simm.s32 $0x108;
	_ =	swait.ge @!p0 [sflag:s8], $0x0  }
0x24: {  	s3 =	sadd.s32 $0x88, s3;
	s6 =	simm.s32 @!p1 $0x1082;
	[sflag:s4] =	ssyncset.s32 $0xFFFFF086  }
0x25: {  	[simem:s6], [sflag:s4] =	dma.local [hbm:s3], $0xF7A  }
0x26: {  	[smem:$0x3F98] =	sst s1;
	(tag) =	ssettag s2;
	_ =	strace s9  }
0x27: {  	s1 =	sld [smem:$0x3FA8]  }
0x28: {  	s2 =	sld [smem:$0x3FA9]  }
0x29: {  	s4 =	sld [smem:$0x3FAB]  }
0x2a: {  	p0 =	seq.s32 s5, $0x0;
	s5 =	sld [smem:$0x3FAC]  }
0x2b: {  	s6 =	sld [smem:$0x3FAD]  }
0x2c: {  	s7 =	sld [smem:$0x3FAE]  }
0x2d: {  	s3 =	simm.s32 $0x108;
	s8 =	sld [smem:$0x3FAF]  }
0x2e: {  	s3 =	simm.s32 @!p0 $0x1082;
	s9 =	sld [smem:$0x3FB0]  }
0x2f: {  	lr =	sadd.s32 s0, s3;
	s0 =	sld [smem:$0x3FA7]  }
0x30: {  	s3 =	sld [smem:$0x3FAA]  }
0x31: {  	[smem:$0x3FB3] =	sst s10  }
0x32: {  	s10 =	sld [smem:$0x3FB1];
	_ =	sdelay $0x3  }
0x33: {  	p0 =	seq.s32 s10, $0x1;
	s10 =	sld [smem:$0x3FB3];
	_ =	sdelay $0x3  }
0x34: {  	[smem:$0x3FB3] =	sst s10  }
0x35: {  	s10 =	sld [smem:$0x3FB2];
	_ =	sdelay $0x3  }
0x36: {  	p1 =	seq.s32 s10, $0x1;
	s10 =	sld [smem:$0x3FB3];
	_ =	sdelay $0x3  }
0x37: {  	[smem:$0x3FB3] =	sst s10  }
0x38: {  	s10 =	sld [smem:$0x3FB4]  }
0x39: {  	_ = 	snop;
	(pc) =	sbr.ind lr, $3  }
0x3a: {  	_ = 	snop  }
0x3b: {  	_ = 	snop  }
0x3c: {  	p2 =	seq.s32 s10, $0x1;
	s10 =	sld [smem:$0x3FB3]  }
0x3d: {  	_ =	shalt  }
0x3e: {  	_ =	shalt  }
0x3f: {  	_ =	shalt  }
0x40: {  	_ =	shalt  }
0x41: {  	_ =	shalt  }
0x42: {  	_ =	shalt  }
0x43: {  	_ =	shalt  }
0x44: {  	_ =	shalt  }
0x45: {  	_ =	shalt  }
0x46: {  	_ =	shalt  }
0x47: {  	_ =	shalt  }
0x48: {  	_ =	shalt  }
0x49: {  	_ =	shalt  }
0x4a: {  	_ =	shalt  }
0x4b: {  	_ =	shalt  }
0x4c: {  	_ =	shalt  }
0x4d: {  	_ =	shalt  }
0x4e: {  	_ =	shalt  }
0x4f: {  	_ =	shalt  }
0x50: {  	_ =	shalt  }
0x51: {  	_ =	shalt  }
0x52: {  	_ =	shalt  }
0x53: {  	_ =	shalt  }
0x54: {  	_ =	shalt  }
0x55: {  	_ =	shalt  }
0x56: {  	_ =	shalt  }
0x57: {  	_ =	shalt  }
0x58: {  	_ =	shalt  }
0x59: {  	_ =	shalt  }
0x5a: {  	_ =	shalt  }
0x5b: {  	_ =	shalt  }
0x5c: {  	_ =	shalt  }
0x5d: {  	_ =	shalt  }
0x5e: {  	_ =	shalt  }
0x5f: {  	_ =	shalt  }
0x60: {  	_ =	shalt  }
0x61: {  	_ =	shalt  }
0x62: {  	_ =	shalt  }
0x63: {  	_ =	shalt  }
0x64: {  	_ =	shalt  }
0x65: {  	_ =	shalt  }
0x66: {  	_ =	shalt  }
0x67: {  	_ =	shalt  }
0x68: {  	_ =	shalt  }
0x69: {  	_ =	shalt  }
0x6a: {  	_ =	shalt  }
0x6b: {  	_ =	shalt  }
0x6c: {  	_ =	shalt  }
0x6d: {  	_ =	shalt  }
0x6e: {  	_ =	shalt  }
0x6f: {  	_ =	shalt  }
0x70: {  	_ =	shalt  }
0x71: {  	_ =	shalt  }
0x72: {  	_ =	shalt  }
0x73: {  	_ =	shalt  }
0x74: {  	_ =	shalt  }
0x75: {  	_ =	shalt  }
0x76: {  	_ =	shalt  }
0x77: {  	_ =	shalt  }
0x78: {  	_ =	shalt  }
0x79: {  	_ =	shalt  }
0x7a: {  	_ =	shalt  }
0x7b: {  	_ =	shalt  }
0x7c: {  	_ =	shalt  }
0x7d: {  	_ =	shalt  }
0x7e: {  	_ =	shalt  }
0x7f: {  	_ =	shalt  }
0x80: {  	_ =	shalt  }
0x81: {  	_ =	shalt  }
0x82: {  	_ =	shalt  }
0x83: {  	_ =	shalt  }
0x84: {  	_ =	shalt  }
0x85: {  	_ =	shalt  }
0x86: {  	_ =	shalt  }
0x87: {  	_ =	shalt  }
.Lfunc_end0:
.L_simem_size_0:
called_computation.1_lowered:
.L_overlay_start_0:
0x88: {  	s2 =	sld [smem:$0x3FD9]  }
0x89: {  	s3 =	sld [smem:$0x3FFE];
	_ =	sdelay $0x1  }
0x8a: {  	s1 =	srdreg.scid  }
0x8b: {  	s0 =	sand.u32 $0x1, s1  }
0x8c: {  	s16 =	sshll.u32 s0, $0xA;
	s2 =	sadd.s32 s3, s2  }
0x8d: {  	s2 =	sadd.s32 s2, s16  }
0x8e: {  	[smem:$0x3FBF] =	sst s2  }
0x8f: {  	_ = 	snop  }
0x90: {  	(tm) =	ssettm $0x1  }
0x91: {  	s17 =	sld [smem:$0x3FFB];
	_ =	sdelay $0x3  }
0x92: {  	_ =	strace s17  }
0x93: {  	s2 =	sld [smem:$0x3FFC];
	_ =	sdelay $0x3  }
0x94: {  	_ =	strace s2  }
0x95: {  	s2 =	sld [smem:$0x3FFD];
	_ =	sdelay $0x3  }
0x96: {  	_ =	strace s2  }
0x97: {  	_ =	strace $0x8FFFFFFF  }
0x98: {  	s18 =	sld [smem:$0x3FDB];
	_ =	sdelay $0x1  }
0x99: {  	s19 =	simm.s32 $_scs_section_size  }
0x9a: {  	s4 =	simm.s32 $_size__tile_overlayer_lowered;
	s5 =	simm.s32 $_tile_overlayer_lowered  }
0x9b: {  	s22 =	simm.s32 $0x1BFF;
	s21 =	sshll.u32 s5, $0x1;
	s2 =	sadd.s32 s19, s18  }
0x9c: {  	s6 =	simm.s32 $0x0;
	s20 =	sshll.u32 s4, $0x1;
	s4 =	sadd.s32 s21, s2  }
0x9d: {  	[timem:s6], [sflag:s22] =	dma.local [hbm:s4], s20  }
0x9e: {  	_ =	swait.ge [sflag:s22], s20  }
0x9f: {  	s3 =	ssub.s32 $0x0, s20;
	[sflag:s22] =	ssyncset.done $0x0  }
0xa0: {  	[sflag:s22] =	ssyncadd.s32 s3;
	_ =	sdelay $0x1  }
0xa1: {  	s23 =	simm.s32 $0x1B8B  }
0xa2: {  	_ =	swait.ge [sflag:s23], $0x1  }
0xa3: {  	[sflag:s23] =	ssyncset.done $0x0  }
0xa4: {  	s25 =	simm.s32 $0x1B8E;
	s24 =	sld [smem:$0x3FFE];
	[sflag:s23] =	ssyncadd.s32 $0xFFFFFFFF  }
0xa5: {  	s26 =	simm.s32 $execute0_lowered;
	[smem:$0x3FD2] =	sst s25  }
0xa6: {  	s4 =	sshll.u32 s26, $0x1;
	_ =	strace $0x80000049;
	[dreg:$0x1] =	wrdreg $0xFFFFFFFF  }
0xa7: {  	s28 =	simm.s32 $_size_execute0_lowered;
	s2 =	sadd.s32 s2, s4;
	[dreg:$0x0] =	wrdreg $0x0  }
0xa8: {  	s4 =	sshll.u32 s28, $0x1;
	[dreg:$0x2] =	wrdreg s2  }
0xa9: {  	[dreg:$0x3] =	wrdreg s4  }
0xaa: {  	[dreg:$0x4] =	wrdreg $0xC0  }
0xab: {  	_ =	task [dreg:s6], $0x5FFFF  }
0xac: {  	[dreg:$0x1] =	wrdreg $0xFFFFFFFF  }
0xad: {  	[dreg:$0x0] =	wrdreg $0x60  }
0xae: {  	[dreg:$0x2] =	wrdreg s24  }
0xaf: {  	[dreg:$0x3] =	wrdreg $0xA4000  }
0xb0: {  	[dreg:$0x4] =	wrdreg $0x9  }
0xb1: {  	_ =	task.clear_ibuf [dreg:s6], $0x5FFFF;
	_ =	strace $0x90000049  }
0xb2: {  	s29 =	simm.s32 $0x9;
	_ =	strace $0x8000004B  }
0xb3: {  	_ =	swait.ge [sflag:s29], $0x1  }
0xb4: {  	[sflag:s29] =	ssyncadd.s32 $0xFFFFFFFF  }
0xb5: {  	_ =	strace $0x9000004B  }
0xb6: {  	_ =	sfence  }
0xb7: {  	s30 =	sld [smem:$0x0];
	_ =	sdelay $0x2  }
0xb8: {  	s31 =	sshll.u32 s1, $0xD;
	s1 =	sshrl.u32 s1, $0x2  }
0xb9: {  	s3 =	sand.u32 $0x4000, s31;
	s1 =	sadd.s32 s1, s30  }
0xba: {  	s0 =	sor.u32 s3, s0;
	s1 =	sshll.u32 s1, $0x11  }
0xbb: {  	s0 =	sor.u32 s1, s0  }
0xbc: {  	s0 =	sadd.s32 $0x8F2B, s0  }
0xbd: {  	[sflag:s0] =	ssyncadd.remote.s32 $0x1  }
0xbe: {  	_ =	sfence.sel $0xFFFF  }
0xbf: {  	[dreg:$0x0] =	wrdreg $0xFFFFFFFF;
	(pc) =	sbr.abs _section_cstart, $3  }
0xc0: {  	[dreg:$0x1] =	wrdreg $0xFFFFFFFF  }
0xc1: {  	_ =	task.clear_ibuf [dreg:s6], $0x2FFFF;
	_ =	strace $0x9FFFFFFF  }
0xc2: {  	(tm) =	ssettm $0x7FFFFFFF  }
0xc3: {  	_ =	shalt  }
tec
execute0_lowered:
.L_overlay_start_1:
0x0: {  	(tag) =	ssettag $0x1  }
0x1: {  	s0 =	rddreg [dreg:$0x0]  }
0x2: {  	s1 =	rddreg [dreg:$0x1];
	s3 =	simm.s32 $0x0;
	s13 =	stileid.u32  }
0x3: {  	s2 =	srdreg.scid;
	s28 =	simm.s32 $0xB;
	s31 =	simm.s32 $0x2  }
0x4: {  	s14 =	simm.s32 $0x4;
	s15 =	simm.s32 $0x10;
	s30 =	simm.s32 $0x80  }
0x5: {  	[smem:$0x7FF] =	sst s3;
	s8 =	smul.u32 $0x2780, s13;
	s2 =	sand.u32 $0x1, s2  }
0x6: {  	s5 =	sshll.u32 s13, $0x1;
	s4 =	sadd.s32 $0x50A00, s0;
	s16 =	smul.u32 $0x4F000, s13  }
0x7: {  	s6 =	sadd.s32 $0xEC00, s0;
	s11 =	smul.u32 $0x5000, s13;
	s18 =	sshll.u32 s13, $0x6  }
0x8: {  	s13 =	simm.s32 $0x9;
	_ =	strace $0x8000004A;
	s9 =	smul.u32 $0x27800, s2  }
0x9: {  	s7 =	sor.u32 s2, s5;
	s17 =	ssub.s32 $0x2, s2;
	s2 =	smul.u32 $0x2800, s2  }
0xa: {  	s5 =	sadd.s32 $0x4C00, s0;
	s18 =	sor.u32 $0x1C11, s18;
	s7 =	smul.u32 $0x2800, s7  }
0xb: {  	s10 =	sadd.s32 s8, s0;
	s12 =	sshrl.u32 s17, $0x1;
	[dreg:$0x8] =	wrdreg s18  }
0xc: {  	s8 =	sadd.s32 s8, s9;
	s9 =	sshrl.u32 s16, $0x2;
	s10 =	sadd.s32 $0x29200, s10  }
0xd: {  	s2 =	sadd.s32 s2, s11;
	s16 =	simm.s32 $0xA;
	s0 =	sadd.s32 s8, s0  }
0xe: {  	s8 =	ssub.s32 s17, s12;
	s9 =	sadd.s32 s9, s1;
	s19 =	sshrl.u32 s7, $0x3  }
0xf: {  	[dreg:$0x7] =	wrdreg s10;
	s21 =	sor.u32 $0xF0, s2;
	s20 =	sadd.s32 s5, s19  }
0x10: {  	s2 =	sor.u32 $0xA0, s2;
	s22 =	sadd.s32 s6, s19;
	[dreg:$0x9] =	wrdreg s20  }
0x11: {  	s23 =	sor.u32 $0xA, s19;
	s0 =	sadd.s32 $0xC7200, s0;
	[dreg:$0xa] =	wrdreg s22  }
0x12: {  	s10 =	sshrl.u32 s21, $0x3;
	s29 =	smax.u32 s8, $0x1;
	[dreg:$0xd] =	wrdreg s0  }
0x13: {  	s2 =	sshrl.u32 s2, $0x3;
	s12 =	sadd.s32 s5, s23;
	[dreg:$0xe] =	wrdreg s29  }
0x14: {  	s21 =	simm.s32 $0x11;
	s24 =	sadd.s32 s10, s6;
	[dreg:$0xb] =	wrdreg s12  }
0x15: {  	s19 =	simm.s32 $0x50;
	s11 =	sadd.s32 s6, s23;
	[dreg:$0x3] =	wrdreg s24  }
0x16: {  	s10 =	sadd.s32 s10, s5;
	s25 =	sadd.s32 s2, s6;
	[dreg:$0xc] =	wrdreg s11  }
0x17: {  	s26 =	sadd.s32 s2, s5;
	s20 =	sshrl.u32 s9, $0x3;
	[dreg:$0x4] =	wrdreg s10  }
0x18: {  	s2 =	simm.s32 $0xC;
	s9 =	simm.s32 $0x6;
	[dreg:$0x5] =	wrdreg s25  }
0x19: {  	s0 =	simm.s32 $0x0;
	[dreg:$0x6] =	wrdreg s26;
	s10 =	simm.s32 $0x3  }
0x1a: {  	s11 =	simm.s32 $0xF;
	s12 =	simm.s32 $0x5;
	[dreg:$0xf] =	wrdreg s20  }
.LBB2_1:
0x1b: {  	[dreg:$0x10] =	wrdreg s0  }
0x1c: {  	s17 =	rddreg [dreg:$0x7]  }
0x1d: {  	[spmem:s20], [sflag:s18] =	dma.local [hbm:s17], $0x2780  }
0x1e: {  	_ =	swait.ge [sflag:s21], $0x2780  }
0x1f: {  	[sflag:s21] =	ssyncset.done $0x0  }
0x20: {  	[sflag:s21] =	ssyncadd.s32 $0xFFFFD880  }
0x21: {  	[bflag:$0x0] =	sbarrier.arrive $0xFFFF  }
0x22: {  	s29 =	rddreg [dreg:$0x9]  }
0x23: {  	[tilespmem:s3], [sflag:$0x11] =	stream.linear.gather [hbm4b:s29+s3], $0x50, $0x38;
	[tilespmem:$0x1E000] =	vst v63  }
0x24: {  	_ =	swait.ge [sflag:s21], $0x50  }
0x25: {  	[sflag:s21] =	ssyncset.done $0x0  }
0x26: {  	s23 =	simm.s32 $0x200;
	s0 =	rddreg [dreg:$0xa];
	[sflag:s21] =	ssyncadd.s32 $0xFFFFFFB0  }
0x27: {  	[tilespmem:s23], [sflag:$0x11] =	stream.linear.gather [hbm4b:s0+s3], $0x50, $0x38;
	[tilespmem:$0x1E000] =	vst v63  }
0x28: {  	_ =	swait.ge [sflag:s21], $0x50  }
0x29: {  	[sflag:s21] =	ssyncset.done $0x0  }
0x2a: {  	s24 =	simm.s32 $0x400;
	[sflag:s21] =	ssyncadd.s32 $0xFFFFFFB0  }
0x2b: {  	[tilespmem:s24], [sflag:$0x1] =	stream.indirect.gather [hbm4b:s4+s19], $0x80, s3, s19, $0xb8;
	[tilespmem:$0x1E000] =	vst v63  }
0x2c: {  	s26 =	simm.s32 $0x80;
	s8 =	rddreg [dreg:$0xb]  }
0x2d: {  	[tilespmem:s26], [sflag:$0x11] =	stream.linear.gather [hbm4b:s8+s3], $0x50, $0x38;
	[tilespmem:$0x1E000] =	vst v63  }
0x2e: {  	_ =	swait.ge [sflag:s21], $0x50  }
0x2f: {  	[sflag:s21] =	ssyncset.done $0x0  }
0x30: {  	s29 =	simm.s32 $0x280;
	s18 =	rddreg [dreg:$0xc];
	[sflag:s21] =	ssyncadd.s32 $0xFFFFFFB0  }
0x31: {  	[tilespmem:s29], [sflag:$0x11] =	stream.linear.gather [hbm4b:s18+s3], $0x50, $0x38;
	[tilespmem:$0x1E000] =	vst v63  }
0x32: {  	_ =	swait.ge [sflag:s21], $0x50  }
0x33: {  	[sflag:s21] =	ssyncset.done $0x0  }
0x34: {  	s22 =	simm.s32 $0x2C00;
	s20 =	rddreg [dreg:$0x6];
	[sflag:s21] =	ssyncadd.s32 $0xFFFFFFB0  }
0x35: {  	[tilespmem:s22], [sflag:$0x2] =	stream.indirect.gather [hbm4b:s4+s19], $0x80, s26, s19, $0xb8;
	[tilespmem:$0x1E000] =	vst v63  }
0x36: {  	s25 =	simm.s32 $0x1;
	s17 =	sadd.s32 $0x0, s20;
	s21 =	simm.s32 $0x100  }
0x37: {  	[tilespmem:s21], [sflag:$0xB] =	stream.linear.gather [hbm4b:s17+s3], $0x50, $0x38;
	[tilespmem:$0x1E000] =	vst v63  }
0x38: {  	p0 =	por $0x1, $0x1;
	_ =	swait.ge [sflag:s25], $0x2800  }
0x39: {  	s18 =	simm.s32 @p0 $0x200;
	s20 =	simm.s32 @p0 $0x400;
	[sflag:s25] =	ssyncset.done $0x0  }
0x3a: {  	s22 =	simm.s32 @!p0 $0xD;
	s17 =	simm.s32 @p0 $0x50;
	[sflag:s25] =	ssyncadd.s32 $0xFFFFD800  }
0x3b: {  	[spmem:s1] =	stream.indirect.scatter.add.f32 @p0 [tilespmem:s20], [sflag:$0x5], $0x80, s18, s17, $0xb8;
	[tilespmem:$0x1E000] =	vst v63  }
0x3c: {  	_ =	swait.ge @!p0 [sflag:s22], $0x50  }
0x3d: {  	s18 =	simm.s32 @!p0 $0x400;
	[sflag:s22] =	ssyncset.done @!p0 $0x0  }
0x3e: {  	s20 =	simm.s32 @!p0 $0x50;
	[sflag:s22] =	ssyncadd.s32 @!p0 $0xFFFFFFB0;
	s22 =	simm.s32 @!p0 $0x200  }
0x3f: {  	[spmem:s1] =	stream.indirect.scatter.add.f32 @!p0 [tilespmem:s18], [sflag:$0x5], $0x80, s22, s20, $0xb8;
	[tilespmem:$0x1E000] =	vst v63  }
0x40: {  	s18 =	simm.s32 @!p0 $0x7  }
0x41: {  	_ =	swait.ge @!p0 [sflag:s18], $0x2800  }
0x42: {  	s8 =	rddreg [dreg:$0x5];
	[sflag:s18] =	ssyncset.done @!p0 $0x0  }
0x43: {  	s0 =	simm.s32 $0x300;
	[sflag:s18] =	ssyncadd.s32 @!p0 $0xFFFFD800;
	s22 =	sadd.s32 $0x0, s8  }
0x44: {  	[tilespmem:s0], [sflag:$0xF] =	stream.linear.gather [hbm4b:s22+s3], $0x50, $0x38;
	[tilespmem:$0x1E000] =	vst v63  }
0x45: {  	_ =	swait.ge [sflag:s28], $0x50  }
0x46: {  	[sflag:s28] =	ssyncset.done $0x0  }
0x47: {  	s8 =	simm.s32 $0x5400;
	s25 =	rddreg [dreg:$0x4];
	[sflag:s28] =	ssyncadd.s32 $0xFFFFFFB0  }
0x48: {  	[tilespmem:s8], [sflag:$0x3] =	stream.indirect.gather [hbm4b:s4+s19], $0x80, s21, s19, $0xb8;
	[tilespmem:$0x1E000] =	vst v63  }
0x49: {  	s18 =	sadd.s32 $0x0, s25;
	s21 =	simm.s32 $0x180  }
0x4a: {  	[tilespmem:s21], [sflag:$0xC] =	stream.linear.gather [hbm4b:s18+s3], $0x50, $0x38;
	[tilespmem:$0x1E000] =	vst v63  }
0x4b: {  	_ =	swait.ge [sflag:s31], $0x2800  }
0x4c: {  	[sflag:s31] =	ssyncset.done $0x0  }
0x4d: {  	s22 =	simm.s32 @p0 $0x2C00;
	s18 =	simm.s32 @p0 $0x280;
	[sflag:s31] =	ssyncadd.s32 $0xFFFFD800  }
0x4e: {  	[spmem:s1] =	stream.indirect.scatter.add.f32 @p0 [tilespmem:s22], [sflag:$0x6], $0x80, s18, s17, $0xb8;
	[tilespmem:$0x1E000] =	vst v63  }
0x4f: {  	s17 =	simm.s32 @!p0 $0xE  }
0x50: {  	_ =	swait.ge @!p0 [sflag:s17], $0x50  }
0x51: {  	s18 =	simm.s32 @!p0 $0x280;
	[sflag:s17] =	ssyncset.done @!p0 $0x0  }
0x52: {  	s22 =	simm.s32 @!p0 $0x2C00;
	[sflag:s17] =	ssyncadd.s32 @!p0 $0xFFFFFFB0;
	s17 =	simm.s32 @!p0 $0x8  }
0x53: {  	[spmem:s1] =	stream.indirect.scatter.add.f32 @!p0 [tilespmem:s22], [sflag:$0x6], $0x80, s18, s20, $0xb8;
	[tilespmem:$0x1E000] =	vst v63  }
0x54: {  	s18 =	simm.s32 $0x140;
	_ =	swait.ge @!p0 [sflag:s17], $0x2800  }
0x55: {  	s20 =	simm.s32 $0x380;
	s22 =	rddreg [dreg:$0x3];
	[sflag:s17] =	ssyncset.done @!p0 $0x0  }
0x56: {  	[sflag:s17] =	ssyncadd.s32 @!p0 $0xFFFFD800;
	s25 =	sadd.s32 $0x0, s22;
	p0 =	por $0x0, $0x0  }
0x57: {  	[tilespmem:s20], [sflag:$0x10] =	stream.linear.gather [hbm4b:s25+s3], $0x50, $0x38;
	[tilespmem:$0x1E000] =	vst v63  }
0x58: {  	s18 =	simm.s32 @p0 $0x0;
	_ =	swait.ge [sflag:s2], $0x50  }
0x59: {  	s18 =	sadd.s32 s7, s18;
	[sflag:s2] =	ssyncset.done $0x0  }
0x5a: {  	s22 =	simm.s32 $0x7C00;
	s17 =	sshrl.u32 s18, $0x3;
	[sflag:s2] =	ssyncadd.s32 $0xFFFFFFB0  }
0x5b: {  	[tilespmem:s22], [sflag:$0x4] =	stream.indirect.gather [hbm4b:s4+s19], $0x80, s21, s19, $0xb8;
	[tilespmem:$0x1E000] =	vst v63  }
0x5c: {  	s21 =	sadd.s32 s5, s17  }
0x5d: {  	[tilespmem:s3], [sflag:$0x9] =	stream.linear.gather [hbm4b:s21+s3], $0x50, $0x38;
	[tilespmem:$0x1E000] =	vst v63  }
0x5e: {  	_ =	swait.ge [sflag:s10], $0x2800  }
0x5f: {  	[sflag:s10] =	ssyncset.done $0x0  }
0x60: {  	[sflag:s10] =	ssyncadd.s32 $0xFFFFD800  }
0x61: {  	_ =	swait.ge [sflag:s11], $0x50  }
0x62: {  	[sflag:s11] =	ssyncset.done $0x0  }
0x63: {  	[sflag:s11] =	ssyncadd.s32 $0xFFFFFFB0  }
0x64: {  	[spmem:s1] =	stream.indirect.scatter.add.f32 [tilespmem:s8], [sflag:$0x7], $0x80, s0, s19, $0xb8;
	[tilespmem:$0x1E000] =	vst v63  }
0x65: {  	_ =	swait.ge [sflag:s12], $0x2800  }
0x66: {  	[sflag:s12] =	ssyncset.done $0x0  }
0x67: {  	s18 =	simm.s32 $0x190;
	s17 =	sadd.s32 s6, s17;
	[sflag:s12] =	ssyncadd.s32 $0xFFFFD800  }
0x68: {  	[tilespmem:s23], [sflag:$0xD] =	stream.linear.gather [hbm4b:s17+s3], $0x50, $0x38;
	[tilespmem:$0x1E000] =	vst v63  }
0x69: {  	s18 =	simm.s32 @p0 $0x50;
	_ =	swait.ge [sflag:s13], $0x50  }
0x6a: {  	s23 =	sadd.s32 s7, s18;
	[sflag:s13] =	ssyncset.done $0x0  }
0x6b: {  	s17 =	sshrl.u32 s23, $0x3;
	[sflag:s13] =	ssyncadd.s32 $0xFFFFFFB0  }
0x6c: {  	[tilespmem:s24], [sflag:$0x1] =	stream.indirect.gather [hbm4b:s4+s19], $0x80, s3, s19, $0xb8;
	[tilespmem:$0x1E000] =	vst v63  }
0x6d: {  	s25 =	sadd.s32 s5, s17  }
0x6e: {  	[tilespmem:s26], [sflag:$0xA] =	stream.linear.gather [hbm4b:s25+s3], $0x50, $0x38;
	[tilespmem:$0x1E000] =	vst v63  }
0x6f: {  	_ =	swait.ge [sflag:s14], $0x2800  }
0x70: {  	[sflag:s14] =	ssyncset.done $0x0  }
0x71: {  	[sflag:s14] =	ssyncadd.s32 $0xFFFFD800  }
0x72: {  	_ =	swait.ge [sflag:s15], $0x50  }
0x73: {  	[sflag:s15] =	ssyncset.done $0x0  }
0x74: {  	[sflag:s15] =	ssyncadd.s32 $0xFFFFFFB0  }
0x75: {  	[spmem:s1] =	stream.indirect.scatter.add.f32 [tilespmem:s22], [sflag:$0x8], $0x80, s20, s19, $0xb8;
	[tilespmem:$0x1E000] =	vst v63  }
0x76: {  	_ =	swait.ge [sflag:s9], $0x2800  }
0x77: {  	[sflag:s9] =	ssyncset.done $0x0  }
0x78: {  	s17 =	sadd.s32 s6, s17;
	[sflag:s9] =	ssyncadd.s32 $0xFFFFD800  }
0x79: {  	[tilespmem:s29], [sflag:$0xE] =	stream.linear.gather [hbm4b:s17+s3], $0x50, $0x38;
	[tilespmem:$0x1E000] =	vst v63  }
0x7a: {  	s18 =	simm.s32 $0x28;
	s20 =	simm.s32 $0x50;
	_ =	swait.ge [sflag:s16], $0x50  }
0x7b: {  	s17 =	simm.s32 $0x190;
	s23 =	rddreg [dreg:$0x6];
	[sflag:s16] =	ssyncset.done $0x0  }
.LBB2_2:
0x7c: {  	[sflag:s16] =	ssyncadd.s32 $0xFFFFFFB0;
	s0 =	simm.s32 $0x2C00  }
0x7d: {  	[tilespmem:s0], [sflag:$0x2] =	stream.indirect.gather [hbm4b:s4+s19], $0x80, s30, s19, $0xb8;
	[tilespmem:$0x1E000] =	vst v63  }
0x7e: {  	s23 =	sadd.s32 s18, s23;
	s8 =	simm.s32 $0x100;
	s24 =	simm.s32 $0x1  }
0x7f: {  	[tilespmem:s8], [sflag:$0xB] =	stream.linear.gather [hbm4b:s23+s3], $0x50, $0x38;
	[tilespmem:$0x1E000] =	vst v63  }
0x80: {  	p1 =	seq.s32 s18, $0x0;
	_ =	swait.ge [sflag:s24], $0x2800  }
0x81: {  	s21 =	simm.s32 @p1 $0x200;
	s26 =	simm.s32 @!p1 $0xD;
	[sflag:s24] =	ssyncset.done $0x0  }
0x82: {  	s23 =	simm.s32 @p1 $0x50;
	[sflag:s24] =	ssyncadd.s32 $0xFFFFD800;
	s24 =	simm.s32 @p1 $0x400  }
0x83: {  	[spmem:s1] =	stream.indirect.scatter.add.f32 @p1 [tilespmem:s24], [sflag:$0x5], $0x80, s21, s23, $0xb8;
	[tilespmem:$0x1E000] =	vst v63  }
0x84: {  	_ =	swait.ge @!p1 [sflag:s26], $0x50  }
0x85: {  	s29 =	simm.s32 @!p1 $0x200;
	s21 =	simm.s32 @!p1 $0x400;
	[sflag:s26] =	ssyncset.done @!p1 $0x0  }
0x86: {  	s24 =	simm.s32 @!p1 $0x50;
	[sflag:s26] =	ssyncadd.s32 @!p1 $0xFFFFFFB0;
	s26 =	simm.s32 @!p1 $0x7  }
0x87: {  	[spmem:s1] =	stream.indirect.scatter.add.f32 @!p1 [tilespmem:s21], [sflag:$0x5], $0x80, s29, s24, $0xb8;
	[tilespmem:$0x1E000] =	vst v63  }
0x88: {  	_ =	swait.ge @!p1 [sflag:s26], $0x2800  }
0x89: {  	[sflag:s26] =	ssyncset.done @!p1 $0x0;
	s25 =	rddreg [dreg:$0x5]  }
0x8a: {  	s0 =	simm.s32 $0x300;
	[sflag:s26] =	ssyncadd.s32 @!p1 $0xFFFFD800;
	s21 =	sadd.s32 s18, s25  }
0x8b: {  	[tilespmem:s0], [sflag:$0xF] =	stream.linear.gather [hbm4b:s21+s3], $0x50, $0x38;
	[tilespmem:$0x1E000] =	vst v63  }
0x8c: {  	_ =	swait.ge [sflag:s28], $0x50  }
0x8d: {  	[sflag:s28] =	ssyncset.done $0x0  }
0x8e: {  	s25 =	simm.s32 $0x5400;
	s26 =	rddreg [dreg:$0x4];
	[sflag:s28] =	ssyncadd.s32 $0xFFFFFFB0  }
0x8f: {  	[tilespmem:s25], [sflag:$0x3] =	stream.indirect.gather [hbm4b:s4+s19], $0x80, s8, s19, $0xb8;
	[tilespmem:$0x1E000] =	vst v63  }
0x90: {  	s21 =	sadd.s32 s18, s26;
	s8 =	simm.s32 $0x180  }
0x91: {  	[tilespmem:s8], [sflag:$0xC] =	stream.linear.gather [hbm4b:s21+s3], $0x50, $0x38;
	[tilespmem:$0x1E000] =	vst v63  }
0x92: {  	_ =	swait.ge [sflag:s31], $0x2800  }
0x93: {  	s29 =	simm.s32 @!p1 $0xE;
	[sflag:s31] =	ssyncset.done $0x0  }
0x94: {  	s26 =	simm.s32 @p1 $0x2C00;
	s21 =	simm.s32 @p1 $0x280;
	[sflag:s31] =	ssyncadd.s32 $0xFFFFD800  }
0x95: {  	[spmem:s1] =	stream.indirect.scatter.add.f32 @p1 [tilespmem:s26], [sflag:$0x6], $0x80, s21, s23, $0xb8;
	[tilespmem:$0x1E000] =	vst v63  }
0x96: {  	_ =	swait.ge @!p1 [sflag:s29], $0x50  }
0x97: {  	s21 =	simm.s32 @!p1 $0x280;
	[sflag:s29] =	ssyncset.done @!p1 $0x0  }
0x98: {  	s23 =	simm.s32 @!p1 $0x2C00;
	s26 =	simm.s32 @!p1 $0x8;
	[sflag:s29] =	ssyncadd.s32 @!p1 $0xFFFFFFB0  }
0x99: {  	[spmem:s1] =	stream.indirect.scatter.add.f32 @!p1 [tilespmem:s23], [sflag:$0x6], $0x80, s21, s24, $0xb8;
	[tilespmem:$0x1E000] =	vst v63  }
0x9a: {  	_ =	swait.ge @!p1 [sflag:s26], $0x2800  }
0x9b: {  	[sflag:s26] =	ssyncset.done @!p1 $0x0;
	s29 =	rddreg [dreg:$0x3]  }
0x9c: {  	s17 =	sadd.s32 $0x140, s17;
	[sflag:s26] =	ssyncadd.s32 @!p1 $0xFFFFD800;
	s21 =	sadd.s32 s18, s29  }
0x9d: {  	p1 =	seq.s32 s18, $0x4D8;
	s18 =	sadd.s32 $0xFFFFFFB0, s17;
	s26 =	simm.s32 $0x380  }
0x9e: {  	[tilespmem:s26], [sflag:$0x10] =	stream.linear.gather [hbm4b:s21+s3], $0x50, $0x38;
	[tilespmem:$0x1E000] =	vst v63  }
0x9f: {  	s18 =	simm.s32 @p1 $0x0;
	_ =	swait.ge [sflag:s2], $0x50  }
0xa0: {  	s18 =	sadd.s32 s7, s18;
	[sflag:s2] =	ssyncset.done $0x0  }
0xa1: {  	s29 =	simm.s32 $0x7C00;
	s24 =	sshrl.u32 s18, $0x3;
	[sflag:s2] =	ssyncadd.s32 $0xFFFFFFB0  }
0xa2: {  	[tilespmem:s29], [sflag:$0x4] =	stream.indirect.gather [hbm4b:s4+s19], $0x80, s8, s19, $0xb8;
	[tilespmem:$0x1E000] =	vst v63  }
0xa3: {  	s8 =	sadd.s32 s5, s24  }
0xa4: {  	[tilespmem:s3], [sflag:$0x9] =	stream.linear.gather [hbm4b:s8+s3], $0x50, $0x38;
	[tilespmem:$0x1E000] =	vst v63  }
0xa5: {  	_ =	swait.ge [sflag:s10], $0x2800  }
0xa6: {  	[sflag:s10] =	ssyncset.done $0x0  }
0xa7: {  	[sflag:s10] =	ssyncadd.s32 $0xFFFFD800  }
0xa8: {  	_ =	swait.ge [sflag:s11], $0x50  }
0xa9: {  	[sflag:s11] =	ssyncset.done $0x0  }
0xaa: {  	[sflag:s11] =	ssyncadd.s32 $0xFFFFFFB0  }
0xab: {  	[spmem:s1] =	stream.indirect.scatter.add.f32 [tilespmem:s25], [sflag:$0x7], $0x80, s0, s19, $0xb8;
	[tilespmem:$0x1E000] =	vst v63  }
0xac: {  	_ =	swait.ge [sflag:s12], $0x2800  }
0xad: {  	s21 =	smov.u32 s17;
	[sflag:s12] =	ssyncset.done $0x0  }
0xae: {  	s8 =	simm.s32 $0x200;
	s0 =	sadd.s32 s6, s24;
	[sflag:s12] =	ssyncadd.s32 $0xFFFFD800  }
0xaf: {  	[tilespmem:s8], [sflag:$0xD] =	stream.linear.gather [hbm4b:s0+s3], $0x50, $0x38;
	[tilespmem:$0x1E000] =	vst v63  }
0xb0: {  	s21 =	simm.s32 @p1 $0x50;
	_ =	swait.ge [sflag:s13], $0x50  }
0xb1: {  	s21 =	sadd.s32 s7, s21;
	[sflag:s13] =	ssyncset.done $0x0  }
0xb2: {  	s23 =	sshrl.u32 s21, $0x3;
	s24 =	simm.s32 $0x400;
	[sflag:s13] =	ssyncadd.s32 $0xFFFFFFB0  }
0xb3: {  	[tilespmem:s24], [sflag:$0x1] =	stream.indirect.gather [hbm4b:s4+s19], $0x80, s3, s19, $0xb8;
	[tilespmem:$0x1E000] =	vst v63  }
0xb4: {  	s25 =	sadd.s32 s5, s23  }
0xb5: {  	[tilespmem:s30], [sflag:$0xA] =	stream.linear.gather [hbm4b:s25+s3], $0x50, $0x38;
	[tilespmem:$0x1E000] =	vst v63  }
0xb6: {  	_ =	swait.ge [sflag:s14], $0x2800  }
0xb7: {  	[sflag:s14] =	ssyncset.done $0x0  }
0xb8: {  	[sflag:s14] =	ssyncadd.s32 $0xFFFFD800  }
0xb9: {  	_ =	swait.ge [sflag:s15], $0x50  }
0xba: {  	[sflag:s15] =	ssyncset.done $0x0  }
0xbb: {  	s22 =	smov.u32 s20;
	s20 =	sadd.s32 $0x28, s20;
	[sflag:s15] =	ssyncadd.s32 $0xFFFFFFB0  }
0xbc: {  	[spmem:s1] =	stream.indirect.scatter.add.f32 [tilespmem:s29], [sflag:$0x8], $0x80, s26, s19, $0xb8;
	[tilespmem:$0x1E000] =	vst v63  }
0xbd: {  	p0 =	sne.s32 s20, $0x500;
	_ =	swait.ge [sflag:s9], $0x2800  }
.Ltmp0:
0xbe: {  	[sflag:s9] =	ssyncset.done $0x0;
	(pc) =	sbr.rel @p0 .LBB2_2-.Ltmp0, $4  }
0xbf: {  	s26 =	sadd.s32 s6, s23;
	s29 =	simm.s32 $0x280;
	[sflag:s9] =	ssyncadd.s32 $0xFFFFD800  }
0xc0: {  	[tilespmem:s29], [sflag:$0xE] =	stream.linear.gather [hbm4b:s26+s3], $0x50, $0x38;
	[tilespmem:$0x1E000] =	vst v63  }
0xc1: {  	_ =	swait.ge [sflag:s16], $0x50  }
0xc2: {  	s18 =	smov.u32 s22;
	s23 =	rddreg [dreg:$0x6];
	[sflag:s16] =	ssyncset.done $0x0  }
0xc3: {  	[sflag:s16] =	ssyncadd.s32 $0xFFFFFFB0;
	s24 =	simm.s32 $0x80;
	s26 =	simm.s32 $0x2C00  }
0xc4: {  	[tilespmem:s26], [sflag:$0x2] =	stream.indirect.gather [hbm4b:s4+s19], $0x80, s24, s19, $0xb8;
	[tilespmem:$0x1E000] =	vst v63  }
0xc5: {  	s20 =	sadd.s32 s18, s23;
	s0 =	simm.s32 $0x100;
	s29 =	simm.s32 $0x1  }
0xc6: {  	[tilespmem:s0], [sflag:$0xB] =	stream.linear.gather [hbm4b:s20+s3], $0x50, $0x38;
	[tilespmem:$0x1E000] =	vst v63  }
0xc7: {  	p0 =	seq.s32 s18, $0x0;
	_ =	swait.ge [sflag:s29], $0x2800  }
0xc8: {  	s21 =	simm.s32 @p0 $0x200;
	s22 =	simm.s32 @p0 $0x400;
	[sflag:s29] =	ssyncset.done $0x0  }
0xc9: {  	s23 =	simm.s32 @!p0 $0xD;
	s20 =	simm.s32 @p0 $0x50;
	[sflag:s29] =	ssyncadd.s32 $0xFFFFD800  }
0xca: {  	[spmem:s1] =	stream.indirect.scatter.add.f32 @p0 [tilespmem:s22], [sflag:$0x5], $0x80, s21, s20, $0xb8;
	[tilespmem:$0x1E000] =	vst v63  }
0xcb: {  	_ =	swait.ge @!p0 [sflag:s23], $0x50  }
0xcc: {  	s21 =	simm.s32 @!p0 $0x400;
	[sflag:s23] =	ssyncset.done @!p0 $0x0  }
0xcd: {  	s22 =	simm.s32 @!p0 $0x50;
	[sflag:s23] =	ssyncadd.s32 @!p0 $0xFFFFFFB0;
	s23 =	simm.s32 @!p0 $0x200  }
0xce: {  	[spmem:s1] =	stream.indirect.scatter.add.f32 @!p0 [tilespmem:s21], [sflag:$0x5], $0x80, s23, s22, $0xb8;
	[tilespmem:$0x1E000] =	vst v63  }
0xcf: {  	s21 =	simm.s32 @!p0 $0x7  }
0xd0: {  	_ =	swait.ge @!p0 [sflag:s21], $0x2800  }
0xd1: {  	s8 =	rddreg [dreg:$0x5];
	[sflag:s21] =	ssyncset.done @!p0 $0x0  }
0xd2: {  	[sflag:s21] =	ssyncadd.s32 @!p0 $0xFFFFD800;
	s25 =	sadd.s32 s18, s8;
	s8 =	simm.s32 $0x300  }
0xd3: {  	[tilespmem:s8], [sflag:$0xF] =	stream.linear.gather [hbm4b:s25+s3], $0x50, $0x38;
	[tilespmem:$0x1E000] =	vst v63  }
0xd4: {  	_ =	swait.ge [sflag:s28], $0x50  }
0xd5: {  	[sflag:s28] =	ssyncset.done $0x0  }
0xd6: {  	s25 =	simm.s32 $0x5400;
	s23 =	rddreg [dreg:$0x4];
	[sflag:s28] =	ssyncadd.s32 $0xFFFFFFB0  }
0xd7: {  	[tilespmem:s25], [sflag:$0x3] =	stream.indirect.gather [hbm4b:s4+s19], $0x80, s0, s19, $0xb8;
	[tilespmem:$0x1E000] =	vst v63  }
0xd8: {  	s21 =	sadd.s32 s18, s23;
	s0 =	simm.s32 $0x180  }
0xd9: {  	[tilespmem:s0], [sflag:$0xC] =	stream.linear.gather [hbm4b:s21+s3], $0x50, $0x38;
	[tilespmem:$0x1E000] =	vst v63  }
0xda: {  	_ =	swait.ge [sflag:s31], $0x2800  }
0xdb: {  	[sflag:s31] =	ssyncset.done $0x0  }
0xdc: {  	s23 =	simm.s32 @p0 $0x2C00;
	s21 =	simm.s32 @p0 $0x280;
	[sflag:s31] =	ssyncadd.s32 $0xFFFFD800  }
0xdd: {  	[spmem:s1] =	stream.indirect.scatter.add.f32 @p0 [tilespmem:s23], [sflag:$0x6], $0x80, s21, s20, $0xb8;
	[tilespmem:$0x1E000] =	vst v63  }
0xde: {  	s20 =	simm.s32 @!p0 $0xE  }
0xdf: {  	_ =	swait.ge @!p0 [sflag:s20], $0x50  }
0xe0: {  	[sflag:s20] =	ssyncset.done @!p0 $0x0  }
0xe1: {  	s21 =	simm.s32 @!p0 $0x280;
	[sflag:s20] =	ssyncadd.s32 @!p0 $0xFFFFFFB0;
	s20 =	simm.s32 @!p0 $0x2C00  }
0xe2: {  	[spmem:s1] =	stream.indirect.scatter.add.f32 @!p0 [tilespmem:s20], [sflag:$0x6], $0x80, s21, s22, $0xb8;
	[tilespmem:$0x1E000] =	vst v63  }
0xe3: {  	s20 =	simm.s32 @!p0 $0x8  }
0xe4: {  	_ =	swait.ge @!p0 [sflag:s20], $0x2800  }
0xe5: {  	s17 =	sadd.s32 $0x140, s17;
	[sflag:s20] =	ssyncset.done @!p0 $0x0  }
0xe6: {  	s21 =	simm.s32 $0x380;
	s23 =	rddreg [dreg:$0x3];
	[sflag:s20] =	ssyncadd.s32 @!p0 $0xFFFFD800  }
0xe7: {  	s22 =	sadd.s32 s18, s23;
	p0 =	seq.s32 s18, $0x4D8;
	s18 =	sadd.s32 $0xFFFFFFB0, s17  }
0xe8: {  	[tilespmem:s21], [sflag:$0x10] =	stream.linear.gather [hbm4b:s22+s3], $0x50, $0x38;
	[tilespmem:$0x1E000] =	vst v63  }
0xe9: {  	s18 =	simm.s32 @p0 $0x0;
	_ =	swait.ge [sflag:s2], $0x50  }
0xea: {  	s18 =	sadd.s32 s7, s18;
	[sflag:s2] =	ssyncset.done $0x0  }
0xeb: {  	s22 =	simm.s32 $0x7C00;
	s18 =	sshrl.u32 s18, $0x3;
	[sflag:s2] =	ssyncadd.s32 $0xFFFFFFB0  }
0xec: {  	[tilespmem:s22], [sflag:$0x4] =	stream.indirect.gather [hbm4b:s4+s19], $0x80, s0, s19, $0xb8;
	[tilespmem:$0x1E000] =	vst v63  }
0xed: {  	s23 =	sadd.s32 s5, s18  }
0xee: {  	[tilespmem:s3], [sflag:$0x9] =	stream.linear.gather [hbm4b:s23+s3], $0x50, $0x38;
	[tilespmem:$0x1E000] =	vst v63  }
0xef: {  	_ =	swait.ge [sflag:s10], $0x2800  }
0xf0: {  	[sflag:s10] =	ssyncset.done $0x0  }
0xf1: {  	[sflag:s10] =	ssyncadd.s32 $0xFFFFD800  }
0xf2: {  	_ =	swait.ge [sflag:s11], $0x50  }
0xf3: {  	[sflag:s11] =	ssyncset.done $0x0  }
0xf4: {  	[sflag:s11] =	ssyncadd.s32 $0xFFFFFFB0  }
0xf5: {  	[spmem:s1] =	stream.indirect.scatter.add.f32 [tilespmem:s25], [sflag:$0x7], $0x80, s8, s19, $0xb8;
	[tilespmem:$0x1E000] =	vst v63  }
0xf6: {  	_ =	swait.ge [sflag:s12], $0x2800  }
0xf7: {  	[sflag:s12] =	ssyncset.done $0x0  }
0xf8: {  	s18 =	sadd.s32 s6, s18;
	s25 =	simm.s32 $0x200;
	[sflag:s12] =	ssyncadd.s32 $0xFFFFD800  }
0xf9: {  	[tilespmem:s25], [sflag:$0xD] =	stream.linear.gather [hbm4b:s18+s3], $0x50, $0x38;
	[tilespmem:$0x1E000] =	vst v63  }
0xfa: {  	s17 =	simm.s32 @p0 $0x50;
	_ =	swait.ge [sflag:s13], $0x50  }
0xfb: {  	s17 =	sadd.s32 s7, s17;
	[sflag:s13] =	ssyncset.done $0x0  }
0xfc: {  	s17 =	sshrl.u32 s17, $0x3;
	s0 =	simm.s32 $0x400;
	[sflag:s13] =	ssyncadd.s32 $0xFFFFFFB0  }
0xfd: {  	[tilespmem:s0], [sflag:$0x1] =	stream.indirect.gather [hbm4b:s4+s19], $0x80, s3, s19, $0xb8;
	[tilespmem:$0x1E000] =	vst v63  }
0xfe: {  	s8 =	sadd.s32 s5, s17  }
0xff: {  	[tilespmem:s24], [sflag:$0xA] =	stream.linear.gather [hbm4b:s8+s3], $0x50, $0x38;
	[tilespmem:$0x1E000] =	vst v63  }
0x100: {  	_ =	swait.ge [sflag:s14], $0x2800  }
0x101: {  	[sflag:s14] =	ssyncset.done $0x0  }
0x102: {  	[sflag:s14] =	ssyncadd.s32 $0xFFFFD800  }
0x103: {  	_ =	swait.ge [sflag:s15], $0x50  }
0x104: {  	[sflag:s15] =	ssyncset.done $0x0  }
0x105: {  	[sflag:s15] =	ssyncadd.s32 $0xFFFFFFB0  }
0x106: {  	[spmem:s1] =	stream.indirect.scatter.add.f32 [tilespmem:s22], [sflag:$0x8], $0x80, s21, s19, $0xb8;
	[tilespmem:$0x1E000] =	vst v63  }
0x107: {  	_ =	swait.ge [sflag:s9], $0x2800  }
0x108: {  	[sflag:s9] =	ssyncset.done $0x0  }
0x109: {  	s20 =	simm.s32 $0x280;
	s17 =	sadd.s32 s6, s17;
	[sflag:s9] =	ssyncadd.s32 $0xFFFFD800  }
0x10a: {  	[tilespmem:s20], [sflag:$0xE] =	stream.linear.gather [hbm4b:s17+s3], $0x50, $0x38;
	[tilespmem:$0x1E000] =	vst v63  }
0x10b: {  	_ =	swait.ge [sflag:s16], $0x50  }
0x10c: {  	[sflag:s16] =	ssyncset.done $0x0  }
0x10d: {  	[sflag:s16] =	ssyncadd.s32 $0xFFFFFFB0  }
0x10e: {  	[tilespmem:s26], [sflag:$0x2] =	stream.indirect.gather [hbm4b:s4+s19], $0x80, s24, s19, $0xb8;
	[tilespmem:$0x1E000] =	vst v63  }
0x10f: {  	_ =	swait.ge [sflag:s29], $0x2800  }
0x110: {  	[sflag:s29] =	ssyncset.done $0x0  }
0x111: {  	s21 =	simm.s32 $0xD;
	[sflag:s29] =	ssyncadd.s32 $0xFFFFD800  }
0x112: {  	_ =	swait.ge [sflag:s21], $0x50  }
0x113: {  	[sflag:s21] =	ssyncset.done $0x0  }
0x114: {  	[sflag:s21] =	ssyncadd.s32 $0xFFFFFFB0  }
0x115: {  	_ =	swait.ge [sflag:s31], $0x2800  }
0x116: {  	[sflag:s31] =	ssyncset.done $0x0  }
0x117: {  	s22 =	simm.s32 $0xE;
	[sflag:s31] =	ssyncadd.s32 $0xFFFFD800  }
0x118: {  	_ =	swait.ge [sflag:s22], $0x50  }
0x119: {  	[sflag:s22] =	ssyncset.done $0x0  }
0x11a: {  	s23 =	simm.s32 $0x7;
	[sflag:s22] =	ssyncadd.s32 $0xFFFFFFB0  }
0x11b: {  	_ =	swait.ge [sflag:s23], $0x2800  }
0x11c: {  	[sflag:s23] =	ssyncset.done $0x0  }
0x11d: {  	s24 =	simm.s32 $0x8;
	[sflag:s23] =	ssyncadd.s32 $0xFFFFD800  }
0x11e: {  	_ =	swait.ge [sflag:s24], $0x2800  }
0x11f: {  	[sflag:s24] =	ssyncset.done $0x0  }
0x120: {  	[sflag:s24] =	ssyncadd.s32 $0xFFFFD800  }
0x121: {  	[bflag:$0x0] =	sbarrier.arrive $0xFFFF  }
0x122: {  	s18 =	rddreg [dreg:$0x8]  }
0x123: {  	s25 =	rddreg [dreg:$0xd]  }
0x124: {  	s21 =	simm.s32 $0x11;
	s20 =	rddreg [dreg:$0xf]  }
0x125: {  	[hbm:s25], [sflag:s18] =	dma.local [spmem:s20], $0x2780  }
0x126: {  	_ =	swait.ge [sflag:s21], $0x2780  }
0x127: {  	s26 =	rddreg [dreg:$0x10]  }
0x128: {  	s29 =	rddreg [dreg:$0xe];
	s0 =	sadd.s32 $0x1, s26  }
0x129: {  	p0 =	sne.s32 s0, s29  }
.Ltmp1:
0x12a: {  	_ = 	snop;
	(pc) =	sbr.rel @p0 .LBB2_1-.Ltmp1, $3  }
0x12b: {  	_ =	sdelay $0x1  }
0x12c: {  	[sflag:s21] =	ssyncset.done $0x0  }
0x12d: {  	[sflag:s21] =	ssyncadd.s32 $0xFFFFD880  }
0x12e: {  	_ =	sfence.sel $0x180000  }
0x12f: {  	[bflag:$0x0] =	sbarrier.arrive $0xFFFF  }
0x130: {  	_ =	strace $0x9000004A  }
0x131: {  	s0 =	stileid.u32;
	[bflag:$0x2] =	sbarrier.arrive $0xFFFF  }
0x132: {  	p0 =	sne.s32 s0, $0x0;
	s0 =	rddreg [dreg:$0x2]  }
0x133: {  	s0 =	sadd.s32 @!p0 $0x100000, s0  }
0x134: {  	[sflag:s0] =	ssyncadd.tile.s32 @!p0 $0x1;
	_ =	shalt  }
.Lfunc_end2:
_tile_overlayer_lowered:
.L_overlay_start_2:
0x135: {  	(tag) =	ssettag $0x2  }
0x136: {  	s0 =	rddreg [dreg:$0x0];
	s2 =	stileid.u32  }
0x137: {  	s1 =	rddreg [dreg:$0x1];
	p0 =	sne.s32 s2, $0x0  }
0x138: {  	s3 =	rddreg [dreg:$0x2];
	[bflag:$0x3] =	sbarrier.arrive $0xFFFF;
	s2 =	simm.s32 @!p0 $0x1C11  }
0x139: {  	[timem:s3], [sflag:s2] =	dma.local @!p0 [hbm:s0], s1  }
0x13a: {  	s0 =	simm.s32 @!p0 $0x11  }
0x13b: {  	_ =	swait.ge @!p0 [sflag:s0], s1  }
0x13c: {  	s1 =	ssub.s32 @!p0 $0x0, s1;
	[sflag:s0] =	ssyncset.done @!p0 $0x0  }
0x13d: {  	[sflag:s0] =	ssyncadd.s32 @!p0 s1  }
0x13e: {  	[bflag:$0x3] =	sbarrier.arrive $0xFFFF  }
0x13f: {  	_ =	shalt  }

// kernel: kernel.18.cloned.1.call-start
scs
__scs_entry_jumppad:
0x0: {  	(pc) =	sbr.rel $0x88, $3  }
0x1: {  	(tag) =	ssettag $0x0;
	lr =	simm.s32 $0x1  }
0x2: {  	[smem:$0x3F98] =	sst lr;
	_ =	strace $0xD0000000  }
0x3: {  	_ = 	snop  }
0x4: {  	_ = 	snop  }
0x5: {  	_ = 	snop  }
0x6: {  	_ = 	snop  }
0x7: {  	_ = 	snop  }
__scs_overlays_trampoline_lowered:
0x8: {  	[smem:$0x3FA7] =	sst s0  }
0x9: {  	[smem:$0x3FA8] =	sst s1  }
0xa: {  	[smem:$0x3FA9] =	sst s2  }
0xb: {  	[smem:$0x3FAA] =	sst s3  }
0xc: {  	[smem:$0x3FAB] =	sst s4  }
0xd: {  	[smem:$0x3FAC] =	sst s5  }
0xe: {  	[smem:$0x3FAD] =	sst s6  }
0xf: {  	[smem:$0x3FAE] =	sst s7  }
0x10: {  	[smem:$0x3FAF] =	sst s8  }
0x11: {  	[smem:$0x3FB0] =	sst s9;
	s0 =	simm.s32 @!p0 $0x0  }
0x12: {  	s1 =	sld [smem:$0x3F96];
	s0 =	simm.s32 @p0 $0x1  }
0x13: {  	[smem:$0x3FB1] =	sst s0;
	s0 =	simm.s32 @!p1 $0x0  }
0x14: {  	s2 =	sld [smem:$0x3F95];
	s0 =	simm.s32 @p1 $0x1  }
0x15: {  	[smem:$0x3FB2] =	sst s0;
	s0 =	simm.s32 @!p2 $0x0  }
0x16: {  	s3 =	sld [smem:$0x3FDB];
	s0 =	simm.s32 @p2 $0x1  }
0x17: {  	s4 =	simm.s32 $0x1BF5;
	[smem:$0x3FB4] =	sst s0  }
0x18: {  	s0 =	sld [smem:$0x3F97];
	_ =	swait.ge [sflag:s4], $0x0  }
0x19: {  	s7 =	sld [smem:$0x3F98]  }
0x1a: {  	s8 =	sadd.s32 $0xFFFFE003, lr  }
0x1b: {  	s9 =	sadd.s32 $0xFFFFFEF7, lr;
	s5 =	simm.s32 $0xFFFFFFFF;
	p2 =	slt.u32 s8, $0xFFFFF086  }
0x1c: {  	p1 =	slt.u32 s9, $0xF7A;
	s5 =	simm.s32 @!p2 $0x0  }
0x1d: {  	s5 =	simm.s32 @p1 $0x1;
	p0 =	seq.s32 s7, s2  }
0x1e: {  	s7 =	smul.u32 @!p0 $0xF7A, s2;
	p2 =	seq.s32 @!p0 s5, $0x0  }
0x1f: {  	s9 =	smul.u32 $0xF7A, s1;
	s8 =	simm.s32 @!p0 $0x1BF5;
	p2 =	por !p2, p0  }
0x20: {  	[sflag:s8] =	ssyncset.s32 @!p0 $0xFFFFF086;
	s6 =	sadd.s32 @!p0 s3, s7;
	s7 =	simm.s32 @!p0 $0x108  }
0x21: {  	s3 =	sadd.s32 s3, s9;
	s6 =	sadd.s32 @!p0 $0x88, s6;
	s7 =	simm.s32 @p2 $0x1082  }
0x22: {  	[simem:s7], [sflag:s8] =	dma.local @!p0 [hbm:s6], $0xF7A  }
0x23: {  	s9 =	sor.u32 $0xD0000000, s2;
	s6 =	simm.s32 $0x108;
	_ =	swait.ge @!p0 [sflag:s8], $0x0  }
0x24: {  	s3 =	sadd.s32 $0x88, s3;
	s6 =	simm.s32 @!p1 $0x1082;
	[sflag:s4] =	ssyncset.s32 $0xFFFFF086  }
0x25: {  	[simem:s6], [sflag:s4] =	dma.local [hbm:s3], $0xF7A  }
0x26: {  	[smem:$0x3F98] =	sst s1;
	(tag) =	ssettag s2;
	_ =	strace s9  }
0x27: {  	s1 =	sld [smem:$0x3FA8]  }
0x28: {  	s2 =	sld [smem:$0x3FA9]  }
0x29: {  	s4 =	sld [smem:$0x3FAB]  }
0x2a: {  	p0 =	seq.s32 s5, $0x0;
	s5 =	sld [smem:$0x3FAC]  }
0x2b: {  	s6 =	sld [smem:$0x3FAD]  }
0x2c: {  	s7 =	sld [smem:$0x3FAE]  }
0x2d: {  	s3 =	simm.s32 $0x108;
	s8 =	sld [smem:$0x3FAF]  }
0x2e: {  	s3 =	simm.s32 @!p0 $0x1082;
	s9 =	sld [smem:$0x3FB0]  }
0x2f: {  	lr =	sadd.s32 s0, s3;
	s0 =	sld [smem:$0x3FA7]  }
0x30: {  	s3 =	sld [smem:$0x3FAA]  }
0x31: {  	[smem:$0x3FB3] =	sst s10  }
0x32: {  	s10 =	sld [smem:$0x3FB1];
	_ =	sdelay $0x3  }
0x33: {  	p0 =	seq.s32 s10, $0x1;
	s10 =	sld [smem:$0x3FB3];
	_ =	sdelay $0x3  }
0x34: {  	[smem:$0x3FB3] =	sst s10  }
0x35: {  	s10 =	sld [smem:$0x3FB2];
	_ =	sdelay $0x3  }
0x36: {  	p1 =	seq.s32 s10, $0x1;
	s10 =	sld [smem:$0x3FB3];
	_ =	sdelay $0x3  }
0x37: {  	[smem:$0x3FB3] =	sst s10  }
0x38: {  	s10 =	sld [smem:$0x3FB4]  }
0x39: {  	_ = 	snop;
	(pc) =	sbr.ind lr, $3  }
0x3a: {  	_ = 	snop  }
0x3b: {  	_ = 	snop  }
0x3c: {  	p2 =	seq.s32 s10, $0x1;
	s10 =	sld [smem:$0x3FB3]  }
0x3d: {  	_ =	shalt  }
0x3e: {  	_ =	shalt  }
0x3f: {  	_ =	shalt  }
0x40: {  	_ =	shalt  }
0x41: {  	_ =	shalt  }
0x42: {  	_ =	shalt  }
0x43: {  	_ =	shalt  }
0x44: {  	_ =	shalt  }
0x45: {  	_ =	shalt  }
0x46: {  	_ =	shalt  }
0x47: {  	_ =	shalt  }
0x48: {  	_ =	shalt  }
0x49: {  	_ =	shalt  }
0x4a: {  	_ =	shalt  }
0x4b: {  	_ =	shalt  }
0x4c: {  	_ =	shalt  }
0x4d: {  	_ =	shalt  }
0x4e: {  	_ =	shalt  }
0x4f: {  	_ =	shalt  }
0x50: {  	_ =	shalt  }
0x51: {  	_ =	shalt  }
0x52: {  	_ =	shalt  }
0x53: {  	_ =	shalt  }
0x54: {  	_ =	shalt  }
0x55: {  	_ =	shalt  }
0x56: {  	_ =	shalt  }
0x57: {  	_ =	shalt  }
0x58: {  	_ =	shalt  }
0x59: {  	_ =	shalt  }
0x5a: {  	_ =	shalt  }
0x5b: {  	_ =	shalt  }
0x5c: {  	_ =	shalt  }
0x5d: {  	_ =	shalt  }
0x5e: {  	_ =	shalt  }
0x5f: {  	_ =	shalt  }
0x60: {  	_ =	shalt  }
0x61: {  	_ =	shalt  }
0x62: {  	_ =	shalt  }
0x63: {  	_ =	shalt  }
0x64: {  	_ =	shalt  }
0x65: {  	_ =	shalt  }
0x66: {  	_ =	shalt  }
0x67: {  	_ =	shalt  }
0x68: {  	_ =	shalt  }
0x69: {  	_ =	shalt  }
0x6a: {  	_ =	shalt  }
0x6b: {  	_ =	shalt  }
0x6c: {  	_ =	shalt  }
0x6d: {  	_ =	shalt  }
0x6e: {  	_ =	shalt  }
0x6f: {  	_ =	shalt  }
0x70: {  	_ =	shalt  }
0x71: {  	_ =	shalt  }
0x72: {  	_ =	shalt  }
0x73: {  	_ =	shalt  }
0x74: {  	_ =	shalt  }
0x75: {  	_ =	shalt  }
0x76: {  	_ =	shalt  }
0x77: {  	_ =	shalt  }
0x78: {  	_ =	shalt  }
0x79: {  	_ =	shalt  }
0x7a: {  	_ =	shalt  }
0x7b: {  	_ =	shalt  }
0x7c: {  	_ =	shalt  }
0x7d: {  	_ =	shalt  }
0x7e: {  	_ =	shalt  }
0x7f: {  	_ =	shalt  }
0x80: {  	_ =	shalt  }
0x81: {  	_ =	shalt  }
0x82: {  	_ =	shalt  }
0x83: {  	_ =	shalt  }
0x84: {  	_ =	shalt  }
0x85: {  	_ =	shalt  }
0x86: {  	_ =	shalt  }
0x87: {  	_ =	shalt  }
.Lfunc_end0:
.L_simem_size_0:
called_computation.2_lowered:
.L_overlay_start_0:
0x88: {  	s2 =	sld [smem:$0x3FD9]  }
0x89: {  	s3 =	sld [smem:$0x3FFE];
	_ =	sdelay $0x1  }
0x8a: {  	s1 =	srdreg.scid  }
0x8b: {  	s0 =	sand.u32 $0x1, s1  }
0x8c: {  	s16 =	sshll.u32 s0, $0xA;
	s2 =	sadd.s32 s3, s2  }
0x8d: {  	s2 =	sadd.s32 s2, s16  }
0x8e: {  	[smem:$0x3FBF] =	sst s2  }
0x8f: {  	_ = 	snop  }
0x90: {  	(tm) =	ssettm $0x1  }
0x91: {  	s17 =	sld [smem:$0x3FFB];
	_ =	sdelay $0x3  }
0x92: {  	_ =	strace s17  }
0x93: {  	s2 =	sld [smem:$0x3FFC];
	_ =	sdelay $0x3  }
0x94: {  	_ =	strace s2  }
0x95: {  	s2 =	sld [smem:$0x3FFD];
	_ =	sdelay $0x3  }
0x96: {  	_ =	strace s2  }
0x97: {  	_ =	strace $0x8FFFFFFF  }
0x98: {  	s18 =	sld [smem:$0x3FDB];
	_ =	sdelay $0x1  }
0x99: {  	s19 =	simm.s32 $_scs_section_size  }
0x9a: {  	s4 =	simm.s32 $_size__tile_overlayer_lowered;
	s5 =	simm.s32 $_tile_overlayer_lowered  }
0x9b: {  	s22 =	simm.s32 $0x1BFF;
	s21 =	sshll.u32 s5, $0x1;
	s2 =	sadd.s32 s19, s18  }
0x9c: {  	s6 =	simm.s32 $0x0;
	s20 =	sshll.u32 s4, $0x1;
	s4 =	sadd.s32 s21, s2  }
0x9d: {  	[timem:s6], [sflag:s22] =	dma.local [hbm:s4], s20  }
0x9e: {  	_ =	swait.ge [sflag:s22], s20  }
0x9f: {  	s3 =	ssub.s32 $0x0, s20;
	[sflag:s22] =	ssyncset.done $0x0  }
0xa0: {  	[sflag:s22] =	ssyncadd.s32 s3;
	_ =	sdelay $0x1  }
0xa1: {  	s23 =	simm.s32 $0x1B8B  }
0xa2: {  	_ =	swait.ge [sflag:s23], $0x1  }
0xa3: {  	[sflag:s23] =	ssyncset.done $0x0  }
0xa4: {  	s25 =	simm.s32 $0x1B8E;
	s24 =	sld [smem:$0x3FFE];
	[sflag:s23] =	ssyncadd.s32 $0xFFFFFFFF  }
0xa5: {  	s26 =	simm.s32 $execute0_lowered;
	[smem:$0x3FD2] =	sst s25  }
0xa6: {  	s4 =	sshll.u32 s26, $0x1;
	_ =	strace $0x8000004C;
	[dreg:$0x1] =	wrdreg $0xFFFFFFFF  }
0xa7: {  	s28 =	simm.s32 $_size_execute0_lowered;
	s2 =	sadd.s32 s2, s4;
	[dreg:$0x0] =	wrdreg $0x0  }
0xa8: {  	s4 =	sshll.u32 s28, $0x1;
	[dreg:$0x2] =	wrdreg s2  }
0xa9: {  	[dreg:$0x3] =	wrdreg s4  }
0xaa: {  	[dreg:$0x4] =	wrdreg $0xC0  }
0xab: {  	_ =	task [dreg:s6], $0x5FFFF  }
0xac: {  	[dreg:$0x1] =	wrdreg $0xFFFFFFFF  }
0xad: {  	[dreg:$0x0] =	wrdreg $0x60  }
0xae: {  	[dreg:$0x2] =	wrdreg s24  }
0xaf: {  	[dreg:$0x3] =	wrdreg $0xA4000  }
0xb0: {  	[dreg:$0x4] =	wrdreg $0x9  }
0xb1: {  	_ =	task.clear_ibuf [dreg:s6], $0x5FFFF;
	_ =	strace $0x9000004C  }
0xb2: {  	s29 =	simm.s32 $0x9;
	_ =	strace $0x8000004E  }
0xb3: {  	_ =	swait.ge [sflag:s29], $0x1  }
0xb4: {  	[sflag:s29] =	ssyncadd.s32 $0xFFFFFFFF  }
0xb5: {  	_ =	strace $0x9000004E  }
0xb6: {  	_ =	sfence  }
0xb7: {  	s30 =	sld [smem:$0x0];
	_ =	sdelay $0x2  }
0xb8: {  	s31 =	sshll.u32 s1, $0xD;
	s1 =	sshrl.u32 s1, $0x2  }
0xb9: {  	s3 =	sand.u32 $0x4000, s31;
	s1 =	sadd.s32 s1, s30  }
0xba: {  	s0 =	sor.u32 s3, s0;
	s1 =	sshll.u32 s1, $0x11  }
0xbb: {  	s0 =	sor.u32 s1, s0  }
0xbc: {  	s0 =	sadd.s32 $0x8F2B, s0  }
0xbd: {  	[sflag:s0] =	ssyncadd.remote.s32 $0x1  }
0xbe: {  	_ =	sfence.sel $0xFFFF  }
0xbf: {  	[dreg:$0x0] =	wrdreg $0xFFFFFFFF;
	(pc) =	sbr.abs _section_cstart, $3  }
0xc0: {  	[dreg:$0x1] =	wrdreg $0xFFFFFFFF  }
0xc1: {  	_ =	task.clear_ibuf [dreg:s6], $0x2FFFF;
	_ =	strace $0x9FFFFFFF  }
0xc2: {  	(tm) =	ssettm $0x7FFFFFFF  }
0xc3: {  	_ =	shalt  }
tec
execute0_lowered:
.L_overlay_start_1:
0x0: {  	(tag) =	ssettag $0x1  }
0x1: {  	s0 =	rddreg [dreg:$0x0]  }
0x2: {  	s1 =	rddreg [dreg:$0x1];
	s3 =	simm.s32 $0x0;
	s13 =	stileid.u32  }
0x3: {  	s2 =	srdreg.scid;
	s28 =	simm.s32 $0xB;
	s31 =	simm.s32 $0x2  }
0x4: {  	s14 =	simm.s32 $0x4;
	s15 =	simm.s32 $0x10;
	s30 =	simm.s32 $0x80  }
0x5: {  	[smem:$0x7FF] =	sst s3;
	s8 =	smul.u32 $0x2780, s13;
	s2 =	sand.u32 $0x1, s2  }
0x6: {  	s5 =	sshll.u32 s13, $0x1;
	s4 =	sadd.s32 $0x50A00, s0;
	s16 =	smul.u32 $0x4F000, s13  }
0x7: {  	s6 =	sadd.s32 $0xEC00, s0;
	s11 =	smul.u32 $0x5000, s13;
	s18 =	sshll.u32 s13, $0x6  }
0x8: {  	s13 =	simm.s32 $0x9;
	_ =	strace $0x8000004D;
	s9 =	smul.u32 $0x27800, s2  }
0x9: {  	s7 =	sor.u32 s2, s5;
	s17 =	ssub.s32 $0x2, s2;
	s2 =	smul.u32 $0x2800, s2  }
0xa: {  	s5 =	sadd.s32 $0x4C00, s0;
	s18 =	sor.u32 $0x1C11, s18;
	s7 =	smul.u32 $0x2800, s7  }
0xb: {  	s10 =	sadd.s32 s8, s0;
	s12 =	sshrl.u32 s17, $0x1;
	[dreg:$0x8] =	wrdreg s18  }
0xc: {  	s8 =	sadd.s32 s8, s9;
	s9 =	sshrl.u32 s16, $0x2;
	s10 =	sadd.s32 $0x29200, s10  }
0xd: {  	s2 =	sadd.s32 s2, s11;
	s16 =	simm.s32 $0xA;
	s0 =	sadd.s32 s8, s0  }
0xe: {  	s8 =	ssub.s32 s17, s12;
	s9 =	sadd.s32 s9, s1;
	s19 =	sshrl.u32 s7, $0x3  }
0xf: {  	[dreg:$0x7] =	wrdreg s10;
	s21 =	sor.u32 $0xF0, s2;
	s20 =	sadd.s32 s5, s19  }
0x10: {  	s2 =	sor.u32 $0xA0, s2;
	s22 =	sadd.s32 s6, s19;
	[dreg:$0x9] =	wrdreg s20  }
0x11: {  	s23 =	sor.u32 $0xA, s19;
	s0 =	sadd.s32 $0xC7200, s0;
	[dreg:$0xa] =	wrdreg s22  }
0x12: {  	s10 =	sshrl.u32 s21, $0x3;
	s29 =	smax.u32 s8, $0x1;
	[dreg:$0xd] =	wrdreg s0  }
0x13: {  	s2 =	sshrl.u32 s2, $0x3;
	s12 =	sadd.s32 s5, s23;
	[dreg:$0xe] =	wrdreg s29  }
0x14: {  	s21 =	simm.s32 $0x11;
	s24 =	sadd.s32 s10, s6;
	[dreg:$0xb] =	wrdreg s12  }
0x15: {  	s19 =	simm.s32 $0x50;
	s11 =	sadd.s32 s6, s23;
	[dreg:$0x3] =	wrdreg s24  }
0x16: {  	s10 =	sadd.s32 s10, s5;
	s25 =	sadd.s32 s2, s6;
	[dreg:$0xc] =	wrdreg s11  }
0x17: {  	s26 =	sadd.s32 s2, s5;
	s20 =	sshrl.u32 s9, $0x3;
	[dreg:$0x4] =	wrdreg s10  }
0x18: {  	s2 =	simm.s32 $0xC;
	s9 =	simm.s32 $0x6;
	[dreg:$0x5] =	wrdreg s25  }
0x19: {  	s0 =	simm.s32 $0x0;
	[dreg:$0x6] =	wrdreg s26;
	s10 =	simm.s32 $0x3  }
0x1a: {  	s11 =	simm.s32 $0xF;
	s12 =	simm.s32 $0x5;
	[dreg:$0xf] =	wrdreg s20  }
.LBB2_1:
0x1b: {  	[dreg:$0x10] =	wrdreg s0  }
0x1c: {  	s17 =	rddreg [dreg:$0x7]  }
0x1d: {  	[spmem:s20], [sflag:s18] =	dma.local [hbm:s17], $0x2780  }
0x1e: {  	_ =	swait.ge [sflag:s21], $0x2780  }
0x1f: {  	[sflag:s21] =	ssyncset.done $0x0  }
0x20: {  	[sflag:s21] =	ssyncadd.s32 $0xFFFFD880  }
0x21: {  	[bflag:$0x0] =	sbarrier.arrive $0xFFFF  }
0x22: {  	s29 =	rddreg [dreg:$0x9]  }
0x23: {  	[tilespmem:s3], [sflag:$0x11] =	stream.linear.gather [hbm4b:s29+s3], $0x50, $0x38;
	[tilespmem:$0x1E000] =	vst v63  }
0x24: {  	_ =	swait.ge [sflag:s21], $0x50  }
0x25: {  	[sflag:s21] =	ssyncset.done $0x0  }
0x26: {  	s23 =	simm.s32 $0x200;
	s0 =	rddreg [dreg:$0xa];
	[sflag:s21] =	ssyncadd.s32 $0xFFFFFFB0  }
0x27: {  	[tilespmem:s23], [sflag:$0x11] =	stream.linear.gather [hbm4b:s0+s3], $0x50, $0x38;
	[tilespmem:$0x1E000] =	vst v63  }
0x28: {  	_ =	swait.ge [sflag:s21], $0x50  }
0x29: {  	[sflag:s21] =	ssyncset.done $0x0  }
0x2a: {  	s24 =	simm.s32 $0x400;
	[sflag:s21] =	ssyncadd.s32 $0xFFFFFFB0  }
0x2b: {  	[tilespmem:s24], [sflag:$0x1] =	stream.indirect.gather [hbm4b:s4+s19], $0x80, s3, s19, $0xb8;
	[tilespmem:$0x1E000] =	vst v63  }
0x2c: {  	s26 =	simm.s32 $0x80;
	s8 =	rddreg [dreg:$0xb]  }
0x2d: {  	[tilespmem:s26], [sflag:$0x11] =	stream.linear.gather [hbm4b:s8+s3], $0x50, $0x38;
	[tilespmem:$0x1E000] =	vst v63  }
0x2e: {  	_ =	swait.ge [sflag:s21], $0x50  }
0x2f: {  	[sflag:s21] =	ssyncset.done $0x0  }
0x30: {  	s29 =	simm.s32 $0x280;
	s18 =	rddreg [dreg:$0xc];
	[sflag:s21] =	ssyncadd.s32 $0xFFFFFFB0  }
0x31: {  	[tilespmem:s29], [sflag:$0x11] =	stream.linear.gather [hbm4b:s18+s3], $0x50, $0x38;
	[tilespmem:$0x1E000] =	vst v63  }
0x32: {  	_ =	swait.ge [sflag:s21], $0x50  }
0x33: {  	[sflag:s21] =	ssyncset.done $0x0  }
0x34: {  	s22 =	simm.s32 $0x2C00;
	s20 =	rddreg [dreg:$0x6];
	[sflag:s21] =	ssyncadd.s32 $0xFFFFFFB0  }
0x35: {  	[tilespmem:s22], [sflag:$0x2] =	stream.indirect.gather [hbm4b:s4+s19], $0x80, s26, s19, $0xb8;
	[tilespmem:$0x1E000] =	vst v63  }
0x36: {  	s25 =	simm.s32 $0x1;
	s17 =	sadd.s32 $0x0, s20;
	s21 =	simm.s32 $0x100  }
0x37: {  	[tilespmem:s21], [sflag:$0xB] =	stream.linear.gather [hbm4b:s17+s3], $0x50, $0x38;
	[tilespmem:$0x1E000] =	vst v63  }
0x38: {  	p0 =	por $0x1, $0x1;
	_ =	swait.ge [sflag:s25], $0x2800  }
0x39: {  	s18 =	simm.s32 @p0 $0x200;
	s20 =	simm.s32 @p0 $0x400;
	[sflag:s25] =	ssyncset.done $0x0  }
0x3a: {  	s22 =	simm.s32 @!p0 $0xD;
	s17 =	simm.s32 @p0 $0x50;
	[sflag:s25] =	ssyncadd.s32 $0xFFFFD800  }
0x3b: {  	[spmem:s1] =	stream.indirect.scatter.add.f32 @p0 [tilespmem:s20], [sflag:$0x5], $0x80, s18, s17, $0xb8;
	[tilespmem:$0x1E000] =	vst v63  }
0x3c: {  	_ =	swait.ge @!p0 [sflag:s22], $0x50  }
0x3d: {  	s18 =	simm.s32 @!p0 $0x400;
	[sflag:s22] =	ssyncset.done @!p0 $0x0  }
0x3e: {  	s20 =	simm.s32 @!p0 $0x50;
	[sflag:s22] =	ssyncadd.s32 @!p0 $0xFFFFFFB0;
	s22 =	simm.s32 @!p0 $0x200  }
0x3f: {  	[spmem:s1] =	stream.indirect.scatter.add.f32 @!p0 [tilespmem:s18], [sflag:$0x5], $0x80, s22, s20, $0xb8;
	[tilespmem:$0x1E000] =	vst v63  }
0x40: {  	s18 =	simm.s32 @!p0 $0x7  }
0x41: {  	_ =	swait.ge @!p0 [sflag:s18], $0x2800  }
0x42: {  	s8 =	rddreg [dreg:$0x5];
	[sflag:s18] =	ssyncset.done @!p0 $0x0  }
0x43: {  	s0 =	simm.s32 $0x300;
	[sflag:s18] =	ssyncadd.s32 @!p0 $0xFFFFD800;
	s22 =	sadd.s32 $0x0, s8  }
0x44: {  	[tilespmem:s0], [sflag:$0xF] =	stream.linear.gather [hbm4b:s22+s3], $0x50, $0x38;
	[tilespmem:$0x1E000] =	vst v63  }
0x45: {  	_ =	swait.ge [sflag:s28], $0x50  }
0x46: {  	[sflag:s28] =	ssyncset.done $0x0  }
0x47: {  	s8 =	simm.s32 $0x5400;
	s25 =	rddreg [dreg:$0x4];
	[sflag:s28] =	ssyncadd.s32 $0xFFFFFFB0  }
0x48: {  	[tilespmem:s8], [sflag:$0x3] =	stream.indirect.gather [hbm4b:s4+s19], $0x80, s21, s19, $0xb8;
	[tilespmem:$0x1E000] =	vst v63  }
0x49: {  	s18 =	sadd.s32 $0x0, s25;
	s21 =	simm.s32 $0x180  }
0x4a: {  	[tilespmem:s21], [sflag:$0xC] =	stream.linear.gather [hbm4b:s18+s3], $0x50, $0x38;
	[tilespmem:$0x1E000] =	vst v63  }
0x4b: {  	_ =	swait.ge [sflag:s31], $0x2800  }
0x4c: {  	[sflag:s31] =	ssyncset.done $0x0  }
0x4d: {  	s22 =	simm.s32 @p0 $0x2C00;
	s18 =	simm.s32 @p0 $0x280;
	[sflag:s31] =	ssyncadd.s32 $0xFFFFD800  }
0x4e: {  	[spmem:s1] =	stream.indirect.scatter.add.f32 @p0 [tilespmem:s22], [sflag:$0x6], $0x80, s18, s17, $0xb8;
	[tilespmem:$0x1E000] =	vst v63  }
0x4f: {  	s17 =	simm.s32 @!p0 $0xE  }
0x50: {  	_ =	swait.ge @!p0 [sflag:s17], $0x50  }
0x51: {  	s18 =	simm.s32 @!p0 $0x280;
	[sflag:s17] =	ssyncset.done @!p0 $0x0  }
0x52: {  	s22 =	simm.s32 @!p0 $0x2C00;
	[sflag:s17] =	ssyncadd.s32 @!p0 $0xFFFFFFB0;
	s17 =	simm.s32 @!p0 $0x8  }
0x53: {  	[spmem:s1] =	stream.indirect.scatter.add.f32 @!p0 [tilespmem:s22], [sflag:$0x6], $0x80, s18, s20, $0xb8;
	[tilespmem:$0x1E000] =	vst v63  }
0x54: {  	s18 =	simm.s32 $0x140;
	_ =	swait.ge @!p0 [sflag:s17], $0x2800  }
0x55: {  	s20 =	simm.s32 $0x380;
	s22 =	rddreg [dreg:$0x3];
	[sflag:s17] =	ssyncset.done @!p0 $0x0  }
0x56: {  	[sflag:s17] =	ssyncadd.s32 @!p0 $0xFFFFD800;
	s25 =	sadd.s32 $0x0, s22;
	p0 =	por $0x0, $0x0  }
0x57: {  	[tilespmem:s20], [sflag:$0x10] =	stream.linear.gather [hbm4b:s25+s3], $0x50, $0x38;
	[tilespmem:$0x1E000] =	vst v63  }
0x58: {  	s18 =	simm.s32 @p0 $0x0;
	_ =	swait.ge [sflag:s2], $0x50  }
0x59: {  	s18 =	sadd.s32 s7, s18;
	[sflag:s2] =	ssyncset.done $0x0  }
0x5a: {  	s22 =	simm.s32 $0x7C00;
	s17 =	sshrl.u32 s18, $0x3;
	[sflag:s2] =	ssyncadd.s32 $0xFFFFFFB0  }
0x5b: {  	[tilespmem:s22], [sflag:$0x4] =	stream.indirect.gather [hbm4b:s4+s19], $0x80, s21, s19, $0xb8;
	[tilespmem:$0x1E000] =	vst v63  }
0x5c: {  	s21 =	sadd.s32 s5, s17  }
0x5d: {  	[tilespmem:s3], [sflag:$0x9] =	stream.linear.gather [hbm4b:s21+s3], $0x50, $0x38;
	[tilespmem:$0x1E000] =	vst v63  }
0x5e: {  	_ =	swait.ge [sflag:s10], $0x2800  }
0x5f: {  	[sflag:s10] =	ssyncset.done $0x0  }
0x60: {  	[sflag:s10] =	ssyncadd.s32 $0xFFFFD800  }
0x61: {  	_ =	swait.ge [sflag:s11], $0x50  }
0x62: {  	[sflag:s11] =	ssyncset.done $0x0  }
0x63: {  	[sflag:s11] =	ssyncadd.s32 $0xFFFFFFB0  }
0x64: {  	[spmem:s1] =	stream.indirect.scatter.add.f32 [tilespmem:s8], [sflag:$0x7], $0x80, s0, s19, $0xb8;
	[tilespmem:$0x1E000] =	vst v63  }
0x65: {  	_ =	swait.ge [sflag:s12], $0x2800  }
0x66: {  	[sflag:s12] =	ssyncset.done $0x0  }
0x67: {  	s18 =	simm.s32 $0x190;
	s17 =	sadd.s32 s6, s17;
	[sflag:s12] =	ssyncadd.s32 $0xFFFFD800  }
0x68: {  	[tilespmem:s23], [sflag:$0xD] =	stream.linear.gather [hbm4b:s17+s3], $0x50, $0x38;
	[tilespmem:$0x1E000] =	vst v63  }
0x69: {  	s18 =	simm.s32 @p0 $0x50;
	_ =	swait.ge [sflag:s13], $0x50  }
0x6a: {  	s23 =	sadd.s32 s7, s18;
	[sflag:s13] =	ssyncset.done $0x0  }
0x6b: {  	s17 =	sshrl.u32 s23, $0x3;
	[sflag:s13] =	ssyncadd.s32 $0xFFFFFFB0  }
0x6c: {  	[tilespmem:s24], [sflag:$0x1] =	stream.indirect.gather [hbm4b:s4+s19], $0x80, s3, s19, $0xb8;
	[tilespmem:$0x1E000] =	vst v63  }
0x6d: {  	s25 =	sadd.s32 s5, s17  }
0x6e: {  	[tilespmem:s26], [sflag:$0xA] =	stream.linear.gather [hbm4b:s25+s3], $0x50, $0x38;
	[tilespmem:$0x1E000] =	vst v63  }
0x6f: {  	_ =	swait.ge [sflag:s14], $0x2800  }
0x70: {  	[sflag:s14] =	ssyncset.done $0x0  }
0x71: {  	[sflag:s14] =	ssyncadd.s32 $0xFFFFD800  }
0x72: {  	_ =	swait.ge [sflag:s15], $0x50  }
0x73: {  	[sflag:s15] =	ssyncset.done $0x0  }
0x74: {  	[sflag:s15] =	ssyncadd.s32 $0xFFFFFFB0  }
0x75: {  	[spmem:s1] =	stream.indirect.scatter.add.f32 [tilespmem:s22], [sflag:$0x8], $0x80, s20, s19, $0xb8;
	[tilespmem:$0x1E000] =	vst v63  }
0x76: {  	_ =	swait.ge [sflag:s9], $0x2800  }
0x77: {  	[sflag:s9] =	ssyncset.done $0x0  }
0x78: {  	s17 =	sadd.s32 s6, s17;
	[sflag:s9] =	ssyncadd.s32 $0xFFFFD800  }
0x79: {  	[tilespmem:s29], [sflag:$0xE] =	stream.linear.gather [hbm4b:s17+s3], $0x50, $0x38;
	[tilespmem:$0x1E000] =	vst v63  }
0x7a: {  	s18 =	simm.s32 $0x28;
	s20 =	simm.s32 $0x50;
	_ =	swait.ge [sflag:s16], $0x50  }
0x7b: {  	s17 =	simm.s32 $0x190;
	s23 =	rddreg [dreg:$0x6];
	[sflag:s16] =	ssyncset.done $0x0  }
.LBB2_2:
0x7c: {  	[sflag:s16] =	ssyncadd.s32 $0xFFFFFFB0;
	s0 =	simm.s32 $0x2C00  }
0x7d: {  	[tilespmem:s0], [sflag:$0x2] =	stream.indirect.gather [hbm4b:s4+s19], $0x80, s30, s19, $0xb8;
	[tilespmem:$0x1E000] =	vst v63  }
0x7e: {  	s23 =	sadd.s32 s18, s23;
	s8 =	simm.s32 $0x100;
	s24 =	simm.s32 $0x1  }
0x7f: {  	[tilespmem:s8], [sflag:$0xB] =	stream.linear.gather [hbm4b:s23+s3], $0x50, $0x38;
	[tilespmem:$0x1E000] =	vst v63  }
0x80: {  	p1 =	seq.s32 s18, $0x0;
	_ =	swait.ge [sflag:s24], $0x2800  }
0x81: {  	s21 =	simm.s32 @p1 $0x200;
	s26 =	simm.s32 @!p1 $0xD;
	[sflag:s24] =	ssyncset.done $0x0  }
0x82: {  	s23 =	simm.s32 @p1 $0x50;
	[sflag:s24] =	ssyncadd.s32 $0xFFFFD800;
	s24 =	simm.s32 @p1 $0x400  }
0x83: {  	[spmem:s1] =	stream.indirect.scatter.add.f32 @p1 [tilespmem:s24], [sflag:$0x5], $0x80, s21, s23, $0xb8;
	[tilespmem:$0x1E000] =	vst v63  }
0x84: {  	_ =	swait.ge @!p1 [sflag:s26], $0x50  }
0x85: {  	s29 =	simm.s32 @!p1 $0x200;
	s21 =	simm.s32 @!p1 $0x400;
	[sflag:s26] =	ssyncset.done @!p1 $0x0  }
0x86: {  	s24 =	simm.s32 @!p1 $0x50;
	[sflag:s26] =	ssyncadd.s32 @!p1 $0xFFFFFFB0;
	s26 =	simm.s32 @!p1 $0x7  }
0x87: {  	[spmem:s1] =	stream.indirect.scatter.add.f32 @!p1 [tilespmem:s21], [sflag:$0x5], $0x80, s29, s24, $0xb8;
	[tilespmem:$0x1E000] =	vst v63  }
0x88: {  	_ =	swait.ge @!p1 [sflag:s26], $0x2800  }
0x89: {  	[sflag:s26] =	ssyncset.done @!p1 $0x0;
	s25 =	rddreg [dreg:$0x5]  }
0x8a: {  	s0 =	simm.s32 $0x300;
	[sflag:s26] =	ssyncadd.s32 @!p1 $0xFFFFD800;
	s21 =	sadd.s32 s18, s25  }
0x8b: {  	[tilespmem:s0], [sflag:$0xF] =	stream.linear.gather [hbm4b:s21+s3], $0x50, $0x38;
	[tilespmem:$0x1E000] =	vst v63  }
0x8c: {  	_ =	swait.ge [sflag:s28], $0x50  }
0x8d: {  	[sflag:s28] =	ssyncset.done $0x0  }
0x8e: {  	s25 =	simm.s32 $0x5400;
	s26 =	rddreg [dreg:$0x4];
	[sflag:s28] =	ssyncadd.s32 $0xFFFFFFB0  }
0x8f: {  	[tilespmem:s25], [sflag:$0x3] =	stream.indirect.gather [hbm4b:s4+s19], $0x80, s8, s19, $0xb8;
	[tilespmem:$0x1E000] =	vst v63  }
0x90: {  	s21 =	sadd.s32 s18, s26;
	s8 =	simm.s32 $0x180  }
0x91: {  	[tilespmem:s8], [sflag:$0xC] =	stream.linear.gather [hbm4b:s21+s3], $0x50, $0x38;
	[tilespmem:$0x1E000] =	vst v63  }
0x92: {  	_ =	swait.ge [sflag:s31], $0x2800  }
0x93: {  	s29 =	simm.s32 @!p1 $0xE;
	[sflag:s31] =	ssyncset.done $0x0  }
0x94: {  	s26 =	simm.s32 @p1 $0x2C00;
	s21 =	simm.s32 @p1 $0x280;
	[sflag:s31] =	ssyncadd.s32 $0xFFFFD800  }
0x95: {  	[spmem:s1] =	stream.indirect.scatter.add.f32 @p1 [tilespmem:s26], [sflag:$0x6], $0x80, s21, s23, $0xb8;
	[tilespmem:$0x1E000] =	vst v63  }
0x96: {  	_ =	swait.ge @!p1 [sflag:s29], $0x50  }
0x97: {  	s21 =	simm.s32 @!p1 $0x280;
	[sflag:s29] =	ssyncset.done @!p1 $0x0  }
0x98: {  	s23 =	simm.s32 @!p1 $0x2C00;
	s26 =	simm.s32 @!p1 $0x8;
	[sflag:s29] =	ssyncadd.s32 @!p1 $0xFFFFFFB0  }
0x99: {  	[spmem:s1] =	stream.indirect.scatter.add.f32 @!p1 [tilespmem:s23], [sflag:$0x6], $0x80, s21, s24, $0xb8;
	[tilespmem:$0x1E000] =	vst v63  }
0x9a: {  	_ =	swait.ge @!p1 [sflag:s26], $0x2800  }
0x9b: {  	[sflag:s26] =	ssyncset.done @!p1 $0x0;
	s29 =	rddreg [dreg:$0x3]  }
0x9c: {  	s17 =	sadd.s32 $0x140, s17;
	[sflag:s26] =	ssyncadd.s32 @!p1 $0xFFFFD800;
	s21 =	sadd.s32 s18, s29  }
0x9d: {  	p1 =	seq.s32 s18, $0x4D8;
	s18 =	sadd.s32 $0xFFFFFFB0, s17;
	s26 =	simm.s32 $0x380  }
0x9e: {  	[tilespmem:s26], [sflag:$0x10] =	stream.linear.gather [hbm4b:s21+s3], $0x50, $0x38;
	[tilespmem:$0x1E000] =	vst v63  }
0x9f: {  	s18 =	simm.s32 @p1 $0x0;
	_ =	swait.ge [sflag:s2], $0x50  }
0xa0: {  	s18 =	sadd.s32 s7, s18;
	[sflag:s2] =	ssyncset.done $0x0  }
0xa1: {  	s29 =	simm.s32 $0x7C00;
	s24 =	sshrl.u32 s18, $0x3;
	[sflag:s2] =	ssyncadd.s32 $0xFFFFFFB0  }
0xa2: {  	[tilespmem:s29], [sflag:$0x4] =	stream.indirect.gather [hbm4b:s4+s19], $0x80, s8, s19, $0xb8;
	[tilespmem:$0x1E000] =	vst v63  }
0xa3: {  	s8 =	sadd.s32 s5, s24  }
0xa4: {  	[tilespmem:s3], [sflag:$0x9] =	stream.linear.gather [hbm4b:s8+s3], $0x50, $0x38;
	[tilespmem:$0x1E000] =	vst v63  }
0xa5: {  	_ =	swait.ge [sflag:s10], $0x2800  }
0xa6: {  	[sflag:s10] =	ssyncset.done $0x0  }
0xa7: {  	[sflag:s10] =	ssyncadd.s32 $0xFFFFD800  }
0xa8: {  	_ =	swait.ge [sflag:s11], $0x50  }
0xa9: {  	[sflag:s11] =	ssyncset.done $0x0  }
0xaa: {  	[sflag:s11] =	ssyncadd.s32 $0xFFFFFFB0  }
0xab: {  	[spmem:s1] =	stream.indirect.scatter.add.f32 [tilespmem:s25], [sflag:$0x7], $0x80, s0, s19, $0xb8;
	[tilespmem:$0x1E000] =	vst v63  }
0xac: {  	_ =	swait.ge [sflag:s12], $0x2800  }
0xad: {  	s21 =	smov.u32 s17;
	[sflag:s12] =	ssyncset.done $0x0  }
0xae: {  	s8 =	simm.s32 $0x200;
	s0 =	sadd.s32 s6, s24;
	[sflag:s12] =	ssyncadd.s32 $0xFFFFD800  }
0xaf: {  	[tilespmem:s8], [sflag:$0xD] =	stream.linear.gather [hbm4b:s0+s3], $0x50, $0x38;
	[tilespmem:$0x1E000] =	vst v63  }
0xb0: {  	s21 =	simm.s32 @p1 $0x50;
	_ =	swait.ge [sflag:s13], $0x50  }
0xb1: {  	s21 =	sadd.s32 s7, s21;
	[sflag:s13] =	ssyncset.done $0x0  }
0xb2: {  	s23 =	sshrl.u32 s21, $0x3;
	s24 =	simm.s32 $0x400;
	[sflag:s13] =	ssyncadd.s32 $0xFFFFFFB0  }
0xb3: {  	[tilespmem:s24], [sflag:$0x1] =	stream.indirect.gather [hbm4b:s4+s19], $0x80, s3, s19, $0xb8;
	[tilespmem:$0x1E000] =	vst v63  }
0xb4: {  	s25 =	sadd.s32 s5, s23  }
0xb5: {  	[tilespmem:s30], [sflag:$0xA] =	stream.linear.gather [hbm4b:s25+s3], $0x50, $0x38;
	[tilespmem:$0x1E000] =	vst v63  }
0xb6: {  	_ =	swait.ge [sflag:s14], $0x2800  }
0xb7: {  	[sflag:s14] =	ssyncset.done $0x0  }
0xb8: {  	[sflag:s14] =	ssyncadd.s32 $0xFFFFD800  }
0xb9: {  	_ =	swait.ge [sflag:s15], $0x50  }
0xba: {  	[sflag:s15] =	ssyncset.done $0x0  }
0xbb: {  	s22 =	smov.u32 s20;
	s20 =	sadd.s32 $0x28, s20;
	[sflag:s15] =	ssyncadd.s32 $0xFFFFFFB0  }
0xbc: {  	[spmem:s1] =	stream.indirect.scatter.add.f32 [tilespmem:s29], [sflag:$0x8], $0x80, s26, s19, $0xb8;
	[tilespmem:$0x1E000] =	vst v63  }
0xbd: {  	p0 =	sne.s32 s20, $0x500;
	_ =	swait.ge [sflag:s9], $0x2800  }
.Ltmp0:
0xbe: {  	[sflag:s9] =	ssyncset.done $0x0;
	(pc) =	sbr.rel @p0 .LBB2_2-.Ltmp0, $4  }
0xbf: {  	s26 =	sadd.s32 s6, s23;
	s29 =	simm.s32 $0x280;
	[sflag:s9] =	ssyncadd.s32 $0xFFFFD800  }
0xc0: {  	[tilespmem:s29], [sflag:$0xE] =	stream.linear.gather [hbm4b:s26+s3], $0x50, $0x38;
	[tilespmem:$0x1E000] =	vst v63  }
0xc1: {  	_ =	swait.ge [sflag:s16], $0x50  }
0xc2: {  	s18 =	smov.u32 s22;
	s23 =	rddreg [dreg:$0x6];
	[sflag:s16] =	ssyncset.done $0x0  }
0xc3: {  	[sflag:s16] =	ssyncadd.s32 $0xFFFFFFB0;
	s24 =	simm.s32 $0x80;
	s26 =	simm.s32 $0x2C00  }
0xc4: {  	[tilespmem:s26], [sflag:$0x2] =	stream.indirect.gather [hbm4b:s4+s19], $0x80, s24, s19, $0xb8;
	[tilespmem:$0x1E000] =	vst v63  }
0xc5: {  	s20 =	sadd.s32 s18, s23;
	s0 =	simm.s32 $0x100;
	s29 =	simm.s32 $0x1  }
0xc6: {  	[tilespmem:s0], [sflag:$0xB] =	stream.linear.gather [hbm4b:s20+s3], $0x50, $0x38;
	[tilespmem:$0x1E000] =	vst v63  }
0xc7: {  	p0 =	seq.s32 s18, $0x0;
	_ =	swait.ge [sflag:s29], $0x2800  }
0xc8: {  	s21 =	simm.s32 @p0 $0x200;
	s22 =	simm.s32 @p0 $0x400;
	[sflag:s29] =	ssyncset.done $0x0  }
0xc9: {  	s23 =	simm.s32 @!p0 $0xD;
	s20 =	simm.s32 @p0 $0x50;
	[sflag:s29] =	ssyncadd.s32 $0xFFFFD800  }
0xca: {  	[spmem:s1] =	stream.indirect.scatter.add.f32 @p0 [tilespmem:s22], [sflag:$0x5], $0x80, s21, s20, $0xb8;
	[tilespmem:$0x1E000] =	vst v63  }
0xcb: {  	_ =	swait.ge @!p0 [sflag:s23], $0x50  }
0xcc: {  	s21 =	simm.s32 @!p0 $0x400;
	[sflag:s23] =	ssyncset.done @!p0 $0x0  }
0xcd: {  	s22 =	simm.s32 @!p0 $0x50;
	[sflag:s23] =	ssyncadd.s32 @!p0 $0xFFFFFFB0;
	s23 =	simm.s32 @!p0 $0x200  }
0xce: {  	[spmem:s1] =	stream.indirect.scatter.add.f32 @!p0 [tilespmem:s21], [sflag:$0x5], $0x80, s23, s22, $0xb8;
	[tilespmem:$0x1E000] =	vst v63  }
0xcf: {  	s21 =	simm.s32 @!p0 $0x7  }
0xd0: {  	_ =	swait.ge @!p0 [sflag:s21], $0x2800  }
0xd1: {  	s8 =	rddreg [dreg:$0x5];
	[sflag:s21] =	ssyncset.done @!p0 $0x0  }
0xd2: {  	[sflag:s21] =	ssyncadd.s32 @!p0 $0xFFFFD800;
	s25 =	sadd.s32 s18, s8;
	s8 =	simm.s32 $0x300  }
0xd3: {  	[tilespmem:s8], [sflag:$0xF] =	stream.linear.gather [hbm4b:s25+s3], $0x50, $0x38;
	[tilespmem:$0x1E000] =	vst v63  }
0xd4: {  	_ =	swait.ge [sflag:s28], $0x50  }
0xd5: {  	[sflag:s28] =	ssyncset.done $0x0  }
0xd6: {  	s25 =	simm.s32 $0x5400;
	s23 =	rddreg [dreg:$0x4];
	[sflag:s28] =	ssyncadd.s32 $0xFFFFFFB0  }
0xd7: {  	[tilespmem:s25], [sflag:$0x3] =	stream.indirect.gather [hbm4b:s4+s19], $0x80, s0, s19, $0xb8;
	[tilespmem:$0x1E000] =	vst v63  }
0xd8: {  	s21 =	sadd.s32 s18, s23;
	s0 =	simm.s32 $0x180  }
0xd9: {  	[tilespmem:s0], [sflag:$0xC] =	stream.linear.gather [hbm4b:s21+s3], $0x50, $0x38;
	[tilespmem:$0x1E000] =	vst v63  }
0xda: {  	_ =	swait.ge [sflag:s31], $0x2800  }
0xdb: {  	[sflag:s31] =	ssyncset.done $0x0  }
0xdc: {  	s23 =	simm.s32 @p0 $0x2C00;
	s21 =	simm.s32 @p0 $0x280;
	[sflag:s31] =	ssyncadd.s32 $0xFFFFD800  }
0xdd: {  	[spmem:s1] =	stream.indirect.scatter.add.f32 @p0 [tilespmem:s23], [sflag:$0x6], $0x80, s21, s20, $0xb8;
	[tilespmem:$0x1E000] =	vst v63  }
0xde: {  	s20 =	simm.s32 @!p0 $0xE  }
0xdf: {  	_ =	swait.ge @!p0 [sflag:s20], $0x50  }
0xe0: {  	[sflag:s20] =	ssyncset.done @!p0 $0x0  }
0xe1: {  	s21 =	simm.s32 @!p0 $0x280;
	[sflag:s20] =	ssyncadd.s32 @!p0 $0xFFFFFFB0;
	s20 =	simm.s32 @!p0 $0x2C00  }
0xe2: {  	[spmem:s1] =	stream.indirect.scatter.add.f32 @!p0 [tilespmem:s20], [sflag:$0x6], $0x80, s21, s22, $0xb8;
	[tilespmem:$0x1E000] =	vst v63  }
0xe3: {  	s20 =	simm.s32 @!p0 $0x8  }
0xe4: {  	_ =	swait.ge @!p0 [sflag:s20], $0x2800  }
0xe5: {  	s17 =	sadd.s32 $0x140, s17;
	[sflag:s20] =	ssyncset.done @!p0 $0x0  }
0xe6: {  	s21 =	simm.s32 $0x380;
	s23 =	rddreg [dreg:$0x3];
	[sflag:s20] =	ssyncadd.s32 @!p0 $0xFFFFD800  }
0xe7: {  	s22 =	sadd.s32 s18, s23;
	p0 =	seq.s32 s18, $0x4D8;
	s18 =	sadd.s32 $0xFFFFFFB0, s17  }
0xe8: {  	[tilespmem:s21], [sflag:$0x10] =	stream.linear.gather [hbm4b:s22+s3], $0x50, $0x38;
	[tilespmem:$0x1E000] =	vst v63  }
0xe9: {  	s18 =	simm.s32 @p0 $0x0;
	_ =	swait.ge [sflag:s2], $0x50  }
0xea: {  	s18 =	sadd.s32 s7, s18;
	[sflag:s2] =	ssyncset.done $0x0  }
0xeb: {  	s22 =	simm.s32 $0x7C00;
	s18 =	sshrl.u32 s18, $0x3;
	[sflag:s2] =	ssyncadd.s32 $0xFFFFFFB0  }
0xec: {  	[tilespmem:s22], [sflag:$0x4] =	stream.indirect.gather [hbm4b:s4+s19], $0x80, s0, s19, $0xb8;
	[tilespmem:$0x1E000] =	vst v63  }
0xed: {  	s23 =	sadd.s32 s5, s18  }
0xee: {  	[tilespmem:s3], [sflag:$0x9] =	stream.linear.gather [hbm4b:s23+s3], $0x50, $0x38;
	[tilespmem:$0x1E000] =	vst v63  }
0xef: {  	_ =	swait.ge [sflag:s10], $0x2800  }
0xf0: {  	[sflag:s10] =	ssyncset.done $0x0  }
0xf1: {  	[sflag:s10] =	ssyncadd.s32 $0xFFFFD800  }
0xf2: {  	_ =	swait.ge [sflag:s11], $0x50  }
0xf3: {  	[sflag:s11] =	ssyncset.done $0x0  }
0xf4: {  	[sflag:s11] =	ssyncadd.s32 $0xFFFFFFB0  }
0xf5: {  	[spmem:s1] =	stream.indirect.scatter.add.f32 [tilespmem:s25], [sflag:$0x7], $0x80, s8, s19, $0xb8;
	[tilespmem:$0x1E000] =	vst v63  }
0xf6: {  	_ =	swait.ge [sflag:s12], $0x2800  }
0xf7: {  	[sflag:s12] =	ssyncset.done $0x0  }
0xf8: {  	s18 =	sadd.s32 s6, s18;
	s25 =	simm.s32 $0x200;
	[sflag:s12] =	ssyncadd.s32 $0xFFFFD800  }
0xf9: {  	[tilespmem:s25], [sflag:$0xD] =	stream.linear.gather [hbm4b:s18+s3], $0x50, $0x38;
	[tilespmem:$0x1E000] =	vst v63  }
0xfa: {  	s17 =	simm.s32 @p0 $0x50;
	_ =	swait.ge [sflag:s13], $0x50  }
0xfb: {  	s17 =	sadd.s32 s7, s17;
	[sflag:s13] =	ssyncset.done $0x0  }
0xfc: {  	s17 =	sshrl.u32 s17, $0x3;
	s0 =	simm.s32 $0x400;
	[sflag:s13] =	ssyncadd.s32 $0xFFFFFFB0  }
0xfd: {  	[tilespmem:s0], [sflag:$0x1] =	stream.indirect.gather [hbm4b:s4+s19], $0x80, s3, s19, $0xb8;
	[tilespmem:$0x1E000] =	vst v63  }
0xfe: {  	s8 =	sadd.s32 s5, s17  }
0xff: {  	[tilespmem:s24], [sflag:$0xA] =	stream.linear.gather [hbm4b:s8+s3], $0x50, $0x38;
	[tilespmem:$0x1E000] =	vst v63  }
0x100: {  	_ =	swait.ge [sflag:s14], $0x2800  }
0x101: {  	[sflag:s14] =	ssyncset.done $0x0  }
0x102: {  	[sflag:s14] =	ssyncadd.s32 $0xFFFFD800  }
0x103: {  	_ =	swait.ge [sflag:s15], $0x50  }
0x104: {  	[sflag:s15] =	ssyncset.done $0x0  }
0x105: {  	[sflag:s15] =	ssyncadd.s32 $0xFFFFFFB0  }
0x106: {  	[spmem:s1] =	stream.indirect.scatter.add.f32 [tilespmem:s22], [sflag:$0x8], $0x80, s21, s19, $0xb8;
	[tilespmem:$0x1E000] =	vst v63  }
0x107: {  	_ =	swait.ge [sflag:s9], $0x2800  }
0x108: {  	[sflag:s9] =	ssyncset.done $0x0  }
0x109: {  	s20 =	simm.s32 $0x280;
	s17 =	sadd.s32 s6, s17;
	[sflag:s9] =	ssyncadd.s32 $0xFFFFD800  }
0x10a: {  	[tilespmem:s20], [sflag:$0xE] =	stream.linear.gather [hbm4b:s17+s3], $0x50, $0x38;
	[tilespmem:$0x1E000] =	vst v63  }
0x10b: {  	_ =	swait.ge [sflag:s16], $0x50  }
0x10c: {  	[sflag:s16] =	ssyncset.done $0x0  }
0x10d: {  	[sflag:s16] =	ssyncadd.s32 $0xFFFFFFB0  }
0x10e: {  	[tilespmem:s26], [sflag:$0x2] =	stream.indirect.gather [hbm4b:s4+s19], $0x80, s24, s19, $0xb8;
	[tilespmem:$0x1E000] =	vst v63  }
0x10f: {  	_ =	swait.ge [sflag:s29], $0x2800  }
0x110: {  	[sflag:s29] =	ssyncset.done $0x0  }
0x111: {  	s21 =	simm.s32 $0xD;
	[sflag:s29] =	ssyncadd.s32 $0xFFFFD800  }
0x112: {  	_ =	swait.ge [sflag:s21], $0x50  }
0x113: {  	[sflag:s21] =	ssyncset.done $0x0  }
0x114: {  	[sflag:s21] =	ssyncadd.s32 $0xFFFFFFB0  }
0x115: {  	_ =	swait.ge [sflag:s31], $0x2800  }
0x116: {  	[sflag:s31] =	ssyncset.done $0x0  }
0x117: {  	s22 =	simm.s32 $0xE;
	[sflag:s31] =	ssyncadd.s32 $0xFFFFD800  }
0x118: {  	_ =	swait.ge [sflag:s22], $0x50  }
0x119: {  	[sflag:s22] =	ssyncset.done $0x0  }
0x11a: {  	s23 =	simm.s32 $0x7;
	[sflag:s22] =	ssyncadd.s32 $0xFFFFFFB0  }
0x11b: {  	_ =	swait.ge [sflag:s23], $0x2800  }
0x11c: {  	[sflag:s23] =	ssyncset.done $0x0  }
0x11d: {  	s24 =	simm.s32 $0x8;
	[sflag:s23] =	ssyncadd.s32 $0xFFFFD800  }
0x11e: {  	_ =	swait.ge [sflag:s24], $0x2800  }
0x11f: {  	[sflag:s24] =	ssyncset.done $0x0  }
0x120: {  	[sflag:s24] =	ssyncadd.s32 $0xFFFFD800  }
0x121: {  	[bflag:$0x0] =	sbarrier.arrive $0xFFFF  }
0x122: {  	s18 =	rddreg [dreg:$0x8]  }
0x123: {  	s25 =	rddreg [dreg:$0xd]  }
0x124: {  	s21 =	simm.s32 $0x11;
	s20 =	rddreg [dreg:$0xf]  }
0x125: {  	[hbm:s25], [sflag:s18] =	dma.local [spmem:s20], $0x2780  }
0x126: {  	_ =	swait.ge [sflag:s21], $0x2780  }
0x127: {  	s26 =	rddreg [dreg:$0x10]  }
0x128: {  	s29 =	rddreg [dreg:$0xe];
	s0 =	sadd.s32 $0x1, s26  }
0x129: {  	p0 =	sne.s32 s0, s29  }
.Ltmp1:
0x12a: {  	_ = 	snop;
	(pc) =	sbr.rel @p0 .LBB2_1-.Ltmp1, $3  }
0x12b: {  	_ =	sdelay $0x1  }
0x12c: {  	[sflag:s21] =	ssyncset.done $0x0  }
0x12d: {  	[sflag:s21] =	ssyncadd.s32 $0xFFFFD880  }
0x12e: {  	_ =	sfence.sel $0x180000  }
0x12f: {  	[bflag:$0x0] =	sbarrier.arrive $0xFFFF  }
0x130: {  	_ =	strace $0x9000004D  }
0x131: {  	s0 =	stileid.u32;
	[bflag:$0x2] =	sbarrier.arrive $0xFFFF  }
0x132: {  	p0 =	sne.s32 s0, $0x0;
	s0 =	rddreg [dreg:$0x2]  }
0x133: {  	s0 =	sadd.s32 @!p0 $0x100000, s0  }
0x134: {  	[sflag:s0] =	ssyncadd.tile.s32 @!p0 $0x1;
	_ =	shalt  }
.Lfunc_end2:
_tile_overlayer_lowered:
.L_overlay_start_2:
0x135: {  	(tag) =	ssettag $0x2  }
0x136: {  	s0 =	rddreg [dreg:$0x0];
	s2 =	stileid.u32  }
0x137: {  	s1 =	rddreg [dreg:$0x1];
	p0 =	sne.s32 s2, $0x0  }
0x138: {  	s3 =	rddreg [dreg:$0x2];
	[bflag:$0x3] =	sbarrier.arrive $0xFFFF;
	s2 =	simm.s32 @!p0 $0x1C11  }
0x139: {  	[timem:s3], [sflag:s2] =	dma.local @!p0 [hbm:s0], s1  }
0x13a: {  	s0 =	simm.s32 @!p0 $0x11  }
0x13b: {  	_ =	swait.ge @!p0 [sflag:s0], s1  }
0x13c: {  	s1 =	ssub.s32 @!p0 $0x0, s1;
	[sflag:s0] =	ssyncset.done @!p0 $0x0  }
0x13d: {  	[sflag:s0] =	ssyncadd.s32 @!p0 s1  }
0x13e: {  	[bflag:$0x3] =	sbarrier.arrive $0xFFFF  }
0x13f: {  	_ =	shalt  }

// kernel: kernel.21.cloned.1.call-start
scs
__scs_entry_jumppad:
0x0: {  	(pc) =	sbr.rel $0x88, $3  }
0x1: {  	(tag) =	ssettag $0x0;
	lr =	simm.s32 $0x1  }
0x2: {  	[smem:$0x3F98] =	sst lr;
	_ =	strace $0xD0000000  }
0x3: {  	_ = 	snop  }
0x4: {  	_ = 	snop  }
0x5: {  	_ = 	snop  }
0x6: {  	_ = 	snop  }
0x7: {  	_ = 	snop  }
__scs_overlays_trampoline_lowered:
0x8: {  	[smem:$0x3FA7] =	sst s0  }
0x9: {  	[smem:$0x3FA8] =	sst s1  }
0xa: {  	[smem:$0x3FA9] =	sst s2  }
0xb: {  	[smem:$0x3FAA] =	sst s3  }
0xc: {  	[smem:$0x3FAB] =	sst s4  }
0xd: {  	[smem:$0x3FAC] =	sst s5  }
0xe: {  	[smem:$0x3FAD] =	sst s6  }
0xf: {  	[smem:$0x3FAE] =	sst s7  }
0x10: {  	[smem:$0x3FAF] =	sst s8  }
0x11: {  	[smem:$0x3FB0] =	sst s9;
	s0 =	simm.s32 @!p0 $0x0  }
0x12: {  	s1 =	sld [smem:$0x3F96];
	s0 =	simm.s32 @p0 $0x1  }
0x13: {  	[smem:$0x3FB1] =	sst s0;
	s0 =	simm.s32 @!p1 $0x0  }
0x14: {  	s2 =	sld [smem:$0x3F95];
	s0 =	simm.s32 @p1 $0x1  }
0x15: {  	[smem:$0x3FB2] =	sst s0;
	s0 =	simm.s32 @!p2 $0x0  }
0x16: {  	s3 =	sld [smem:$0x3FDB];
	s0 =	simm.s32 @p2 $0x1  }
0x17: {  	s4 =	simm.s32 $0x1BF5;
	[smem:$0x3FB4] =	sst s0  }
0x18: {  	s0 =	sld [smem:$0x3F97];
	_ =	swait.ge [sflag:s4], $0x0  }
0x19: {  	s7 =	sld [smem:$0x3F98]  }
0x1a: {  	s8 =	sadd.s32 $0xFFFFE003, lr  }
0x1b: {  	s9 =	sadd.s32 $0xFFFFFEF7, lr;
	s5 =	simm.s32 $0xFFFFFFFF;
	p2 =	slt.u32 s8, $0xFFFFF086  }
0x1c: {  	p1 =	slt.u32 s9, $0xF7A;
	s5 =	simm.s32 @!p2 $0x0  }
0x1d: {  	s5 =	simm.s32 @p1 $0x1;
	p0 =	seq.s32 s7, s2  }
0x1e: {  	s7 =	smul.u32 @!p0 $0xF7A, s2;
	p2 =	seq.s32 @!p0 s5, $0x0  }
0x1f: {  	s9 =	smul.u32 $0xF7A, s1;
	s8 =	simm.s32 @!p0 $0x1BF5;
	p2 =	por !p2, p0  }
0x20: {  	[sflag:s8] =	ssyncset.s32 @!p0 $0xFFFFF086;
	s6 =	sadd.s32 @!p0 s3, s7;
	s7 =	simm.s32 @!p0 $0x108  }
0x21: {  	s3 =	sadd.s32 s3, s9;
	s6 =	sadd.s32 @!p0 $0x88, s6;
	s7 =	simm.s32 @p2 $0x1082  }
0x22: {  	[simem:s7], [sflag:s8] =	dma.local @!p0 [hbm:s6], $0xF7A  }
0x23: {  	s9 =	sor.u32 $0xD0000000, s2;
	s6 =	simm.s32 $0x108;
	_ =	swait.ge @!p0 [sflag:s8], $0x0  }
0x24: {  	s3 =	sadd.s32 $0x88, s3;
	s6 =	simm.s32 @!p1 $0x1082;
	[sflag:s4] =	ssyncset.s32 $0xFFFFF086  }
0x25: {  	[simem:s6], [sflag:s4] =	dma.local [hbm:s3], $0xF7A  }
0x26: {  	[smem:$0x3F98] =	sst s1;
	(tag) =	ssettag s2;
	_ =	strace s9  }
0x27: {  	s1 =	sld [smem:$0x3FA8]  }
0x28: {  	s2 =	sld [smem:$0x3FA9]  }
0x29: {  	s4 =	sld [smem:$0x3FAB]  }
0x2a: {  	p0 =	seq.s32 s5, $0x0;
	s5 =	sld [smem:$0x3FAC]  }
0x2b: {  	s6 =	sld [smem:$0x3FAD]  }
0x2c: {  	s7 =	sld [smem:$0x3FAE]  }
0x2d: {  	s3 =	simm.s32 $0x108;
	s8 =	sld [smem:$0x3FAF]  }
0x2e: {  	s3 =	simm.s32 @!p0 $0x1082;
	s9 =	sld [smem:$0x3FB0]  }
0x2f: {  	lr =	sadd.s32 s0, s3;
	s0 =	sld [smem:$0x3FA7]  }
0x30: {  	s3 =	sld [smem:$0x3FAA]  }
0x31: {  	[smem:$0x3FB3] =	sst s10  }
0x32: {  	s10 =	sld [smem:$0x3FB1];
	_ =	sdelay $0x3  }
0x33: {  	p0 =	seq.s32 s10, $0x1;
	s10 =	sld [smem:$0x3FB3];
	_ =	sdelay $0x3  }
0x34: {  	[smem:$0x3FB3] =	sst s10  }
0x35: {  	s10 =	sld [smem:$0x3FB2];
	_ =	sdelay $0x3  }
0x36: {  	p1 =	seq.s32 s10, $0x1;
	s10 =	sld [smem:$0x3FB3];
	_ =	sdelay $0x3  }
0x37: {  	[smem:$0x3FB3] =	sst s10  }
0x38: {  	s10 =	sld [smem:$0x3FB4]  }
0x39: {  	_ = 	snop;
	(pc) =	sbr.ind lr, $3  }
0x3a: {  	_ = 	snop  }
0x3b: {  	_ = 	snop  }
0x3c: {  	p2 =	seq.s32 s10, $0x1;
	s10 =	sld [smem:$0x3FB3]  }
0x3d: {  	_ =	shalt  }
0x3e: {  	_ =	shalt  }
0x3f: {  	_ =	shalt  }
0x40: {  	_ =	shalt  }
0x41: {  	_ =	shalt  }
0x42: {  	_ =	shalt  }
0x43: {  	_ =	shalt  }
0x44: {  	_ =	shalt  }
0x45: {  	_ =	shalt  }
0x46: {  	_ =	shalt  }
0x47: {  	_ =	shalt  }
0x48: {  	_ =	shalt  }
0x49: {  	_ =	shalt  }
0x4a: {  	_ =	shalt  }
0x4b: {  	_ =	shalt  }
0x4c: {  	_ =	shalt  }
0x4d: {  	_ =	shalt  }
0x4e: {  	_ =	shalt  }
0x4f: {  	_ =	shalt  }
0x50: {  	_ =	shalt  }
0x51: {  	_ =	shalt  }
0x52: {  	_ =	shalt  }
0x53: {  	_ =	shalt  }
0x54: {  	_ =	shalt  }
0x55: {  	_ =	shalt  }
0x56: {  	_ =	shalt  }
0x57: {  	_ =	shalt  }
0x58: {  	_ =	shalt  }
0x59: {  	_ =	shalt  }
0x5a: {  	_ =	shalt  }
0x5b: {  	_ =	shalt  }
0x5c: {  	_ =	shalt  }
0x5d: {  	_ =	shalt  }
0x5e: {  	_ =	shalt  }
0x5f: {  	_ =	shalt  }
0x60: {  	_ =	shalt  }
0x61: {  	_ =	shalt  }
0x62: {  	_ =	shalt  }
0x63: {  	_ =	shalt  }
0x64: {  	_ =	shalt  }
0x65: {  	_ =	shalt  }
0x66: {  	_ =	shalt  }
0x67: {  	_ =	shalt  }
0x68: {  	_ =	shalt  }
0x69: {  	_ =	shalt  }
0x6a: {  	_ =	shalt  }
0x6b: {  	_ =	shalt  }
0x6c: {  	_ =	shalt  }
0x6d: {  	_ =	shalt  }
0x6e: {  	_ =	shalt  }
0x6f: {  	_ =	shalt  }
0x70: {  	_ =	shalt  }
0x71: {  	_ =	shalt  }
0x72: {  	_ =	shalt  }
0x73: {  	_ =	shalt  }
0x74: {  	_ =	shalt  }
0x75: {  	_ =	shalt  }
0x76: {  	_ =	shalt  }
0x77: {  	_ =	shalt  }
0x78: {  	_ =	shalt  }
0x79: {  	_ =	shalt  }
0x7a: {  	_ =	shalt  }
0x7b: {  	_ =	shalt  }
0x7c: {  	_ =	shalt  }
0x7d: {  	_ =	shalt  }
0x7e: {  	_ =	shalt  }
0x7f: {  	_ =	shalt  }
0x80: {  	_ =	shalt  }
0x81: {  	_ =	shalt  }
0x82: {  	_ =	shalt  }
0x83: {  	_ =	shalt  }
0x84: {  	_ =	shalt  }
0x85: {  	_ =	shalt  }
0x86: {  	_ =	shalt  }
0x87: {  	_ =	shalt  }
.Lfunc_end0:
.L_simem_size_0:
called_computation.3_lowered:
.L_overlay_start_0:
0x88: {  	s2 =	sld [smem:$0x3FD9]  }
0x89: {  	s3 =	sld [smem:$0x3FFE];
	_ =	sdelay $0x1  }
0x8a: {  	s1 =	srdreg.scid  }
0x8b: {  	s0 =	sand.u32 $0x1, s1  }
0x8c: {  	s16 =	sshll.u32 s0, $0xA;
	s2 =	sadd.s32 s3, s2  }
0x8d: {  	s2 =	sadd.s32 s2, s16  }
0x8e: {  	[smem:$0x3FBF] =	sst s2  }
0x8f: {  	_ = 	snop  }
0x90: {  	(tm) =	ssettm $0x1  }
0x91: {  	s17 =	sld [smem:$0x3FFB];
	_ =	sdelay $0x3  }
0x92: {  	_ =	strace s17  }
0x93: {  	s2 =	sld [smem:$0x3FFC];
	_ =	sdelay $0x3  }
0x94: {  	_ =	strace s2  }
0x95: {  	s2 =	sld [smem:$0x3FFD];
	_ =	sdelay $0x3  }
0x96: {  	_ =	strace s2  }
0x97: {  	_ =	strace $0x8FFFFFFF  }
0x98: {  	s18 =	sld [smem:$0x3FDB];
	_ =	sdelay $0x1  }
0x99: {  	s19 =	simm.s32 $_scs_section_size  }
0x9a: {  	s4 =	simm.s32 $_size__tile_overlayer_lowered;
	s5 =	simm.s32 $_tile_overlayer_lowered  }
0x9b: {  	s22 =	simm.s32 $0x1BFF;
	s21 =	sshll.u32 s5, $0x1;
	s2 =	sadd.s32 s19, s18  }
0x9c: {  	s6 =	simm.s32 $0x0;
	s20 =	sshll.u32 s4, $0x1;
	s4 =	sadd.s32 s21, s2  }
0x9d: {  	[timem:s6], [sflag:s22] =	dma.local [hbm:s4], s20  }
0x9e: {  	_ =	swait.ge [sflag:s22], s20  }
0x9f: {  	s3 =	ssub.s32 $0x0, s20;
	[sflag:s22] =	ssyncset.done $0x0  }
0xa0: {  	[sflag:s22] =	ssyncadd.s32 s3;
	_ =	sdelay $0x1  }
0xa1: {  	s23 =	simm.s32 $0x1B8B  }
0xa2: {  	_ =	swait.ge [sflag:s23], $0x1  }
0xa3: {  	[sflag:s23] =	ssyncset.done $0x0  }
0xa4: {  	s25 =	simm.s32 $0x1B8E;
	s24 =	sld [smem:$0x3FFE];
	[sflag:s23] =	ssyncadd.s32 $0xFFFFFFFF  }
0xa5: {  	s26 =	simm.s32 $execute0_lowered;
	[smem:$0x3FD2] =	sst s25  }
0xa6: {  	s4 =	sshll.u32 s26, $0x1;
	_ =	strace $0x8000004F;
	[dreg:$0x1] =	wrdreg $0xFFFFFFFF  }
0xa7: {  	s28 =	simm.s32 $_size_execute0_lowered;
	s2 =	sadd.s32 s2, s4;
	[dreg:$0x0] =	wrdreg $0x0  }
0xa8: {  	s4 =	sshll.u32 s28, $0x1;
	[dreg:$0x2] =	wrdreg s2  }
0xa9: {  	[dreg:$0x3] =	wrdreg s4  }
0xaa: {  	[dreg:$0x4] =	wrdreg $0xC0  }
0xab: {  	_ =	task [dreg:s6], $0x5FFFF  }
0xac: {  	[dreg:$0x1] =	wrdreg $0xFFFFFFFF  }
0xad: {  	[dreg:$0x0] =	wrdreg $0x60  }
0xae: {  	[dreg:$0x2] =	wrdreg s24  }
0xaf: {  	[dreg:$0x3] =	wrdreg $0xA4000  }
0xb0: {  	[dreg:$0x4] =	wrdreg $0x9  }
0xb1: {  	_ =	task.clear_ibuf [dreg:s6], $0x5FFFF;
	_ =	strace $0x9000004F  }
0xb2: {  	s29 =	simm.s32 $0x9;
	_ =	strace $0x80000051  }
0xb3: {  	_ =	swait.ge [sflag:s29], $0x1  }
0xb4: {  	[sflag:s29] =	ssyncadd.s32 $0xFFFFFFFF  }
0xb5: {  	_ =	strace $0x90000051  }
0xb6: {  	_ =	sfence  }
0xb7: {  	s30 =	sld [smem:$0x0];
	_ =	sdelay $0x2  }
0xb8: {  	s31 =	sshll.u32 s1, $0xD;
	s1 =	sshrl.u32 s1, $0x2  }
0xb9: {  	s3 =	sand.u32 $0x4000, s31;
	s1 =	sadd.s32 s1, s30  }
0xba: {  	s0 =	sor.u32 s3, s0;
	s1 =	sshll.u32 s1, $0x11  }
0xbb: {  	s0 =	sor.u32 s1, s0  }
0xbc: {  	s0 =	sadd.s32 $0x8F2B, s0  }
0xbd: {  	[sflag:s0] =	ssyncadd.remote.s32 $0x1  }
0xbe: {  	_ =	sfence.sel $0xFFFF  }
0xbf: {  	[dreg:$0x0] =	wrdreg $0xFFFFFFFF;
	(pc) =	sbr.abs _section_cstart, $3  }
0xc0: {  	[dreg:$0x1] =	wrdreg $0xFFFFFFFF  }
0xc1: {  	_ =	task.clear_ibuf [dreg:s6], $0x2FFFF;
	_ =	strace $0x9FFFFFFF  }
0xc2: {  	(tm) =	ssettm $0x7FFFFFFF  }
0xc3: {  	_ =	shalt  }
tec
execute0_lowered:
.L_overlay_start_1:
0x0: {  	(tag) =	ssettag $0x1  }
0x1: {  	s0 =	rddreg [dreg:$0x0]  }
0x2: {  	s1 =	rddreg [dreg:$0x1];
	s3 =	simm.s32 $0x0;
	s13 =	stileid.u32  }
0x3: {  	s2 =	srdreg.scid;
	s28 =	simm.s32 $0xB;
	s31 =	simm.s32 $0x2  }
0x4: {  	s14 =	simm.s32 $0x4;
	s15 =	simm.s32 $0x10;
	s30 =	simm.s32 $0x80  }
0x5: {  	[smem:$0x7FF] =	sst s3;
	s8 =	smul.u32 $0x2780, s13;
	s2 =	sand.u32 $0x1, s2  }
0x6: {  	s5 =	sshll.u32 s13, $0x1;
	s4 =	sadd.s32 $0x50A00, s0;
	s16 =	smul.u32 $0x4F000, s13  }
0x7: {  	s6 =	sadd.s32 $0xEC00, s0;
	s11 =	smul.u32 $0x5000, s13;
	s18 =	sshll.u32 s13, $0x6  }
0x8: {  	s13 =	simm.s32 $0x9;
	_ =	strace $0x80000050;
	s9 =	smul.u32 $0x27800, s2  }
0x9: {  	s7 =	sor.u32 s2, s5;
	s17 =	ssub.s32 $0x2, s2;
	s2 =	smul.u32 $0x2800, s2  }
0xa: {  	s5 =	sadd.s32 $0x4C00, s0;
	s18 =	sor.u32 $0x1C11, s18;
	s7 =	smul.u32 $0x2800, s7  }
0xb: {  	s10 =	sadd.s32 s8, s0;
	s12 =	sshrl.u32 s17, $0x1;
	[dreg:$0x8] =	wrdreg s18  }
0xc: {  	s8 =	sadd.s32 s8, s9;
	s9 =	sshrl.u32 s16, $0x2;
	s10 =	sadd.s32 $0x29200, s10  }
0xd: {  	s2 =	sadd.s32 s2, s11;
	s16 =	simm.s32 $0xA;
	s0 =	sadd.s32 s8, s0  }
0xe: {  	s8 =	ssub.s32 s17, s12;
	s9 =	sadd.s32 s9, s1;
	s19 =	sshrl.u32 s7, $0x3  }
0xf: {  	[dreg:$0x7] =	wrdreg s10;
	s21 =	sor.u32 $0xF0, s2;
	s20 =	sadd.s32 s5, s19  }
0x10: {  	s2 =	sor.u32 $0xA0, s2;
	s22 =	sadd.s32 s6, s19;
	[dreg:$0x9] =	wrdreg s20  }
0x11: {  	s23 =	sor.u32 $0xA, s19;
	s0 =	sadd.s32 $0xEEA00, s0;
	[dreg:$0xa] =	wrdreg s22  }
0x12: {  	s10 =	sshrl.u32 s21, $0x3;
	s29 =	smax.u32 s8, $0x1;
	[dreg:$0xd] =	wrdreg s0  }
0x13: {  	s2 =	sshrl.u32 s2, $0x3;
	s12 =	sadd.s32 s5, s23;
	[dreg:$0xe] =	wrdreg s29  }
0x14: {  	s21 =	simm.s32 $0x11;
	s24 =	sadd.s32 s10, s6;
	[dreg:$0xb] =	wrdreg s12  }
0x15: {  	s19 =	simm.s32 $0x50;
	s11 =	sadd.s32 s6, s23;
	[dreg:$0x3] =	wrdreg s24  }
0x16: {  	s10 =	sadd.s32 s10, s5;
	s25 =	sadd.s32 s2, s6;
	[dreg:$0xc] =	wrdreg s11  }
0x17: {  	s26 =	sadd.s32 s2, s5;
	s20 =	sshrl.u32 s9, $0x3;
	[dreg:$0x4] =	wrdreg s10  }
0x18: {  	s2 =	simm.s32 $0xC;
	s9 =	simm.s32 $0x6;
	[dreg:$0x5] =	wrdreg s25  }
0x19: {  	s0 =	simm.s32 $0x0;
	[dreg:$0x6] =	wrdreg s26;
	s10 =	simm.s32 $0x3  }
0x1a: {  	s11 =	simm.s32 $0xF;
	s12 =	simm.s32 $0x5;
	[dreg:$0xf] =	wrdreg s20  }
.LBB2_1:
0x1b: {  	[dreg:$0x10] =	wrdreg s0  }
0x1c: {  	s17 =	rddreg [dreg:$0x7]  }
0x1d: {  	[spmem:s20], [sflag:s18] =	dma.local [hbm:s17], $0x2780  }
0x1e: {  	_ =	swait.ge [sflag:s21], $0x2780  }
0x1f: {  	[sflag:s21] =	ssyncset.done $0x0  }
0x20: {  	[sflag:s21] =	ssyncadd.s32 $0xFFFFD880  }
0x21: {  	[bflag:$0x0] =	sbarrier.arrive $0xFFFF  }
0x22: {  	s29 =	rddreg [dreg:$0x9]  }
0x23: {  	[tilespmem:s3], [sflag:$0x11] =	stream.linear.gather [hbm4b:s29+s3], $0x50, $0x38;
	[tilespmem:$0x1E000] =	vst v63  }
0x24: {  	_ =	swait.ge [sflag:s21], $0x50  }
0x25: {  	[sflag:s21] =	ssyncset.done $0x0  }
0x26: {  	s23 =	simm.s32 $0x200;
	s0 =	rddreg [dreg:$0xa];
	[sflag:s21] =	ssyncadd.s32 $0xFFFFFFB0  }
0x27: {  	[tilespmem:s23], [sflag:$0x11] =	stream.linear.gather [hbm4b:s0+s3], $0x50, $0x38;
	[tilespmem:$0x1E000] =	vst v63  }
0x28: {  	_ =	swait.ge [sflag:s21], $0x50  }
0x29: {  	[sflag:s21] =	ssyncset.done $0x0  }
0x2a: {  	s24 =	simm.s32 $0x400;
	[sflag:s21] =	ssyncadd.s32 $0xFFFFFFB0  }
0x2b: {  	[tilespmem:s24], [sflag:$0x1] =	stream.indirect.gather [hbm4b:s4+s19], $0x80, s3, s19, $0xb8;
	[tilespmem:$0x1E000] =	vst v63  }
0x2c: {  	s26 =	simm.s32 $0x80;
	s8 =	rddreg [dreg:$0xb]  }
0x2d: {  	[tilespmem:s26], [sflag:$0x11] =	stream.linear.gather [hbm4b:s8+s3], $0x50, $0x38;
	[tilespmem:$0x1E000] =	vst v63  }
0x2e: {  	_ =	swait.ge [sflag:s21], $0x50  }
0x2f: {  	[sflag:s21] =	ssyncset.done $0x0  }
0x30: {  	s29 =	simm.s32 $0x280;
	s18 =	rddreg [dreg:$0xc];
	[sflag:s21] =	ssyncadd.s32 $0xFFFFFFB0  }
0x31: {  	[tilespmem:s29], [sflag:$0x11] =	stream.linear.gather [hbm4b:s18+s3], $0x50, $0x38;
	[tilespmem:$0x1E000] =	vst v63  }
0x32: {  	_ =	swait.ge [sflag:s21], $0x50  }
0x33: {  	[sflag:s21] =	ssyncset.done $0x0  }
0x34: {  	s22 =	simm.s32 $0x2C00;
	s20 =	rddreg [dreg:$0x6];
	[sflag:s21] =	ssyncadd.s32 $0xFFFFFFB0  }
0x35: {  	[tilespmem:s22], [sflag:$0x2] =	stream.indirect.gather [hbm4b:s4+s19], $0x80, s26, s19, $0xb8;
	[tilespmem:$0x1E000] =	vst v63  }
0x36: {  	s25 =	simm.s32 $0x1;
	s17 =	sadd.s32 $0x0, s20;
	s21 =	simm.s32 $0x100  }
0x37: {  	[tilespmem:s21], [sflag:$0xB] =	stream.linear.gather [hbm4b:s17+s3], $0x50, $0x38;
	[tilespmem:$0x1E000] =	vst v63  }
0x38: {  	p0 =	por $0x1, $0x1;
	_ =	swait.ge [sflag:s25], $0x2800  }
0x39: {  	s18 =	simm.s32 @p0 $0x200;
	s20 =	simm.s32 @p0 $0x400;
	[sflag:s25] =	ssyncset.done $0x0  }
0x3a: {  	s22 =	simm.s32 @!p0 $0xD;
	s17 =	simm.s32 @p0 $0x50;
	[sflag:s25] =	ssyncadd.s32 $0xFFFFD800  }
0x3b: {  	[spmem:s1] =	stream.indirect.scatter.add.f32 @p0 [tilespmem:s20], [sflag:$0x5], $0x80, s18, s17, $0xb8;
	[tilespmem:$0x1E000] =	vst v63  }
0x3c: {  	_ =	swait.ge @!p0 [sflag:s22], $0x50  }
0x3d: {  	s18 =	simm.s32 @!p0 $0x400;
	[sflag:s22] =	ssyncset.done @!p0 $0x0  }
0x3e: {  	s20 =	simm.s32 @!p0 $0x50;
	[sflag:s22] =	ssyncadd.s32 @!p0 $0xFFFFFFB0;
	s22 =	simm.s32 @!p0 $0x200  }
0x3f: {  	[spmem:s1] =	stream.indirect.scatter.add.f32 @!p0 [tilespmem:s18], [sflag:$0x5], $0x80, s22, s20, $0xb8;
	[tilespmem:$0x1E000] =	vst v63  }
0x40: {  	s18 =	simm.s32 @!p0 $0x7  }
0x41: {  	_ =	swait.ge @!p0 [sflag:s18], $0x2800  }
0x42: {  	s8 =	rddreg [dreg:$0x5];
	[sflag:s18] =	ssyncset.done @!p0 $0x0  }
0x43: {  	s0 =	simm.s32 $0x300;
	[sflag:s18] =	ssyncadd.s32 @!p0 $0xFFFFD800;
	s22 =	sadd.s32 $0x0, s8  }
0x44: {  	[tilespmem:s0], [sflag:$0xF] =	stream.linear.gather [hbm4b:s22+s3], $0x50, $0x38;
	[tilespmem:$0x1E000] =	vst v63  }
0x45: {  	_ =	swait.ge [sflag:s28], $0x50  }
0x46: {  	[sflag:s28] =	ssyncset.done $0x0  }
0x47: {  	s8 =	simm.s32 $0x5400;
	s25 =	rddreg [dreg:$0x4];
	[sflag:s28] =	ssyncadd.s32 $0xFFFFFFB0  }
0x48: {  	[tilespmem:s8], [sflag:$0x3] =	stream.indirect.gather [hbm4b:s4+s19], $0x80, s21, s19, $0xb8;
	[tilespmem:$0x1E000] =	vst v63  }
0x49: {  	s18 =	sadd.s32 $0x0, s25;
	s21 =	simm.s32 $0x180  }
0x4a: {  	[tilespmem:s21], [sflag:$0xC] =	stream.linear.gather [hbm4b:s18+s3], $0x50, $0x38;
	[tilespmem:$0x1E000] =	vst v63  }
0x4b: {  	_ =	swait.ge [sflag:s31], $0x2800  }
0x4c: {  	[sflag:s31] =	ssyncset.done $0x0  }
0x4d: {  	s22 =	simm.s32 @p0 $0x2C00;
	s18 =	simm.s32 @p0 $0x280;
	[sflag:s31] =	ssyncadd.s32 $0xFFFFD800  }
0x4e: {  	[spmem:s1] =	stream.indirect.scatter.add.f32 @p0 [tilespmem:s22], [sflag:$0x6], $0x80, s18, s17, $0xb8;
	[tilespmem:$0x1E000] =	vst v63  }
0x4f: {  	s17 =	simm.s32 @!p0 $0xE  }
0x50: {  	_ =	swait.ge @!p0 [sflag:s17], $0x50  }
0x51: {  	s18 =	simm.s32 @!p0 $0x280;
	[sflag:s17] =	ssyncset.done @!p0 $0x0  }
0x52: {  	s22 =	simm.s32 @!p0 $0x2C00;
	[sflag:s17] =	ssyncadd.s32 @!p0 $0xFFFFFFB0;
	s17 =	simm.s32 @!p0 $0x8  }
0x53: {  	[spmem:s1] =	stream.indirect.scatter.add.f32 @!p0 [tilespmem:s22], [sflag:$0x6], $0x80, s18, s20, $0xb8;
	[tilespmem:$0x1E000] =	vst v63  }
0x54: {  	s18 =	simm.s32 $0x140;
	_ =	swait.ge @!p0 [sflag:s17], $0x2800  }
0x55: {  	s20 =	simm.s32 $0x380;
	s22 =	rddreg [dreg:$0x3];
	[sflag:s17] =	ssyncset.done @!p0 $0x0  }
0x56: {  	[sflag:s17] =	ssyncadd.s32 @!p0 $0xFFFFD800;
	s25 =	sadd.s32 $0x0, s22;
	p0 =	por $0x0, $0x0  }
0x57: {  	[tilespmem:s20], [sflag:$0x10] =	stream.linear.gather [hbm4b:s25+s3], $0x50, $0x38;
	[tilespmem:$0x1E000] =	vst v63  }
0x58: {  	s18 =	simm.s32 @p0 $0x0;
	_ =	swait.ge [sflag:s2], $0x50  }
0x59: {  	s18 =	sadd.s32 s7, s18;
	[sflag:s2] =	ssyncset.done $0x0  }
0x5a: {  	s22 =	simm.s32 $0x7C00;
	s17 =	sshrl.u32 s18, $0x3;
	[sflag:s2] =	ssyncadd.s32 $0xFFFFFFB0  }
0x5b: {  	[tilespmem:s22], [sflag:$0x4] =	stream.indirect.gather [hbm4b:s4+s19], $0x80, s21, s19, $0xb8;
	[tilespmem:$0x1E000] =	vst v63  }
0x5c: {  	s21 =	sadd.s32 s5, s17  }
0x5d: {  	[tilespmem:s3], [sflag:$0x9] =	stream.linear.gather [hbm4b:s21+s3], $0x50, $0x38;
	[tilespmem:$0x1E000] =	vst v63  }
0x5e: {  	_ =	swait.ge [sflag:s10], $0x2800  }
0x5f: {  	[sflag:s10] =	ssyncset.done $0x0  }
0x60: {  	[sflag:s10] =	ssyncadd.s32 $0xFFFFD800  }
0x61: {  	_ =	swait.ge [sflag:s11], $0x50  }
0x62: {  	[sflag:s11] =	ssyncset.done $0x0  }
0x63: {  	[sflag:s11] =	ssyncadd.s32 $0xFFFFFFB0  }
0x64: {  	[spmem:s1] =	stream.indirect.scatter.add.f32 [tilespmem:s8], [sflag:$0x7], $0x80, s0, s19, $0xb8;
	[tilespmem:$0x1E000] =	vst v63  }
0x65: {  	_ =	swait.ge [sflag:s12], $0x2800  }
0x66: {  	[sflag:s12] =	ssyncset.done $0x0  }
0x67: {  	s18 =	simm.s32 $0x190;
	s17 =	sadd.s32 s6, s17;
	[sflag:s12] =	ssyncadd.s32 $0xFFFFD800  }
0x68: {  	[tilespmem:s23], [sflag:$0xD] =	stream.linear.gather [hbm4b:s17+s3], $0x50, $0x38;
	[tilespmem:$0x1E000] =	vst v63  }
0x69: {  	s18 =	simm.s32 @p0 $0x50;
	_ =	swait.ge [sflag:s13], $0x50  }
0x6a: {  	s23 =	sadd.s32 s7, s18;
	[sflag:s13] =	ssyncset.done $0x0  }
0x6b: {  	s17 =	sshrl.u32 s23, $0x3;
	[sflag:s13] =	ssyncadd.s32 $0xFFFFFFB0  }
0x6c: {  	[tilespmem:s24], [sflag:$0x1] =	stream.indirect.gather [hbm4b:s4+s19], $0x80, s3, s19, $0xb8;
	[tilespmem:$0x1E000] =	vst v63  }
0x6d: {  	s25 =	sadd.s32 s5, s17  }
0x6e: {  	[tilespmem:s26], [sflag:$0xA] =	stream.linear.gather [hbm4b:s25+s3], $0x50, $0x38;
	[tilespmem:$0x1E000] =	vst v63  }
0x6f: {  	_ =	swait.ge [sflag:s14], $0x2800  }
0x70: {  	[sflag:s14] =	ssyncset.done $0x0  }
0x71: {  	[sflag:s14] =	ssyncadd.s32 $0xFFFFD800  }
0x72: {  	_ =	swait.ge [sflag:s15], $0x50  }
0x73: {  	[sflag:s15] =	ssyncset.done $0x0  }
0x74: {  	[sflag:s15] =	ssyncadd.s32 $0xFFFFFFB0  }
0x75: {  	[spmem:s1] =	stream.indirect.scatter.add.f32 [tilespmem:s22], [sflag:$0x8], $0x80, s20, s19, $0xb8;
	[tilespmem:$0x1E000] =	vst v63  }
0x76: {  	_ =	swait.ge [sflag:s9], $0x2800  }
0x77: {  	[sflag:s9] =	ssyncset.done $0x0  }
0x78: {  	s17 =	sadd.s32 s6, s17;
	[sflag:s9] =	ssyncadd.s32 $0xFFFFD800  }
0x79: {  	[tilespmem:s29], [sflag:$0xE] =	stream.linear.gather [hbm4b:s17+s3], $0x50, $0x38;
	[tilespmem:$0x1E000] =	vst v63  }
0x7a: {  	s18 =	simm.s32 $0x28;
	s20 =	simm.s32 $0x50;
	_ =	swait.ge [sflag:s16], $0x50  }
0x7b: {  	s17 =	simm.s32 $0x190;
	s23 =	rddreg [dreg:$0x6];
	[sflag:s16] =	ssyncset.done $0x0  }
.LBB2_2:
0x7c: {  	[sflag:s16] =	ssyncadd.s32 $0xFFFFFFB0;
	s0 =	simm.s32 $0x2C00  }
0x7d: {  	[tilespmem:s0], [sflag:$0x2] =	stream.indirect.gather [hbm4b:s4+s19], $0x80, s30, s19, $0xb8;
	[tilespmem:$0x1E000] =	vst v63  }
0x7e: {  	s23 =	sadd.s32 s18, s23;
	s8 =	simm.s32 $0x100;
	s24 =	simm.s32 $0x1  }
0x7f: {  	[tilespmem:s8], [sflag:$0xB] =	stream.linear.gather [hbm4b:s23+s3], $0x50, $0x38;
	[tilespmem:$0x1E000] =	vst v63  }
0x80: {  	p1 =	seq.s32 s18, $0x0;
	_ =	swait.ge [sflag:s24], $0x2800  }
0x81: {  	s21 =	simm.s32 @p1 $0x200;
	s26 =	simm.s32 @!p1 $0xD;
	[sflag:s24] =	ssyncset.done $0x0  }
0x82: {  	s23 =	simm.s32 @p1 $0x50;
	[sflag:s24] =	ssyncadd.s32 $0xFFFFD800;
	s24 =	simm.s32 @p1 $0x400  }
0x83: {  	[spmem:s1] =	stream.indirect.scatter.add.f32 @p1 [tilespmem:s24], [sflag:$0x5], $0x80, s21, s23, $0xb8;
	[tilespmem:$0x1E000] =	vst v63  }
0x84: {  	_ =	swait.ge @!p1 [sflag:s26], $0x50  }
0x85: {  	s29 =	simm.s32 @!p1 $0x200;
	s21 =	simm.s32 @!p1 $0x400;
	[sflag:s26] =	ssyncset.done @!p1 $0x0  }
0x86: {  	s24 =	simm.s32 @!p1 $0x50;
	[sflag:s26] =	ssyncadd.s32 @!p1 $0xFFFFFFB0;
	s26 =	simm.s32 @!p1 $0x7  }
0x87: {  	[spmem:s1] =	stream.indirect.scatter.add.f32 @!p1 [tilespmem:s21], [sflag:$0x5], $0x80, s29, s24, $0xb8;
	[tilespmem:$0x1E000] =	vst v63  }
0x88: {  	_ =	swait.ge @!p1 [sflag:s26], $0x2800  }
0x89: {  	[sflag:s26] =	ssyncset.done @!p1 $0x0;
	s25 =	rddreg [dreg:$0x5]  }
0x8a: {  	s0 =	simm.s32 $0x300;
	[sflag:s26] =	ssyncadd.s32 @!p1 $0xFFFFD800;
	s21 =	sadd.s32 s18, s25  }
0x8b: {  	[tilespmem:s0], [sflag:$0xF] =	stream.linear.gather [hbm4b:s21+s3], $0x50, $0x38;
	[tilespmem:$0x1E000] =	vst v63  }
0x8c: {  	_ =	swait.ge [sflag:s28], $0x50  }
0x8d: {  	[sflag:s28] =	ssyncset.done $0x0  }
0x8e: {  	s25 =	simm.s32 $0x5400;
	s26 =	rddreg [dreg:$0x4];
	[sflag:s28] =	ssyncadd.s32 $0xFFFFFFB0  }
0x8f: {  	[tilespmem:s25], [sflag:$0x3] =	stream.indirect.gather [hbm4b:s4+s19], $0x80, s8, s19, $0xb8;
	[tilespmem:$0x1E000] =	vst v63  }
0x90: {  	s21 =	sadd.s32 s18, s26;
	s8 =	simm.s32 $0x180  }
0x91: {  	[tilespmem:s8], [sflag:$0xC] =	stream.linear.gather [hbm4b:s21+s3], $0x50, $0x38;
	[tilespmem:$0x1E000] =	vst v63  }
0x92: {  	_ =	swait.ge [sflag:s31], $0x2800  }
0x93: {  	s29 =	simm.s32 @!p1 $0xE;
	[sflag:s31] =	ssyncset.done $0x0  }
0x94: {  	s26 =	simm.s32 @p1 $0x2C00;
	s21 =	simm.s32 @p1 $0x280;
	[sflag:s31] =	ssyncadd.s32 $0xFFFFD800  }
0x95: {  	[spmem:s1] =	stream.indirect.scatter.add.f32 @p1 [tilespmem:s26], [sflag:$0x6], $0x80, s21, s23, $0xb8;
	[tilespmem:$0x1E000] =	vst v63  }
0x96: {  	_ =	swait.ge @!p1 [sflag:s29], $0x50  }
0x97: {  	s21 =	simm.s32 @!p1 $0x280;
	[sflag:s29] =	ssyncset.done @!p1 $0x0  }
0x98: {  	s23 =	simm.s32 @!p1 $0x2C00;
	s26 =	simm.s32 @!p1 $0x8;
	[sflag:s29] =	ssyncadd.s32 @!p1 $0xFFFFFFB0  }
0x99: {  	[spmem:s1] =	stream.indirect.scatter.add.f32 @!p1 [tilespmem:s23], [sflag:$0x6], $0x80, s21, s24, $0xb8;
	[tilespmem:$0x1E000] =	vst v63  }
0x9a: {  	_ =	swait.ge @!p1 [sflag:s26], $0x2800  }
0x9b: {  	[sflag:s26] =	ssyncset.done @!p1 $0x0;
	s29 =	rddreg [dreg:$0x3]  }
0x9c: {  	s17 =	sadd.s32 $0x140, s17;
	[sflag:s26] =	ssyncadd.s32 @!p1 $0xFFFFD800;
	s21 =	sadd.s32 s18, s29  }
0x9d: {  	p1 =	seq.s32 s18, $0x4D8;
	s18 =	sadd.s32 $0xFFFFFFB0, s17;
	s26 =	simm.s32 $0x380  }
0x9e: {  	[tilespmem:s26], [sflag:$0x10] =	stream.linear.gather [hbm4b:s21+s3], $0x50, $0x38;
	[tilespmem:$0x1E000] =	vst v63  }
0x9f: {  	s18 =	simm.s32 @p1 $0x0;
	_ =	swait.ge [sflag:s2], $0x50  }
0xa0: {  	s18 =	sadd.s32 s7, s18;
	[sflag:s2] =	ssyncset.done $0x0  }
0xa1: {  	s29 =	simm.s32 $0x7C00;
	s24 =	sshrl.u32 s18, $0x3;
	[sflag:s2] =	ssyncadd.s32 $0xFFFFFFB0  }
0xa2: {  	[tilespmem:s29], [sflag:$0x4] =	stream.indirect.gather [hbm4b:s4+s19], $0x80, s8, s19, $0xb8;
	[tilespmem:$0x1E000] =	vst v63  }
0xa3: {  	s8 =	sadd.s32 s5, s24  }
0xa4: {  	[tilespmem:s3], [sflag:$0x9] =	stream.linear.gather [hbm4b:s8+s3], $0x50, $0x38;
	[tilespmem:$0x1E000] =	vst v63  }
0xa5: {  	_ =	swait.ge [sflag:s10], $0x2800  }
0xa6: {  	[sflag:s10] =	ssyncset.done $0x0  }
0xa7: {  	[sflag:s10] =	ssyncadd.s32 $0xFFFFD800  }
0xa8: {  	_ =	swait.ge [sflag:s11], $0x50  }
0xa9: {  	[sflag:s11] =	ssyncset.done $0x0  }
0xaa: {  	[sflag:s11] =	ssyncadd.s32 $0xFFFFFFB0  }
0xab: {  	[spmem:s1] =	stream.indirect.scatter.add.f32 [tilespmem:s25], [sflag:$0x7], $0x80, s0, s19, $0xb8;
	[tilespmem:$0x1E000] =	vst v63  }
0xac: {  	_ =	swait.ge [sflag:s12], $0x2800  }
0xad: {  	s21 =	smov.u32 s17;
	[sflag:s12] =	ssyncset.done $0x0  }
0xae: {  	s8 =	simm.s32 $0x200;
	s0 =	sadd.s32 s6, s24;
	[sflag:s12] =	ssyncadd.s32 $0xFFFFD800  }
0xaf: {  	[tilespmem:s8], [sflag:$0xD] =	stream.linear.gather [hbm4b:s0+s3], $0x50, $0x38;
	[tilespmem:$0x1E000] =	vst v63  }
0xb0: {  	s21 =	simm.s32 @p1 $0x50;
	_ =	swait.ge [sflag:s13], $0x50  }
0xb1: {  	s21 =	sadd.s32 s7, s21;
	[sflag:s13] =	ssyncset.done $0x0  }
0xb2: {  	s23 =	sshrl.u32 s21, $0x3;
	s24 =	simm.s32 $0x400;
	[sflag:s13] =	ssyncadd.s32 $0xFFFFFFB0  }
0xb3: {  	[tilespmem:s24], [sflag:$0x1] =	stream.indirect.gather [hbm4b:s4+s19], $0x80, s3, s19, $0xb8;
	[tilespmem:$0x1E000] =	vst v63  }
0xb4: {  	s25 =	sadd.s32 s5, s23  }
0xb5: {  	[tilespmem:s30], [sflag:$0xA] =	stream.linear.gather [hbm4b:s25+s3], $0x50, $0x38;
	[tilespmem:$0x1E000] =	vst v63  }
0xb6: {  	_ =	swait.ge [sflag:s14], $0x2800  }
0xb7: {  	[sflag:s14] =	ssyncset.done $0x0  }
0xb8: {  	[sflag:s14] =	ssyncadd.s32 $0xFFFFD800  }
0xb9: {  	_ =	swait.ge [sflag:s15], $0x50  }
0xba: {  	[sflag:s15] =	ssyncset.done $0x0  }
0xbb: {  	s22 =	smov.u32 s20;
	s20 =	sadd.s32 $0x28, s20;
	[sflag:s15] =	ssyncadd.s32 $0xFFFFFFB0  }
0xbc: {  	[spmem:s1] =	stream.indirect.scatter.add.f32 [tilespmem:s29], [sflag:$0x8], $0x80, s26, s19, $0xb8;
	[tilespmem:$0x1E000] =	vst v63  }
0xbd: {  	p0 =	sne.s32 s20, $0x500;
	_ =	swait.ge [sflag:s9], $0x2800  }
.Ltmp0:
0xbe: {  	[sflag:s9] =	ssyncset.done $0x0;
	(pc) =	sbr.rel @p0 .LBB2_2-.Ltmp0, $4  }
0xbf: {  	s26 =	sadd.s32 s6, s23;
	s29 =	simm.s32 $0x280;
	[sflag:s9] =	ssyncadd.s32 $0xFFFFD800  }
0xc0: {  	[tilespmem:s29], [sflag:$0xE] =	stream.linear.gather [hbm4b:s26+s3], $0x50, $0x38;
	[tilespmem:$0x1E000] =	vst v63  }
0xc1: {  	_ =	swait.ge [sflag:s16], $0x50  }
0xc2: {  	s18 =	smov.u32 s22;
	s23 =	rddreg [dreg:$0x6];
	[sflag:s16] =	ssyncset.done $0x0  }
0xc3: {  	[sflag:s16] =	ssyncadd.s32 $0xFFFFFFB0;
	s24 =	simm.s32 $0x80;
	s26 =	simm.s32 $0x2C00  }
0xc4: {  	[tilespmem:s26], [sflag:$0x2] =	stream.indirect.gather [hbm4b:s4+s19], $0x80, s24, s19, $0xb8;
	[tilespmem:$0x1E000] =	vst v63  }
0xc5: {  	s20 =	sadd.s32 s18, s23;
	s0 =	simm.s32 $0x100;
	s29 =	simm.s32 $0x1  }
0xc6: {  	[tilespmem:s0], [sflag:$0xB] =	stream.linear.gather [hbm4b:s20+s3], $0x50, $0x38;
	[tilespmem:$0x1E000] =	vst v63  }
0xc7: {  	p0 =	seq.s32 s18, $0x0;
	_ =	swait.ge [sflag:s29], $0x2800  }
0xc8: {  	s21 =	simm.s32 @p0 $0x200;
	s22 =	simm.s32 @p0 $0x400;
	[sflag:s29] =	ssyncset.done $0x0  }
0xc9: {  	s23 =	simm.s32 @!p0 $0xD;
	s20 =	simm.s32 @p0 $0x50;
	[sflag:s29] =	ssyncadd.s32 $0xFFFFD800  }
0xca: {  	[spmem:s1] =	stream.indirect.scatter.add.f32 @p0 [tilespmem:s22], [sflag:$0x5], $0x80, s21, s20, $0xb8;
	[tilespmem:$0x1E000] =	vst v63  }
0xcb: {  	_ =	swait.ge @!p0 [sflag:s23], $0x50  }
0xcc: {  	s21 =	simm.s32 @!p0 $0x400;
	[sflag:s23] =	ssyncset.done @!p0 $0x0  }
0xcd: {  	s22 =	simm.s32 @!p0 $0x50;
	[sflag:s23] =	ssyncadd.s32 @!p0 $0xFFFFFFB0;
	s23 =	simm.s32 @!p0 $0x200  }
0xce: {  	[spmem:s1] =	stream.indirect.scatter.add.f32 @!p0 [tilespmem:s21], [sflag:$0x5], $0x80, s23, s22, $0xb8;
	[tilespmem:$0x1E000] =	vst v63  }
0xcf: {  	s21 =	simm.s32 @!p0 $0x7  }
0xd0: {  	_ =	swait.ge @!p0 [sflag:s21], $0x2800  }
0xd1: {  	s8 =	rddreg [dreg:$0x5];
	[sflag:s21] =	ssyncset.done @!p0 $0x0  }
0xd2: {  	[sflag:s21] =	ssyncadd.s32 @!p0 $0xFFFFD800;
	s25 =	sadd.s32 s18, s8;
	s8 =	simm.s32 $0x300  }
0xd3: {  	[tilespmem:s8], [sflag:$0xF] =	stream.linear.gather [hbm4b:s25+s3], $0x50, $0x38;
	[tilespmem:$0x1E000] =	vst v63  }
0xd4: {  	_ =	swait.ge [sflag:s28], $0x50  }
0xd5: {  	[sflag:s28] =	ssyncset.done $0x0  }
0xd6: {  	s25 =	simm.s32 $0x5400;
	s23 =	rddreg [dreg:$0x4];
	[sflag:s28] =	ssyncadd.s32 $0xFFFFFFB0  }
0xd7: {  	[tilespmem:s25], [sflag:$0x3] =	stream.indirect.gather [hbm4b:s4+s19], $0x80, s0, s19, $0xb8;
	[tilespmem:$0x1E000] =	vst v63  }
0xd8: {  	s21 =	sadd.s32 s18, s23;
	s0 =	simm.s32 $0x180  }
0xd9: {  	[tilespmem:s0], [sflag:$0xC] =	stream.linear.gather [hbm4b:s21+s3], $0x50, $0x38;
	[tilespmem:$0x1E000] =	vst v63  }
0xda: {  	_ =	swait.ge [sflag:s31], $0x2800  }
0xdb: {  	[sflag:s31] =	ssyncset.done $0x0  }
0xdc: {  	s23 =	simm.s32 @p0 $0x2C00;
	s21 =	simm.s32 @p0 $0x280;
	[sflag:s31] =	ssyncadd.s32 $0xFFFFD800  }
0xdd: {  	[spmem:s1] =	stream.indirect.scatter.add.f32 @p0 [tilespmem:s23], [sflag:$0x6], $0x80, s21, s20, $0xb8;
	[tilespmem:$0x1E000] =	vst v63  }
0xde: {  	s20 =	simm.s32 @!p0 $0xE  }
0xdf: {  	_ =	swait.ge @!p0 [sflag:s20], $0x50  }
0xe0: {  	[sflag:s20] =	ssyncset.done @!p0 $0x0  }
0xe1: {  	s21 =	simm.s32 @!p0 $0x280;
	[sflag:s20] =	ssyncadd.s32 @!p0 $0xFFFFFFB0;
	s20 =	simm.s32 @!p0 $0x2C00  }
0xe2: {  	[spmem:s1] =	stream.indirect.scatter.add.f32 @!p0 [tilespmem:s20], [sflag:$0x6], $0x80, s21, s22, $0xb8;
	[tilespmem:$0x1E000] =	vst v63  }
0xe3: {  	s20 =	simm.s32 @!p0 $0x8  }
0xe4: {  	_ =	swait.ge @!p0 [sflag:s20], $0x2800  }
0xe5: {  	s17 =	sadd.s32 $0x140, s17;
	[sflag:s20] =	ssyncset.done @!p0 $0x0  }
0xe6: {  	s21 =	simm.s32 $0x380;
	s23 =	rddreg [dreg:$0x3];
	[sflag:s20] =	ssyncadd.s32 @!p0 $0xFFFFD800  }
0xe7: {  	s22 =	sadd.s32 s18, s23;
	p0 =	seq.s32 s18, $0x4D8;
	s18 =	sadd.s32 $0xFFFFFFB0, s17  }
0xe8: {  	[tilespmem:s21], [sflag:$0x10] =	stream.linear.gather [hbm4b:s22+s3], $0x50, $0x38;
	[tilespmem:$0x1E000] =	vst v63  }
0xe9: {  	s18 =	simm.s32 @p0 $0x0;
	_ =	swait.ge [sflag:s2], $0x50  }
0xea: {  	s18 =	sadd.s32 s7, s18;
	[sflag:s2] =	ssyncset.done $0x0  }
0xeb: {  	s22 =	simm.s32 $0x7C00;
	s18 =	sshrl.u32 s18, $0x3;
	[sflag:s2] =	ssyncadd.s32 $0xFFFFFFB0  }
0xec: {  	[tilespmem:s22], [sflag:$0x4] =	stream.indirect.gather [hbm4b:s4+s19], $0x80, s0, s19, $0xb8;
	[tilespmem:$0x1E000] =	vst v63  }
0xed: {  	s23 =	sadd.s32 s5, s18  }
0xee: {  	[tilespmem:s3], [sflag:$0x9] =	stream.linear.gather [hbm4b:s23+s3], $0x50, $0x38;
	[tilespmem:$0x1E000] =	vst v63  }
0xef: {  	_ =	swait.ge [sflag:s10], $0x2800  }
0xf0: {  	[sflag:s10] =	ssyncset.done $0x0  }
0xf1: {  	[sflag:s10] =	ssyncadd.s32 $0xFFFFD800  }
0xf2: {  	_ =	swait.ge [sflag:s11], $0x50  }
0xf3: {  	[sflag:s11] =	ssyncset.done $0x0  }
0xf4: {  	[sflag:s11] =	ssyncadd.s32 $0xFFFFFFB0  }
0xf5: {  	[spmem:s1] =	stream.indirect.scatter.add.f32 [tilespmem:s25], [sflag:$0x7], $0x80, s8, s19, $0xb8;
	[tilespmem:$0x1E000] =	vst v63  }
0xf6: {  	_ =	swait.ge [sflag:s12], $0x2800  }
0xf7: {  	[sflag:s12] =	ssyncset.done $0x0  }
0xf8: {  	s18 =	sadd.s32 s6, s18;
	s25 =	simm.s32 $0x200;
	[sflag:s12] =	ssyncadd.s32 $0xFFFFD800  }
0xf9: {  	[tilespmem:s25], [sflag:$0xD] =	stream.linear.gather [hbm4b:s18+s3], $0x50, $0x38;
	[tilespmem:$0x1E000] =	vst v63  }
0xfa: {  	s17 =	simm.s32 @p0 $0x50;
	_ =	swait.ge [sflag:s13], $0x50  }
0xfb: {  	s17 =	sadd.s32 s7, s17;
	[sflag:s13] =	ssyncset.done $0x0  }
0xfc: {  	s17 =	sshrl.u32 s17, $0x3;
	s0 =	simm.s32 $0x400;
	[sflag:s13] =	ssyncadd.s32 $0xFFFFFFB0  }
0xfd: {  	[tilespmem:s0], [sflag:$0x1] =	stream.indirect.gather [hbm4b:s4+s19], $0x80, s3, s19, $0xb8;
	[tilespmem:$0x1E000] =	vst v63  }
0xfe: {  	s8 =	sadd.s32 s5, s17  }
0xff: {  	[tilespmem:s24], [sflag:$0xA] =	stream.linear.gather [hbm4b:s8+s3], $0x50, $0x38;
	[tilespmem:$0x1E000] =	vst v63  }
0x100: {  	_ =	swait.ge [sflag:s14], $0x2800  }
0x101: {  	[sflag:s14] =	ssyncset.done $0x0  }
0x102: {  	[sflag:s14] =	ssyncadd.s32 $0xFFFFD800  }
0x103: {  	_ =	swait.ge [sflag:s15], $0x50  }
0x104: {  	[sflag:s15] =	ssyncset.done $0x0  }
0x105: {  	[sflag:s15] =	ssyncadd.s32 $0xFFFFFFB0  }
0x106: {  	[spmem:s1] =	stream.indirect.scatter.add.f32 [tilespmem:s22], [sflag:$0x8], $0x80, s21, s19, $0xb8;
	[tilespmem:$0x1E000] =	vst v63  }
0x107: {  	_ =	swait.ge [sflag:s9], $0x2800  }
0x108: {  	[sflag:s9] =	ssyncset.done $0x0  }
0x109: {  	s20 =	simm.s32 $0x280;
	s17 =	sadd.s32 s6, s17;
	[sflag:s9] =	ssyncadd.s32 $0xFFFFD800  }
0x10a: {  	[tilespmem:s20], [sflag:$0xE] =	stream.linear.gather [hbm4b:s17+s3], $0x50, $0x38;
	[tilespmem:$0x1E000] =	vst v63  }
0x10b: {  	_ =	swait.ge [sflag:s16], $0x50  }
0x10c: {  	[sflag:s16] =	ssyncset.done $0x0  }
0x10d: {  	[sflag:s16] =	ssyncadd.s32 $0xFFFFFFB0  }
0x10e: {  	[tilespmem:s26], [sflag:$0x2] =	stream.indirect.gather [hbm4b:s4+s19], $0x80, s24, s19, $0xb8;
	[tilespmem:$0x1E000] =	vst v63  }
0x10f: {  	_ =	swait.ge [sflag:s29], $0x2800  }
0x110: {  	[sflag:s29] =	ssyncset.done $0x0  }
0x111: {  	s21 =	simm.s32 $0xD;
	[sflag:s29] =	ssyncadd.s32 $0xFFFFD800  }
0x112: {  	_ =	swait.ge [sflag:s21], $0x50  }
0x113: {  	[sflag:s21] =	ssyncset.done $0x0  }
0x114: {  	[sflag:s21] =	ssyncadd.s32 $0xFFFFFFB0  }
0x115: {  	_ =	swait.ge [sflag:s31], $0x2800  }
0x116: {  	[sflag:s31] =	ssyncset.done $0x0  }
0x117: {  	s22 =	simm.s32 $0xE;
	[sflag:s31] =	ssyncadd.s32 $0xFFFFD800  }
0x118: {  	_ =	swait.ge [sflag:s22], $0x50  }
0x119: {  	[sflag:s22] =	ssyncset.done $0x0  }
0x11a: {  	s23 =	simm.s32 $0x7;
	[sflag:s22] =	ssyncadd.s32 $0xFFFFFFB0  }
0x11b: {  	_ =	swait.ge [sflag:s23], $0x2800  }
0x11c: {  	[sflag:s23] =	ssyncset.done $0x0  }
0x11d: {  	s24 =	simm.s32 $0x8;
	[sflag:s23] =	ssyncadd.s32 $0xFFFFD800  }
0x11e: {  	_ =	swait.ge [sflag:s24], $0x2800  }
0x11f: {  	[sflag:s24] =	ssyncset.done $0x0  }
0x120: {  	[sflag:s24] =	ssyncadd.s32 $0xFFFFD800  }
0x121: {  	[bflag:$0x0] =	sbarrier.arrive $0xFFFF  }
0x122: {  	s18 =	rddreg [dreg:$0x8]  }
0x123: {  	s25 =	rddreg [dreg:$0xd]  }
0x124: {  	s21 =	simm.s32 $0x11;
	s20 =	rddreg [dreg:$0xf]  }
0x125: {  	[hbm:s25], [sflag:s18] =	dma.local [spmem:s20], $0x2780  }
0x126: {  	_ =	swait.ge [sflag:s21], $0x2780  }
0x127: {  	s26 =	rddreg [dreg:$0x10]  }
0x128: {  	s29 =	rddreg [dreg:$0xe];
	s0 =	sadd.s32 $0x1, s26  }
0x129: {  	p0 =	sne.s32 s0, s29  }
.Ltmp1:
0x12a: {  	_ = 	snop;
	(pc) =	sbr.rel @p0 .LBB2_1-.Ltmp1, $3  }
0x12b: {  	_ =	sdelay $0x1  }
0x12c: {  	[sflag:s21] =	ssyncset.done $0x0  }
0x12d: {  	[sflag:s21] =	ssyncadd.s32 $0xFFFFD880  }
0x12e: {  	_ =	sfence.sel $0x180000  }
0x12f: {  	[bflag:$0x0] =	sbarrier.arrive $0xFFFF  }
0x130: {  	_ =	strace $0x90000050  }
0x131: {  	s0 =	stileid.u32;
	[bflag:$0x2] =	sbarrier.arrive $0xFFFF  }
0x132: {  	p0 =	sne.s32 s0, $0x0;
	s0 =	rddreg [dreg:$0x2]  }
0x133: {  	s0 =	sadd.s32 @!p0 $0x100000, s0  }
0x134: {  	[sflag:s0] =	ssyncadd.tile.s32 @!p0 $0x1;
	_ =	shalt  }
.Lfunc_end2:
_tile_overlayer_lowered:
.L_overlay_start_2:
0x135: {  	(tag) =	ssettag $0x2  }
0x136: {  	s0 =	rddreg [dreg:$0x0];
	s2 =	stileid.u32  }
0x137: {  	s1 =	rddreg [dreg:$0x1];
	p0 =	sne.s32 s2, $0x0  }
0x138: {  	s3 =	rddreg [dreg:$0x2];
	[bflag:$0x3] =	sbarrier.arrive $0xFFFF;
	s2 =	simm.s32 @!p0 $0x1C11  }
0x139: {  	[timem:s3], [sflag:s2] =	dma.local @!p0 [hbm:s0], s1  }
0x13a: {  	s0 =	simm.s32 @!p0 $0x11  }
0x13b: {  	_ =	swait.ge @!p0 [sflag:s0], s1  }
0x13c: {  	s1 =	ssub.s32 @!p0 $0x0, s1;
	[sflag:s0] =	ssyncset.done @!p0 $0x0  }
0x13d: {  	[sflag:s0] =	ssyncadd.s32 @!p0 s1  }
0x13e: {  	[bflag:$0x3] =	sbarrier.arrive $0xFFFF  }
0x13f: {  	_ =	shalt  }

// kernel: kernel.24.cloned.1.call-start
scs
__scs_entry_jumppad:
0x0: {  	(pc) =	sbr.rel $0x88, $3  }
0x1: {  	(tag) =	ssettag $0x0;
	lr =	simm.s32 $0x1  }
0x2: {  	[smem:$0x3F98] =	sst lr;
	_ =	strace $0xD0000000  }
0x3: {  	_ = 	snop  }
0x4: {  	_ = 	snop  }
0x5: {  	_ = 	snop  }
0x6: {  	_ = 	snop  }
0x7: {  	_ = 	snop  }
__scs_overlays_trampoline_lowered:
0x8: {  	[smem:$0x3FA7] =	sst s0  }
0x9: {  	[smem:$0x3FA8] =	sst s1  }
0xa: {  	[smem:$0x3FA9] =	sst s2  }
0xb: {  	[smem:$0x3FAA] =	sst s3  }
0xc: {  	[smem:$0x3FAB] =	sst s4  }
0xd: {  	[smem:$0x3FAC] =	sst s5  }
0xe: {  	[smem:$0x3FAD] =	sst s6  }
0xf: {  	[smem:$0x3FAE] =	sst s7  }
0x10: {  	[smem:$0x3FAF] =	sst s8  }
0x11: {  	[smem:$0x3FB0] =	sst s9;
	s0 =	simm.s32 @!p0 $0x0  }
0x12: {  	s1 =	sld [smem:$0x3F96];
	s0 =	simm.s32 @p0 $0x1  }
0x13: {  	[smem:$0x3FB1] =	sst s0;
	s0 =	simm.s32 @!p1 $0x0  }
0x14: {  	s2 =	sld [smem:$0x3F95];
	s0 =	simm.s32 @p1 $0x1  }
0x15: {  	[smem:$0x3FB2] =	sst s0;
	s0 =	simm.s32 @!p2 $0x0  }
0x16: {  	s3 =	sld [smem:$0x3FDB];
	s0 =	simm.s32 @p2 $0x1  }
0x17: {  	s4 =	simm.s32 $0x1BF5;
	[smem:$0x3FB4] =	sst s0  }
0x18: {  	s0 =	sld [smem:$0x3F97];
	_ =	swait.ge [sflag:s4], $0x0  }
0x19: {  	s7 =	sld [smem:$0x3F98]  }
0x1a: {  	s8 =	sadd.s32 $0xFFFFE003, lr  }
0x1b: {  	s9 =	sadd.s32 $0xFFFFFEF7, lr;
	s5 =	simm.s32 $0xFFFFFFFF;
	p2 =	slt.u32 s8, $0xFFFFF086  }
0x1c: {  	p1 =	slt.u32 s9, $0xF7A;
	s5 =	simm.s32 @!p2 $0x0  }
0x1d: {  	s5 =	simm.s32 @p1 $0x1;
	p0 =	seq.s32 s7, s2  }
0x1e: {  	s7 =	smul.u32 @!p0 $0xF7A, s2;
	p2 =	seq.s32 @!p0 s5, $0x0  }
0x1f: {  	s9 =	smul.u32 $0xF7A, s1;
	s8 =	simm.s32 @!p0 $0x1BF5;
	p2 =	por !p2, p0  }
0x20: {  	[sflag:s8] =	ssyncset.s32 @!p0 $0xFFFFF086;
	s6 =	sadd.s32 @!p0 s3, s7;
	s7 =	simm.s32 @!p0 $0x108  }
0x21: {  	s3 =	sadd.s32 s3, s9;
	s6 =	sadd.s32 @!p0 $0x88, s6;
	s7 =	simm.s32 @p2 $0x1082  }
0x22: {  	[simem:s7], [sflag:s8] =	dma.local @!p0 [hbm:s6], $0xF7A  }
0x23: {  	s9 =	sor.u32 $0xD0000000, s2;
	s6 =	simm.s32 $0x108;
	_ =	swait.ge @!p0 [sflag:s8], $0x0  }
0x24: {  	s3 =	sadd.s32 $0x88, s3;
	s6 =	simm.s32 @!p1 $0x1082;
	[sflag:s4] =	ssyncset.s32 $0xFFFFF086  }
0x25: {  	[simem:s6], [sflag:s4] =	dma.local [hbm:s3], $0xF7A  }
0x26: {  	[smem:$0x3F98] =	sst s1;
	(tag) =	ssettag s2;
	_ =	strace s9  }
0x27: {  	s1 =	sld [smem:$0x3FA8]  }
0x28: {  	s2 =	sld [smem:$0x3FA9]  }
0x29: {  	s4 =	sld [smem:$0x3FAB]  }
0x2a: {  	p0 =	seq.s32 s5, $0x0;
	s5 =	sld [smem:$0x3FAC]  }
0x2b: {  	s6 =	sld [smem:$0x3FAD]  }
0x2c: {  	s7 =	sld [smem:$0x3FAE]  }
0x2d: {  	s3 =	simm.s32 $0x108;
	s8 =	sld [smem:$0x3FAF]  }
0x2e: {  	s3 =	simm.s32 @!p0 $0x1082;
	s9 =	sld [smem:$0x3FB0]  }
0x2f: {  	lr =	sadd.s32 s0, s3;
	s0 =	sld [smem:$0x3FA7]  }
0x30: {  	s3 =	sld [smem:$0x3FAA]  }
0x31: {  	[smem:$0x3FB3] =	sst s10  }
0x32: {  	s10 =	sld [smem:$0x3FB1];
	_ =	sdelay $0x3  }
0x33: {  	p0 =	seq.s32 s10, $0x1;
	s10 =	sld [smem:$0x3FB3];
	_ =	sdelay $0x3  }
0x34: {  	[smem:$0x3FB3] =	sst s10  }
0x35: {  	s10 =	sld [smem:$0x3FB2];
	_ =	sdelay $0x3  }
0x36: {  	p1 =	seq.s32 s10, $0x1;
	s10 =	sld [smem:$0x3FB3];
	_ =	sdelay $0x3  }
0x37: {  	[smem:$0x3FB3] =	sst s10  }
0x38: {  	s10 =	sld [smem:$0x3FB4]  }
0x39: {  	_ = 	snop;
	(pc) =	sbr.ind lr, $3  }
0x3a: {  	_ = 	snop  }
0x3b: {  	_ = 	snop  }
0x3c: {  	p2 =	seq.s32 s10, $0x1;
	s10 =	sld [smem:$0x3FB3]  }
0x3d: {  	_ =	shalt  }
0x3e: {  	_ =	shalt  }
0x3f: {  	_ =	shalt  }
0x40: {  	_ =	shalt  }
0x41: {  	_ =	shalt  }
0x42: {  	_ =	shalt  }
0x43: {  	_ =	shalt  }
0x44: {  	_ =	shalt  }
0x45: {  	_ =	shalt  }
0x46: {  	_ =	shalt  }
0x47: {  	_ =	shalt  }
0x48: {  	_ =	shalt  }
0x49: {  	_ =	shalt  }
0x4a: {  	_ =	shalt  }
0x4b: {  	_ =	shalt  }
0x4c: {  	_ =	shalt  }
0x4d: {  	_ =	shalt  }
0x4e: {  	_ =	shalt  }
0x4f: {  	_ =	shalt  }
0x50: {  	_ =	shalt  }
0x51: {  	_ =	shalt  }
0x52: {  	_ =	shalt  }
0x53: {  	_ =	shalt  }
0x54: {  	_ =	shalt  }
0x55: {  	_ =	shalt  }
0x56: {  	_ =	shalt  }
0x57: {  	_ =	shalt  }
0x58: {  	_ =	shalt  }
0x59: {  	_ =	shalt  }
0x5a: {  	_ =	shalt  }
0x5b: {  	_ =	shalt  }
0x5c: {  	_ =	shalt  }
0x5d: {  	_ =	shalt  }
0x5e: {  	_ =	shalt  }
0x5f: {  	_ =	shalt  }
0x60: {  	_ =	shalt  }
0x61: {  	_ =	shalt  }
0x62: {  	_ =	shalt  }
0x63: {  	_ =	shalt  }
0x64: {  	_ =	shalt  }
0x65: {  	_ =	shalt  }
0x66: {  	_ =	shalt  }
0x67: {  	_ =	shalt  }
0x68: {  	_ =	shalt  }
0x69: {  	_ =	shalt  }
0x6a: {  	_ =	shalt  }
0x6b: {  	_ =	shalt  }
0x6c: {  	_ =	shalt  }
0x6d: {  	_ =	shalt  }
0x6e: {  	_ =	shalt  }
0x6f: {  	_ =	shalt  }
0x70: {  	_ =	shalt  }
0x71: {  	_ =	shalt  }
0x72: {  	_ =	shalt  }
0x73: {  	_ =	shalt  }
0x74: {  	_ =	shalt  }
0x75: {  	_ =	shalt  }
0x76: {  	_ =	shalt  }
0x77: {  	_ =	shalt  }
0x78: {  	_ =	shalt  }
0x79: {  	_ =	shalt  }
0x7a: {  	_ =	shalt  }
0x7b: {  	_ =	shalt  }
0x7c: {  	_ =	shalt  }
0x7d: {  	_ =	shalt  }
0x7e: {  	_ =	shalt  }
0x7f: {  	_ =	shalt  }
0x80: {  	_ =	shalt  }
0x81: {  	_ =	shalt  }
0x82: {  	_ =	shalt  }
0x83: {  	_ =	shalt  }
0x84: {  	_ =	shalt  }
0x85: {  	_ =	shalt  }
0x86: {  	_ =	shalt  }
0x87: {  	_ =	shalt  }
.Lfunc_end0:
.L_simem_size_0:
called_computation.4_lowered:
.L_overlay_start_0:
0x88: {  	s2 =	sld [smem:$0x3FD9]  }
0x89: {  	s3 =	sld [smem:$0x3FFE];
	_ =	sdelay $0x1  }
0x8a: {  	s1 =	srdreg.scid  }
0x8b: {  	s0 =	sand.u32 $0x1, s1  }
0x8c: {  	s17 =	sshll.u32 s0, $0xA;
	s2 =	sadd.s32 s3, s2  }
0x8d: {  	s2 =	sadd.s32 s2, s17  }
0x8e: {  	[smem:$0x3FBF] =	sst s2  }
0x8f: {  	_ = 	snop  }
0x90: {  	s2 =	sld [smem:$0x3FD0];
	(tm) =	ssettm $0x1  }
0x91: {  	s18 =	sld [smem:$0x3FFB];
	_ =	sdelay $0x3  }
0x92: {  	_ =	strace s18  }
0x93: {  	s3 =	sld [smem:$0x3FFC];
	_ =	sdelay $0x3  }
0x94: {  	_ =	strace s3  }
0x95: {  	s3 =	sld [smem:$0x3FFD];
	_ =	sdelay $0x3  }
0x96: {  	_ =	strace s3  }
0x97: {  	_ =	strace $0x8FFFFFFF  }
0x98: {  	s19 =	sld [smem:$0x3FDB];
	_ =	sdelay $0x1  }
0x99: {  	s4 =	simm.s32 $_scs_section_size  }
0x9a: {  	s5 =	simm.s32 $_size__tile_overlayer_lowered;
	s6 =	simm.s32 $_tile_overlayer_lowered  }
0x9b: {  	s22 =	simm.s32 $0x1BFF;
	s21 =	sshll.u32 s6, $0x1;
	s3 =	sadd.s32 s4, s19  }
0x9c: {  	s7 =	simm.s32 $0x0;
	s20 =	sshll.u32 s5, $0x1;
	s5 =	sadd.s32 s21, s3  }
0x9d: {  	[timem:s7], [sflag:s22] =	dma.local [hbm:s5], s20  }
0x9e: {  	_ =	swait.ge [sflag:s22], s20  }
0x9f: {  	s4 =	ssub.s32 $0x0, s20;
	[sflag:s22] =	ssyncset.done $0x0  }
0xa0: {  	[sflag:s22] =	ssyncadd.s32 s4;
	_ =	sdelay $0x1  }
0xa1: {  	s23 =	simm.s32 $0x1B8B  }
0xa2: {  	_ =	swait.ge [sflag:s23], $0x1  }
0xa3: {  	[sflag:s23] =	ssyncset.done $0x0  }
0xa4: {  	s25 =	simm.s32 $0x1B8E;
	s24 =	sld [smem:$0x3FFE];
	[sflag:s23] =	ssyncadd.s32 $0xFFFFFFFF  }
0xa5: {  	s26 =	simm.s32 $execute0_lowered;
	[smem:$0x3FD2] =	sst s25  }
0xa6: {  	s5 =	sshll.u32 s26, $0x1;
	_ =	strace $0x80000052;
	[dreg:$0x1] =	wrdreg $0xFFFFFFFF  }
0xa7: {  	s28 =	simm.s32 $_size_execute0_lowered;
	s3 =	sadd.s32 s3, s5;
	[dreg:$0x0] =	wrdreg $0x0  }
0xa8: {  	s5 =	sshll.u32 s28, $0x1;
	[dreg:$0x2] =	wrdreg s3  }
0xa9: {  	[dreg:$0x3] =	wrdreg s5  }
0xaa: {  	[dreg:$0x4] =	wrdreg $0xC0  }
0xab: {  	_ =	task [dreg:s7], $0x5FFFF  }
0xac: {  	[dreg:$0x1] =	wrdreg $0xFFFFFFFF  }
0xad: {  	[dreg:$0x0] =	wrdreg $0x60  }
0xae: {  	[dreg:$0x2] =	wrdreg s24  }
0xaf: {  	[dreg:$0x3] =	wrdreg s2  }
0xb0: {  	[dreg:$0x4] =	wrdreg $0x9  }
0xb1: {  	_ =	task.clear_ibuf [dreg:s7], $0x5FFFF;
	_ =	strace $0x90000052  }
0xb2: {  	s29 =	simm.s32 $0x9;
	_ =	strace $0x80000054  }
0xb3: {  	_ =	swait.ge [sflag:s29], $0x1  }
0xb4: {  	[sflag:s29] =	ssyncadd.s32 $0xFFFFFFFF  }
0xb5: {  	_ =	strace $0x90000054  }
0xb6: {  	_ =	sfence  }
0xb7: {  	s30 =	sld [smem:$0x0];
	_ =	sdelay $0x2  }
0xb8: {  	s31 =	sshll.u32 s1, $0xD;
	s1 =	sshrl.u32 s1, $0x2  }
0xb9: {  	s3 =	sand.u32 $0x4000, s31;
	s1 =	sadd.s32 s1, s30  }
0xba: {  	s0 =	sor.u32 s3, s0;
	s1 =	sshll.u32 s1, $0x11  }
0xbb: {  	s0 =	sor.u32 s1, s0  }
0xbc: {  	s0 =	sadd.s32 $0x8F2B, s0  }
0xbd: {  	[sflag:s0] =	ssyncadd.remote.s32 $0x1  }
0xbe: {  	_ =	sfence.sel $0xFFFF  }
0xbf: {  	[dreg:$0x0] =	wrdreg $0xFFFFFFFF;
	(pc) =	sbr.abs _section_cstart, $3  }
0xc0: {  	[dreg:$0x1] =	wrdreg $0xFFFFFFFF  }
0xc1: {  	_ =	task.clear_ibuf [dreg:s7], $0x2FFFF;
	_ =	strace $0x9FFFFFFF  }
0xc2: {  	(tm) =	ssettm $0x7FFFFFFF  }
0xc3: {  	_ =	shalt  }
tec
execute0_lowered:
.L_overlay_start_1:
0x0: {  	(tag) =	ssettag $0x1  }
0x1: {  	s1 =	srdreg.scid  }
0x2: {  	s0 =	stileid.u32;
	s20 =	sand.u32 $0x1, s1  }
0x3: {  	s18 =	rddreg [dreg:$0x0];
	s30 =	sshll.u32 s0, $0x8;
	s2 =	sshll.u32 s20, $0x7  }
0x4: {  	s5 =	rddreg [dreg:$0x1];
	s10 =	sor.u32 s2, s30  }
0x5: {  	s1 =	rddreg [dreg:$0x2];
	s2 =	simm.s32 $0x0;
	s6 =	sshrl.u32 s10, $0x3  }
0x6: {  	[smem:$0x7FF] =	sst s2;
	s3 =	sadd.s32 s6, s18  }
0x7: {  	_ =	strace $0x80000053;
	s4 =	sadd.s32 $0x18C00, s3;
	s3 =	simm.s32 $0x2  }
0x8: {  	[tilespmem:s2], [sflag:$0x2] =	stream.linear.gather [hbm4b:s4+s2], $0x80, $0x38;
	[tilespmem:$0x4100] =	vst v63  }
0x9: {  	_ =	swait.ge [sflag:s3], $0x80  }
0xa: {  	[sflag:s3] =	ssyncset.done $0x0  }
0xb: {  	s5 =	sadd.s32 s5, s6;
	s6 =	simm.s32 $0x80;
	[sflag:s3] =	ssyncadd.s32 $0xFFFFFF80  }
0xc: {  	[tilespmem:s6], [sflag:$0x2] =	stream.linear.gather [hbm4b:s5+s2], $0x80, $0x38;
	[tilespmem:$0x4100] =	vst v63  }
0xd: {  	_ =	swait.ge [sflag:s3], $0x80  }
0xe: {  	s8 =	simm.s32 $0x100;
	[sflag:s3] =	ssyncset.done $0x0  }
0xf: {  	s9 =	simm.s32 $0x1;
	s7 =	sadd.s32 $0x9FA00, s18;
	[sflag:s3] =	ssyncadd.s32 $0xFFFFFF80  }
0x10: {  	[tilespmem:s8], [sflag:$0x1] =	stream.indirect.gather [hbm4b:s7+s6], $0x80, s2, s6, $0xb8;
	[tilespmem:$0x4100] =	vst v63  }
0x11: {  	s10 =	sshll.u32 s10, $0x4;
	_ =	swait.ge [sflag:s9], $0x4000  }
0x12: {  	s21 =	sadd.s32 s10, s18;
	[sflag:s9] =	ssyncset.done $0x0  }
0x13: {  	s10 =	sadd.s32 $0x4C00, s21;
	[sflag:s9] =	ssyncadd.s32 $0xFFFFC000  }
0x14: {  	[hbm4b:s10+s2] =	stream.linear.scatter [tilespmem:s8], [sflag:$0x2], $0x4000, $0x38;
	[tilespmem:$0x4100] =	vst v63  }
0x15: {  	_ =	swait.ge [sflag:s3], $0x4000  }
0x16: {  	[sflag:s3] =	ssyncset.done $0x0  }
0x17: {  	[sflag:s3] =	ssyncadd.s32 $0xFFFFC000  }
0x18: {  	[tilespmem:s8], [sflag:$0x1] =	stream.indirect.gather [hbm4b:s7+s6], $0x80, s6, s6, $0xb8;
	[tilespmem:$0x4100] =	vst v63  }
0x19: {  	_ =	swait.ge [sflag:s9], $0x4000  }
0x1a: {  	[sflag:s9] =	ssyncset.done $0x0  }
0x1b: {  	s11 =	sadd.s32 $0xEEA00, s21;
	[sflag:s9] =	ssyncadd.s32 $0xFFFFC000  }
0x1c: {  	[hbm4b:s11+s2] =	stream.linear.scatter [tilespmem:s8], [sflag:$0x2], $0x4000, $0x38;
	[tilespmem:$0x4100] =	vst v63  }
0x1d: {  	_ =	swait.ge [sflag:s3], $0x4000  }
0x1e: {  	[sflag:s3] =	ssyncset.done $0x0  }
0x1f: {  	s12 =	sadd.s32 $0x78200, s18;
	[sflag:s3] =	ssyncadd.s32 $0xFFFFC000  }
0x20: {  	[tilespmem:s8], [sflag:$0x1] =	stream.indirect.gather [hbm4b:s12+s6], $0x80, s2, s6, $0xb8;
	[tilespmem:$0x4100] =	vst v63  }
0x21: {  	_ =	swait.ge [sflag:s9], $0x4000  }
0x22: {  	[sflag:s9] =	ssyncset.done $0x0  }
0x23: {  	s13 =	sadd.s32 $0x40600, s21;
	[sflag:s9] =	ssyncadd.s32 $0xFFFFC000  }
0x24: {  	[hbm4b:s13+s2] =	stream.linear.scatter [tilespmem:s8], [sflag:$0x2], $0x4000, $0x38;
	[tilespmem:$0x4100] =	vst v63  }
0x25: {  	_ =	swait.ge [sflag:s3], $0x4000  }
0x26: {  	[sflag:s3] =	ssyncset.done $0x0  }
0x27: {  	[sflag:s3] =	ssyncadd.s32 $0xFFFFC000  }
0x28: {  	[tilespmem:s8], [sflag:$0x1] =	stream.indirect.gather [hbm4b:s12+s6], $0x80, s6, s6, $0xb8;
	[tilespmem:$0x4100] =	vst v63  }
0x29: {  	_ =	swait.ge [sflag:s9], $0x4000  }
0x2a: {  	[sflag:s9] =	ssyncset.done $0x0  }
0x2b: {  	s14 =	sadd.s32 $0xFEA00, s21;
	[sflag:s9] =	ssyncadd.s32 $0xFFFFC000  }
0x2c: {  	[hbm4b:s14+s2] =	stream.linear.scatter [tilespmem:s8], [sflag:$0x2], $0x4000, $0x38;
	[tilespmem:$0x4100] =	vst v63  }
0x2d: {  	_ =	swait.ge [sflag:s3], $0x4000  }
0x2e: {  	[sflag:s3] =	ssyncset.done $0x0  }
0x2f: {  	s15 =	sadd.s32 $0xC7200, s18;
	[sflag:s3] =	ssyncadd.s32 $0xFFFFC000  }
0x30: {  	[tilespmem:s8], [sflag:$0x1] =	stream.indirect.gather [hbm4b:s15+s6], $0x80, s2, s6, $0xb8;
	[tilespmem:$0x4100] =	vst v63  }
0x31: {  	_ =	swait.ge [sflag:s9], $0x4000  }
0x32: {  	[sflag:s9] =	ssyncset.done $0x0  }
0x33: {  	s16 =	sadd.s32 $0x50600, s21;
	[sflag:s9] =	ssyncadd.s32 $0xFFFFC000  }
0x34: {  	[hbm4b:s16+s2] =	stream.linear.scatter [tilespmem:s8], [sflag:$0x2], $0x4000, $0x38;
	[tilespmem:$0x4100] =	vst v63  }
0x35: {  	_ =	swait.ge [sflag:s3], $0x4000  }
0x36: {  	[sflag:s3] =	ssyncset.done $0x0  }
0x37: {  	[sflag:s3] =	ssyncadd.s32 $0xFFFFC000  }
0x38: {  	[tilespmem:s8], [sflag:$0x1] =	stream.indirect.gather [hbm4b:s15+s6], $0x80, s6, s6, $0xb8;
	[tilespmem:$0x4100] =	vst v63  }
0x39: {  	_ =	swait.ge [sflag:s9], $0x4000  }
0x3a: {  	[sflag:s9] =	ssyncset.done $0x0  }
0x3b: {  	s17 =	sadd.s32 $0x10EA00, s21;
	[sflag:s9] =	ssyncadd.s32 $0xFFFFC000  }
0x3c: {  	[hbm4b:s17+s2] =	stream.linear.scatter [tilespmem:s8], [sflag:$0x2], $0x4000, $0x38;
	[tilespmem:$0x4100] =	vst v63  }
0x3d: {  	_ =	swait.ge [sflag:s3], $0x4000  }
0x3e: {  	[sflag:s3] =	ssyncset.done $0x0  }
0x3f: {  	s18 =	sadd.s32 $0x18E00, s18;
	[sflag:s3] =	ssyncadd.s32 $0xFFFFC000  }
0x40: {  	[tilespmem:s8], [sflag:$0x1] =	stream.indirect.gather [hbm4b:s18+s6], $0x80, s2, s6, $0xb8;
	[tilespmem:$0x4100] =	vst v63  }
0x41: {  	_ =	swait.ge [sflag:s9], $0x4000  }
0x42: {  	[sflag:s9] =	ssyncset.done $0x0  }
0x43: {  	s20 =	ssub.s32 $0x2, s20;
	s19 =	sadd.s32 $0x60600, s21;
	[sflag:s9] =	ssyncadd.s32 $0xFFFFC000  }
0x44: {  	[hbm4b:s19+s2] =	stream.linear.scatter [tilespmem:s8], [sflag:$0x2], $0x4000, $0x38;
	[tilespmem:$0x4100] =	vst v63  }
0x45: {  	s22 =	sshrl.u32 s20, $0x1;
	_ =	swait.ge [sflag:s3], $0x4000  }
0x46: {  	s22 =	ssub.s32 s20, s22;
	[sflag:s3] =	ssyncset.done $0x0  }
0x47: {  	s31 =	smax.u32 s22, $0x1;
	[sflag:s3] =	ssyncadd.s32 $0xFFFFC000  }
0x48: {  	[tilespmem:s8], [sflag:$0x1] =	stream.indirect.gather [hbm4b:s18+s6], $0x80, s6, s6, $0xb8;
	[tilespmem:$0x4100] =	vst v63  }
0x49: {  	p0 =	sne.s32 s31, $0x1;
	_ =	swait.ge [sflag:s9], $0x4000  }
.Ltmp0:
0x4a: {  	[sflag:s9] =	ssyncset.done $0x0;
	(pc) =	sbr.rel @!p0 .LBB2_2-.Ltmp0, $4  }
0x4b: {  	s20 =	sadd.s32 $0x11EA00, s21;
	[sflag:s9] =	ssyncadd.s32 $0xFFFFC000  }
0x4c: {  	[hbm4b:s20+s2] =	stream.linear.scatter [tilespmem:s8], [sflag:$0x2], $0x4000, $0x38;
	[tilespmem:$0x4100] =	vst v63  }
0x4d: {  	_ =	swait.ge [sflag:s3], $0x4000  }
0x4e: {  	s21 =	sadd.s32 $0xFFFFFFFF, s31;
	[sflag:s3] =	ssyncset.done $0x0  }
.LBB2_1:
0x4f: {  	p0 =	sne.s32 s21, $0x1;
	s21 =	sadd.s32 $0xFFFFFFFF, s21;
	[sflag:s3] =	ssyncadd.s32 $0xFFFFC000  }
0x50: {  	[tilespmem:s2], [sflag:$0x2] =	stream.linear.gather [hbm4b:s4+s2], $0x80, $0x38;
	[tilespmem:$0x4100] =	vst v63  }
0x51: {  	_ =	swait.ge [sflag:s3], $0x80  }
0x52: {  	[sflag:s3] =	ssyncset.done $0x0  }
0x53: {  	[sflag:s3] =	ssyncadd.s32 $0xFFFFFF80  }
0x54: {  	[tilespmem:s6], [sflag:$0x2] =	stream.linear.gather [hbm4b:s5+s2], $0x80, $0x38;
	[tilespmem:$0x4100] =	vst v63  }
0x55: {  	_ =	swait.ge [sflag:s3], $0x80  }
0x56: {  	[sflag:s3] =	ssyncset.done $0x0  }
0x57: {  	[sflag:s3] =	ssyncadd.s32 $0xFFFFFF80  }
0x58: {  	[tilespmem:s8], [sflag:$0x1] =	stream.indirect.gather [hbm4b:s7+s6], $0x80, s2, s6, $0xb8;
	[tilespmem:$0x4100] =	vst v63  }
0x59: {  	_ =	swait.ge [sflag:s9], $0x4000  }
0x5a: {  	[sflag:s9] =	ssyncset.done $0x0  }
0x5b: {  	[sflag:s9] =	ssyncadd.s32 $0xFFFFC000  }
0x5c: {  	[hbm4b:s10+s2] =	stream.linear.scatter [tilespmem:s8], [sflag:$0x2], $0x4000, $0x38;
	[tilespmem:$0x4100] =	vst v63  }
0x5d: {  	_ =	swait.ge [sflag:s3], $0x4000  }
0x5e: {  	[sflag:s3] =	ssyncset.done $0x0  }
0x5f: {  	[sflag:s3] =	ssyncadd.s32 $0xFFFFC000  }
0x60: {  	[tilespmem:s8], [sflag:$0x1] =	stream.indirect.gather [hbm4b:s7+s6], $0x80, s6, s6, $0xb8;
	[tilespmem:$0x4100] =	vst v63  }
0x61: {  	_ =	swait.ge [sflag:s9], $0x4000  }
0x62: {  	[sflag:s9] =	ssyncset.done $0x0  }
0x63: {  	[sflag:s9] =	ssyncadd.s32 $0xFFFFC000  }
0x64: {  	[hbm4b:s11+s2] =	stream.linear.scatter [tilespmem:s8], [sflag:$0x2], $0x4000, $0x38;
	[tilespmem:$0x4100] =	vst v63  }
0x65: {  	_ =	swait.ge [sflag:s3], $0x4000  }
0x66: {  	[sflag:s3] =	ssyncset.done $0x0  }
0x67: {  	[sflag:s3] =	ssyncadd.s32 $0xFFFFC000  }
0x68: {  	[tilespmem:s8], [sflag:$0x1] =	stream.indirect.gather [hbm4b:s12+s6], $0x80, s2, s6, $0xb8;
	[tilespmem:$0x4100] =	vst v63  }
0x69: {  	_ =	swait.ge [sflag:s9], $0x4000  }
0x6a: {  	[sflag:s9] =	ssyncset.done $0x0  }
0x6b: {  	[sflag:s9] =	ssyncadd.s32 $0xFFFFC000  }
0x6c: {  	[hbm4b:s13+s2] =	stream.linear.scatter [tilespmem:s8], [sflag:$0x2], $0x4000, $0x38;
	[tilespmem:$0x4100] =	vst v63  }
0x6d: {  	_ =	swait.ge [sflag:s3], $0x4000  }
0x6e: {  	[sflag:s3] =	ssyncset.done $0x0  }
0x6f: {  	[sflag:s3] =	ssyncadd.s32 $0xFFFFC000  }
0x70: {  	[tilespmem:s8], [sflag:$0x1] =	stream.indirect.gather [hbm4b:s12+s6], $0x80, s6, s6, $0xb8;
	[tilespmem:$0x4100] =	vst v63  }
0x71: {  	_ =	swait.ge [sflag:s9], $0x4000  }
0x72: {  	[sflag:s9] =	ssyncset.done $0x0  }
0x73: {  	[sflag:s9] =	ssyncadd.s32 $0xFFFFC000  }
0x74: {  	[hbm4b:s14+s2] =	stream.linear.scatter [tilespmem:s8], [sflag:$0x2], $0x4000, $0x38;
	[tilespmem:$0x4100] =	vst v63  }
0x75: {  	_ =	swait.ge [sflag:s3], $0x4000  }
0x76: {  	[sflag:s3] =	ssyncset.done $0x0  }
0x77: {  	[sflag:s3] =	ssyncadd.s32 $0xFFFFC000  }
0x78: {  	[tilespmem:s8], [sflag:$0x1] =	stream.indirect.gather [hbm4b:s15+s6], $0x80, s2, s6, $0xb8;
	[tilespmem:$0x4100] =	vst v63  }
0x79: {  	_ =	swait.ge [sflag:s9], $0x4000  }
0x7a: {  	[sflag:s9] =	ssyncset.done $0x0  }
0x7b: {  	[sflag:s9] =	ssyncadd.s32 $0xFFFFC000  }
0x7c: {  	[hbm4b:s16+s2] =	stream.linear.scatter [tilespmem:s8], [sflag:$0x2], $0x4000, $0x38;
	[tilespmem:$0x4100] =	vst v63  }
0x7d: {  	_ =	swait.ge [sflag:s3], $0x4000  }
0x7e: {  	[sflag:s3] =	ssyncset.done $0x0  }
0x7f: {  	[sflag:s3] =	ssyncadd.s32 $0xFFFFC000  }
0x80: {  	[tilespmem:s8], [sflag:$0x1] =	stream.indirect.gather [hbm4b:s15+s6], $0x80, s6, s6, $0xb8;
	[tilespmem:$0x4100] =	vst v63  }
0x81: {  	_ =	swait.ge [sflag:s9], $0x4000  }
0x82: {  	[sflag:s9] =	ssyncset.done $0x0  }
0x83: {  	[sflag:s9] =	ssyncadd.s32 $0xFFFFC000  }
0x84: {  	[hbm4b:s17+s2] =	stream.linear.scatter [tilespmem:s8], [sflag:$0x2], $0x4000, $0x38;
	[tilespmem:$0x4100] =	vst v63  }
0x85: {  	_ =	swait.ge [sflag:s3], $0x4000  }
0x86: {  	[sflag:s3] =	ssyncset.done $0x0  }
0x87: {  	[sflag:s3] =	ssyncadd.s32 $0xFFFFC000  }
0x88: {  	[tilespmem:s8], [sflag:$0x1] =	stream.indirect.gather [hbm4b:s18+s6], $0x80, s2, s6, $0xb8;
	[tilespmem:$0x4100] =	vst v63  }
0x89: {  	_ =	swait.ge [sflag:s9], $0x4000  }
0x8a: {  	[sflag:s9] =	ssyncset.done $0x0  }
0x8b: {  	[sflag:s9] =	ssyncadd.s32 $0xFFFFC000  }
0x8c: {  	[hbm4b:s19+s2] =	stream.linear.scatter [tilespmem:s8], [sflag:$0x2], $0x4000, $0x38;
	[tilespmem:$0x4100] =	vst v63  }
0x8d: {  	_ =	swait.ge [sflag:s3], $0x4000  }
0x8e: {  	[sflag:s3] =	ssyncset.done $0x0  }
0x8f: {  	[sflag:s3] =	ssyncadd.s32 $0xFFFFC000  }
0x90: {  	[tilespmem:s8], [sflag:$0x1] =	stream.indirect.gather [hbm4b:s18+s6], $0x80, s6, s6, $0xb8;
	[tilespmem:$0x4100] =	vst v63  }
0x91: {  	_ =	swait.ge [sflag:s9], $0x4000  }
.Ltmp1:
0x92: {  	[sflag:s9] =	ssyncset.done $0x0;
	(pc) =	sbr.rel @p0 .LBB2_1-.Ltmp1, $4  }
0x93: {  	[sflag:s9] =	ssyncadd.s32 $0xFFFFC000  }
0x94: {  	[hbm4b:s20+s2] =	stream.linear.scatter [tilespmem:s8], [sflag:$0x2], $0x4000, $0x38;
	[tilespmem:$0x4100] =	vst v63  }
0x95: {  	_ =	swait.ge [sflag:s3], $0x4000  }
0x96: {  	[sflag:s3] =	ssyncset.done $0x0  }
.LBB2_2:
0x97: {  	[sflag:s3] =	ssyncadd.s32 $0xFFFFC000  }
0x98: {  	_ =	sfence.sel $0x180000  }
0x99: {  	[bflag:$0x0] =	sbarrier.arrive $0xFFFF  }
0x9a: {  	p0 =	sne.s32 s0, $0x0;
	_ =	strace $0x90000053  }
0x9b: {  	s0 =	sadd.s32 @!p0 $0x100000, s1;
	[bflag:$0x2] =	sbarrier.arrive $0xFFFF  }
0x9c: {  	[sflag:s0] =	ssyncadd.tile.s32 @!p0 $0x1;
	_ =	shalt  }
.Lfunc_end2:
_tile_overlayer_lowered:
.L_overlay_start_2:
0x9d: {  	(tag) =	ssettag $0x2  }
0x9e: {  	s0 =	rddreg [dreg:$0x0];
	s2 =	stileid.u32  }
0x9f: {  	s1 =	rddreg [dreg:$0x1];
	p0 =	sne.s32 s2, $0x0  }
0xa0: {  	s3 =	rddreg [dreg:$0x2];
	[bflag:$0x3] =	sbarrier.arrive $0xFFFF;
	s2 =	simm.s32 @!p0 $0x1C02  }
0xa1: {  	[timem:s3], [sflag:s2] =	dma.local @!p0 [hbm:s0], s1  }
0xa2: {  	s0 =	simm.s32 @!p0 $0x2  }
0xa3: {  	_ =	swait.ge @!p0 [sflag:s0], s1  }
0xa4: {  	s1 =	ssub.s32 @!p0 $0x0, s1;
	[sflag:s0] =	ssyncset.done @!p0 $0x0  }
0xa5: {  	[sflag:s0] =	ssyncadd.s32 @!p0 s1  }
0xa6: {  	[bflag:$0x3] =	sbarrier.arrive $0xFFFF  }
0xa7: {  	_ =	shalt  }

</sc_bundles>
